<compile_context>
chip_gen: v7x
topology: tpu7x:2x2x1
jax: 0.10.2.dev20260603
libtpu: 0.0.44.dev20260713+nightly
codegen_flags: <defaults>
</compile_context>

<pallas_src>
import jax
import jax.numpy as jnp
from jax import lax
from jax.experimental import pallas as pl
from jax.experimental.pallas import tpu as pltpu
from jax.experimental.pallas import tpu_sc as plsc

N = 10000
E = 320000
D = 128

NC = 2
NS = 16
NW = NC * NS
EPT = E // NW
CHUNK = 125
G = 8
NCHUNK = EPT // CHUNK
NGROUP = NCHUNK // G
NBUF = 2
NPAD = 10240
RPT = NPAD // NS
ZROWS = 128


ZR = 120


def _agg_body(h_hbm, ei_hbm, out_hbm,
              sidx, didx, rows, acc, isem0, isem1, gsem0, gsem1, zsem):
    cid = lax.axis_index("c")
    sid = lax.axis_index("s")
    wid = cid * NS + sid
    gsems = (gsem0, gsem1)
    isems = (isem0, isem1)

    def fire_idx(slot, grp, sem):
        pltpu.async_copy(ei_hbm.at[0, wid, grp], sidx.at[slot], sem)
        pltpu.async_copy(ei_hbm.at[1, wid, grp], didx.at[slot], sem)

    def wait_idx(slot, sem):
        pltpu.make_async_copy(ei_hbm.at[0, wid, 0], sidx.at[slot], sem).wait()
        pltpu.make_async_copy(ei_hbm.at[1, wid, 0], didx.at[slot], sem).wait()

    def fire_gather(slot, k, buf):
        pltpu.async_copy(h_hbm.at[sidx.at[slot, k]], rows.at[buf], gsems[buf])

    def wait_gather(buf):
        pltpu.make_async_copy(h_hbm.at[sidx.at[0, 0]], rows.at[buf],
                              gsems[buf]).wait()

    fire_idx(0, 0, isem0)
    fire_idx(1, 1, isem1)

    def zrow(r, carry):
        for c in range(D // 16):
            rows[0, r, pl.ds(c * 16, 16)] = jnp.zeros((16,), jnp.float32)
        return carry

    lax.fori_loop(0, ZR, zrow, 0)
    zcopies = []
    for k in range(RPT // ZR):
        zcopies.append(pltpu.async_copy(
            rows.at[0, pl.ds(0, ZR)],
            acc.at[pl.ds(sid * RPT + k * ZR, ZR)], zsem))
    zcopies.append(pltpu.async_copy(
        rows.at[0, pl.ds(0, RPT - (RPT // ZR) * ZR)],
        acc.at[pl.ds(sid * RPT + (RPT // ZR) * ZR,
                     RPT - (RPT // ZR) * ZR)], zsem))

    wait_idx(0, isem0)
    fire_gather(0, 1, 1)
    for c in zcopies:
        c.wait()
    fire_gather(0, 0, 0)
    plsc.subcore_barrier()

    def group_body(g, s):
        s2 = 1 - s
        for k in range(G):
            buf = k % 2
            wait_gather(buf)
            pltpu.sync_copy(rows.at[buf], acc.at[didx.at[s, k]], add=True)
            if k == G - 2:
                wait_idx(s2, isems[s2])
            if k < G - 2:
                fire_gather(s, k + 2, buf)
            else:
                fire_gather(s2, k - (G - 2), buf)
        g2 = jnp.where(g + 2 >= NGROUP, g + 2 - NGROUP, g + 2)
        fire_idx(s, g2, isems[s])

    def outer(gp, carry):
        group_body(2 * gp, 0)
        group_body(2 * gp + 1, 1)
        return carry

    lax.fori_loop(0, NGROUP // 2, outer, 0)
    wait_gather(0)
    wait_gather(1)
    wait_idx(1, isem1)
    plsc.subcore_barrier()

    for k in range(RPT // ZROWS):
        r0 = sid * RPT + k * ZROWS
        pltpu.async_copy(acc.at[pl.ds(r0, ZROWS)],
                         out_hbm.at[cid, pl.ds(r0, ZROWS)], gsem0)
    for k in range(RPT // ZROWS):
        r0 = sid * RPT + k * ZROWS
        pltpu.make_async_copy(acc.at[pl.ds(r0, ZROWS)],
                              out_hbm.at[cid, pl.ds(r0, ZROWS)], gsem0).wait()


_agg = pl.kernel(
    _agg_body,
    out_type=jax.ShapeDtypeStruct((NC, NPAD, D), jnp.float32),
    mesh=plsc.VectorSubcoreMesh(core_axis_name="c", subcore_axis_name="s"),
    scratch_types=[
        pltpu.VMEM((2, G, CHUNK), jnp.int32),
        pltpu.VMEM((2, G, CHUNK), jnp.int32),
        pltpu.VMEM((NBUF, CHUNK, D), jnp.float32),
        pltpu.VMEM_SHARED((NPAD, D), jnp.float32),
        pltpu.SemaphoreType.DMA,
        pltpu.SemaphoreType.DMA,
        pltpu.SemaphoreType.DMA,
        pltpu.SemaphoreType.DMA,
        pltpu.SemaphoreType.DMA,
    ],
)


BLK = 2000


def _mlp_body(eps_ref, x_ref, p_ref, w1_ref, b1_ref, w2_ref, b2_ref, o_ref):
    hb = (1.0 + eps_ref[0]) * x_ref[...] + p_ref[0] + p_ref[1]
    t = jnp.dot(hb, w1_ref[...], preferred_element_type=jnp.float32) + b1_ref[...]
    t = jnp.maximum(t, 0.0)
    o_ref[...] = jnp.dot(t, w2_ref[...], preferred_element_type=jnp.float32) + b2_ref[...]


def _mlp(x, p, W1, b1, W2, b2, eps):
    return pl.pallas_call(
        _mlp_body,
        grid=(N // BLK,),
        in_specs=[
            pl.BlockSpec(memory_space=pltpu.SMEM),
            pl.BlockSpec((BLK, D), lambda i: (i, 0)),
            pl.BlockSpec((NC, BLK, D), lambda i: (0, i, 0)),
            pl.BlockSpec((D, D), lambda i: (0, 0)),
            pl.BlockSpec((1, D), lambda i: (0, 0)),
            pl.BlockSpec((D, D), lambda i: (0, 0)),
            pl.BlockSpec((1, D), lambda i: (0, 0)),
        ],
        out_specs=pl.BlockSpec((BLK, D), lambda i: (i, 0)),
        out_shape=jax.ShapeDtypeStruct((N, D), jnp.float32),
    )(eps.reshape(1), x, p, W1, b1.reshape(1, D), W2, b2.reshape(1, D))


def kernel(x, edge_index, W1_0, b1_0, W2_0, b2_0, eps_0,
           W1_1, b1_1, W2_1, b2_1, eps_1):
    h = x
    ei = edge_index.reshape(2, NW, NGROUP, G, CHUNK)
    for (W1, b1, W2, b2, eps) in ((W1_0, b1_0, W2_0, b2_0, eps_0),
                                  (W1_1, b1_1, W2_1, b2_1, eps_1)):
        p = _agg(h, ei)
        h = _mlp(h, p, W1, b1, W2, b2, eps)
    return h

# --- scband reference (transcript-rebuilt; emitter-appended) ---
"""Pipeline reference for scband-gin-8486855377283 (READ-ONLY COPY).

The authoritative reference and input builder live on the scoring server;
editing this copy changes nothing except your own understanding.
"""

import jax, jax.numpy as jnp
import numpy as np

N = 10000
E = 320000
D = 128

def setup_inputs(seed: int = 0):
    key = jax.random.key(seed)
    ks = jax.random.split(key, 12)
    s = 1.0 / np.sqrt(D)
    inp = {}
    inp['x'] = jax.random.normal(ks[0], (N, D), dtype=jnp.float32)
    inp['edge_index'] = jax.random.randint(ks[1], (2, E), 0, N, dtype=jnp.int32)
    inp['W1_0'] = jax.random.uniform(ks[2], (D, D), jnp.float32, -s, s)
    inp['b1_0'] = jnp.zeros((D,), jnp.float32)
    inp['W2_0'] = jax.random.uniform(ks[3], (D, D), jnp.float32, -s, s)
    inp['b2_0'] = jnp.zeros((D,), jnp.float32)
    inp['eps_0'] = jnp.zeros((), jnp.float32)
    inp['W1_1'] = jax.random.uniform(ks[4], (D, D), jnp.float32, -s, s)
    inp['b1_1'] = jnp.zeros((D,), jnp.float32)
    inp['W2_1'] = jax.random.uniform(ks[5], (D, D), jnp.float32, -s, s)
    inp['b2_1'] = jnp.zeros((D,), jnp.float32)
    inp['eps_1'] = jnp.zeros((), jnp.float32)
    return inp

def reference(x, edge_index, W1_0, b1_0, W2_0, b2_0, eps_0, W1_1, b1_1, W2_1, b2_1, eps_1):
    # DGL GINConv (sum aggregator, learnable eps) stacked num_layers=2 times:
    #   h = MLP((1 + eps) * h + sum_{j in N(i)} h_j)
    src = edge_index[0]
    dst = edge_index[1]
    h = x
    for (W1, b1, W2, b2, eps) in ((W1_0, b1_0, W2_0, b2_0, eps_0), (W1_1, b1_1, W2_1, b2_1, eps_1)):
        msgs = jnp.take(h, src, axis=0)
        agg = jax.ops.segment_sum(msgs, dst, num_segments=N)
        h = (1.0 + eps) * h + agg
        h = jnp.maximum(h @ W1 + b1, 0.0)
        h = h @ W2 + b2
    return h

if __name__ == "__main__":
    import jax
    _d = setup_inputs()
    print(jax.jit(kernel)(*tuple(_d.values())))

</pallas_src>

<mosaic_0001>
#map = affine_map<(d0, d1) -> (0, 0)>
#map1 = affine_map<(d0, d1) -> (0, 0, 0, 0, 0)>
#map2 = affine_map<(d0, d1) -> (0, 0, 0)>
module attributes {stable_mosaic.version = 14 : i64} {
  func.func @_agg_body(%arg0: i32, %arg1: i32, %arg2: memref<10000x128xf32, #tpu.memory_space<hbm>>, %arg3: memref<2x32x10x8x125xi32, #tpu.memory_space<hbm>>, %arg4: memref<2x10240x128xf32, #tpu.memory_space<hbm>>, %arg5: memref<2x8x125xi32, #tpu.memory_space<vmem>>, %arg6: memref<2x8x125xi32, #tpu.memory_space<vmem>>, %arg7: memref<2x125x128xf32, #tpu.memory_space<vmem>>, %arg8: memref<10240x128xf32, #tpu.memory_space<vmem_shared>>, %arg9: memref<!tpu.dma_semaphore, #tpu.memory_space<semaphore_mem>>, %arg10: memref<!tpu.dma_semaphore, #tpu.memory_space<semaphore_mem>>, %arg11: memref<!tpu.dma_semaphore, #tpu.memory_space<semaphore_mem>>, %arg12: memref<!tpu.dma_semaphore, #tpu.memory_space<semaphore_mem>>, %arg13: memref<!tpu.dma_semaphore, #tpu.memory_space<semaphore_mem>>) attributes {dimension_semantics = [#tpu.dimension_semantics<core_parallel>, #tpu.dimension_semantics<subcore_parallel>], iteration_bounds = array<i64: 2, 16>, scalar_prefetch = 0 : i64, scratch_operands = 9 : i64, tpu.core_type = #tpu.core_type<sc_vector_subcore>, window_params = [{transform_indices = #map}, {transform_indices = #map1}, {transform_indices = #map2}]} {
    %mul3A = arith.constant 16 : i32
    %mul3A_0 = arith.muli %arg0, %mul3A : i32
    %add3A = arith.addi %mul3A_0, %arg1 : i32
    %dma_start3A = arith.constant 0 : i32
    %dma_start3A_1 = arith.constant 0 : i32
    %dma_start3A_2 = arith.constant 0 : i32
    %dma_start3A_3 = arith.constant 0 : i32
    %dma_start3A_4 = arith.constant 0 : i32
    %dma_start3A_5 = tpu.memref_slice %arg5[%dma_start3A_2, %dma_start3A_3, %dma_start3A_4] : memref<2x8x125xi32, #tpu.memory_space<vmem>> -> memref<1x8x125xi32, #tpu.memory_space<vmem>>
    %dma_start3A_6 = tpu.memref_squeeze %dma_start3A_5 : memref<1x8x125xi32, #tpu.memory_space<vmem>> -> memref<8x125xi32, #tpu.memory_space<vmem>>
    %dma_start3A_7 = arith.constant 0 : i32
    %dma_start3A_8 = arith.constant 0 : i32
    %dma_start3A_9 = tpu.memref_slice %arg3[%dma_start3A, %add3A, %dma_start3A_1, %dma_start3A_7, %dma_start3A_8] : memref<2x32x10x8x125xi32, #tpu.memory_space<hbm>> -> memref<1x1x1x8x125xi32, #tpu.memory_space<hbm>>
    %dma_start3A_10 = tpu.memref_squeeze %dma_start3A_9 : memref<1x1x1x8x125xi32, #tpu.memory_space<hbm>> -> memref<8x125xi32, #tpu.memory_space<hbm>>
    %dma_start3A_11 = arith.constant 0 : i32
    %dma_start3A_12 = arith.constant 0 : i32
    %dma_start3A_13 = tpu.memref_slice %arg5[%dma_start3A_2, %dma_start3A_11, %dma_start3A_12] : memref<2x8x125xi32, #tpu.memory_space<vmem>> -> memref<1x8x125xi32, #tpu.memory_space<vmem>>
    %dma_start3A_14 = tpu.memref_squeeze %dma_start3A_13 : memref<1x8x125xi32, #tpu.memory_space<vmem>> -> memref<8x125xi32, #tpu.memory_space<vmem>>
    %dma_start3A_15 = arith.constant 0 : i32
    %dma_start3A_16 = arith.constant 0 : i32
    %dma_start3A_17 = tpu.memref_slice %arg3[%dma_start3A, %add3A, %dma_start3A_1, %dma_start3A_15, %dma_start3A_16] : memref<2x32x10x8x125xi32, #tpu.memory_space<hbm>> -> memref<1x1x1x8x125xi32, #tpu.memory_space<hbm>>
    %dma_start3A_18 = tpu.memref_squeeze %dma_start3A_17 : memref<1x1x1x8x125xi32, #tpu.memory_space<hbm>> -> memref<8x125xi32, #tpu.memory_space<hbm>>
    tpu.enqueue_dma source(%dma_start3A_18 : memref<8x125xi32, #tpu.memory_space<hbm>>) target(%dma_start3A_14 : memref<8x125xi32, #tpu.memory_space<vmem>>) target_semaphore(%arg9 : memref<!tpu.dma_semaphore, #tpu.memory_space<semaphore_mem>>)
    %dma_start3A_19 = arith.constant 1 : i32
    %dma_start3A_20 = arith.constant 0 : i32
    %dma_start3A_21 = arith.constant 0 : i32
    %dma_start3A_22 = arith.constant 0 : i32
    %dma_start3A_23 = arith.constant 0 : i32
    %dma_start3A_24 = tpu.memref_slice %arg6[%dma_start3A_21, %dma_start3A_22, %dma_start3A_23] : memref<2x8x125xi32, #tpu.memory_space<vmem>> -> memref<1x8x125xi32, #tpu.memory_space<vmem>>
    %dma_start3A_25 = tpu.memref_squeeze %dma_start3A_24 : memref<1x8x125xi32, #tpu.memory_space<vmem>> -> memref<8x125xi32, #tpu.memory_space<vmem>>
    %dma_start3A_26 = arith.constant 0 : i32
    %dma_start3A_27 = arith.constant 0 : i32
    %dma_start3A_28 = tpu.memref_slice %arg3[%dma_start3A_19, %add3A, %dma_start3A_20, %dma_start3A_26, %dma_start3A_27] : memref<2x32x10x8x125xi32, #tpu.memory_space<hbm>> -> memref<1x1x1x8x125xi32, #tpu.memory_space<hbm>>
    %dma_start3A_29 = tpu.memref_squeeze %dma_start3A_28 : memref<1x1x1x8x125xi32, #tpu.memory_space<hbm>> -> memref<8x125xi32, #tpu.memory_space<hbm>>
    %dma_start3A_30 = arith.constant 0 : i32
    %dma_start3A_31 = arith.constant 0 : i32
    %dma_start3A_32 = tpu.memref_slice %arg6[%dma_start3A_21, %dma_start3A_30, %dma_start3A_31] : memref<2x8x125xi32, #tpu.memory_space<vmem>> -> memref<1x8x125xi32, #tpu.memory_space<vmem>>
    %dma_start3A_33 = tpu.memref_squeeze %dma_start3A_32 : memref<1x8x125xi32, #tpu.memory_space<vmem>> -> memref<8x125xi32, #tpu.memory_space<vmem>>
    %dma_start3A_34 = arith.constant 0 : i32
    %dma_start3A_35 = arith.constant 0 : i32
    %dma_start3A_36 = tpu.memref_slice %arg3[%dma_start3A_19, %add3A, %dma_start3A_20, %dma_start3A_34, %dma_start3A_35] : memref<2x32x10x8x125xi32, #tpu.memory_space<hbm>> -> memref<1x1x1x8x125xi32, #tpu.memory_space<hbm>>
    %dma_start3A_37 = tpu.memref_squeeze %dma_start3A_36 : memref<1x1x1x8x125xi32, #tpu.memory_space<hbm>> -> memref<8x125xi32, #tpu.memory_space<hbm>>
    tpu.enqueue_dma source(%dma_start3A_37 : memref<8x125xi32, #tpu.memory_space<hbm>>) target(%dma_start3A_33 : memref<8x125xi32, #tpu.memory_space<vmem>>) target_semaphore(%arg9 : memref<!tpu.dma_semaphore, #tpu.memory_space<semaphore_mem>>)
    %dma_start3A_38 = arith.constant 0 : i32
    %dma_start3A_39 = arith.constant 1 : i32
    %dma_start3A_40 = arith.constant 1 : i32
    %dma_start3A_41 = arith.constant 0 : i32
    %dma_start3A_42 = arith.constant 0 : i32
    %dma_start3A_43 = tpu.memref_slice %arg5[%dma_start3A_40, %dma_start3A_41, %dma_start3A_42] : memref<2x8x125xi32, #tpu.memory_space<vmem>> -> memref<1x8x125xi32, #tpu.memory_space<vmem>>
    %dma_start3A_44 = tpu.memref_squeeze %dma_start3A_43 : memref<1x8x125xi32, #tpu.memory_space<vmem>> -> memref<8x125xi32, #tpu.memory_space<vmem>>
    %dma_start3A_45 = arith.constant 0 : i32
    %dma_start3A_46 = arith.constant 0 : i32
    %dma_start3A_47 = tpu.memref_slice %arg3[%dma_start3A_38, %add3A, %dma_start3A_39, %dma_start3A_45, %dma_start3A_46] : memref<2x32x10x8x125xi32, #tpu.memory_space<hbm>> -> memref<1x1x1x8x125xi32, #tpu.memory_space<hbm>>
    %dma_start3A_48 = tpu.memref_squeeze %dma_start3A_47 : memref<1x1x1x8x125xi32, #tpu.memory_space<hbm>> -> memref<8x125xi32, #tpu.memory_space<hbm>>
    %dma_start3A_49 = arith.constant 0 : i32
    %dma_start3A_50 = arith.constant 0 : i32
    %dma_start3A_51 = tpu.memref_slice %arg5[%dma_start3A_40, %dma_start3A_49, %dma_start3A_50] : memref<2x8x125xi32, #tpu.memory_space<vmem>> -> memref<1x8x125xi32, #tpu.memory_space<vmem>>
    %dma_start3A_52 = tpu.memref_squeeze %dma_start3A_51 : memref<1x8x125xi32, #tpu.memory_space<vmem>> -> memref<8x125xi32, #tpu.memory_space<vmem>>
    %dma_start3A_53 = arith.constant 0 : i32
    %dma_start3A_54 = arith.constant 0 : i32
    %dma_start3A_55 = tpu.memref_slice %arg3[%dma_start3A_38, %add3A, %dma_start3A_39, %dma_start3A_53, %dma_start3A_54] : memref<2x32x10x8x125xi32, #tpu.memory_space<hbm>> -> memref<1x1x1x8x125xi32, #tpu.memory_space<hbm>>
    %dma_start3A_56 = tpu.memref_squeeze %dma_start3A_55 : memref<1x1x1x8x125xi32, #tpu.memory_space<hbm>> -> memref<8x125xi32, #tpu.memory_space<hbm>>
    tpu.enqueue_dma source(%dma_start3A_56 : memref<8x125xi32, #tpu.memory_space<hbm>>) target(%dma_start3A_52 : memref<8x125xi32, #tpu.memory_space<vmem>>) target_semaphore(%arg10 : memref<!tpu.dma_semaphore, #tpu.memory_space<semaphore_mem>>)
    %dma_start3A_57 = arith.constant 1 : i32
    %dma_start3A_58 = arith.constant 1 : i32
    %dma_start3A_59 = arith.constant 1 : i32
    %dma_start3A_60 = arith.constant 0 : i32
    %dma_start3A_61 = arith.constant 0 : i32
    %dma_start3A_62 = tpu.memref_slice %arg6[%dma_start3A_59, %dma_start3A_60, %dma_start3A_61] : memref<2x8x125xi32, #tpu.memory_space<vmem>> -> memref<1x8x125xi32, #tpu.memory_space<vmem>>
    %dma_start3A_63 = tpu.memref_squeeze %dma_start3A_62 : memref<1x8x125xi32, #tpu.memory_space<vmem>> -> memref<8x125xi32, #tpu.memory_space<vmem>>
    %dma_start3A_64 = arith.constant 0 : i32
    %dma_start3A_65 = arith.constant 0 : i32
    %dma_start3A_66 = tpu.memref_slice %arg3[%dma_start3A_57, %add3A, %dma_start3A_58, %dma_start3A_64, %dma_start3A_65] : memref<2x32x10x8x125xi32, #tpu.memory_space<hbm>> -> memref<1x1x1x8x125xi32, #tpu.memory_space<hbm>>
    %dma_start3A_67 = tpu.memref_squeeze %dma_start3A_66 : memref<1x1x1x8x125xi32, #tpu.memory_space<hbm>> -> memref<8x125xi32, #tpu.memory_space<hbm>>
    %dma_start3A_68 = arith.constant 0 : i32
    %dma_start3A_69 = arith.constant 0 : i32
    %dma_start3A_70 = tpu.memref_slice %arg6[%dma_start3A_59, %dma_start3A_68, %dma_start3A_69] : memref<2x8x125xi32, #tpu.memory_space<vmem>> -> memref<1x8x125xi32, #tpu.memory_space<vmem>>
    %dma_start3A_71 = tpu.memref_squeeze %dma_start3A_70 : memref<1x8x125xi32, #tpu.memory_space<vmem>> -> memref<8x125xi32, #tpu.memory_space<vmem>>
    %dma_start3A_72 = arith.constant 0 : i32
    %dma_start3A_73 = arith.constant 0 : i32
    %dma_start3A_74 = tpu.memref_slice %arg3[%dma_start3A_57, %add3A, %dma_start3A_58, %dma_start3A_72, %dma_start3A_73] : memref<2x32x10x8x125xi32, #tpu.memory_space<hbm>> -> memref<1x1x1x8x125xi32, #tpu.memory_space<hbm>>
    %dma_start3A_75 = tpu.memref_squeeze %dma_start3A_74 : memref<1x1x1x8x125xi32, #tpu.memory_space<hbm>> -> memref<8x125xi32, #tpu.memory_space<hbm>>
    tpu.enqueue_dma source(%dma_start3A_75 : memref<8x125xi32, #tpu.memory_space<hbm>>) target(%dma_start3A_71 : memref<8x125xi32, #tpu.memory_space<vmem>>) target_semaphore(%arg10 : memref<!tpu.dma_semaphore, #tpu.memory_space<semaphore_mem>>)
    %scan3A = arith.constant 0 : i32
    %scan3A_76 = arith.constant 0 : i32
    %scan3A_77 = arith.constant 120 : i32
    %scan3A_78 = arith.addi %scan3A_76, %scan3A_77 : i32
    %scan3A_79 = arith.constant 1 : i32
    scf.for %scan3A_485 = %scan3A_76 to %scan3A_78 step %scan3A_79  : i32 {
      %broadcast_in_dim3A = arith.constant 0.000000e+00 : f32
      %broadcast_in_dim3A_486 = vector.broadcast %broadcast_in_dim3A : f32 to vector<16xf32>
      %swap3A = arith.constant 0 : i32
      %swap3A_487 = arith.index_cast %swap3A : i32 to index
      %swap3A_488 = arith.index_cast %scan3A_485 : i32 to index
      %swap3A_489 = arith.constant 0 : index
      %swap3A_490 = tpu.vector_load %arg7[%swap3A_487, %swap3A_488, %swap3A_489] {strides = array<i32>} : memref<2x125x128xf32, #tpu.memory_space<vmem>>, vector<1x1x16xf32>,
      %swap3A_491 = vector.shape_cast %swap3A_490 : vector<1x1x16xf32> to vector<16xf32>
      %swap3A_492 = vector.shape_cast %broadcast_in_dim3A_486 : vector<16xf32> to vector<1x1x16xf32>
      tpu.vector_store %arg7[%swap3A_487, %swap3A_488, %swap3A_489], %swap3A_492 {strides = array<i32>} : memref<2x125x128xf32, #tpu.memory_space<vmem>>, vector<1x1x16xf32>,
      %broadcast_in_dim3A_493 = arith.constant 0.000000e+00 : f32
      %broadcast_in_dim3A_494 = vector.broadcast %broadcast_in_dim3A_493 : f32 to vector<16xf32>
      %swap3A_495 = arith.constant 0 : i32
      %swap3A_496 = arith.index_cast %swap3A_495 : i32 to index
      %swap3A_497 = arith.index_cast %scan3A_485 : i32 to index
      %swap3A_498 = arith.constant 16 : index
      %swap3A_499 = tpu.vector_load %arg7[%swap3A_496, %swap3A_497, %swap3A_498] {strides = array<i32>} : memref<2x125x128xf32, #tpu.memory_space<vmem>>, vector<1x1x16xf32>,
      %swap3A_500 = vector.shape_cast %swap3A_499 : vector<1x1x16xf32> to vector<16xf32>
      %swap3A_501 = vector.shape_cast %broadcast_in_dim3A_494 : vector<16xf32> to vector<1x1x16xf32>
      tpu.vector_store %arg7[%swap3A_496, %swap3A_497, %swap3A_498], %swap3A_501 {strides = array<i32>} : memref<2x125x128xf32, #tpu.memory_space<vmem>>, vector<1x1x16xf32>,
      %broadcast_in_dim3A_502 = arith.constant 0.000000e+00 : f32
      %broadcast_in_dim3A_503 = vector.broadcast %broadcast_in_dim3A_502 : f32 to vector<16xf32>
      %swap3A_504 = arith.constant 0 : i32
      %swap3A_505 = arith.index_cast %swap3A_504 : i32 to index
      %swap3A_506 = arith.index_cast %scan3A_485 : i32 to index
      %swap3A_507 = arith.constant 32 : index
      %swap3A_508 = tpu.vector_load %arg7[%swap3A_505, %swap3A_506, %swap3A_507] {strides = array<i32>} : memref<2x125x128xf32, #tpu.memory_space<vmem>>, vector<1x1x16xf32>,
      %swap3A_509 = vector.shape_cast %swap3A_508 : vector<1x1x16xf32> to vector<16xf32>
      %swap3A_510 = vector.shape_cast %broadcast_in_dim3A_503 : vector<16xf32> to vector<1x1x16xf32>
      tpu.vector_store %arg7[%swap3A_505, %swap3A_506, %swap3A_507], %swap3A_510 {strides = array<i32>} : memref<2x125x128xf32, #tpu.memory_space<vmem>>, vector<1x1x16xf32>,
      %broadcast_in_dim3A_511 = arith.constant 0.000000e+00 : f32
      %broadcast_in_dim3A_512 = vector.broadcast %broadcast_in_dim3A_511 : f32 to vector<16xf32>
      %swap3A_513 = arith.constant 0 : i32
      %swap3A_514 = arith.index_cast %swap3A_513 : i32 to index
      %swap3A_515 = arith.index_cast %scan3A_485 : i32 to index
      %swap3A_516 = arith.constant 48 : index
      %swap3A_517 = tpu.vector_load %arg7[%swap3A_514, %swap3A_515, %swap3A_516] {strides = array<i32>} : memref<2x125x128xf32, #tpu.memory_space<vmem>>, vector<1x1x16xf32>,
      %swap3A_518 = vector.shape_cast %swap3A_517 : vector<1x1x16xf32> to vector<16xf32>
      %swap3A_519 = vector.shape_cast %broadcast_in_dim3A_512 : vector<16xf32> to vector<1x1x16xf32>
      tpu.vector_store %arg7[%swap3A_514, %swap3A_515, %swap3A_516], %swap3A_519 {strides = array<i32>} : memref<2x125x128xf32, #tpu.memory_space<vmem>>, vector<1x1x16xf32>,
      %broadcast_in_dim3A_520 = arith.constant 0.000000e+00 : f32
      %broadcast_in_dim3A_521 = vector.broadcast %broadcast_in_dim3A_520 : f32 to vector<16xf32>
      %swap3A_522 = arith.constant 0 : i32
      %swap3A_523 = arith.index_cast %swap3A_522 : i32 to index
      %swap3A_524 = arith.index_cast %scan3A_485 : i32 to index
      %swap3A_525 = arith.constant 64 : index
      %swap3A_526 = tpu.vector_load %arg7[%swap3A_523, %swap3A_524, %swap3A_525] {strides = array<i32>} : memref<2x125x128xf32, #tpu.memory_space<vmem>>, vector<1x1x16xf32>,
      %swap3A_527 = vector.shape_cast %swap3A_526 : vector<1x1x16xf32> to vector<16xf32>
      %swap3A_528 = vector.shape_cast %broadcast_in_dim3A_521 : vector<16xf32> to vector<1x1x16xf32>
      tpu.vector_store %arg7[%swap3A_523, %swap3A_524, %swap3A_525], %swap3A_528 {strides = array<i32>} : memref<2x125x128xf32, #tpu.memory_space<vmem>>, vector<1x1x16xf32>,
      %broadcast_in_dim3A_529 = arith.constant 0.000000e+00 : f32
      %broadcast_in_dim3A_530 = vector.broadcast %broadcast_in_dim3A_529 : f32 to vector<16xf32>
      %swap3A_531 = arith.constant 0 : i32
      %swap3A_532 = arith.index_cast %swap3A_531 : i32 to index
      %swap3A_533 = arith.index_cast %scan3A_485 : i32 to index
      %swap3A_534 = arith.constant 80 : index
      %swap3A_535 = tpu.vector_load %arg7[%swap3A_532, %swap3A_533, %swap3A_534] {strides = array<i32>} : memref<2x125x128xf32, #tpu.memory_space<vmem>>, vector<1x1x16xf32>,
      %swap3A_536 = vector.shape_cast %swap3A_535 : vector<1x1x16xf32> to vector<16xf32>
      %swap3A_537 = vector.shape_cast %broadcast_in_dim3A_530 : vector<16xf32> to vector<1x1x16xf32>
      tpu.vector_store %arg7[%swap3A_532, %swap3A_533, %swap3A_534], %swap3A_537 {strides = array<i32>} : memref<2x125x128xf32, #tpu.memory_space<vmem>>, vector<1x1x16xf32>,
      %broadcast_in_dim3A_538 = arith.constant 0.000000e+00 : f32
      %broadcast_in_dim3A_539 = vector.broadcast %broadcast_in_dim3A_538 : f32 to vector<16xf32>
      %swap3A_540 = arith.constant 0 : i32
      %swap3A_541 = arith.index_cast %swap3A_540 : i32 to index
      %swap3A_542 = arith.index_cast %scan3A_485 : i32 to index
      %swap3A_543 = arith.constant 96 : index
      %swap3A_544 = tpu.vector_load %arg7[%swap3A_541, %swap3A_542, %swap3A_543] {strides = array<i32>} : memref<2x125x128xf32, #tpu.memory_space<vmem>>, vector<1x1x16xf32>,
      %swap3A_545 = vector.shape_cast %swap3A_544 : vector<1x1x16xf32> to vector<16xf32>
      %swap3A_546 = vector.shape_cast %broadcast_in_dim3A_539 : vector<16xf32> to vector<1x1x16xf32>
      tpu.vector_store %arg7[%swap3A_541, %swap3A_542, %swap3A_543], %swap3A_546 {strides = array<i32>} : memref<2x125x128xf32, #tpu.memory_space<vmem>>, vector<1x1x16xf32>,
      %broadcast_in_dim3A_547 = arith.constant 0.000000e+00 : f32
      %broadcast_in_dim3A_548 = vector.broadcast %broadcast_in_dim3A_547 : f32 to vector<16xf32>
      %swap3A_549 = arith.constant 0 : i32
      %swap3A_550 = arith.index_cast %swap3A_549 : i32 to index
      %swap3A_551 = arith.index_cast %scan3A_485 : i32 to index
      %swap3A_552 = arith.constant 112 : index
      %swap3A_553 = tpu.vector_load %arg7[%swap3A_550, %swap3A_551, %swap3A_552] {strides = array<i32>} : memref<2x125x128xf32, #tpu.memory_space<vmem>>, vector<1x1x16xf32>,
      %swap3A_554 = vector.shape_cast %swap3A_553 : vector<1x1x16xf32> to vector<16xf32>
      %swap3A_555 = vector.shape_cast %broadcast_in_dim3A_548 : vector<16xf32> to vector<1x1x16xf32>
      tpu.vector_store %arg7[%swap3A_550, %swap3A_551, %swap3A_552], %swap3A_555 {strides = array<i32>} : memref<2x125x128xf32, #tpu.memory_space<vmem>>, vector<1x1x16xf32>,
    }
    %scan3A_80 = arith.constant 120 : i32
    %mul3A_81 = arith.constant 640 : i32
    %mul3A_82 = arith.muli %arg1, %mul3A_81 : i32
    %add3A_83 = arith.constant 0 : i32
    %add3A_84 = arith.addi %mul3A_82, %add3A_83 : i32
    %dma_start3A_85 = arith.constant 0 : i32
    %dma_start3A_86 = arith.constant 0 : i32
    %dma_start3A_87 = arith.constant 0 : i32
    %dma_start3A_88 = tpu.memref_slice %arg7[%dma_start3A_85, %dma_start3A_86, %dma_start3A_87] : memref<2x125x128xf32, #tpu.memory_space<vmem>> -> memref<1x120x128xf32, #tpu.memory_space<vmem>>
    %dma_start3A_89 = tpu.memref_squeeze %dma_start3A_88 : memref<1x120x128xf32, #tpu.memory_space<vmem>> -> memref<120x128xf32, #tpu.memory_space<vmem>>
    %dma_start3A_90 = arith.constant 0 : i32
    %dma_start3A_91 = tpu.memref_slice %arg8[%add3A_84, %dma_start3A_90] : memref<10240x128xf32, #tpu.memory_space<vmem_shared>> -> memref<120x128xf32, #tpu.memory_space<vmem_shared>>
    %dma_start3A_92 = arith.constant 0 : i32
    %dma_start3A_93 = tpu.memref_slice %arg8[%add3A_84, %dma_start3A_92] : memref<10240x128xf32, #tpu.memory_space<vmem_shared>> -> memref<120x128xf32, #tpu.memory_space<vmem_shared>>
    %dma_start3A_94 = arith.constant 0 : i32
    %dma_start3A_95 = arith.constant 0 : i32
    %dma_start3A_96 = tpu.memref_slice %arg7[%dma_start3A_85, %dma_start3A_94, %dma_start3A_95] : memref<2x125x128xf32, #tpu.memory_space<vmem>> -> memref<1x120x128xf32, #tpu.memory_space<vmem>>
    %dma_start3A_97 = tpu.memref_squeeze %dma_start3A_96 : memref<1x120x128xf32, #tpu.memory_space<vmem>> -> memref<120x128xf32, #tpu.memory_space<vmem>>
    tpu.enqueue_dma source(%dma_start3A_97 : memref<120x128xf32, #tpu.memory_space<vmem>>) target(%dma_start3A_93 : memref<120x128xf32, #tpu.memory_space<vmem_shared>>) target_semaphore(%arg13 : memref<!tpu.dma_semaphore, #tpu.memory_space<semaphore_mem>>)
    %mul3A_98 = arith.constant 640 : i32
    %mul3A_99 = arith.muli %arg1, %mul3A_98 : i32
    %add3A_100 = arith.constant 120 : i32
    %add3A_101 = arith.addi %mul3A_99, %add3A_100 : i32
    %dma_start3A_102 = arith.constant 0 : i32
    %dma_start3A_103 = arith.constant 0 : i32
    %dma_start3A_104 = arith.constant 0 : i32
    %dma_start3A_105 = tpu.memref_slice %arg7[%dma_start3A_102, %dma_start3A_103, %dma_start3A_104] : memref<2x125x128xf32, #tpu.memory_space<vmem>> -> memref<1x120x128xf32, #tpu.memory_space<vmem>>
    %dma_start3A_106 = tpu.memref_squeeze %dma_start3A_105 : memref<1x120x128xf32, #tpu.memory_space<vmem>> -> memref<120x128xf32, #tpu.memory_space<vmem>>
    %dma_start3A_107 = arith.constant 0 : i32
    %dma_start3A_108 = tpu.memref_slice %arg8[%add3A_101, %dma_start3A_107] : memref<10240x128xf32, #tpu.memory_space<vmem_shared>> -> memref<120x128xf32, #tpu.memory_space<vmem_shared>>
    %dma_start3A_109 = arith.constant 0 : i32
    %dma_start3A_110 = tpu.memref_slice %arg8[%add3A_101, %dma_start3A_109] : memref<10240x128xf32, #tpu.memory_space<vmem_shared>> -> memref<120x128xf32, #tpu.memory_space<vmem_shared>>
    %dma_start3A_111 = arith.constant 0 : i32
    %dma_start3A_112 = arith.constant 0 : i32
    %dma_start3A_113 = tpu.memref_slice %arg7[%dma_start3A_102, %dma_start3A_111, %dma_start3A_112] : memref<2x125x128xf32, #tpu.memory_space<vmem>> -> memref<1x120x128xf32, #tpu.memory_space<vmem>>
    %dma_start3A_114 = tpu.memref_squeeze %dma_start3A_113 : memref<1x120x128xf32, #tpu.memory_space<vmem>> -> memref<120x128xf32, #tpu.memory_space<vmem>>
    tpu.enqueue_dma source(%dma_start3A_114 : memref<120x128xf32, #tpu.memory_space<vmem>>) target(%dma_start3A_110 : memref<120x128xf32, #tpu.memory_space<vmem_shared>>) target_semaphore(%arg13 : memref<!tpu.dma_semaphore, #tpu.memory_space<semaphore_mem>>)
    %mul3A_115 = arith.constant 640 : i32
    %mul3A_116 = arith.muli %arg1, %mul3A_115 : i32
    %add3A_117 = arith.constant 240 : i32
    %add3A_118 = arith.addi %mul3A_116, %add3A_117 : i32
    %dma_start3A_119 = arith.constant 0 : i32
    %dma_start3A_120 = arith.constant 0 : i32
    %dma_start3A_121 = arith.constant 0 : i32
    %dma_start3A_122 = tpu.memref_slice %arg7[%dma_start3A_119, %dma_start3A_120, %dma_start3A_121] : memref<2x125x128xf32, #tpu.memory_space<vmem>> -> memref<1x120x128xf32, #tpu.memory_space<vmem>>
    %dma_start3A_123 = tpu.memref_squeeze %dma_start3A_122 : memref<1x120x128xf32, #tpu.memory_space<vmem>> -> memref<120x128xf32, #tpu.memory_space<vmem>>
    %dma_start3A_124 = arith.constant 0 : i32
    %dma_start3A_125 = tpu.memref_slice %arg8[%add3A_118, %dma_start3A_124] : memref<10240x128xf32, #tpu.memory_space<vmem_shared>> -> memref<120x128xf32, #tpu.memory_space<vmem_shared>>
    %dma_start3A_126 = arith.constant 0 : i32
    %dma_start3A_127 = tpu.memref_slice %arg8[%add3A_118, %dma_start3A_126] : memref<10240x128xf32, #tpu.memory_space<vmem_shared>> -> memref<120x128xf32, #tpu.memory_space<vmem_shared>>
    %dma_start3A_128 = arith.constant 0 : i32
    %dma_start3A_129 = arith.constant 0 : i32
    %dma_start3A_130 = tpu.memref_slice %arg7[%dma_start3A_119, %dma_start3A_128, %dma_start3A_129] : memref<2x125x128xf32, #tpu.memory_space<vmem>> -> memref<1x120x128xf32, #tpu.memory_space<vmem>>
    %dma_start3A_131 = tpu.memref_squeeze %dma_start3A_130 : memref<1x120x128xf32, #tpu.memory_space<vmem>> -> memref<120x128xf32, #tpu.memory_space<vmem>>
    tpu.enqueue_dma source(%dma_start3A_131 : memref<120x128xf32, #tpu.memory_space<vmem>>) target(%dma_start3A_127 : memref<120x128xf32, #tpu.memory_space<vmem_shared>>) target_semaphore(%arg13 : memref<!tpu.dma_semaphore, #tpu.memory_space<semaphore_mem>>)
    %mul3A_132 = arith.constant 640 : i32
    %mul3A_133 = arith.muli %arg1, %mul3A_132 : i32
    %add3A_134 = arith.constant 360 : i32
    %add3A_135 = arith.addi %mul3A_133, %add3A_134 : i32
    %dma_start3A_136 = arith.constant 0 : i32
    %dma_start3A_137 = arith.constant 0 : i32
    %dma_start3A_138 = arith.constant 0 : i32
    %dma_start3A_139 = tpu.memref_slice %arg7[%dma_start3A_136, %dma_start3A_137, %dma_start3A_138] : memref<2x125x128xf32, #tpu.memory_space<vmem>> -> memref<1x120x128xf32, #tpu.memory_space<vmem>>
    %dma_start3A_140 = tpu.memref_squeeze %dma_start3A_139 : memref<1x120x128xf32, #tpu.memory_space<vmem>> -> memref<120x128xf32, #tpu.memory_space<vmem>>
    %dma_start3A_141 = arith.constant 0 : i32
    %dma_start3A_142 = tpu.memref_slice %arg8[%add3A_135, %dma_start3A_141] : memref<10240x128xf32, #tpu.memory_space<vmem_shared>> -> memref<120x128xf32, #tpu.memory_space<vmem_shared>>
    %dma_start3A_143 = arith.constant 0 : i32
    %dma_start3A_144 = tpu.memref_slice %arg8[%add3A_135, %dma_start3A_143] : memref<10240x128xf32, #tpu.memory_space<vmem_shared>> -> memref<120x128xf32, #tpu.memory_space<vmem_shared>>
    %dma_start3A_145 = arith.constant 0 : i32
    %dma_start3A_146 = arith.constant 0 : i32
    %dma_start3A_147 = tpu.memref_slice %arg7[%dma_start3A_136, %dma_start3A_145, %dma_start3A_146] : memref<2x125x128xf32, #tpu.memory_space<vmem>> -> memref<1x120x128xf32, #tpu.memory_space<vmem>>
    %dma_start3A_148 = tpu.memref_squeeze %dma_start3A_147 : memref<1x120x128xf32, #tpu.memory_space<vmem>> -> memref<120x128xf32, #tpu.memory_space<vmem>>
    tpu.enqueue_dma source(%dma_start3A_148 : memref<120x128xf32, #tpu.memory_space<vmem>>) target(%dma_start3A_144 : memref<120x128xf32, #tpu.memory_space<vmem_shared>>) target_semaphore(%arg13 : memref<!tpu.dma_semaphore, #tpu.memory_space<semaphore_mem>>)
    %mul3A_149 = arith.constant 640 : i32
    %mul3A_150 = arith.muli %arg1, %mul3A_149 : i32
    %add3A_151 = arith.constant 480 : i32
    %add3A_152 = arith.addi %mul3A_150, %add3A_151 : i32
    %dma_start3A_153 = arith.constant 0 : i32
    %dma_start3A_154 = arith.constant 0 : i32
    %dma_start3A_155 = arith.constant 0 : i32
    %dma_start3A_156 = tpu.memref_slice %arg7[%dma_start3A_153, %dma_start3A_154, %dma_start3A_155] : memref<2x125x128xf32, #tpu.memory_space<vmem>> -> memref<1x120x128xf32, #tpu.memory_space<vmem>>
    %dma_start3A_157 = tpu.memref_squeeze %dma_start3A_156 : memref<1x120x128xf32, #tpu.memory_space<vmem>> -> memref<120x128xf32, #tpu.memory_space<vmem>>
    %dma_start3A_158 = arith.constant 0 : i32
    %dma_start3A_159 = tpu.memref_slice %arg8[%add3A_152, %dma_start3A_158] : memref<10240x128xf32, #tpu.memory_space<vmem_shared>> -> memref<120x128xf32, #tpu.memory_space<vmem_shared>>
    %dma_start3A_160 = arith.constant 0 : i32
    %dma_start3A_161 = tpu.memref_slice %arg8[%add3A_152, %dma_start3A_160] : memref<10240x128xf32, #tpu.memory_space<vmem_shared>> -> memref<120x128xf32, #tpu.memory_space<vmem_shared>>
    %dma_start3A_162 = arith.constant 0 : i32
    %dma_start3A_163 = arith.constant 0 : i32
    %dma_start3A_164 = tpu.memref_slice %arg7[%dma_start3A_153, %dma_start3A_162, %dma_start3A_163] : memref<2x125x128xf32, #tpu.memory_space<vmem>> -> memref<1x120x128xf32, #tpu.memory_space<vmem>>
    %dma_start3A_165 = tpu.memref_squeeze %dma_start3A_164 : memref<1x120x128xf32, #tpu.memory_space<vmem>> -> memref<120x128xf32, #tpu.memory_space<vmem>>
    tpu.enqueue_dma source(%dma_start3A_165 : memref<120x128xf32, #tpu.memory_space<vmem>>) target(%dma_start3A_161 : memref<120x128xf32, #tpu.memory_space<vmem_shared>>) target_semaphore(%arg13 : memref<!tpu.dma_semaphore, #tpu.memory_space<semaphore_mem>>)
    %mul3A_166 = arith.constant 640 : i32
    %mul3A_167 = arith.muli %arg1, %mul3A_166 : i32
    %add3A_168 = arith.constant 600 : i32
    %add3A_169 = arith.addi %mul3A_167, %add3A_168 : i32
    %dma_start3A_170 = arith.constant 0 : i32
    %dma_start3A_171 = arith.constant 0 : i32
    %dma_start3A_172 = arith.constant 0 : i32
    %dma_start3A_173 = tpu.memref_slice %arg7[%dma_start3A_170, %dma_start3A_171, %dma_start3A_172] : memref<2x125x128xf32, #tpu.memory_space<vmem>> -> memref<1x40x128xf32, #tpu.memory_space<vmem>>
    %dma_start3A_174 = tpu.memref_squeeze %dma_start3A_173 : memref<1x40x128xf32, #tpu.memory_space<vmem>> -> memref<40x128xf32, #tpu.memory_space<vmem>>
    %dma_start3A_175 = arith.constant 0 : i32
    %dma_start3A_176 = tpu.memref_slice %arg8[%add3A_169, %dma_start3A_175] : memref<10240x128xf32, #tpu.memory_space<vmem_shared>> -> memref<40x128xf32, #tpu.memory_space<vmem_shared>>
    %dma_start3A_177 = arith.constant 0 : i32
    %dma_start3A_178 = tpu.memref_slice %arg8[%add3A_169, %dma_start3A_177] : memref<10240x128xf32, #tpu.memory_space<vmem_shared>> -> memref<40x128xf32, #tpu.memory_space<vmem_shared>>
    %dma_start3A_179 = arith.constant 0 : i32
    %dma_start3A_180 = arith.constant 0 : i32
    %dma_start3A_181 = tpu.memref_slice %arg7[%dma_start3A_170, %dma_start3A_179, %dma_start3A_180] : memref<2x125x128xf32, #tpu.memory_space<vmem>> -> memref<1x40x128xf32, #tpu.memory_space<vmem>>
    %dma_start3A_182 = tpu.memref_squeeze %dma_start3A_181 : memref<1x40x128xf32, #tpu.memory_space<vmem>> -> memref<40x128xf32, #tpu.memory_space<vmem>>
    tpu.enqueue_dma source(%dma_start3A_182 : memref<40x128xf32, #tpu.memory_space<vmem>>) target(%dma_start3A_178 : memref<40x128xf32, #tpu.memory_space<vmem_shared>>) target_semaphore(%arg13 : memref<!tpu.dma_semaphore, #tpu.memory_space<semaphore_mem>>)
    %dma_wait3A = arith.constant 0 : i32
    %dma_wait3A_183 = arith.constant 0 : i32
    %dma_wait3A_184 = arith.constant 0 : i32
    %dma_wait3A_185 = arith.constant 0 : i32
    %dma_wait3A_186 = arith.constant 0 : i32
    %dma_wait3A_187 = tpu.memref_slice %arg5[%dma_wait3A_184, %dma_wait3A_185, %dma_wait3A_186] : memref<2x8x125xi32, #tpu.memory_space<vmem>> -> memref<1x8x125xi32, #tpu.memory_space<vmem>>
    %dma_wait3A_188 = tpu.memref_squeeze %dma_wait3A_187 : memref<1x8x125xi32, #tpu.memory_space<vmem>> -> memref<8x125xi32, #tpu.memory_space<vmem>>
    %dma_wait3A_189 = arith.constant 0 : i32
    %dma_wait3A_190 = arith.constant 0 : i32
    %dma_wait3A_191 = tpu.memref_slice %arg3[%dma_wait3A, %add3A, %dma_wait3A_183, %dma_wait3A_189, %dma_wait3A_190] : memref<2x32x10x8x125xi32, #tpu.memory_space<hbm>> -> memref<1x1x1x8x125xi32, #tpu.memory_space<hbm>>
    %dma_wait3A_192 = tpu.memref_squeeze %dma_wait3A_191 : memref<1x1x1x8x125xi32, #tpu.memory_space<hbm>> -> memref<8x125xi32, #tpu.memory_space<hbm>>
    %dma_wait3A_193 = arith.constant 0 : i32
    %dma_wait3A_194 = arith.constant 0 : i32
    %dma_wait3A_195 = tpu.memref_slice %arg5[%dma_wait3A_184, %dma_wait3A_193, %dma_wait3A_194] : memref<2x8x125xi32, #tpu.memory_space<vmem>> -> memref<1x8x125xi32, #tpu.memory_space<vmem>>
    %dma_wait3A_196 = tpu.memref_squeeze %dma_wait3A_195 : memref<1x8x125xi32, #tpu.memory_space<vmem>> -> memref<8x125xi32, #tpu.memory_space<vmem>>
    %dma_wait3A_197 = arith.constant 0 : i32
    %dma_wait3A_198 = arith.constant 0 : i32
    %dma_wait3A_199 = tpu.memref_slice %arg3[%dma_wait3A, %add3A, %dma_wait3A_183, %dma_wait3A_197, %dma_wait3A_198] : memref<2x32x10x8x125xi32, #tpu.memory_space<hbm>> -> memref<1x1x1x8x125xi32, #tpu.memory_space<hbm>>
    %dma_wait3A_200 = tpu.memref_squeeze %dma_wait3A_199 : memref<1x1x1x8x125xi32, #tpu.memory_space<hbm>> -> memref<8x125xi32, #tpu.memory_space<hbm>>
    tpu.wait_dma2 semaphore(%arg9 : memref<!tpu.dma_semaphore, #tpu.memory_space<semaphore_mem>>) src(%dma_wait3A_200 : memref<8x125xi32, #tpu.memory_space<hbm>>) dst(%dma_wait3A_196 : memref<8x125xi32, #tpu.memory_space<vmem>>)
    %dma_wait3A_201 = arith.constant 1 : i32
    %dma_wait3A_202 = arith.constant 0 : i32
    %dma_wait3A_203 = arith.constant 0 : i32
    %dma_wait3A_204 = arith.constant 0 : i32
    %dma_wait3A_205 = arith.constant 0 : i32
    %dma_wait3A_206 = tpu.memref_slice %arg6[%dma_wait3A_203, %dma_wait3A_204, %dma_wait3A_205] : memref<2x8x125xi32, #tpu.memory_space<vmem>> -> memref<1x8x125xi32, #tpu.memory_space<vmem>>
    %dma_wait3A_207 = tpu.memref_squeeze %dma_wait3A_206 : memref<1x8x125xi32, #tpu.memory_space<vmem>> -> memref<8x125xi32, #tpu.memory_space<vmem>>
    %dma_wait3A_208 = arith.constant 0 : i32
    %dma_wait3A_209 = arith.constant 0 : i32
    %dma_wait3A_210 = tpu.memref_slice %arg3[%dma_wait3A_201, %add3A, %dma_wait3A_202, %dma_wait3A_208, %dma_wait3A_209] : memref<2x32x10x8x125xi32, #tpu.memory_space<hbm>> -> memref<1x1x1x8x125xi32, #tpu.memory_space<hbm>>
    %dma_wait3A_211 = tpu.memref_squeeze %dma_wait3A_210 : memref<1x1x1x8x125xi32, #tpu.memory_space<hbm>> -> memref<8x125xi32, #tpu.memory_space<hbm>>
    %dma_wait3A_212 = arith.constant 0 : i32
    %dma_wait3A_213 = arith.constant 0 : i32
    %dma_wait3A_214 = tpu.memref_slice %arg6[%dma_wait3A_203, %dma_wait3A_212, %dma_wait3A_213] : memref<2x8x125xi32, #tpu.memory_space<vmem>> -> memref<1x8x125xi32, #tpu.memory_space<vmem>>
    %dma_wait3A_215 = tpu.memref_squeeze %dma_wait3A_214 : memref<1x8x125xi32, #tpu.memory_space<vmem>> -> memref<8x125xi32, #tpu.memory_space<vmem>>
    %dma_wait3A_216 = arith.constant 0 : i32
    %dma_wait3A_217 = arith.constant 0 : i32
    %dma_wait3A_218 = tpu.memref_slice %arg3[%dma_wait3A_201, %add3A, %dma_wait3A_202, %dma_wait3A_216, %dma_wait3A_217] : memref<2x32x10x8x125xi32, #tpu.memory_space<hbm>> -> memref<1x1x1x8x125xi32, #tpu.memory_space<hbm>>
    %dma_wait3A_219 = tpu.memref_squeeze %dma_wait3A_218 : memref<1x1x1x8x125xi32, #tpu.memory_space<hbm>> -> memref<8x125xi32, #tpu.memory_space<hbm>>
    tpu.wait_dma2 semaphore(%arg9 : memref<!tpu.dma_semaphore, #tpu.memory_space<semaphore_mem>>) src(%dma_wait3A_219 : memref<8x125xi32, #tpu.memory_space<hbm>>) dst(%dma_wait3A_215 : memref<8x125xi32, #tpu.memory_space<vmem>>)
    %dma_start3A_220 = arith.constant 0 : i32
    %dma_start3A_221 = arith.constant 1 : i32
    %dma_start3A_222 = arith.constant 1 : i32
    %dma_start3A_223 = arith.constant 0 : i32
    %dma_start3A_224 = arith.constant 0 : i32
    %dma_start3A_225 = tpu.memref_slice %arg7[%dma_start3A_222, %dma_start3A_223, %dma_start3A_224] : memref<2x125x128xf32, #tpu.memory_space<vmem>> -> memref<1x125x128xf32, #tpu.memory_space<vmem>>
    %dma_start3A_226 = tpu.memref_squeeze %dma_start3A_225 : memref<1x125x128xf32, #tpu.memory_space<vmem>> -> memref<125x128xf32, #tpu.memory_space<vmem>>
    %dma_start3A_227 = arith.constant 0 : i32
    %dma_start3A_228 = tpu.memref_slice %arg5[%dma_start3A_220, %dma_start3A_221, %dma_start3A_227] : memref<2x8x125xi32, #tpu.memory_space<vmem>> -> memref<1x1x125xi32, #tpu.memory_space<vmem>>
    %dma_start3A_229 = tpu.memref_squeeze %dma_start3A_228 : memref<1x1x125xi32, #tpu.memory_space<vmem>> -> memref<125xi32, #tpu.memory_space<vmem>>
    %dma_start3A_230 = arith.constant 0 : i32
    %dma_start3A_231 = arith.constant 0 : i32
    %dma_start3A_232 = tpu.memref_slice %arg2[%dma_start3A_230, %dma_start3A_231] : memref<10000x128xf32, #tpu.memory_space<hbm>> -> memref<10000x128xf32, #tpu.memory_space<hbm>>
    tpu.enqueue_indirect_dma source(%dma_start3A_232 : memref<10000x128xf32, #tpu.memory_space<hbm>>) target(%dma_start3A_226 : memref<125x128xf32, #tpu.memory_space<vmem>>) offsets(%dma_start3A_229 : memref<125xi32, #tpu.memory_space<vmem>>) semaphore(%arg12 : memref<!tpu.dma_semaphore, #tpu.memory_space<semaphore_mem>>)
    %dma_wait3A_233 = arith.constant 0 : i32
    %dma_wait3A_234 = arith.constant 0 : i32
    %dma_wait3A_235 = arith.constant 0 : i32
    %dma_wait3A_236 = tpu.memref_slice %arg7[%dma_wait3A_233, %dma_wait3A_234, %dma_wait3A_235] : memref<2x125x128xf32, #tpu.memory_space<vmem>> -> memref<1x120x128xf32, #tpu.memory_space<vmem>>
    %dma_wait3A_237 = tpu.memref_squeeze %dma_wait3A_236 : memref<1x120x128xf32, #tpu.memory_space<vmem>> -> memref<120x128xf32, #tpu.memory_space<vmem>>
    %dma_wait3A_238 = arith.constant 0 : i32
    %dma_wait3A_239 = tpu.memref_slice %arg8[%add3A_84, %dma_wait3A_238] : memref<10240x128xf32, #tpu.memory_space<vmem_shared>> -> memref<120x128xf32, #tpu.memory_space<vmem_shared>>
    %dma_wait3A_240 = arith.constant 0 : i32
    %dma_wait3A_241 = tpu.memref_slice %arg8[%add3A_84, %dma_wait3A_240] : memref<10240x128xf32, #tpu.memory_space<vmem_shared>> -> memref<120x128xf32, #tpu.memory_space<vmem_shared>>
    %dma_wait3A_242 = arith.constant 0 : i32
    %dma_wait3A_243 = arith.constant 0 : i32
    %dma_wait3A_244 = tpu.memref_slice %arg7[%dma_wait3A_233, %dma_wait3A_242, %dma_wait3A_243] : memref<2x125x128xf32, #tpu.memory_space<vmem>> -> memref<1x120x128xf32, #tpu.memory_space<vmem>>
    %dma_wait3A_245 = tpu.memref_squeeze %dma_wait3A_244 : memref<1x120x128xf32, #tpu.memory_space<vmem>> -> memref<120x128xf32, #tpu.memory_space<vmem>>
    tpu.wait_dma2 semaphore(%arg13 : memref<!tpu.dma_semaphore, #tpu.memory_space<semaphore_mem>>) src(%dma_wait3A_245 : memref<120x128xf32, #tpu.memory_space<vmem>>) dst(%dma_wait3A_241 : memref<120x128xf32, #tpu.memory_space<vmem_shared>>)
    %dma_wait3A_246 = arith.constant 0 : i32
    %dma_wait3A_247 = arith.constant 0 : i32
    %dma_wait3A_248 = arith.constant 0 : i32
    %dma_wait3A_249 = tpu.memref_slice %arg7[%dma_wait3A_246, %dma_wait3A_247, %dma_wait3A_248] : memref<2x125x128xf32, #tpu.memory_space<vmem>> -> memref<1x120x128xf32, #tpu.memory_space<vmem>>
    %dma_wait3A_250 = tpu.memref_squeeze %dma_wait3A_249 : memref<1x120x128xf32, #tpu.memory_space<vmem>> -> memref<120x128xf32, #tpu.memory_space<vmem>>
    %dma_wait3A_251 = arith.constant 0 : i32
    %dma_wait3A_252 = tpu.memref_slice %arg8[%add3A_101, %dma_wait3A_251] : memref<10240x128xf32, #tpu.memory_space<vmem_shared>> -> memref<120x128xf32, #tpu.memory_space<vmem_shared>>
    %dma_wait3A_253 = arith.constant 0 : i32
    %dma_wait3A_254 = tpu.memref_slice %arg8[%add3A_101, %dma_wait3A_253] : memref<10240x128xf32, #tpu.memory_space<vmem_shared>> -> memref<120x128xf32, #tpu.memory_space<vmem_shared>>
    %dma_wait3A_255 = arith.constant 0 : i32
    %dma_wait3A_256 = arith.constant 0 : i32
    %dma_wait3A_257 = tpu.memref_slice %arg7[%dma_wait3A_246, %dma_wait3A_255, %dma_wait3A_256] : memref<2x125x128xf32, #tpu.memory_space<vmem>> -> memref<1x120x128xf32, #tpu.memory_space<vmem>>
    %dma_wait3A_258 = tpu.memref_squeeze %dma_wait3A_257 : memref<1x120x128xf32, #tpu.memory_space<vmem>> -> memref<120x128xf32, #tpu.memory_space<vmem>>
    tpu.wait_dma2 semaphore(%arg13 : memref<!tpu.dma_semaphore, #tpu.memory_space<semaphore_mem>>) src(%dma_wait3A_258 : memref<120x128xf32, #tpu.memory_space<vmem>>) dst(%dma_wait3A_254 : memref<120x128xf32, #tpu.memory_space<vmem_shared>>)
    %dma_wait3A_259 = arith.constant 0 : i32
    %dma_wait3A_260 = arith.constant 0 : i32
    %dma_wait3A_261 = arith.constant 0 : i32
    %dma_wait3A_262 = tpu.memref_slice %arg7[%dma_wait3A_259, %dma_wait3A_260, %dma_wait3A_261] : memref<2x125x128xf32, #tpu.memory_space<vmem>> -> memref<1x120x128xf32, #tpu.memory_space<vmem>>
    %dma_wait3A_263 = tpu.memref_squeeze %dma_wait3A_262 : memref<1x120x128xf32, #tpu.memory_space<vmem>> -> memref<120x128xf32, #tpu.memory_space<vmem>>
    %dma_wait3A_264 = arith.constant 0 : i32
    %dma_wait3A_265 = tpu.memref_slice %arg8[%add3A_118, %dma_wait3A_264] : memref<10240x128xf32, #tpu.memory_space<vmem_shared>> -> memref<120x128xf32, #tpu.memory_space<vmem_shared>>
    %dma_wait3A_266 = arith.constant 0 : i32
    %dma_wait3A_267 = tpu.memref_slice %arg8[%add3A_118, %dma_wait3A_266] : memref<10240x128xf32, #tpu.memory_space<vmem_shared>> -> memref<120x128xf32, #tpu.memory_space<vmem_shared>>
    %dma_wait3A_268 = arith.constant 0 : i32
    %dma_wait3A_269 = arith.constant 0 : i32
    %dma_wait3A_270 = tpu.memref_slice %arg7[%dma_wait3A_259, %dma_wait3A_268, %dma_wait3A_269] : memref<2x125x128xf32, #tpu.memory_space<vmem>> -> memref<1x120x128xf32, #tpu.memory_space<vmem>>
    %dma_wait3A_271 = tpu.memref_squeeze %dma_wait3A_270 : memref<1x120x128xf32, #tpu.memory_space<vmem>> -> memref<120x128xf32, #tpu.memory_space<vmem>>
    tpu.wait_dma2 semaphore(%arg13 : memref<!tpu.dma_semaphore, #tpu.memory_space<semaphore_mem>>) src(%dma_wait3A_271 : memref<120x128xf32, #tpu.memory_space<vmem>>) dst(%dma_wait3A_267 : memref<120x128xf32, #tpu.memory_space<vmem_shared>>)
    %dma_wait3A_272 = arith.constant 0 : i32
    %dma_wait3A_273 = arith.constant 0 : i32
    %dma_wait3A_274 = arith.constant 0 : i32
    %dma_wait3A_275 = tpu.memref_slice %arg7[%dma_wait3A_272, %dma_wait3A_273, %dma_wait3A_274] : memref<2x125x128xf32, #tpu.memory_space<vmem>> -> memref<1x120x128xf32, #tpu.memory_space<vmem>>
    %dma_wait3A_276 = tpu.memref_squeeze %dma_wait3A_275 : memref<1x120x128xf32, #tpu.memory_space<vmem>> -> memref<120x128xf32, #tpu.memory_space<vmem>>
    %dma_wait3A_277 = arith.constant 0 : i32
    %dma_wait3A_278 = tpu.memref_slice %arg8[%add3A_135, %dma_wait3A_277] : memref<10240x128xf32, #tpu.memory_space<vmem_shared>> -> memref<120x128xf32, #tpu.memory_space<vmem_shared>>
    %dma_wait3A_279 = arith.constant 0 : i32
    %dma_wait3A_280 = tpu.memref_slice %arg8[%add3A_135, %dma_wait3A_279] : memref<10240x128xf32, #tpu.memory_space<vmem_shared>> -> memref<120x128xf32, #tpu.memory_space<vmem_shared>>
    %dma_wait3A_281 = arith.constant 0 : i32
    %dma_wait3A_282 = arith.constant 0 : i32
    %dma_wait3A_283 = tpu.memref_slice %arg7[%dma_wait3A_272, %dma_wait3A_281, %dma_wait3A_282] : memref<2x125x128xf32, #tpu.memory_space<vmem>> -> memref<1x120x128xf32, #tpu.memory_space<vmem>>
    %dma_wait3A_284 = tpu.memref_squeeze %dma_wait3A_283 : memref<1x120x128xf32, #tpu.memory_space<vmem>> -> memref<120x128xf32, #tpu.memory_space<vmem>>
    tpu.wait_dma2 semaphore(%arg13 : memref<!tpu.dma_semaphore, #tpu.memory_space<semaphore_mem>>) src(%dma_wait3A_284 : memref<120x128xf32, #tpu.memory_space<vmem>>) dst(%dma_wait3A_280 : memref<120x128xf32, #tpu.memory_space<vmem_shared>>)
    %dma_wait3A_285 = arith.constant 0 : i32
    %dma_wait3A_286 = arith.constant 0 : i32
    %dma_wait3A_287 = arith.constant 0 : i32
    %dma_wait3A_288 = tpu.memref_slice %arg7[%dma_wait3A_285, %dma_wait3A_286, %dma_wait3A_287] : memref<2x125x128xf32, #tpu.memory_space<vmem>> -> memref<1x120x128xf32, #tpu.memory_space<vmem>>
    %dma_wait3A_289 = tpu.memref_squeeze %dma_wait3A_288 : memref<1x120x128xf32, #tpu.memory_space<vmem>> -> memref<120x128xf32, #tpu.memory_space<vmem>>
    %dma_wait3A_290 = arith.constant 0 : i32
    %dma_wait3A_291 = tpu.memref_slice %arg8[%add3A_152, %dma_wait3A_290] : memref<10240x128xf32, #tpu.memory_space<vmem_shared>> -> memref<120x128xf32, #tpu.memory_space<vmem_shared>>
    %dma_wait3A_292 = arith.constant 0 : i32
    %dma_wait3A_293 = tpu.memref_slice %arg8[%add3A_152, %dma_wait3A_292] : memref<10240x128xf32, #tpu.memory_space<vmem_shared>> -> memref<120x128xf32, #tpu.memory_space<vmem_shared>>
    %dma_wait3A_294 = arith.constant 0 : i32
    %dma_wait3A_295 = arith.constant 0 : i32
    %dma_wait3A_296 = tpu.memref_slice %arg7[%dma_wait3A_285, %dma_wait3A_294, %dma_wait3A_295] : memref<2x125x128xf32, #tpu.memory_space<vmem>> -> memref<1x120x128xf32, #tpu.memory_space<vmem>>
    %dma_wait3A_297 = tpu.memref_squeeze %dma_wait3A_296 : memref<1x120x128xf32, #tpu.memory_space<vmem>> -> memref<120x128xf32, #tpu.memory_space<vmem>>
    tpu.wait_dma2 semaphore(%arg13 : memref<!tpu.dma_semaphore, #tpu.memory_space<semaphore_mem>>) src(%dma_wait3A_297 : memref<120x128xf32, #tpu.memory_space<vmem>>) dst(%dma_wait3A_293 : memref<120x128xf32, #tpu.memory_space<vmem_shared>>)
    %dma_wait3A_298 = arith.constant 0 : i32
    %dma_wait3A_299 = arith.constant 0 : i32
    %dma_wait3A_300 = arith.constant 0 : i32
    %dma_wait3A_301 = tpu.memref_slice %arg7[%dma_wait3A_298, %dma_wait3A_299, %dma_wait3A_300] : memref<2x125x128xf32, #tpu.memory_space<vmem>> -> memref<1x40x128xf32, #tpu.memory_space<vmem>>
    %dma_wait3A_302 = tpu.memref_squeeze %dma_wait3A_301 : memref<1x40x128xf32, #tpu.memory_space<vmem>> -> memref<40x128xf32, #tpu.memory_space<vmem>>
    %dma_wait3A_303 = arith.constant 0 : i32
    %dma_wait3A_304 = tpu.memref_slice %arg8[%add3A_169, %dma_wait3A_303] : memref<10240x128xf32, #tpu.memory_space<vmem_shared>> -> memref<40x128xf32, #tpu.memory_space<vmem_shared>>
    %dma_wait3A_305 = arith.constant 0 : i32
    %dma_wait3A_306 = tpu.memref_slice %arg8[%add3A_169, %dma_wait3A_305] : memref<10240x128xf32, #tpu.memory_space<vmem_shared>> -> memref<40x128xf32, #tpu.memory_space<vmem_shared>>
    %dma_wait3A_307 = arith.constant 0 : i32
    %dma_wait3A_308 = arith.constant 0 : i32
    %dma_wait3A_309 = tpu.memref_slice %arg7[%dma_wait3A_298, %dma_wait3A_307, %dma_wait3A_308] : memref<2x125x128xf32, #tpu.memory_space<vmem>> -> memref<1x40x128xf32, #tpu.memory_space<vmem>>
    %dma_wait3A_310 = tpu.memref_squeeze %dma_wait3A_309 : memref<1x40x128xf32, #tpu.memory_space<vmem>> -> memref<40x128xf32, #tpu.memory_space<vmem>>
    tpu.wait_dma2 semaphore(%arg13 : memref<!tpu.dma_semaphore, #tpu.memory_space<semaphore_mem>>) src(%dma_wait3A_310 : memref<40x128xf32, #tpu.memory_space<vmem>>) dst(%dma_wait3A_306 : memref<40x128xf32, #tpu.memory_space<vmem_shared>>)
    %dma_start3A_311 = arith.constant 0 : i32
    %dma_start3A_312 = arith.constant 0 : i32
    %dma_start3A_313 = arith.constant 0 : i32
    %dma_start3A_314 = arith.constant 0 : i32
    %dma_start3A_315 = arith.constant 0 : i32
    %dma_start3A_316 = tpu.memref_slice %arg7[%dma_start3A_313, %dma_start3A_314, %dma_start3A_315] : memref<2x125x128xf32, #tpu.memory_space<vmem>> -> memref<1x125x128xf32, #tpu.memory_space<vmem>>
    %dma_start3A_317 = tpu.memref_squeeze %dma_start3A_316 : memref<1x125x128xf32, #tpu.memory_space<vmem>> -> memref<125x128xf32, #tpu.memory_space<vmem>>
    %dma_start3A_318 = arith.constant 0 : i32
    %dma_start3A_319 = tpu.memref_slice %arg5[%dma_start3A_311, %dma_start3A_312, %dma_start3A_318] : memref<2x8x125xi32, #tpu.memory_space<vmem>> -> memref<1x1x125xi32, #tpu.memory_space<vmem>>
    %dma_start3A_320 = tpu.memref_squeeze %dma_start3A_319 : memref<1x1x125xi32, #tpu.memory_space<vmem>> -> memref<125xi32, #tpu.memory_space<vmem>>
    %dma_start3A_321 = arith.constant 0 : i32
    %dma_start3A_322 = arith.constant 0 : i32
    %dma_start3A_323 = tpu.memref_slice %arg2[%dma_start3A_321, %dma_start3A_322] : memref<10000x128xf32, #tpu.memory_space<hbm>> -> memref<10000x128xf32, #tpu.memory_space<hbm>>
    tpu.enqueue_indirect_dma source(%dma_start3A_323 : memref<10000x128xf32, #tpu.memory_space<hbm>>) target(%dma_start3A_317 : memref<125x128xf32, #tpu.memory_space<vmem>>) offsets(%dma_start3A_320 : memref<125xi32, #tpu.memory_space<vmem>>) semaphore(%arg11 : memref<!tpu.dma_semaphore, #tpu.memory_space<semaphore_mem>>)
    %barrier3A = arith.constant 0 : index
    tpu.barrier barrier_id(%barrier3A)
    %scan3A_324 = arith.constant 0 : i32
    %scan3A_325 = arith.constant 0 : i32
    %scan3A_326 = arith.constant 5 : i32
    %scan3A_327 = arith.addi %scan3A_325, %scan3A_326 : i32
    %scan3A_328 = arith.constant 1 : i32
    scf.for %scan3A_485 = %scan3A_325 to %scan3A_327 step %scan3A_328  : i32 {
      %mul3A_486 = arith.constant 2 : i32
      %mul3A_487 = arith.muli %mul3A_486, %scan3A_485 : i32
      %dma_wait3A_488 = arith.constant 0 : i32
      %dma_wait3A_489 = arith.constant 0 : i32
      %dma_wait3A_490 = arith.constant 0 : i32
      %dma_wait3A_491 = arith.constant 0 : i32
      %dma_wait3A_492 = arith.constant 0 : i32
      %dma_wait3A_493 = tpu.memref_slice %arg7[%dma_wait3A_490, %dma_wait3A_491, %dma_wait3A_492] : memref<2x125x128xf32, #tpu.memory_space<vmem>> -> memref<1x125x128xf32, #tpu.memory_space<vmem>>
      %dma_wait3A_494 = tpu.memref_squeeze %dma_wait3A_493 : memref<1x125x128xf32, #tpu.memory_space<vmem>> -> memref<125x128xf32, #tpu.memory_space<vmem>>
      %dma_wait3A_495 = arith.constant 0 : i32
      %dma_wait3A_496 = tpu.memref_slice %arg5[%dma_wait3A_488, %dma_wait3A_489, %dma_wait3A_495] : memref<2x8x125xi32, #tpu.memory_space<vmem>> -> memref<1x1x125xi32, #tpu.memory_space<vmem>>
      %dma_wait3A_497 = tpu.memref_squeeze %dma_wait3A_496 : memref<1x1x125xi32, #tpu.memory_space<vmem>> -> memref<125xi32, #tpu.memory_space<vmem>>
      %dma_wait3A_498 = arith.constant 0 : i32
      %dma_wait3A_499 = arith.constant 0 : i32
      %dma_wait3A_500 = tpu.memref_slice %arg2[%dma_wait3A_498, %dma_wait3A_499] : memref<10000x128xf32, #tpu.memory_space<hbm>> -> memref<10000x128xf32, #tpu.memory_space<hbm>>
      tpu.wait_indirect_dma semaphore(%arg11 : memref<!tpu.dma_semaphore, #tpu.memory_space<semaphore_mem>>) src(%dma_wait3A_500 : memref<10000x128xf32, #tpu.memory_space<hbm>>) dst(%dma_wait3A_494 : memref<125x128xf32, #tpu.memory_space<vmem>>)
      %run_scoped3A = arith.constant 0 : i32
      %run_scoped3A_501 = arith.constant 0 : i32
      %run_scoped3A_502 = arith.constant 0 : i32
      "tpu.region"() ({
        %run_scoped3A_1122 = tpu.sem_alloc : memref<!tpu.dma_semaphore, #tpu.memory_space<semaphore_mem>>
        %dma_start3A_1123 = arith.constant 0 : i32
        %dma_start3A_1124 = arith.constant 0 : i32
        %dma_start3A_1125 = tpu.memref_slice %arg7[%run_scoped3A, %dma_start3A_1123, %dma_start3A_1124] : memref<2x125x128xf32, #tpu.memory_space<vmem>> -> memref<1x125x128xf32, #tpu.memory_space<vmem>>
        %dma_start3A_1126 = tpu.memref_squeeze %dma_start3A_1125 : memref<1x125x128xf32, #tpu.memory_space<vmem>> -> memref<125x128xf32, #tpu.memory_space<vmem>>
        %dma_start3A_1127 = arith.constant 0 : i32
        %dma_start3A_1128 = tpu.memref_slice %arg6[%run_scoped3A_501, %run_scoped3A_502, %dma_start3A_1127] : memref<2x8x125xi32, #tpu.memory_space<vmem>> -> memref<1x1x125xi32, #tpu.memory_space<vmem>>
        %dma_start3A_1129 = tpu.memref_squeeze %dma_start3A_1128 : memref<1x1x125xi32, #tpu.memory_space<vmem>> -> memref<125xi32, #tpu.memory_space<vmem>>
        %dma_start3A_1130 = arith.constant 0 : i32
        %dma_start3A_1131 = arith.constant 0 : i32
        %dma_start3A_1132 = tpu.memref_slice %arg8[%dma_start3A_1130, %dma_start3A_1131] : memref<10240x128xf32, #tpu.memory_space<vmem_shared>> -> memref<10240x128xf32, #tpu.memory_space<vmem_shared>>
        tpu.enqueue_indirect_dma source(%dma_start3A_1126 : memref<125x128xf32, #tpu.memory_space<vmem>>) target(%dma_start3A_1132 : memref<10240x128xf32, #tpu.memory_space<vmem_shared>>) offsets(%dma_start3A_1129 : memref<125xi32, #tpu.memory_space<vmem>>) semaphore(%run_scoped3A_1122 : memref<!tpu.dma_semaphore, #tpu.memory_space<semaphore_mem>>) {add = true}
        %dma_wait3A_1133 = arith.constant 0 : i32
        %dma_wait3A_1134 = arith.constant 0 : i32
        %dma_wait3A_1135 = tpu.memref_slice %arg7[%run_scoped3A, %dma_wait3A_1133, %dma_wait3A_1134] : memref<2x125x128xf32, #tpu.memory_space<vmem>> -> memref<1x125x128xf32, #tpu.memory_space<vmem>>
        %dma_wait3A_1136 = tpu.memref_squeeze %dma_wait3A_1135 : memref<1x125x128xf32, #tpu.memory_space<vmem>> -> memref<125x128xf32, #tpu.memory_space<vmem>>
        %dma_wait3A_1137 = arith.constant 0 : i32
        %dma_wait3A_1138 = tpu.memref_slice %arg6[%run_scoped3A_501, %run_scoped3A_502, %dma_wait3A_1137] : memref<2x8x125xi32, #tpu.memory_space<vmem>> -> memref<1x1x125xi32, #tpu.memory_space<vmem>>
        %dma_wait3A_1139 = tpu.memref_squeeze %dma_wait3A_1138 : memref<1x1x125xi32, #tpu.memory_space<vmem>> -> memref<125xi32, #tpu.memory_space<vmem>>
        %dma_wait3A_1140 = arith.constant 0 : i32
        %dma_wait3A_1141 = arith.constant 0 : i32
        %dma_wait3A_1142 = tpu.memref_slice %arg8[%dma_wait3A_1140, %dma_wait3A_1141] : memref<10240x128xf32, #tpu.memory_space<vmem_shared>> -> memref<10240x128xf32, #tpu.memory_space<vmem_shared>>
        tpu.wait_indirect_dma semaphore(%run_scoped3A_1122 : memref<!tpu.dma_semaphore, #tpu.memory_space<semaphore_mem>>) src(%dma_wait3A_1136 : memref<125x128xf32, #tpu.memory_space<vmem>>) dst(%dma_wait3A_1142 : memref<10240x128xf32, #tpu.memory_space<vmem_shared>>)
        tpu.yield
      }) : () -> ()
      %dma_start3A_503 = arith.constant 0 : i32
      %dma_start3A_504 = arith.constant 2 : i32
      %dma_start3A_505 = arith.constant 0 : i32
      %dma_start3A_506 = arith.constant 0 : i32
      %dma_start3A_507 = arith.constant 0 : i32
      %dma_start3A_508 = tpu.memref_slice %arg7[%dma_start3A_505, %dma_start3A_506, %dma_start3A_507] : memref<2x125x128xf32, #tpu.memory_space<vmem>> -> memref<1x125x128xf32, #tpu.memory_space<vmem>>
      %dma_start3A_509 = tpu.memref_squeeze %dma_start3A_508 : memref<1x125x128xf32, #tpu.memory_space<vmem>> -> memref<125x128xf32, #tpu.memory_space<vmem>>
      %dma_start3A_510 = arith.constant 0 : i32
      %dma_start3A_511 = tpu.memref_slice %arg5[%dma_start3A_503, %dma_start3A_504, %dma_start3A_510] : memref<2x8x125xi32, #tpu.memory_space<vmem>> -> memref<1x1x125xi32, #tpu.memory_space<vmem>>
      %dma_start3A_512 = tpu.memref_squeeze %dma_start3A_511 : memref<1x1x125xi32, #tpu.memory_space<vmem>> -> memref<125xi32, #tpu.memory_space<vmem>>
      %dma_start3A_513 = arith.constant 0 : i32
      %dma_start3A_514 = arith.constant 0 : i32
      %dma_start3A_515 = tpu.memref_slice %arg2[%dma_start3A_513, %dma_start3A_514] : memref<10000x128xf32, #tpu.memory_space<hbm>> -> memref<10000x128xf32, #tpu.memory_space<hbm>>
      tpu.enqueue_indirect_dma source(%dma_start3A_515 : memref<10000x128xf32, #tpu.memory_space<hbm>>) target(%dma_start3A_509 : memref<125x128xf32, #tpu.memory_space<vmem>>) offsets(%dma_start3A_512 : memref<125xi32, #tpu.memory_space<vmem>>) semaphore(%arg11 : memref<!tpu.dma_semaphore, #tpu.memory_space<semaphore_mem>>)
      %dma_wait3A_516 = arith.constant 0 : i32
      %dma_wait3A_517 = arith.constant 0 : i32
      %dma_wait3A_518 = arith.constant 1 : i32
      %dma_wait3A_519 = arith.constant 0 : i32
      %dma_wait3A_520 = arith.constant 0 : i32
      %dma_wait3A_521 = tpu.memref_slice %arg7[%dma_wait3A_518, %dma_wait3A_519, %dma_wait3A_520] : memref<2x125x128xf32, #tpu.memory_space<vmem>> -> memref<1x125x128xf32, #tpu.memory_space<vmem>>
      %dma_wait3A_522 = tpu.memref_squeeze %dma_wait3A_521 : memref<1x125x128xf32, #tpu.memory_space<vmem>> -> memref<125x128xf32, #tpu.memory_space<vmem>>
      %dma_wait3A_523 = arith.constant 0 : i32
      %dma_wait3A_524 = tpu.memref_slice %arg5[%dma_wait3A_516, %dma_wait3A_517, %dma_wait3A_523] : memref<2x8x125xi32, #tpu.memory_space<vmem>> -> memref<1x1x125xi32, #tpu.memory_space<vmem>>
      %dma_wait3A_525 = tpu.memref_squeeze %dma_wait3A_524 : memref<1x1x125xi32, #tpu.memory_space<vmem>> -> memref<125xi32, #tpu.memory_space<vmem>>
      %dma_wait3A_526 = arith.constant 0 : i32
      %dma_wait3A_527 = arith.constant 0 : i32
      %dma_wait3A_528 = tpu.memref_slice %arg2[%dma_wait3A_526, %dma_wait3A_527] : memref<10000x128xf32, #tpu.memory_space<hbm>> -> memref<10000x128xf32, #tpu.memory_space<hbm>>
      tpu.wait_indirect_dma semaphore(%arg12 : memref<!tpu.dma_semaphore, #tpu.memory_space<semaphore_mem>>) src(%dma_wait3A_528 : memref<10000x128xf32, #tpu.memory_space<hbm>>) dst(%dma_wait3A_522 : memref<125x128xf32, #tpu.memory_space<vmem>>)
      %run_scoped3A_529 = arith.constant 1 : i32
      %run_scoped3A_530 = arith.constant 0 : i32
      %run_scoped3A_531 = arith.constant 1 : i32
      "tpu.region"() ({
        %run_scoped3A_1122 = tpu.sem_alloc : memref<!tpu.dma_semaphore, #tpu.memory_space<semaphore_mem>>
        %dma_start3A_1123 = arith.constant 0 : i32
        %dma_start3A_1124 = arith.constant 0 : i32
        %dma_start3A_1125 = tpu.memref_slice %arg7[%run_scoped3A_529, %dma_start3A_1123, %dma_start3A_1124] : memref<2x125x128xf32, #tpu.memory_space<vmem>> -> memref<1x125x128xf32, #tpu.memory_space<vmem>>
        %dma_start3A_1126 = tpu.memref_squeeze %dma_start3A_1125 : memref<1x125x128xf32, #tpu.memory_space<vmem>> -> memref<125x128xf32, #tpu.memory_space<vmem>>
        %dma_start3A_1127 = arith.constant 0 : i32
        %dma_start3A_1128 = tpu.memref_slice %arg6[%run_scoped3A_530, %run_scoped3A_531, %dma_start3A_1127] : memref<2x8x125xi32, #tpu.memory_space<vmem>> -> memref<1x1x125xi32, #tpu.memory_space<vmem>>
        %dma_start3A_1129 = tpu.memref_squeeze %dma_start3A_1128 : memref<1x1x125xi32, #tpu.memory_space<vmem>> -> memref<125xi32, #tpu.memory_space<vmem>>
        %dma_start3A_1130 = arith.constant 0 : i32
        %dma_start3A_1131 = arith.constant 0 : i32
        %dma_start3A_1132 = tpu.memref_slice %arg8[%dma_start3A_1130, %dma_start3A_1131] : memref<10240x128xf32, #tpu.memory_space<vmem_shared>> -> memref<10240x128xf32, #tpu.memory_space<vmem_shared>>
        tpu.enqueue_indirect_dma source(%dma_start3A_1126 : memref<125x128xf32, #tpu.memory_space<vmem>>) target(%dma_start3A_1132 : memref<10240x128xf32, #tpu.memory_space<vmem_shared>>) offsets(%dma_start3A_1129 : memref<125xi32, #tpu.memory_space<vmem>>) semaphore(%run_scoped3A_1122 : memref<!tpu.dma_semaphore, #tpu.memory_space<semaphore_mem>>) {add = true}
        %dma_wait3A_1133 = arith.constant 0 : i32
        %dma_wait3A_1134 = arith.constant 0 : i32
        %dma_wait3A_1135 = tpu.memref_slice %arg7[%run_scoped3A_529, %dma_wait3A_1133, %dma_wait3A_1134] : memref<2x125x128xf32, #tpu.memory_space<vmem>> -> memref<1x125x128xf32, #tpu.memory_space<vmem>>
        %dma_wait3A_1136 = tpu.memref_squeeze %dma_wait3A_1135 : memref<1x125x128xf32, #tpu.memory_space<vmem>> -> memref<125x128xf32, #tpu.memory_space<vmem>>
        %dma_wait3A_1137 = arith.constant 0 : i32
        %dma_wait3A_1138 = tpu.memref_slice %arg6[%run_scoped3A_530, %run_scoped3A_531, %dma_wait3A_1137] : memref<2x8x125xi32, #tpu.memory_space<vmem>> -> memref<1x1x125xi32, #tpu.memory_space<vmem>>
        %dma_wait3A_1139 = tpu.memref_squeeze %dma_wait3A_1138 : memref<1x1x125xi32, #tpu.memory_space<vmem>> -> memref<125xi32, #tpu.memory_space<vmem>>
        %dma_wait3A_1140 = arith.constant 0 : i32
        %dma_wait3A_1141 = arith.constant 0 : i32
        %dma_wait3A_1142 = tpu.memref_slice %arg8[%dma_wait3A_1140, %dma_wait3A_1141] : memref<10240x128xf32, #tpu.memory_space<vmem_shared>> -> memref<10240x128xf32, #tpu.memory_space<vmem_shared>>
        tpu.wait_indirect_dma semaphore(%run_scoped3A_1122 : memref<!tpu.dma_semaphore, #tpu.memory_space<semaphore_mem>>) src(%dma_wait3A_1136 : memref<125x128xf32, #tpu.memory_space<vmem>>) dst(%dma_wait3A_1142 : memref<10240x128xf32, #tpu.memory_space<vmem_shared>>)
        tpu.yield
      }) : () -> ()
      %dma_start3A_532 = arith.constant 0 : i32
      %dma_start3A_533 = arith.constant 3 : i32
      %dma_start3A_534 = arith.constant 1 : i32
      %dma_start3A_535 = arith.constant 0 : i32
      %dma_start3A_536 = arith.constant 0 : i32
      %dma_start3A_537 = tpu.memref_slice %arg7[%dma_start3A_534, %dma_start3A_535, %dma_start3A_536] : memref<2x125x128xf32, #tpu.memory_space<vmem>> -> memref<1x125x128xf32, #tpu.memory_space<vmem>>
      %dma_start3A_538 = tpu.memref_squeeze %dma_start3A_537 : memref<1x125x128xf32, #tpu.memory_space<vmem>> -> memref<125x128xf32, #tpu.memory_space<vmem>>
      %dma_start3A_539 = arith.constant 0 : i32
      %dma_start3A_540 = tpu.memref_slice %arg5[%dma_start3A_532, %dma_start3A_533, %dma_start3A_539] : memref<2x8x125xi32, #tpu.memory_space<vmem>> -> memref<1x1x125xi32, #tpu.memory_space<vmem>>
      %dma_start3A_541 = tpu.memref_squeeze %dma_start3A_540 : memref<1x1x125xi32, #tpu.memory_space<vmem>> -> memref<125xi32, #tpu.memory_space<vmem>>
      %dma_start3A_542 = arith.constant 0 : i32
      %dma_start3A_543 = arith.constant 0 : i32
      %dma_start3A_544 = tpu.memref_slice %arg2[%dma_start3A_542, %dma_start3A_543] : memref<10000x128xf32, #tpu.memory_space<hbm>> -> memref<10000x128xf32, #tpu.memory_space<hbm>>
      tpu.enqueue_indirect_dma source(%dma_start3A_544 : memref<10000x128xf32, #tpu.memory_space<hbm>>) target(%dma_start3A_538 : memref<125x128xf32, #tpu.memory_space<vmem>>) offsets(%dma_start3A_541 : memref<125xi32, #tpu.memory_space<vmem>>) semaphore(%arg12 : memref<!tpu.dma_semaphore, #tpu.memory_space<semaphore_mem>>)
      %dma_wait3A_545 = arith.constant 0 : i32
      %dma_wait3A_546 = arith.constant 0 : i32
      %dma_wait3A_547 = arith.constant 0 : i32
      %dma_wait3A_548 = arith.constant 0 : i32
      %dma_wait3A_549 = arith.constant 0 : i32
      %dma_wait3A_550 = tpu.memref_slice %arg7[%dma_wait3A_547, %dma_wait3A_548, %dma_wait3A_549] : memref<2x125x128xf32, #tpu.memory_space<vmem>> -> memref<1x125x128xf32, #tpu.memory_space<vmem>>
      %dma_wait3A_551 = tpu.memref_squeeze %dma_wait3A_550 : memref<1x125x128xf32, #tpu.memory_space<vmem>> -> memref<125x128xf32, #tpu.memory_space<vmem>>
      %dma_wait3A_552 = arith.constant 0 : i32
      %dma_wait3A_553 = tpu.memref_slice %arg5[%dma_wait3A_545, %dma_wait3A_546, %dma_wait3A_552] : memref<2x8x125xi32, #tpu.memory_space<vmem>> -> memref<1x1x125xi32, #tpu.memory_space<vmem>>
      %dma_wait3A_554 = tpu.memref_squeeze %dma_wait3A_553 : memref<1x1x125xi32, #tpu.memory_space<vmem>> -> memref<125xi32, #tpu.memory_space<vmem>>
      %dma_wait3A_555 = arith.constant 0 : i32
      %dma_wait3A_556 = arith.constant 0 : i32
      %dma_wait3A_557 = tpu.memref_slice %arg2[%dma_wait3A_555, %dma_wait3A_556] : memref<10000x128xf32, #tpu.memory_space<hbm>> -> memref<10000x128xf32, #tpu.memory_space<hbm>>
      tpu.wait_indirect_dma semaphore(%arg11 : memref<!tpu.dma_semaphore, #tpu.memory_space<semaphore_mem>>) src(%dma_wait3A_557 : memref<10000x128xf32, #tpu.memory_space<hbm>>) dst(%dma_wait3A_551 : memref<125x128xf32, #tpu.memory_space<vmem>>)
      %run_scoped3A_558 = arith.constant 0 : i32
      %run_scoped3A_559 = arith.constant 0 : i32
      %run_scoped3A_560 = arith.constant 2 : i32
      "tpu.region"() ({
        %run_scoped3A_1122 = tpu.sem_alloc : memref<!tpu.dma_semaphore, #tpu.memory_space<semaphore_mem>>
        %dma_start3A_1123 = arith.constant 0 : i32
        %dma_start3A_1124 = arith.constant 0 : i32
        %dma_start3A_1125 = tpu.memref_slice %arg7[%run_scoped3A_558, %dma_start3A_1123, %dma_start3A_1124] : memref<2x125x128xf32, #tpu.memory_space<vmem>> -> memref<1x125x128xf32, #tpu.memory_space<vmem>>
        %dma_start3A_1126 = tpu.memref_squeeze %dma_start3A_1125 : memref<1x125x128xf32, #tpu.memory_space<vmem>> -> memref<125x128xf32, #tpu.memory_space<vmem>>
        %dma_start3A_1127 = arith.constant 0 : i32
        %dma_start3A_1128 = tpu.memref_slice %arg6[%run_scoped3A_559, %run_scoped3A_560, %dma_start3A_1127] : memref<2x8x125xi32, #tpu.memory_space<vmem>> -> memref<1x1x125xi32, #tpu.memory_space<vmem>>
        %dma_start3A_1129 = tpu.memref_squeeze %dma_start3A_1128 : memref<1x1x125xi32, #tpu.memory_space<vmem>> -> memref<125xi32, #tpu.memory_space<vmem>>
        %dma_start3A_1130 = arith.constant 0 : i32
        %dma_start3A_1131 = arith.constant 0 : i32
        %dma_start3A_1132 = tpu.memref_slice %arg8[%dma_start3A_1130, %dma_start3A_1131] : memref<10240x128xf32, #tpu.memory_space<vmem_shared>> -> memref<10240x128xf32, #tpu.memory_space<vmem_shared>>
        tpu.enqueue_indirect_dma source(%dma_start3A_1126 : memref<125x128xf32, #tpu.memory_space<vmem>>) target(%dma_start3A_1132 : memref<10240x128xf32, #tpu.memory_space<vmem_shared>>) offsets(%dma_start3A_1129 : memref<125xi32, #tpu.memory_space<vmem>>) semaphore(%run_scoped3A_1122 : memref<!tpu.dma_semaphore, #tpu.memory_space<semaphore_mem>>) {add = true}
        %dma_wait3A_1133 = arith.constant 0 : i32
        %dma_wait3A_1134 = arith.constant 0 : i32
        %dma_wait3A_1135 = tpu.memref_slice %arg7[%run_scoped3A_558, %dma_wait3A_1133, %dma_wait3A_1134] : memref<2x125x128xf32, #tpu.memory_space<vmem>> -> memref<1x125x128xf32, #tpu.memory_space<vmem>>
        %dma_wait3A_1136 = tpu.memref_squeeze %dma_wait3A_1135 : memref<1x125x128xf32, #tpu.memory_space<vmem>> -> memref<125x128xf32, #tpu.memory_space<vmem>>
        %dma_wait3A_1137 = arith.constant 0 : i32
        %dma_wait3A_1138 = tpu.memref_slice %arg6[%run_scoped3A_559, %run_scoped3A_560, %dma_wait3A_1137] : memref<2x8x125xi32, #tpu.memory_space<vmem>> -> memref<1x1x125xi32, #tpu.memory_space<vmem>>
        %dma_wait3A_1139 = tpu.memref_squeeze %dma_wait3A_1138 : memref<1x1x125xi32, #tpu.memory_space<vmem>> -> memref<125xi32, #tpu.memory_space<vmem>>
        %dma_wait3A_1140 = arith.constant 0 : i32
        %dma_wait3A_1141 = arith.constant 0 : i32
        %dma_wait3A_1142 = tpu.memref_slice %arg8[%dma_wait3A_1140, %dma_wait3A_1141] : memref<10240x128xf32, #tpu.memory_space<vmem_shared>> -> memref<10240x128xf32, #tpu.memory_space<vmem_shared>>
        tpu.wait_indirect_dma semaphore(%run_scoped3A_1122 : memref<!tpu.dma_semaphore, #tpu.memory_space<semaphore_mem>>) src(%dma_wait3A_1136 : memref<125x128xf32, #tpu.memory_space<vmem>>) dst(%dma_wait3A_1142 : memref<10240x128xf32, #tpu.memory_space<vmem_shared>>)
        tpu.yield
      }) : () -> ()
      %dma_start3A_561 = arith.constant 0 : i32
      %dma_start3A_562 = arith.constant 4 : i32
      %dma_start3A_563 = arith.constant 0 : i32
      %dma_start3A_564 = arith.constant 0 : i32
      %dma_start3A_565 = arith.constant 0 : i32
      %dma_start3A_566 = tpu.memref_slice %arg7[%dma_start3A_563, %dma_start3A_564, %dma_start3A_565] : memref<2x125x128xf32, #tpu.memory_space<vmem>> -> memref<1x125x128xf32, #tpu.memory_space<vmem>>
      %dma_start3A_567 = tpu.memref_squeeze %dma_start3A_566 : memref<1x125x128xf32, #tpu.memory_space<vmem>> -> memref<125x128xf32, #tpu.memory_space<vmem>>
      %dma_start3A_568 = arith.constant 0 : i32
      %dma_start3A_569 = tpu.memref_slice %arg5[%dma_start3A_561, %dma_start3A_562, %dma_start3A_568] : memref<2x8x125xi32, #tpu.memory_space<vmem>> -> memref<1x1x125xi32, #tpu.memory_space<vmem>>
      %dma_start3A_570 = tpu.memref_squeeze %dma_start3A_569 : memref<1x1x125xi32, #tpu.memory_space<vmem>> -> memref<125xi32, #tpu.memory_space<vmem>>
      %dma_start3A_571 = arith.constant 0 : i32
      %dma_start3A_572 = arith.constant 0 : i32
      %dma_start3A_573 = tpu.memref_slice %arg2[%dma_start3A_571, %dma_start3A_572] : memref<10000x128xf32, #tpu.memory_space<hbm>> -> memref<10000x128xf32, #tpu.memory_space<hbm>>
      tpu.enqueue_indirect_dma source(%dma_start3A_573 : memref<10000x128xf32, #tpu.memory_space<hbm>>) target(%dma_start3A_567 : memref<125x128xf32, #tpu.memory_space<vmem>>) offsets(%dma_start3A_570 : memref<125xi32, #tpu.memory_space<vmem>>) semaphore(%arg11 : memref<!tpu.dma_semaphore, #tpu.memory_space<semaphore_mem>>)
      %dma_wait3A_574 = arith.constant 0 : i32
      %dma_wait3A_575 = arith.constant 0 : i32
      %dma_wait3A_576 = arith.constant 1 : i32
      %dma_wait3A_577 = arith.constant 0 : i32
      %dma_wait3A_578 = arith.constant 0 : i32
      %dma_wait3A_579 = tpu.memref_slice %arg7[%dma_wait3A_576, %dma_wait3A_577, %dma_wait3A_578] : memref<2x125x128xf32, #tpu.memory_space<vmem>> -> memref<1x125x128xf32, #tpu.memory_space<vmem>>
      %dma_wait3A_580 = tpu.memref_squeeze %dma_wait3A_579 : memref<1x125x128xf32, #tpu.memory_space<vmem>> -> memref<125x128xf32, #tpu.memory_space<vmem>>
      %dma_wait3A_581 = arith.constant 0 : i32
      %dma_wait3A_582 = tpu.memref_slice %arg5[%dma_wait3A_574, %dma_wait3A_575, %dma_wait3A_581] : memref<2x8x125xi32, #tpu.memory_space<vmem>> -> memref<1x1x125xi32, #tpu.memory_space<vmem>>
      %dma_wait3A_583 = tpu.memref_squeeze %dma_wait3A_582 : memref<1x1x125xi32, #tpu.memory_space<vmem>> -> memref<125xi32, #tpu.memory_space<vmem>>
      %dma_wait3A_584 = arith.constant 0 : i32
      %dma_wait3A_585 = arith.constant 0 : i32
      %dma_wait3A_586 = tpu.memref_slice %arg2[%dma_wait3A_584, %dma_wait3A_585] : memref<10000x128xf32, #tpu.memory_space<hbm>> -> memref<10000x128xf32, #tpu.memory_space<hbm>>
      tpu.wait_indirect_dma semaphore(%arg12 : memref<!tpu.dma_semaphore, #tpu.memory_space<semaphore_mem>>) src(%dma_wait3A_586 : memref<10000x128xf32, #tpu.memory_space<hbm>>) dst(%dma_wait3A_580 : memref<125x128xf32, #tpu.memory_space<vmem>>)
      %run_scoped3A_587 = arith.constant 1 : i32
      %run_scoped3A_588 = arith.constant 0 : i32
      %run_scoped3A_589 = arith.constant 3 : i32
      "tpu.region"() ({
        %run_scoped3A_1122 = tpu.sem_alloc : memref<!tpu.dma_semaphore, #tpu.memory_space<semaphore_mem>>
        %dma_start3A_1123 = arith.constant 0 : i32
        %dma_start3A_1124 = arith.constant 0 : i32
        %dma_start3A_1125 = tpu.memref_slice %arg7[%run_scoped3A_587, %dma_start3A_1123, %dma_start3A_1124] : memref<2x125x128xf32, #tpu.memory_space<vmem>> -> memref<1x125x128xf32, #tpu.memory_space<vmem>>
        %dma_start3A_1126 = tpu.memref_squeeze %dma_start3A_1125 : memref<1x125x128xf32, #tpu.memory_space<vmem>> -> memref<125x128xf32, #tpu.memory_space<vmem>>
        %dma_start3A_1127 = arith.constant 0 : i32
        %dma_start3A_1128 = tpu.memref_slice %arg6[%run_scoped3A_588, %run_scoped3A_589, %dma_start3A_1127] : memref<2x8x125xi32, #tpu.memory_space<vmem>> -> memref<1x1x125xi32, #tpu.memory_space<vmem>>
        %dma_start3A_1129 = tpu.memref_squeeze %dma_start3A_1128 : memref<1x1x125xi32, #tpu.memory_space<vmem>> -> memref<125xi32, #tpu.memory_space<vmem>>
        %dma_start3A_1130 = arith.constant 0 : i32
        %dma_start3A_1131 = arith.constant 0 : i32
        %dma_start3A_1132 = tpu.memref_slice %arg8[%dma_start3A_1130, %dma_start3A_1131] : memref<10240x128xf32, #tpu.memory_space<vmem_shared>> -> memref<10240x128xf32, #tpu.memory_space<vmem_shared>>
        tpu.enqueue_indirect_dma source(%dma_start3A_1126 : memref<125x128xf32, #tpu.memory_space<vmem>>) target(%dma_start3A_1132 : memref<10240x128xf32, #tpu.memory_space<vmem_shared>>) offsets(%dma_start3A_1129 : memref<125xi32, #tpu.memory_space<vmem>>) semaphore(%run_scoped3A_1122 : memref<!tpu.dma_semaphore, #tpu.memory_space<semaphore_mem>>) {add = true}
        %dma_wait3A_1133 = arith.constant 0 : i32
        %dma_wait3A_1134 = arith.constant 0 : i32
        %dma_wait3A_1135 = tpu.memref_slice %arg7[%run_scoped3A_587, %dma_wait3A_1133, %dma_wait3A_1134] : memref<2x125x128xf32, #tpu.memory_space<vmem>> -> memref<1x125x128xf32, #tpu.memory_space<vmem>>
        %dma_wait3A_1136 = tpu.memref_squeeze %dma_wait3A_1135 : memref<1x125x128xf32, #tpu.memory_space<vmem>> -> memref<125x128xf32, #tpu.memory_space<vmem>>
        %dma_wait3A_1137 = arith.constant 0 : i32
        %dma_wait3A_1138 = tpu.memref_slice %arg6[%run_scoped3A_588, %run_scoped3A_589, %dma_wait3A_1137] : memref<2x8x125xi32, #tpu.memory_space<vmem>> -> memref<1x1x125xi32, #tpu.memory_space<vmem>>
        %dma_wait3A_1139 = tpu.memref_squeeze %dma_wait3A_1138 : memref<1x1x125xi32, #tpu.memory_space<vmem>> -> memref<125xi32, #tpu.memory_space<vmem>>
        %dma_wait3A_1140 = arith.constant 0 : i32
        %dma_wait3A_1141 = arith.constant 0 : i32
        %dma_wait3A_1142 = tpu.memref_slice %arg8[%dma_wait3A_1140, %dma_wait3A_1141] : memref<10240x128xf32, #tpu.memory_space<vmem_shared>> -> memref<10240x128xf32, #tpu.memory_space<vmem_shared>>
        tpu.wait_indirect_dma semaphore(%run_scoped3A_1122 : memref<!tpu.dma_semaphore, #tpu.memory_space<semaphore_mem>>) src(%dma_wait3A_1136 : memref<125x128xf32, #tpu.memory_space<vmem>>) dst(%dma_wait3A_1142 : memref<10240x128xf32, #tpu.memory_space<vmem_shared>>)
        tpu.yield
      }) : () -> ()
      %dma_start3A_590 = arith.constant 0 : i32
      %dma_start3A_591 = arith.constant 5 : i32
      %dma_start3A_592 = arith.constant 1 : i32
      %dma_start3A_593 = arith.constant 0 : i32
      %dma_start3A_594 = arith.constant 0 : i32
      %dma_start3A_595 = tpu.memref_slice %arg7[%dma_start3A_592, %dma_start3A_593, %dma_start3A_594] : memref<2x125x128xf32, #tpu.memory_space<vmem>> -> memref<1x125x128xf32, #tpu.memory_space<vmem>>
      %dma_start3A_596 = tpu.memref_squeeze %dma_start3A_595 : memref<1x125x128xf32, #tpu.memory_space<vmem>> -> memref<125x128xf32, #tpu.memory_space<vmem>>
      %dma_start3A_597 = arith.constant 0 : i32
      %dma_start3A_598 = tpu.memref_slice %arg5[%dma_start3A_590, %dma_start3A_591, %dma_start3A_597] : memref<2x8x125xi32, #tpu.memory_space<vmem>> -> memref<1x1x125xi32, #tpu.memory_space<vmem>>
      %dma_start3A_599 = tpu.memref_squeeze %dma_start3A_598 : memref<1x1x125xi32, #tpu.memory_space<vmem>> -> memref<125xi32, #tpu.memory_space<vmem>>
      %dma_start3A_600 = arith.constant 0 : i32
      %dma_start3A_601 = arith.constant 0 : i32
      %dma_start3A_602 = tpu.memref_slice %arg2[%dma_start3A_600, %dma_start3A_601] : memref<10000x128xf32, #tpu.memory_space<hbm>> -> memref<10000x128xf32, #tpu.memory_space<hbm>>
      tpu.enqueue_indirect_dma source(%dma_start3A_602 : memref<10000x128xf32, #tpu.memory_space<hbm>>) target(%dma_start3A_596 : memref<125x128xf32, #tpu.memory_space<vmem>>) offsets(%dma_start3A_599 : memref<125xi32, #tpu.memory_space<vmem>>) semaphore(%arg12 : memref<!tpu.dma_semaphore, #tpu.memory_space<semaphore_mem>>)
      %dma_wait3A_603 = arith.constant 0 : i32
      %dma_wait3A_604 = arith.constant 0 : i32
      %dma_wait3A_605 = arith.constant 0 : i32
      %dma_wait3A_606 = arith.constant 0 : i32
      %dma_wait3A_607 = arith.constant 0 : i32
      %dma_wait3A_608 = tpu.memref_slice %arg7[%dma_wait3A_605, %dma_wait3A_606, %dma_wait3A_607] : memref<2x125x128xf32, #tpu.memory_space<vmem>> -> memref<1x125x128xf32, #tpu.memory_space<vmem>>
      %dma_wait3A_609 = tpu.memref_squeeze %dma_wait3A_608 : memref<1x125x128xf32, #tpu.memory_space<vmem>> -> memref<125x128xf32, #tpu.memory_space<vmem>>
      %dma_wait3A_610 = arith.constant 0 : i32
      %dma_wait3A_611 = tpu.memref_slice %arg5[%dma_wait3A_603, %dma_wait3A_604, %dma_wait3A_610] : memref<2x8x125xi32, #tpu.memory_space<vmem>> -> memref<1x1x125xi32, #tpu.memory_space<vmem>>
      %dma_wait3A_612 = tpu.memref_squeeze %dma_wait3A_611 : memref<1x1x125xi32, #tpu.memory_space<vmem>> -> memref<125xi32, #tpu.memory_space<vmem>>
      %dma_wait3A_613 = arith.constant 0 : i32
      %dma_wait3A_614 = arith.constant 0 : i32
      %dma_wait3A_615 = tpu.memref_slice %arg2[%dma_wait3A_613, %dma_wait3A_614] : memref<10000x128xf32, #tpu.memory_space<hbm>> -> memref<10000x128xf32, #tpu.memory_space<hbm>>
      tpu.wait_indirect_dma semaphore(%arg11 : memref<!tpu.dma_semaphore, #tpu.memory_space<semaphore_mem>>) src(%dma_wait3A_615 : memref<10000x128xf32, #tpu.memory_space<hbm>>) dst(%dma_wait3A_609 : memref<125x128xf32, #tpu.memory_space<vmem>>)
      %run_scoped3A_616 = arith.constant 0 : i32
      %run_scoped3A_617 = arith.constant 0 : i32
      %run_scoped3A_618 = arith.constant 4 : i32
      "tpu.region"() ({
        %run_scoped3A_1122 = tpu.sem_alloc : memref<!tpu.dma_semaphore, #tpu.memory_space<semaphore_mem>>
        %dma_start3A_1123 = arith.constant 0 : i32
        %dma_start3A_1124 = arith.constant 0 : i32
        %dma_start3A_1125 = tpu.memref_slice %arg7[%run_scoped3A_616, %dma_start3A_1123, %dma_start3A_1124] : memref<2x125x128xf32, #tpu.memory_space<vmem>> -> memref<1x125x128xf32, #tpu.memory_space<vmem>>
        %dma_start3A_1126 = tpu.memref_squeeze %dma_start3A_1125 : memref<1x125x128xf32, #tpu.memory_space<vmem>> -> memref<125x128xf32, #tpu.memory_space<vmem>>
        %dma_start3A_1127 = arith.constant 0 : i32
        %dma_start3A_1128 = tpu.memref_slice %arg6[%run_scoped3A_617, %run_scoped3A_618, %dma_start3A_1127] : memref<2x8x125xi32, #tpu.memory_space<vmem>> -> memref<1x1x125xi32, #tpu.memory_space<vmem>>
        %dma_start3A_1129 = tpu.memref_squeeze %dma_start3A_1128 : memref<1x1x125xi32, #tpu.memory_space<vmem>> -> memref<125xi32, #tpu.memory_space<vmem>>
        %dma_start3A_1130 = arith.constant 0 : i32
        %dma_start3A_1131 = arith.constant 0 : i32
        %dma_start3A_1132 = tpu.memref_slice %arg8[%dma_start3A_1130, %dma_start3A_1131] : memref<10240x128xf32, #tpu.memory_space<vmem_shared>> -> memref<10240x128xf32, #tpu.memory_space<vmem_shared>>
        tpu.enqueue_indirect_dma source(%dma_start3A_1126 : memref<125x128xf32, #tpu.memory_space<vmem>>) target(%dma_start3A_1132 : memref<10240x128xf32, #tpu.memory_space<vmem_shared>>) offsets(%dma_start3A_1129 : memref<125xi32, #tpu.memory_space<vmem>>) semaphore(%run_scoped3A_1122 : memref<!tpu.dma_semaphore, #tpu.memory_space<semaphore_mem>>) {add = true}
        %dma_wait3A_1133 = arith.constant 0 : i32
        %dma_wait3A_1134 = arith.constant 0 : i32
        %dma_wait3A_1135 = tpu.memref_slice %arg7[%run_scoped3A_616, %dma_wait3A_1133, %dma_wait3A_1134] : memref<2x125x128xf32, #tpu.memory_space<vmem>> -> memref<1x125x128xf32, #tpu.memory_space<vmem>>
        %dma_wait3A_1136 = tpu.memref_squeeze %dma_wait3A_1135 : memref<1x125x128xf32, #tpu.memory_space<vmem>> -> memref<125x128xf32, #tpu.memory_space<vmem>>
        %dma_wait3A_1137 = arith.constant 0 : i32
        %dma_wait3A_1138 = tpu.memref_slice %arg6[%run_scoped3A_617, %run_scoped3A_618, %dma_wait3A_1137] : memref<2x8x125xi32, #tpu.memory_space<vmem>> -> memref<1x1x125xi32, #tpu.memory_space<vmem>>
        %dma_wait3A_1139 = tpu.memref_squeeze %dma_wait3A_1138 : memref<1x1x125xi32, #tpu.memory_space<vmem>> -> memref<125xi32, #tpu.memory_space<vmem>>
        %dma_wait3A_1140 = arith.constant 0 : i32
        %dma_wait3A_1141 = arith.constant 0 : i32
        %dma_wait3A_1142 = tpu.memref_slice %arg8[%dma_wait3A_1140, %dma_wait3A_1141] : memref<10240x128xf32, #tpu.memory_space<vmem_shared>> -> memref<10240x128xf32, #tpu.memory_space<vmem_shared>>
        tpu.wait_indirect_dma semaphore(%run_scoped3A_1122 : memref<!tpu.dma_semaphore, #tpu.memory_space<semaphore_mem>>) src(%dma_wait3A_1136 : memref<125x128xf32, #tpu.memory_space<vmem>>) dst(%dma_wait3A_1142 : memref<10240x128xf32, #tpu.memory_space<vmem_shared>>)
        tpu.yield
      }) : () -> ()
      %dma_start3A_619 = arith.constant 0 : i32
      %dma_start3A_620 = arith.constant 6 : i32
      %dma_start3A_621 = arith.constant 0 : i32
      %dma_start3A_622 = arith.constant 0 : i32
      %dma_start3A_623 = arith.constant 0 : i32
      %dma_start3A_624 = tpu.memref_slice %arg7[%dma_start3A_621, %dma_start3A_622, %dma_start3A_623] : memref<2x125x128xf32, #tpu.memory_space<vmem>> -> memref<1x125x128xf32, #tpu.memory_space<vmem>>
      %dma_start3A_625 = tpu.memref_squeeze %dma_start3A_624 : memref<1x125x128xf32, #tpu.memory_space<vmem>> -> memref<125x128xf32, #tpu.memory_space<vmem>>
      %dma_start3A_626 = arith.constant 0 : i32
      %dma_start3A_627 = tpu.memref_slice %arg5[%dma_start3A_619, %dma_start3A_620, %dma_start3A_626] : memref<2x8x125xi32, #tpu.memory_space<vmem>> -> memref<1x1x125xi32, #tpu.memory_space<vmem>>
      %dma_start3A_628 = tpu.memref_squeeze %dma_start3A_627 : memref<1x1x125xi32, #tpu.memory_space<vmem>> -> memref<125xi32, #tpu.memory_space<vmem>>
      %dma_start3A_629 = arith.constant 0 : i32
      %dma_start3A_630 = arith.constant 0 : i32
      %dma_start3A_631 = tpu.memref_slice %arg2[%dma_start3A_629, %dma_start3A_630] : memref<10000x128xf32, #tpu.memory_space<hbm>> -> memref<10000x128xf32, #tpu.memory_space<hbm>>
      tpu.enqueue_indirect_dma source(%dma_start3A_631 : memref<10000x128xf32, #tpu.memory_space<hbm>>) target(%dma_start3A_625 : memref<125x128xf32, #tpu.memory_space<vmem>>) offsets(%dma_start3A_628 : memref<125xi32, #tpu.memory_space<vmem>>) semaphore(%arg11 : memref<!tpu.dma_semaphore, #tpu.memory_space<semaphore_mem>>)
      %dma_wait3A_632 = arith.constant 0 : i32
      %dma_wait3A_633 = arith.constant 0 : i32
      %dma_wait3A_634 = arith.constant 1 : i32
      %dma_wait3A_635 = arith.constant 0 : i32
      %dma_wait3A_636 = arith.constant 0 : i32
      %dma_wait3A_637 = tpu.memref_slice %arg7[%dma_wait3A_634, %dma_wait3A_635, %dma_wait3A_636] : memref<2x125x128xf32, #tpu.memory_space<vmem>> -> memref<1x125x128xf32, #tpu.memory_space<vmem>>
      %dma_wait3A_638 = tpu.memref_squeeze %dma_wait3A_637 : memref<1x125x128xf32, #tpu.memory_space<vmem>> -> memref<125x128xf32, #tpu.memory_space<vmem>>
      %dma_wait3A_639 = arith.constant 0 : i32
      %dma_wait3A_640 = tpu.memref_slice %arg5[%dma_wait3A_632, %dma_wait3A_633, %dma_wait3A_639] : memref<2x8x125xi32, #tpu.memory_space<vmem>> -> memref<1x1x125xi32, #tpu.memory_space<vmem>>
      %dma_wait3A_641 = tpu.memref_squeeze %dma_wait3A_640 : memref<1x1x125xi32, #tpu.memory_space<vmem>> -> memref<125xi32, #tpu.memory_space<vmem>>
      %dma_wait3A_642 = arith.constant 0 : i32
      %dma_wait3A_643 = arith.constant 0 : i32
      %dma_wait3A_644 = tpu.memref_slice %arg2[%dma_wait3A_642, %dma_wait3A_643] : memref<10000x128xf32, #tpu.memory_space<hbm>> -> memref<10000x128xf32, #tpu.memory_space<hbm>>
      tpu.wait_indirect_dma semaphore(%arg12 : memref<!tpu.dma_semaphore, #tpu.memory_space<semaphore_mem>>) src(%dma_wait3A_644 : memref<10000x128xf32, #tpu.memory_space<hbm>>) dst(%dma_wait3A_638 : memref<125x128xf32, #tpu.memory_space<vmem>>)
      %run_scoped3A_645 = arith.constant 1 : i32
      %run_scoped3A_646 = arith.constant 0 : i32
      %run_scoped3A_647 = arith.constant 5 : i32
      "tpu.region"() ({
        %run_scoped3A_1122 = tpu.sem_alloc : memref<!tpu.dma_semaphore, #tpu.memory_space<semaphore_mem>>
        %dma_start3A_1123 = arith.constant 0 : i32
        %dma_start3A_1124 = arith.constant 0 : i32
        %dma_start3A_1125 = tpu.memref_slice %arg7[%run_scoped3A_645, %dma_start3A_1123, %dma_start3A_1124] : memref<2x125x128xf32, #tpu.memory_space<vmem>> -> memref<1x125x128xf32, #tpu.memory_space<vmem>>
        %dma_start3A_1126 = tpu.memref_squeeze %dma_start3A_1125 : memref<1x125x128xf32, #tpu.memory_space<vmem>> -> memref<125x128xf32, #tpu.memory_space<vmem>>
        %dma_start3A_1127 = arith.constant 0 : i32
        %dma_start3A_1128 = tpu.memref_slice %arg6[%run_scoped3A_646, %run_scoped3A_647, %dma_start3A_1127] : memref<2x8x125xi32, #tpu.memory_space<vmem>> -> memref<1x1x125xi32, #tpu.memory_space<vmem>>
        %dma_start3A_1129 = tpu.memref_squeeze %dma_start3A_1128 : memref<1x1x125xi32, #tpu.memory_space<vmem>> -> memref<125xi32, #tpu.memory_space<vmem>>
        %dma_start3A_1130 = arith.constant 0 : i32
        %dma_start3A_1131 = arith.constant 0 : i32
        %dma_start3A_1132 = tpu.memref_slice %arg8[%dma_start3A_1130, %dma_start3A_1131] : memref<10240x128xf32, #tpu.memory_space<vmem_shared>> -> memref<10240x128xf32, #tpu.memory_space<vmem_shared>>
        tpu.enqueue_indirect_dma source(%dma_start3A_1126 : memref<125x128xf32, #tpu.memory_space<vmem>>) target(%dma_start3A_1132 : memref<10240x128xf32, #tpu.memory_space<vmem_shared>>) offsets(%dma_start3A_1129 : memref<125xi32, #tpu.memory_space<vmem>>) semaphore(%run_scoped3A_1122 : memref<!tpu.dma_semaphore, #tpu.memory_space<semaphore_mem>>) {add = true}
        %dma_wait3A_1133 = arith.constant 0 : i32
        %dma_wait3A_1134 = arith.constant 0 : i32
        %dma_wait3A_1135 = tpu.memref_slice %arg7[%run_scoped3A_645, %dma_wait3A_1133, %dma_wait3A_1134] : memref<2x125x128xf32, #tpu.memory_space<vmem>> -> memref<1x125x128xf32, #tpu.memory_space<vmem>>
        %dma_wait3A_1136 = tpu.memref_squeeze %dma_wait3A_1135 : memref<1x125x128xf32, #tpu.memory_space<vmem>> -> memref<125x128xf32, #tpu.memory_space<vmem>>
        %dma_wait3A_1137 = arith.constant 0 : i32
        %dma_wait3A_1138 = tpu.memref_slice %arg6[%run_scoped3A_646, %run_scoped3A_647, %dma_wait3A_1137] : memref<2x8x125xi32, #tpu.memory_space<vmem>> -> memref<1x1x125xi32, #tpu.memory_space<vmem>>
        %dma_wait3A_1139 = tpu.memref_squeeze %dma_wait3A_1138 : memref<1x1x125xi32, #tpu.memory_space<vmem>> -> memref<125xi32, #tpu.memory_space<vmem>>
        %dma_wait3A_1140 = arith.constant 0 : i32
        %dma_wait3A_1141 = arith.constant 0 : i32
        %dma_wait3A_1142 = tpu.memref_slice %arg8[%dma_wait3A_1140, %dma_wait3A_1141] : memref<10240x128xf32, #tpu.memory_space<vmem_shared>> -> memref<10240x128xf32, #tpu.memory_space<vmem_shared>>
        tpu.wait_indirect_dma semaphore(%run_scoped3A_1122 : memref<!tpu.dma_semaphore, #tpu.memory_space<semaphore_mem>>) src(%dma_wait3A_1136 : memref<125x128xf32, #tpu.memory_space<vmem>>) dst(%dma_wait3A_1142 : memref<10240x128xf32, #tpu.memory_space<vmem_shared>>)
        tpu.yield
      }) : () -> ()
      %dma_start3A_648 = arith.constant 0 : i32
      %dma_start3A_649 = arith.constant 7 : i32
      %dma_start3A_650 = arith.constant 1 : i32
      %dma_start3A_651 = arith.constant 0 : i32
      %dma_start3A_652 = arith.constant 0 : i32
      %dma_start3A_653 = tpu.memref_slice %arg7[%dma_start3A_650, %dma_start3A_651, %dma_start3A_652] : memref<2x125x128xf32, #tpu.memory_space<vmem>> -> memref<1x125x128xf32, #tpu.memory_space<vmem>>
      %dma_start3A_654 = tpu.memref_squeeze %dma_start3A_653 : memref<1x125x128xf32, #tpu.memory_space<vmem>> -> memref<125x128xf32, #tpu.memory_space<vmem>>
      %dma_start3A_655 = arith.constant 0 : i32
      %dma_start3A_656 = tpu.memref_slice %arg5[%dma_start3A_648, %dma_start3A_649, %dma_start3A_655] : memref<2x8x125xi32, #tpu.memory_space<vmem>> -> memref<1x1x125xi32, #tpu.memory_space<vmem>>
      %dma_start3A_657 = tpu.memref_squeeze %dma_start3A_656 : memref<1x1x125xi32, #tpu.memory_space<vmem>> -> memref<125xi32, #tpu.memory_space<vmem>>
      %dma_start3A_658 = arith.constant 0 : i32
      %dma_start3A_659 = arith.constant 0 : i32
      %dma_start3A_660 = tpu.memref_slice %arg2[%dma_start3A_658, %dma_start3A_659] : memref<10000x128xf32, #tpu.memory_space<hbm>> -> memref<10000x128xf32, #tpu.memory_space<hbm>>
      tpu.enqueue_indirect_dma source(%dma_start3A_660 : memref<10000x128xf32, #tpu.memory_space<hbm>>) target(%dma_start3A_654 : memref<125x128xf32, #tpu.memory_space<vmem>>) offsets(%dma_start3A_657 : memref<125xi32, #tpu.memory_space<vmem>>) semaphore(%arg12 : memref<!tpu.dma_semaphore, #tpu.memory_space<semaphore_mem>>)
      %dma_wait3A_661 = arith.constant 0 : i32
      %dma_wait3A_662 = arith.constant 0 : i32
      %dma_wait3A_663 = arith.constant 0 : i32
      %dma_wait3A_664 = arith.constant 0 : i32
      %dma_wait3A_665 = arith.constant 0 : i32
      %dma_wait3A_666 = tpu.memref_slice %arg7[%dma_wait3A_663, %dma_wait3A_664, %dma_wait3A_665] : memref<2x125x128xf32, #tpu.memory_space<vmem>> -> memref<1x125x128xf32, #tpu.memory_space<vmem>>
      %dma_wait3A_667 = tpu.memref_squeeze %dma_wait3A_666 : memref<1x125x128xf32, #tpu.memory_space<vmem>> -> memref<125x128xf32, #tpu.memory_space<vmem>>
      %dma_wait3A_668 = arith.constant 0 : i32
      %dma_wait3A_669 = tpu.memref_slice %arg5[%dma_wait3A_661, %dma_wait3A_662, %dma_wait3A_668] : memref<2x8x125xi32, #tpu.memory_space<vmem>> -> memref<1x1x125xi32, #tpu.memory_space<vmem>>
      %dma_wait3A_670 = tpu.memref_squeeze %dma_wait3A_669 : memref<1x1x125xi32, #tpu.memory_space<vmem>> -> memref<125xi32, #tpu.memory_space<vmem>>
      %dma_wait3A_671 = arith.constant 0 : i32
      %dma_wait3A_672 = arith.constant 0 : i32
      %dma_wait3A_673 = tpu.memref_slice %arg2[%dma_wait3A_671, %dma_wait3A_672] : memref<10000x128xf32, #tpu.memory_space<hbm>> -> memref<10000x128xf32, #tpu.memory_space<hbm>>
      tpu.wait_indirect_dma semaphore(%arg11 : memref<!tpu.dma_semaphore, #tpu.memory_space<semaphore_mem>>) src(%dma_wait3A_673 : memref<10000x128xf32, #tpu.memory_space<hbm>>) dst(%dma_wait3A_667 : memref<125x128xf32, #tpu.memory_space<vmem>>)
      %run_scoped3A_674 = arith.constant 0 : i32
      %run_scoped3A_675 = arith.constant 0 : i32
      %run_scoped3A_676 = arith.constant 6 : i32
      "tpu.region"() ({
        %run_scoped3A_1122 = tpu.sem_alloc : memref<!tpu.dma_semaphore, #tpu.memory_space<semaphore_mem>>
        %dma_start3A_1123 = arith.constant 0 : i32
        %dma_start3A_1124 = arith.constant 0 : i32
        %dma_start3A_1125 = tpu.memref_slice %arg7[%run_scoped3A_674, %dma_start3A_1123, %dma_start3A_1124] : memref<2x125x128xf32, #tpu.memory_space<vmem>> -> memref<1x125x128xf32, #tpu.memory_space<vmem>>
        %dma_start3A_1126 = tpu.memref_squeeze %dma_start3A_1125 : memref<1x125x128xf32, #tpu.memory_space<vmem>> -> memref<125x128xf32, #tpu.memory_space<vmem>>
        %dma_start3A_1127 = arith.constant 0 : i32
        %dma_start3A_1128 = tpu.memref_slice %arg6[%run_scoped3A_675, %run_scoped3A_676, %dma_start3A_1127] : memref<2x8x125xi32, #tpu.memory_space<vmem>> -> memref<1x1x125xi32, #tpu.memory_space<vmem>>
        %dma_start3A_1129 = tpu.memref_squeeze %dma_start3A_1128 : memref<1x1x125xi32, #tpu.memory_space<vmem>> -> memref<125xi32, #tpu.memory_space<vmem>>
        %dma_start3A_1130 = arith.constant 0 : i32
        %dma_start3A_1131 = arith.constant 0 : i32
        %dma_start3A_1132 = tpu.memref_slice %arg8[%dma_start3A_1130, %dma_start3A_1131] : memref<10240x128xf32, #tpu.memory_space<vmem_shared>> -> memref<10240x128xf32, #tpu.memory_space<vmem_shared>>
        tpu.enqueue_indirect_dma source(%dma_start3A_1126 : memref<125x128xf32, #tpu.memory_space<vmem>>) target(%dma_start3A_1132 : memref<10240x128xf32, #tpu.memory_space<vmem_shared>>) offsets(%dma_start3A_1129 : memref<125xi32, #tpu.memory_space<vmem>>) semaphore(%run_scoped3A_1122 : memref<!tpu.dma_semaphore, #tpu.memory_space<semaphore_mem>>) {add = true}
        %dma_wait3A_1133 = arith.constant 0 : i32
        %dma_wait3A_1134 = arith.constant 0 : i32
        %dma_wait3A_1135 = tpu.memref_slice %arg7[%run_scoped3A_674, %dma_wait3A_1133, %dma_wait3A_1134] : memref<2x125x128xf32, #tpu.memory_space<vmem>> -> memref<1x125x128xf32, #tpu.memory_space<vmem>>
        %dma_wait3A_1136 = tpu.memref_squeeze %dma_wait3A_1135 : memref<1x125x128xf32, #tpu.memory_space<vmem>> -> memref<125x128xf32, #tpu.memory_space<vmem>>
        %dma_wait3A_1137 = arith.constant 0 : i32
        %dma_wait3A_1138 = tpu.memref_slice %arg6[%run_scoped3A_675, %run_scoped3A_676, %dma_wait3A_1137] : memref<2x8x125xi32, #tpu.memory_space<vmem>> -> memref<1x1x125xi32, #tpu.memory_space<vmem>>
        %dma_wait3A_1139 = tpu.memref_squeeze %dma_wait3A_1138 : memref<1x1x125xi32, #tpu.memory_space<vmem>> -> memref<125xi32, #tpu.memory_space<vmem>>
        %dma_wait3A_1140 = arith.constant 0 : i32
        %dma_wait3A_1141 = arith.constant 0 : i32
        %dma_wait3A_1142 = tpu.memref_slice %arg8[%dma_wait3A_1140, %dma_wait3A_1141] : memref<10240x128xf32, #tpu.memory_space<vmem_shared>> -> memref<10240x128xf32, #tpu.memory_space<vmem_shared>>
        tpu.wait_indirect_dma semaphore(%run_scoped3A_1122 : memref<!tpu.dma_semaphore, #tpu.memory_space<semaphore_mem>>) src(%dma_wait3A_1136 : memref<125x128xf32, #tpu.memory_space<vmem>>) dst(%dma_wait3A_1142 : memref<10240x128xf32, #tpu.memory_space<vmem_shared>>)
        tpu.yield
      }) : () -> ()
      %dma_wait3A_677 = arith.constant 0 : i32
      %dma_wait3A_678 = arith.constant 0 : i32
      %dma_wait3A_679 = arith.constant 1 : i32
      %dma_wait3A_680 = arith.constant 0 : i32
      %dma_wait3A_681 = arith.constant 0 : i32
      %dma_wait3A_682 = tpu.memref_slice %arg5[%dma_wait3A_679, %dma_wait3A_680, %dma_wait3A_681] : memref<2x8x125xi32, #tpu.memory_space<vmem>> -> memref<1x8x125xi32, #tpu.memory_space<vmem>>
      %dma_wait3A_683 = tpu.memref_squeeze %dma_wait3A_682 : memref<1x8x125xi32, #tpu.memory_space<vmem>> -> memref<8x125xi32, #tpu.memory_space<vmem>>
      %dma_wait3A_684 = arith.constant 0 : i32
      %dma_wait3A_685 = arith.constant 0 : i32
      %dma_wait3A_686 = tpu.memref_slice %arg3[%dma_wait3A_677, %add3A, %dma_wait3A_678, %dma_wait3A_684, %dma_wait3A_685] : memref<2x32x10x8x125xi32, #tpu.memory_space<hbm>> -> memref<1x1x1x8x125xi32, #tpu.memory_space<hbm>>
      %dma_wait3A_687 = tpu.memref_squeeze %dma_wait3A_686 : memref<1x1x1x8x125xi32, #tpu.memory_space<hbm>> -> memref<8x125xi32, #tpu.memory_space<hbm>>
      %dma_wait3A_688 = arith.constant 0 : i32
      %dma_wait3A_689 = arith.constant 0 : i32
      %dma_wait3A_690 = tpu.memref_slice %arg5[%dma_wait3A_679, %dma_wait3A_688, %dma_wait3A_689] : memref<2x8x125xi32, #tpu.memory_space<vmem>> -> memref<1x8x125xi32, #tpu.memory_space<vmem>>
      %dma_wait3A_691 = tpu.memref_squeeze %dma_wait3A_690 : memref<1x8x125xi32, #tpu.memory_space<vmem>> -> memref<8x125xi32, #tpu.memory_space<vmem>>
      %dma_wait3A_692 = arith.constant 0 : i32
      %dma_wait3A_693 = arith.constant 0 : i32
      %dma_wait3A_694 = tpu.memref_slice %arg3[%dma_wait3A_677, %add3A, %dma_wait3A_678, %dma_wait3A_692, %dma_wait3A_693] : memref<2x32x10x8x125xi32, #tpu.memory_space<hbm>> -> memref<1x1x1x8x125xi32, #tpu.memory_space<hbm>>
      %dma_wait3A_695 = tpu.memref_squeeze %dma_wait3A_694 : memref<1x1x1x8x125xi32, #tpu.memory_space<hbm>> -> memref<8x125xi32, #tpu.memory_space<hbm>>
      tpu.wait_dma2 semaphore(%arg10 : memref<!tpu.dma_semaphore, #tpu.memory_space<semaphore_mem>>) src(%dma_wait3A_695 : memref<8x125xi32, #tpu.memory_space<hbm>>) dst(%dma_wait3A_691 : memref<8x125xi32, #tpu.memory_space<vmem>>)
      %dma_wait3A_696 = arith.constant 1 : i32
      %dma_wait3A_697 = arith.constant 0 : i32
      %dma_wait3A_698 = arith.constant 1 : i32
      %dma_wait3A_699 = arith.constant 0 : i32
      %dma_wait3A_700 = arith.constant 0 : i32
      %dma_wait3A_701 = tpu.memref_slice %arg6[%dma_wait3A_698, %dma_wait3A_699, %dma_wait3A_700] : memref<2x8x125xi32, #tpu.memory_space<vmem>> -> memref<1x8x125xi32, #tpu.memory_space<vmem>>
      %dma_wait3A_702 = tpu.memref_squeeze %dma_wait3A_701 : memref<1x8x125xi32, #tpu.memory_space<vmem>> -> memref<8x125xi32, #tpu.memory_space<vmem>>
      %dma_wait3A_703 = arith.constant 0 : i32
      %dma_wait3A_704 = arith.constant 0 : i32
      %dma_wait3A_705 = tpu.memref_slice %arg3[%dma_wait3A_696, %add3A, %dma_wait3A_697, %dma_wait3A_703, %dma_wait3A_704] : memref<2x32x10x8x125xi32, #tpu.memory_space<hbm>> -> memref<1x1x1x8x125xi32, #tpu.memory_space<hbm>>
      %dma_wait3A_706 = tpu.memref_squeeze %dma_wait3A_705 : memref<1x1x1x8x125xi32, #tpu.memory_space<hbm>> -> memref<8x125xi32, #tpu.memory_space<hbm>>
      %dma_wait3A_707 = arith.constant 0 : i32
      %dma_wait3A_708 = arith.constant 0 : i32
      %dma_wait3A_709 = tpu.memref_slice %arg6[%dma_wait3A_698, %dma_wait3A_707, %dma_wait3A_708] : memref<2x8x125xi32, #tpu.memory_space<vmem>> -> memref<1x8x125xi32, #tpu.memory_space<vmem>>
      %dma_wait3A_710 = tpu.memref_squeeze %dma_wait3A_709 : memref<1x8x125xi32, #tpu.memory_space<vmem>> -> memref<8x125xi32, #tpu.memory_space<vmem>>
      %dma_wait3A_711 = arith.constant 0 : i32
      %dma_wait3A_712 = arith.constant 0 : i32
      %dma_wait3A_713 = tpu.memref_slice %arg3[%dma_wait3A_696, %add3A, %dma_wait3A_697, %dma_wait3A_711, %dma_wait3A_712] : memref<2x32x10x8x125xi32, #tpu.memory_space<hbm>> -> memref<1x1x1x8x125xi32, #tpu.memory_space<hbm>>
      %dma_wait3A_714 = tpu.memref_squeeze %dma_wait3A_713 : memref<1x1x1x8x125xi32, #tpu.memory_space<hbm>> -> memref<8x125xi32, #tpu.memory_space<hbm>>
      tpu.wait_dma2 semaphore(%arg10 : memref<!tpu.dma_semaphore, #tpu.memory_space<semaphore_mem>>) src(%dma_wait3A_714 : memref<8x125xi32, #tpu.memory_space<hbm>>) dst(%dma_wait3A_710 : memref<8x125xi32, #tpu.memory_space<vmem>>)
      %dma_start3A_715 = arith.constant 1 : i32
      %dma_start3A_716 = arith.constant 0 : i32
      %dma_start3A_717 = arith.constant 0 : i32
      %dma_start3A_718 = arith.constant 0 : i32
      %dma_start3A_719 = arith.constant 0 : i32
      %dma_start3A_720 = tpu.memref_slice %arg7[%dma_start3A_717, %dma_start3A_718, %dma_start3A_719] : memref<2x125x128xf32, #tpu.memory_space<vmem>> -> memref<1x125x128xf32, #tpu.memory_space<vmem>>
      %dma_start3A_721 = tpu.memref_squeeze %dma_start3A_720 : memref<1x125x128xf32, #tpu.memory_space<vmem>> -> memref<125x128xf32, #tpu.memory_space<vmem>>
      %dma_start3A_722 = arith.constant 0 : i32
      %dma_start3A_723 = tpu.memref_slice %arg5[%dma_start3A_715, %dma_start3A_716, %dma_start3A_722] : memref<2x8x125xi32, #tpu.memory_space<vmem>> -> memref<1x1x125xi32, #tpu.memory_space<vmem>>
      %dma_start3A_724 = tpu.memref_squeeze %dma_start3A_723 : memref<1x1x125xi32, #tpu.memory_space<vmem>> -> memref<125xi32, #tpu.memory_space<vmem>>
      %dma_start3A_725 = arith.constant 0 : i32
      %dma_start3A_726 = arith.constant 0 : i32
      %dma_start3A_727 = tpu.memref_slice %arg2[%dma_start3A_725, %dma_start3A_726] : memref<10000x128xf32, #tpu.memory_space<hbm>> -> memref<10000x128xf32, #tpu.memory_space<hbm>>
      tpu.enqueue_indirect_dma source(%dma_start3A_727 : memref<10000x128xf32, #tpu.memory_space<hbm>>) target(%dma_start3A_721 : memref<125x128xf32, #tpu.memory_space<vmem>>) offsets(%dma_start3A_724 : memref<125xi32, #tpu.memory_space<vmem>>) semaphore(%arg11 : memref<!tpu.dma_semaphore, #tpu.memory_space<semaphore_mem>>)
      %dma_wait3A_728 = arith.constant 0 : i32
      %dma_wait3A_729 = arith.constant 0 : i32
      %dma_wait3A_730 = arith.constant 1 : i32
      %dma_wait3A_731 = arith.constant 0 : i32
      %dma_wait3A_732 = arith.constant 0 : i32
      %dma_wait3A_733 = tpu.memref_slice %arg7[%dma_wait3A_730, %dma_wait3A_731, %dma_wait3A_732] : memref<2x125x128xf32, #tpu.memory_space<vmem>> -> memref<1x125x128xf32, #tpu.memory_space<vmem>>
      %dma_wait3A_734 = tpu.memref_squeeze %dma_wait3A_733 : memref<1x125x128xf32, #tpu.memory_space<vmem>> -> memref<125x128xf32, #tpu.memory_space<vmem>>
      %dma_wait3A_735 = arith.constant 0 : i32
      %dma_wait3A_736 = tpu.memref_slice %arg5[%dma_wait3A_728, %dma_wait3A_729, %dma_wait3A_735] : memref<2x8x125xi32, #tpu.memory_space<vmem>> -> memref<1x1x125xi32, #tpu.memory_space<vmem>>
      %dma_wait3A_737 = tpu.memref_squeeze %dma_wait3A_736 : memref<1x1x125xi32, #tpu.memory_space<vmem>> -> memref<125xi32, #tpu.memory_space<vmem>>
      %dma_wait3A_738 = arith.constant 0 : i32
      %dma_wait3A_739 = arith.constant 0 : i32
      %dma_wait3A_740 = tpu.memref_slice %arg2[%dma_wait3A_738, %dma_wait3A_739] : memref<10000x128xf32, #tpu.memory_space<hbm>> -> memref<10000x128xf32, #tpu.memory_space<hbm>>
      tpu.wait_indirect_dma semaphore(%arg12 : memref<!tpu.dma_semaphore, #tpu.memory_space<semaphore_mem>>) src(%dma_wait3A_740 : memref<10000x128xf32, #tpu.memory_space<hbm>>) dst(%dma_wait3A_734 : memref<125x128xf32, #tpu.memory_space<vmem>>)
      %run_scoped3A_741 = arith.constant 1 : i32
      %run_scoped3A_742 = arith.constant 0 : i32
      %run_scoped3A_743 = arith.constant 7 : i32
      "tpu.region"() ({
        %run_scoped3A_1122 = tpu.sem_alloc : memref<!tpu.dma_semaphore, #tpu.memory_space<semaphore_mem>>
        %dma_start3A_1123 = arith.constant 0 : i32
        %dma_start3A_1124 = arith.constant 0 : i32
        %dma_start3A_1125 = tpu.memref_slice %arg7[%run_scoped3A_741, %dma_start3A_1123, %dma_start3A_1124] : memref<2x125x128xf32, #tpu.memory_space<vmem>> -> memref<1x125x128xf32, #tpu.memory_space<vmem>>
        %dma_start3A_1126 = tpu.memref_squeeze %dma_start3A_1125 : memref<1x125x128xf32, #tpu.memory_space<vmem>> -> memref<125x128xf32, #tpu.memory_space<vmem>>
        %dma_start3A_1127 = arith.constant 0 : i32
        %dma_start3A_1128 = tpu.memref_slice %arg6[%run_scoped3A_742, %run_scoped3A_743, %dma_start3A_1127] : memref<2x8x125xi32, #tpu.memory_space<vmem>> -> memref<1x1x125xi32, #tpu.memory_space<vmem>>
        %dma_start3A_1129 = tpu.memref_squeeze %dma_start3A_1128 : memref<1x1x125xi32, #tpu.memory_space<vmem>> -> memref<125xi32, #tpu.memory_space<vmem>>
        %dma_start3A_1130 = arith.constant 0 : i32
        %dma_start3A_1131 = arith.constant 0 : i32
        %dma_start3A_1132 = tpu.memref_slice %arg8[%dma_start3A_1130, %dma_start3A_1131] : memref<10240x128xf32, #tpu.memory_space<vmem_shared>> -> memref<10240x128xf32, #tpu.memory_space<vmem_shared>>
        tpu.enqueue_indirect_dma source(%dma_start3A_1126 : memref<125x128xf32, #tpu.memory_space<vmem>>) target(%dma_start3A_1132 : memref<10240x128xf32, #tpu.memory_space<vmem_shared>>) offsets(%dma_start3A_1129 : memref<125xi32, #tpu.memory_space<vmem>>) semaphore(%run_scoped3A_1122 : memref<!tpu.dma_semaphore, #tpu.memory_space<semaphore_mem>>) {add = true}
        %dma_wait3A_1133 = arith.constant 0 : i32
        %dma_wait3A_1134 = arith.constant 0 : i32
        %dma_wait3A_1135 = tpu.memref_slice %arg7[%run_scoped3A_741, %dma_wait3A_1133, %dma_wait3A_1134] : memref<2x125x128xf32, #tpu.memory_space<vmem>> -> memref<1x125x128xf32, #tpu.memory_space<vmem>>
        %dma_wait3A_1136 = tpu.memref_squeeze %dma_wait3A_1135 : memref<1x125x128xf32, #tpu.memory_space<vmem>> -> memref<125x128xf32, #tpu.memory_space<vmem>>
        %dma_wait3A_1137 = arith.constant 0 : i32
        %dma_wait3A_1138 = tpu.memref_slice %arg6[%run_scoped3A_742, %run_scoped3A_743, %dma_wait3A_1137] : memref<2x8x125xi32, #tpu.memory_space<vmem>> -> memref<1x1x125xi32, #tpu.memory_space<vmem>>
        %dma_wait3A_1139 = tpu.memref_squeeze %dma_wait3A_1138 : memref<1x1x125xi32, #tpu.memory_space<vmem>> -> memref<125xi32, #tpu.memory_space<vmem>>
        %dma_wait3A_1140 = arith.constant 0 : i32
        %dma_wait3A_1141 = arith.constant 0 : i32
        %dma_wait3A_1142 = tpu.memref_slice %arg8[%dma_wait3A_1140, %dma_wait3A_1141] : memref<10240x128xf32, #tpu.memory_space<vmem_shared>> -> memref<10240x128xf32, #tpu.memory_space<vmem_shared>>
        tpu.wait_indirect_dma semaphore(%run_scoped3A_1122 : memref<!tpu.dma_semaphore, #tpu.memory_space<semaphore_mem>>) src(%dma_wait3A_1136 : memref<125x128xf32, #tpu.memory_space<vmem>>) dst(%dma_wait3A_1142 : memref<10240x128xf32, #tpu.memory_space<vmem_shared>>)
        tpu.yield
      }) : () -> ()
      %dma_start3A_744 = arith.constant 1 : i32
      %dma_start3A_745 = arith.constant 1 : i32
      %dma_start3A_746 = arith.constant 1 : i32
      %dma_start3A_747 = arith.constant 0 : i32
      %dma_start3A_748 = arith.constant 0 : i32
      %dma_start3A_749 = tpu.memref_slice %arg7[%dma_start3A_746, %dma_start3A_747, %dma_start3A_748] : memref<2x125x128xf32, #tpu.memory_space<vmem>> -> memref<1x125x128xf32, #tpu.memory_space<vmem>>
      %dma_start3A_750 = tpu.memref_squeeze %dma_start3A_749 : memref<1x125x128xf32, #tpu.memory_space<vmem>> -> memref<125x128xf32, #tpu.memory_space<vmem>>
      %dma_start3A_751 = arith.constant 0 : i32
      %dma_start3A_752 = tpu.memref_slice %arg5[%dma_start3A_744, %dma_start3A_745, %dma_start3A_751] : memref<2x8x125xi32, #tpu.memory_space<vmem>> -> memref<1x1x125xi32, #tpu.memory_space<vmem>>
      %dma_start3A_753 = tpu.memref_squeeze %dma_start3A_752 : memref<1x1x125xi32, #tpu.memory_space<vmem>> -> memref<125xi32, #tpu.memory_space<vmem>>
      %dma_start3A_754 = arith.constant 0 : i32
      %dma_start3A_755 = arith.constant 0 : i32
      %dma_start3A_756 = tpu.memref_slice %arg2[%dma_start3A_754, %dma_start3A_755] : memref<10000x128xf32, #tpu.memory_space<hbm>> -> memref<10000x128xf32, #tpu.memory_space<hbm>>
      tpu.enqueue_indirect_dma source(%dma_start3A_756 : memref<10000x128xf32, #tpu.memory_space<hbm>>) target(%dma_start3A_750 : memref<125x128xf32, #tpu.memory_space<vmem>>) offsets(%dma_start3A_753 : memref<125xi32, #tpu.memory_space<vmem>>) semaphore(%arg12 : memref<!tpu.dma_semaphore, #tpu.memory_space<semaphore_mem>>)
      %add3A_757 = arith.constant 2 : i32
      %add3A_758 = arith.addi %mul3A_487, %add3A_757 : i32
      %ge3A = arith.constant 10 : i32
      %ge3A_759 = arith.cmpi sge, %add3A_758, %ge3A : i32
      %add3A_760 = arith.constant 2 : i32
      %add3A_761 = arith.addi %mul3A_487, %add3A_760 : i32
      %sub3A = arith.constant 10 : i32
      %sub3A_762 = arith.subi %add3A_761, %sub3A : i32
      %add3A_763 = arith.constant 2 : i32
      %add3A_764 = arith.addi %mul3A_487, %add3A_763 : i32
      %select_n3A = arith.select %ge3A_759, %sub3A_762, %add3A_764 : i32
      %dma_start3A_765 = arith.constant 0 : i32
      %dma_start3A_766 = arith.constant 0 : i32
      %dma_start3A_767 = arith.constant 0 : i32
      %dma_start3A_768 = arith.constant 0 : i32
      %dma_start3A_769 = tpu.memref_slice %arg5[%dma_start3A_766, %dma_start3A_767, %dma_start3A_768] : memref<2x8x125xi32, #tpu.memory_space<vmem>> -> memref<1x8x125xi32, #tpu.memory_space<vmem>>
      %dma_start3A_770 = tpu.memref_squeeze %dma_start3A_769 : memref<1x8x125xi32, #tpu.memory_space<vmem>> -> memref<8x125xi32, #tpu.memory_space<vmem>>
      %dma_start3A_771 = arith.constant 0 : i32
      %dma_start3A_772 = arith.constant 0 : i32
      %dma_start3A_773 = tpu.memref_slice %arg3[%dma_start3A_765, %add3A, %select_n3A, %dma_start3A_771, %dma_start3A_772] : memref<2x32x10x8x125xi32, #tpu.memory_space<hbm>> -> memref<1x1x1x8x125xi32, #tpu.memory_space<hbm>>
      %dma_start3A_774 = tpu.memref_squeeze %dma_start3A_773 : memref<1x1x1x8x125xi32, #tpu.memory_space<hbm>> -> memref<8x125xi32, #tpu.memory_space<hbm>>
      %dma_start3A_775 = arith.constant 0 : i32
      %dma_start3A_776 = arith.constant 0 : i32
      %dma_start3A_777 = tpu.memref_slice %arg5[%dma_start3A_766, %dma_start3A_775, %dma_start3A_776] : memref<2x8x125xi32, #tpu.memory_space<vmem>> -> memref<1x8x125xi32, #tpu.memory_space<vmem>>
      %dma_start3A_778 = tpu.memref_squeeze %dma_start3A_777 : memref<1x8x125xi32, #tpu.memory_space<vmem>> -> memref<8x125xi32, #tpu.memory_space<vmem>>
      %dma_start3A_779 = arith.constant 0 : i32
      %dma_start3A_780 = arith.constant 0 : i32
      %dma_start3A_781 = tpu.memref_slice %arg3[%dma_start3A_765, %add3A, %select_n3A, %dma_start3A_779, %dma_start3A_780] : memref<2x32x10x8x125xi32, #tpu.memory_space<hbm>> -> memref<1x1x1x8x125xi32, #tpu.memory_space<hbm>>
      %dma_start3A_782 = tpu.memref_squeeze %dma_start3A_781 : memref<1x1x1x8x125xi32, #tpu.memory_space<hbm>> -> memref<8x125xi32, #tpu.memory_space<hbm>>
      tpu.enqueue_dma source(%dma_start3A_782 : memref<8x125xi32, #tpu.memory_space<hbm>>) target(%dma_start3A_778 : memref<8x125xi32, #tpu.memory_space<vmem>>) target_semaphore(%arg9 : memref<!tpu.dma_semaphore, #tpu.memory_space<semaphore_mem>>)
      %dma_start3A_783 = arith.constant 1 : i32
      %dma_start3A_784 = arith.constant 0 : i32
      %dma_start3A_785 = arith.constant 0 : i32
      %dma_start3A_786 = arith.constant 0 : i32
      %dma_start3A_787 = tpu.memref_slice %arg6[%dma_start3A_784, %dma_start3A_785, %dma_start3A_786] : memref<2x8x125xi32, #tpu.memory_space<vmem>> -> memref<1x8x125xi32, #tpu.memory_space<vmem>>
      %dma_start3A_788 = tpu.memref_squeeze %dma_start3A_787 : memref<1x8x125xi32, #tpu.memory_space<vmem>> -> memref<8x125xi32, #tpu.memory_space<vmem>>
      %dma_start3A_789 = arith.constant 0 : i32
      %dma_start3A_790 = arith.constant 0 : i32
      %dma_start3A_791 = tpu.memref_slice %arg3[%dma_start3A_783, %add3A, %select_n3A, %dma_start3A_789, %dma_start3A_790] : memref<2x32x10x8x125xi32, #tpu.memory_space<hbm>> -> memref<1x1x1x8x125xi32, #tpu.memory_space<hbm>>
      %dma_start3A_792 = tpu.memref_squeeze %dma_start3A_791 : memref<1x1x1x8x125xi32, #tpu.memory_space<hbm>> -> memref<8x125xi32, #tpu.memory_space<hbm>>
      %dma_start3A_793 = arith.constant 0 : i32
      %dma_start3A_794 = arith.constant 0 : i32
      %dma_start3A_795 = tpu.memref_slice %arg6[%dma_start3A_784, %dma_start3A_793, %dma_start3A_794] : memref<2x8x125xi32, #tpu.memory_space<vmem>> -> memref<1x8x125xi32, #tpu.memory_space<vmem>>
      %dma_start3A_796 = tpu.memref_squeeze %dma_start3A_795 : memref<1x8x125xi32, #tpu.memory_space<vmem>> -> memref<8x125xi32, #tpu.memory_space<vmem>>
      %dma_start3A_797 = arith.constant 0 : i32
      %dma_start3A_798 = arith.constant 0 : i32
      %dma_start3A_799 = tpu.memref_slice %arg3[%dma_start3A_783, %add3A, %select_n3A, %dma_start3A_797, %dma_start3A_798] : memref<2x32x10x8x125xi32, #tpu.memory_space<hbm>> -> memref<1x1x1x8x125xi32, #tpu.memory_space<hbm>>
      %dma_start3A_800 = tpu.memref_squeeze %dma_start3A_799 : memref<1x1x1x8x125xi32, #tpu.memory_space<hbm>> -> memref<8x125xi32, #tpu.memory_space<hbm>>
      tpu.enqueue_dma source(%dma_start3A_800 : memref<8x125xi32, #tpu.memory_space<hbm>>) target(%dma_start3A_796 : memref<8x125xi32, #tpu.memory_space<vmem>>) target_semaphore(%arg9 : memref<!tpu.dma_semaphore, #tpu.memory_space<semaphore_mem>>)
      %mul3A_801 = arith.constant 2 : i32
      %mul3A_802 = arith.muli %mul3A_801, %scan3A_485 : i32
      %add3A_803 = arith.constant 1 : i32
      %add3A_804 = arith.addi %mul3A_802, %add3A_803 : i32
      %dma_wait3A_805 = arith.constant 0 : i32
      %dma_wait3A_806 = arith.constant 0 : i32
      %dma_wait3A_807 = arith.constant 0 : i32
      %dma_wait3A_808 = arith.constant 0 : i32
      %dma_wait3A_809 = arith.constant 0 : i32
      %dma_wait3A_810 = tpu.memref_slice %arg7[%dma_wait3A_807, %dma_wait3A_808, %dma_wait3A_809] : memref<2x125x128xf32, #tpu.memory_space<vmem>> -> memref<1x125x128xf32, #tpu.memory_space<vmem>>
      %dma_wait3A_811 = tpu.memref_squeeze %dma_wait3A_810 : memref<1x125x128xf32, #tpu.memory_space<vmem>> -> memref<125x128xf32, #tpu.memory_space<vmem>>
      %dma_wait3A_812 = arith.constant 0 : i32
      %dma_wait3A_813 = tpu.memref_slice %arg5[%dma_wait3A_805, %dma_wait3A_806, %dma_wait3A_812] : memref<2x8x125xi32, #tpu.memory_space<vmem>> -> memref<1x1x125xi32, #tpu.memory_space<vmem>>
      %dma_wait3A_814 = tpu.memref_squeeze %dma_wait3A_813 : memref<1x1x125xi32, #tpu.memory_space<vmem>> -> memref<125xi32, #tpu.memory_space<vmem>>
      %dma_wait3A_815 = arith.constant 0 : i32
      %dma_wait3A_816 = arith.constant 0 : i32
      %dma_wait3A_817 = tpu.memref_slice %arg2[%dma_wait3A_815, %dma_wait3A_816] : memref<10000x128xf32, #tpu.memory_space<hbm>> -> memref<10000x128xf32, #tpu.memory_space<hbm>>
      tpu.wait_indirect_dma semaphore(%arg11 : memref<!tpu.dma_semaphore, #tpu.memory_space<semaphore_mem>>) src(%dma_wait3A_817 : memref<10000x128xf32, #tpu.memory_space<hbm>>) dst(%dma_wait3A_811 : memref<125x128xf32, #tpu.memory_space<vmem>>)
      %run_scoped3A_818 = arith.constant 0 : i32
      %run_scoped3A_819 = arith.constant 1 : i32
      %run_scoped3A_820 = arith.constant 0 : i32
      "tpu.region"() ({
        %run_scoped3A_1122 = tpu.sem_alloc : memref<!tpu.dma_semaphore, #tpu.memory_space<semaphore_mem>>
        %dma_start3A_1123 = arith.constant 0 : i32
        %dma_start3A_1124 = arith.constant 0 : i32
        %dma_start3A_1125 = tpu.memref_slice %arg7[%run_scoped3A_818, %dma_start3A_1123, %dma_start3A_1124] : memref<2x125x128xf32, #tpu.memory_space<vmem>> -> memref<1x125x128xf32, #tpu.memory_space<vmem>>
        %dma_start3A_1126 = tpu.memref_squeeze %dma_start3A_1125 : memref<1x125x128xf32, #tpu.memory_space<vmem>> -> memref<125x128xf32, #tpu.memory_space<vmem>>
        %dma_start3A_1127 = arith.constant 0 : i32
        %dma_start3A_1128 = tpu.memref_slice %arg6[%run_scoped3A_819, %run_scoped3A_820, %dma_start3A_1127] : memref<2x8x125xi32, #tpu.memory_space<vmem>> -> memref<1x1x125xi32, #tpu.memory_space<vmem>>
        %dma_start3A_1129 = tpu.memref_squeeze %dma_start3A_1128 : memref<1x1x125xi32, #tpu.memory_space<vmem>> -> memref<125xi32, #tpu.memory_space<vmem>>
        %dma_start3A_1130 = arith.constant 0 : i32
        %dma_start3A_1131 = arith.constant 0 : i32
        %dma_start3A_1132 = tpu.memref_slice %arg8[%dma_start3A_1130, %dma_start3A_1131] : memref<10240x128xf32, #tpu.memory_space<vmem_shared>> -> memref<10240x128xf32, #tpu.memory_space<vmem_shared>>
        tpu.enqueue_indirect_dma source(%dma_start3A_1126 : memref<125x128xf32, #tpu.memory_space<vmem>>) target(%dma_start3A_1132 : memref<10240x128xf32, #tpu.memory_space<vmem_shared>>) offsets(%dma_start3A_1129 : memref<125xi32, #tpu.memory_space<vmem>>) semaphore(%run_scoped3A_1122 : memref<!tpu.dma_semaphore, #tpu.memory_space<semaphore_mem>>) {add = true}
        %dma_wait3A_1133 = arith.constant 0 : i32
        %dma_wait3A_1134 = arith.constant 0 : i32
        %dma_wait3A_1135 = tpu.memref_slice %arg7[%run_scoped3A_818, %dma_wait3A_1133, %dma_wait3A_1134] : memref<2x125x128xf32, #tpu.memory_space<vmem>> -> memref<1x125x128xf32, #tpu.memory_space<vmem>>
        %dma_wait3A_1136 = tpu.memref_squeeze %dma_wait3A_1135 : memref<1x125x128xf32, #tpu.memory_space<vmem>> -> memref<125x128xf32, #tpu.memory_space<vmem>>
        %dma_wait3A_1137 = arith.constant 0 : i32
        %dma_wait3A_1138 = tpu.memref_slice %arg6[%run_scoped3A_819, %run_scoped3A_820, %dma_wait3A_1137] : memref<2x8x125xi32, #tpu.memory_space<vmem>> -> memref<1x1x125xi32, #tpu.memory_space<vmem>>
        %dma_wait3A_1139 = tpu.memref_squeeze %dma_wait3A_1138 : memref<1x1x125xi32, #tpu.memory_space<vmem>> -> memref<125xi32, #tpu.memory_space<vmem>>
        %dma_wait3A_1140 = arith.constant 0 : i32
        %dma_wait3A_1141 = arith.constant 0 : i32
        %dma_wait3A_1142 = tpu.memref_slice %arg8[%dma_wait3A_1140, %dma_wait3A_1141] : memref<10240x128xf32, #tpu.memory_space<vmem_shared>> -> memref<10240x128xf32, #tpu.memory_space<vmem_shared>>
        tpu.wait_indirect_dma semaphore(%run_scoped3A_1122 : memref<!tpu.dma_semaphore, #tpu.memory_space<semaphore_mem>>) src(%dma_wait3A_1136 : memref<125x128xf32, #tpu.memory_space<vmem>>) dst(%dma_wait3A_1142 : memref<10240x128xf32, #tpu.memory_space<vmem_shared>>)
        tpu.yield
      }) : () -> ()
      %dma_start3A_821 = arith.constant 1 : i32
      %dma_start3A_822 = arith.constant 2 : i32
      %dma_start3A_823 = arith.constant 0 : i32
      %dma_start3A_824 = arith.constant 0 : i32
      %dma_start3A_825 = arith.constant 0 : i32
      %dma_start3A_826 = tpu.memref_slice %arg7[%dma_start3A_823, %dma_start3A_824, %dma_start3A_825] : memref<2x125x128xf32, #tpu.memory_space<vmem>> -> memref<1x125x128xf32, #tpu.memory_space<vmem>>
      %dma_start3A_827 = tpu.memref_squeeze %dma_start3A_826 : memref<1x125x128xf32, #tpu.memory_space<vmem>> -> memref<125x128xf32, #tpu.memory_space<vmem>>
      %dma_start3A_828 = arith.constant 0 : i32
      %dma_start3A_829 = tpu.memref_slice %arg5[%dma_start3A_821, %dma_start3A_822, %dma_start3A_828] : memref<2x8x125xi32, #tpu.memory_space<vmem>> -> memref<1x1x125xi32, #tpu.memory_space<vmem>>
      %dma_start3A_830 = tpu.memref_squeeze %dma_start3A_829 : memref<1x1x125xi32, #tpu.memory_space<vmem>> -> memref<125xi32, #tpu.memory_space<vmem>>
      %dma_start3A_831 = arith.constant 0 : i32
      %dma_start3A_832 = arith.constant 0 : i32
      %dma_start3A_833 = tpu.memref_slice %arg2[%dma_start3A_831, %dma_start3A_832] : memref<10000x128xf32, #tpu.memory_space<hbm>> -> memref<10000x128xf32, #tpu.memory_space<hbm>>
      tpu.enqueue_indirect_dma source(%dma_start3A_833 : memref<10000x128xf32, #tpu.memory_space<hbm>>) target(%dma_start3A_827 : memref<125x128xf32, #tpu.memory_space<vmem>>) offsets(%dma_start3A_830 : memref<125xi32, #tpu.memory_space<vmem>>) semaphore(%arg11 : memref<!tpu.dma_semaphore, #tpu.memory_space<semaphore_mem>>)
      %dma_wait3A_834 = arith.constant 0 : i32
      %dma_wait3A_835 = arith.constant 0 : i32
      %dma_wait3A_836 = arith.constant 1 : i32
      %dma_wait3A_837 = arith.constant 0 : i32
      %dma_wait3A_838 = arith.constant 0 : i32
      %dma_wait3A_839 = tpu.memref_slice %arg7[%dma_wait3A_836, %dma_wait3A_837, %dma_wait3A_838] : memref<2x125x128xf32, #tpu.memory_space<vmem>> -> memref<1x125x128xf32, #tpu.memory_space<vmem>>
      %dma_wait3A_840 = tpu.memref_squeeze %dma_wait3A_839 : memref<1x125x128xf32, #tpu.memory_space<vmem>> -> memref<125x128xf32, #tpu.memory_space<vmem>>
      %dma_wait3A_841 = arith.constant 0 : i32
      %dma_wait3A_842 = tpu.memref_slice %arg5[%dma_wait3A_834, %dma_wait3A_835, %dma_wait3A_841] : memref<2x8x125xi32, #tpu.memory_space<vmem>> -> memref<1x1x125xi32, #tpu.memory_space<vmem>>
      %dma_wait3A_843 = tpu.memref_squeeze %dma_wait3A_842 : memref<1x1x125xi32, #tpu.memory_space<vmem>> -> memref<125xi32, #tpu.memory_space<vmem>>
      %dma_wait3A_844 = arith.constant 0 : i32
      %dma_wait3A_845 = arith.constant 0 : i32
      %dma_wait3A_846 = tpu.memref_slice %arg2[%dma_wait3A_844, %dma_wait3A_845] : memref<10000x128xf32, #tpu.memory_space<hbm>> -> memref<10000x128xf32, #tpu.memory_space<hbm>>
      tpu.wait_indirect_dma semaphore(%arg12 : memref<!tpu.dma_semaphore, #tpu.memory_space<semaphore_mem>>) src(%dma_wait3A_846 : memref<10000x128xf32, #tpu.memory_space<hbm>>) dst(%dma_wait3A_840 : memref<125x128xf32, #tpu.memory_space<vmem>>)
      %run_scoped3A_847 = arith.constant 1 : i32
      %run_scoped3A_848 = arith.constant 1 : i32
      %run_scoped3A_849 = arith.constant 1 : i32
      "tpu.region"() ({
        %run_scoped3A_1122 = tpu.sem_alloc : memref<!tpu.dma_semaphore, #tpu.memory_space<semaphore_mem>>
        %dma_start3A_1123 = arith.constant 0 : i32
        %dma_start3A_1124 = arith.constant 0 : i32
        %dma_start3A_1125 = tpu.memref_slice %arg7[%run_scoped3A_847, %dma_start3A_1123, %dma_start3A_1124] : memref<2x125x128xf32, #tpu.memory_space<vmem>> -> memref<1x125x128xf32, #tpu.memory_space<vmem>>
        %dma_start3A_1126 = tpu.memref_squeeze %dma_start3A_1125 : memref<1x125x128xf32, #tpu.memory_space<vmem>> -> memref<125x128xf32, #tpu.memory_space<vmem>>
        %dma_start3A_1127 = arith.constant 0 : i32
        %dma_start3A_1128 = tpu.memref_slice %arg6[%run_scoped3A_848, %run_scoped3A_849, %dma_start3A_1127] : memref<2x8x125xi32, #tpu.memory_space<vmem>> -> memref<1x1x125xi32, #tpu.memory_space<vmem>>
        %dma_start3A_1129 = tpu.memref_squeeze %dma_start3A_1128 : memref<1x1x125xi32, #tpu.memory_space<vmem>> -> memref<125xi32, #tpu.memory_space<vmem>>
        %dma_start3A_1130 = arith.constant 0 : i32
        %dma_start3A_1131 = arith.constant 0 : i32
        %dma_start3A_1132 = tpu.memref_slice %arg8[%dma_start3A_1130, %dma_start3A_1131] : memref<10240x128xf32, #tpu.memory_space<vmem_shared>> -> memref<10240x128xf32, #tpu.memory_space<vmem_shared>>
        tpu.enqueue_indirect_dma source(%dma_start3A_1126 : memref<125x128xf32, #tpu.memory_space<vmem>>) target(%dma_start3A_1132 : memref<10240x128xf32, #tpu.memory_space<vmem_shared>>) offsets(%dma_start3A_1129 : memref<125xi32, #tpu.memory_space<vmem>>) semaphore(%run_scoped3A_1122 : memref<!tpu.dma_semaphore, #tpu.memory_space<semaphore_mem>>) {add = true}
        %dma_wait3A_1133 = arith.constant 0 : i32
        %dma_wait3A_1134 = arith.constant 0 : i32
        %dma_wait3A_1135 = tpu.memref_slice %arg7[%run_scoped3A_847, %dma_wait3A_1133, %dma_wait3A_1134] : memref<2x125x128xf32, #tpu.memory_space<vmem>> -> memref<1x125x128xf32, #tpu.memory_space<vmem>>
        %dma_wait3A_1136 = tpu.memref_squeeze %dma_wait3A_1135 : memref<1x125x128xf32, #tpu.memory_space<vmem>> -> memref<125x128xf32, #tpu.memory_space<vmem>>
        %dma_wait3A_1137 = arith.constant 0 : i32
        %dma_wait3A_1138 = tpu.memref_slice %arg6[%run_scoped3A_848, %run_scoped3A_849, %dma_wait3A_1137] : memref<2x8x125xi32, #tpu.memory_space<vmem>> -> memref<1x1x125xi32, #tpu.memory_space<vmem>>
        %dma_wait3A_1139 = tpu.memref_squeeze %dma_wait3A_1138 : memref<1x1x125xi32, #tpu.memory_space<vmem>> -> memref<125xi32, #tpu.memory_space<vmem>>
        %dma_wait3A_1140 = arith.constant 0 : i32
        %dma_wait3A_1141 = arith.constant 0 : i32
        %dma_wait3A_1142 = tpu.memref_slice %arg8[%dma_wait3A_1140, %dma_wait3A_1141] : memref<10240x128xf32, #tpu.memory_space<vmem_shared>> -> memref<10240x128xf32, #tpu.memory_space<vmem_shared>>
        tpu.wait_indirect_dma semaphore(%run_scoped3A_1122 : memref<!tpu.dma_semaphore, #tpu.memory_space<semaphore_mem>>) src(%dma_wait3A_1136 : memref<125x128xf32, #tpu.memory_space<vmem>>) dst(%dma_wait3A_1142 : memref<10240x128xf32, #tpu.memory_space<vmem_shared>>)
        tpu.yield
      }) : () -> ()
      %dma_start3A_850 = arith.constant 1 : i32
      %dma_start3A_851 = arith.constant 3 : i32
      %dma_start3A_852 = arith.constant 1 : i32
      %dma_start3A_853 = arith.constant 0 : i32
      %dma_start3A_854 = arith.constant 0 : i32
      %dma_start3A_855 = tpu.memref_slice %arg7[%dma_start3A_852, %dma_start3A_853, %dma_start3A_854] : memref<2x125x128xf32, #tpu.memory_space<vmem>> -> memref<1x125x128xf32, #tpu.memory_space<vmem>>
      %dma_start3A_856 = tpu.memref_squeeze %dma_start3A_855 : memref<1x125x128xf32, #tpu.memory_space<vmem>> -> memref<125x128xf32, #tpu.memory_space<vmem>>
      %dma_start3A_857 = arith.constant 0 : i32
      %dma_start3A_858 = tpu.memref_slice %arg5[%dma_start3A_850, %dma_start3A_851, %dma_start3A_857] : memref<2x8x125xi32, #tpu.memory_space<vmem>> -> memref<1x1x125xi32, #tpu.memory_space<vmem>>
      %dma_start3A_859 = tpu.memref_squeeze %dma_start3A_858 : memref<1x1x125xi32, #tpu.memory_space<vmem>> -> memref<125xi32, #tpu.memory_space<vmem>>
      %dma_start3A_860 = arith.constant 0 : i32
      %dma_start3A_861 = arith.constant 0 : i32
      %dma_start3A_862 = tpu.memref_slice %arg2[%dma_start3A_860, %dma_start3A_861] : memref<10000x128xf32, #tpu.memory_space<hbm>> -> memref<10000x128xf32, #tpu.memory_space<hbm>>
      tpu.enqueue_indirect_dma source(%dma_start3A_862 : memref<10000x128xf32, #tpu.memory_space<hbm>>) target(%dma_start3A_856 : memref<125x128xf32, #tpu.memory_space<vmem>>) offsets(%dma_start3A_859 : memref<125xi32, #tpu.memory_space<vmem>>) semaphore(%arg12 : memref<!tpu.dma_semaphore, #tpu.memory_space<semaphore_mem>>)
      %dma_wait3A_863 = arith.constant 0 : i32
      %dma_wait3A_864 = arith.constant 0 : i32
      %dma_wait3A_865 = arith.constant 0 : i32
      %dma_wait3A_866 = arith.constant 0 : i32
      %dma_wait3A_867 = arith.constant 0 : i32
      %dma_wait3A_868 = tpu.memref_slice %arg7[%dma_wait3A_865, %dma_wait3A_866, %dma_wait3A_867] : memref<2x125x128xf32, #tpu.memory_space<vmem>> -> memref<1x125x128xf32, #tpu.memory_space<vmem>>
      %dma_wait3A_869 = tpu.memref_squeeze %dma_wait3A_868 : memref<1x125x128xf32, #tpu.memory_space<vmem>> -> memref<125x128xf32, #tpu.memory_space<vmem>>
      %dma_wait3A_870 = arith.constant 0 : i32
      %dma_wait3A_871 = tpu.memref_slice %arg5[%dma_wait3A_863, %dma_wait3A_864, %dma_wait3A_870] : memref<2x8x125xi32, #tpu.memory_space<vmem>> -> memref<1x1x125xi32, #tpu.memory_space<vmem>>
      %dma_wait3A_872 = tpu.memref_squeeze %dma_wait3A_871 : memref<1x1x125xi32, #tpu.memory_space<vmem>> -> memref<125xi32, #tpu.memory_space<vmem>>
      %dma_wait3A_873 = arith.constant 0 : i32
      %dma_wait3A_874 = arith.constant 0 : i32
      %dma_wait3A_875 = tpu.memref_slice %arg2[%dma_wait3A_873, %dma_wait3A_874] : memref<10000x128xf32, #tpu.memory_space<hbm>> -> memref<10000x128xf32, #tpu.memory_space<hbm>>
      tpu.wait_indirect_dma semaphore(%arg11 : memref<!tpu.dma_semaphore, #tpu.memory_space<semaphore_mem>>) src(%dma_wait3A_875 : memref<10000x128xf32, #tpu.memory_space<hbm>>) dst(%dma_wait3A_869 : memref<125x128xf32, #tpu.memory_space<vmem>>)
      %run_scoped3A_876 = arith.constant 0 : i32
      %run_scoped3A_877 = arith.constant 1 : i32
      %run_scoped3A_878 = arith.constant 2 : i32
      "tpu.region"() ({
        %run_scoped3A_1122 = tpu.sem_alloc : memref<!tpu.dma_semaphore, #tpu.memory_space<semaphore_mem>>
        %dma_start3A_1123 = arith.constant 0 : i32
        %dma_start3A_1124 = arith.constant 0 : i32
        %dma_start3A_1125 = tpu.memref_slice %arg7[%run_scoped3A_876, %dma_start3A_1123, %dma_start3A_1124] : memref<2x125x128xf32, #tpu.memory_space<vmem>> -> memref<1x125x128xf32, #tpu.memory_space<vmem>>
        %dma_start3A_1126 = tpu.memref_squeeze %dma_start3A_1125 : memref<1x125x128xf32, #tpu.memory_space<vmem>> -> memref<125x128xf32, #tpu.memory_space<vmem>>
        %dma_start3A_1127 = arith.constant 0 : i32
        %dma_start3A_1128 = tpu.memref_slice %arg6[%run_scoped3A_877, %run_scoped3A_878, %dma_start3A_1127] : memref<2x8x125xi32, #tpu.memory_space<vmem>> -> memref<1x1x125xi32, #tpu.memory_space<vmem>>
        %dma_start3A_1129 = tpu.memref_squeeze %dma_start3A_1128 : memref<1x1x125xi32, #tpu.memory_space<vmem>> -> memref<125xi32, #tpu.memory_space<vmem>>
        %dma_start3A_1130 = arith.constant 0 : i32
        %dma_start3A_1131 = arith.constant 0 : i32
        %dma_start3A_1132 = tpu.memref_slice %arg8[%dma_start3A_1130, %dma_start3A_1131] : memref<10240x128xf32, #tpu.memory_space<vmem_shared>> -> memref<10240x128xf32, #tpu.memory_space<vmem_shared>>
        tpu.enqueue_indirect_dma source(%dma_start3A_1126 : memref<125x128xf32, #tpu.memory_space<vmem>>) target(%dma_start3A_1132 : memref<10240x128xf32, #tpu.memory_space<vmem_shared>>) offsets(%dma_start3A_1129 : memref<125xi32, #tpu.memory_space<vmem>>) semaphore(%run_scoped3A_1122 : memref<!tpu.dma_semaphore, #tpu.memory_space<semaphore_mem>>) {add = true}
        %dma_wait3A_1133 = arith.constant 0 : i32
        %dma_wait3A_1134 = arith.constant 0 : i32
        %dma_wait3A_1135 = tpu.memref_slice %arg7[%run_scoped3A_876, %dma_wait3A_1133, %dma_wait3A_1134] : memref<2x125x128xf32, #tpu.memory_space<vmem>> -> memref<1x125x128xf32, #tpu.memory_space<vmem>>
        %dma_wait3A_1136 = tpu.memref_squeeze %dma_wait3A_1135 : memref<1x125x128xf32, #tpu.memory_space<vmem>> -> memref<125x128xf32, #tpu.memory_space<vmem>>
        %dma_wait3A_1137 = arith.constant 0 : i32
        %dma_wait3A_1138 = tpu.memref_slice %arg6[%run_scoped3A_877, %run_scoped3A_878, %dma_wait3A_1137] : memref<2x8x125xi32, #tpu.memory_space<vmem>> -> memref<1x1x125xi32, #tpu.memory_space<vmem>>
        %dma_wait3A_1139 = tpu.memref_squeeze %dma_wait3A_1138 : memref<1x1x125xi32, #tpu.memory_space<vmem>> -> memref<125xi32, #tpu.memory_space<vmem>>
        %dma_wait3A_1140 = arith.constant 0 : i32
        %dma_wait3A_1141 = arith.constant 0 : i32
        %dma_wait3A_1142 = tpu.memref_slice %arg8[%dma_wait3A_1140, %dma_wait3A_1141] : memref<10240x128xf32, #tpu.memory_space<vmem_shared>> -> memref<10240x128xf32, #tpu.memory_space<vmem_shared>>
        tpu.wait_indirect_dma semaphore(%run_scoped3A_1122 : memref<!tpu.dma_semaphore, #tpu.memory_space<semaphore_mem>>) src(%dma_wait3A_1136 : memref<125x128xf32, #tpu.memory_space<vmem>>) dst(%dma_wait3A_1142 : memref<10240x128xf32, #tpu.memory_space<vmem_shared>>)
        tpu.yield
      }) : () -> ()
      %dma_start3A_879 = arith.constant 1 : i32
      %dma_start3A_880 = arith.constant 4 : i32
      %dma_start3A_881 = arith.constant 0 : i32
      %dma_start3A_882 = arith.constant 0 : i32
      %dma_start3A_883 = arith.constant 0 : i32
      %dma_start3A_884 = tpu.memref_slice %arg7[%dma_start3A_881, %dma_start3A_882, %dma_start3A_883] : memref<2x125x128xf32, #tpu.memory_space<vmem>> -> memref<1x125x128xf32, #tpu.memory_space<vmem>>
      %dma_start3A_885 = tpu.memref_squeeze %dma_start3A_884 : memref<1x125x128xf32, #tpu.memory_space<vmem>> -> memref<125x128xf32, #tpu.memory_space<vmem>>
      %dma_start3A_886 = arith.constant 0 : i32
      %dma_start3A_887 = tpu.memref_slice %arg5[%dma_start3A_879, %dma_start3A_880, %dma_start3A_886] : memref<2x8x125xi32, #tpu.memory_space<vmem>> -> memref<1x1x125xi32, #tpu.memory_space<vmem>>
      %dma_start3A_888 = tpu.memref_squeeze %dma_start3A_887 : memref<1x1x125xi32, #tpu.memory_space<vmem>> -> memref<125xi32, #tpu.memory_space<vmem>>
      %dma_start3A_889 = arith.constant 0 : i32
      %dma_start3A_890 = arith.constant 0 : i32
      %dma_start3A_891 = tpu.memref_slice %arg2[%dma_start3A_889, %dma_start3A_890] : memref<10000x128xf32, #tpu.memory_space<hbm>> -> memref<10000x128xf32, #tpu.memory_space<hbm>>
      tpu.enqueue_indirect_dma source(%dma_start3A_891 : memref<10000x128xf32, #tpu.memory_space<hbm>>) target(%dma_start3A_885 : memref<125x128xf32, #tpu.memory_space<vmem>>) offsets(%dma_start3A_888 : memref<125xi32, #tpu.memory_space<vmem>>) semaphore(%arg11 : memref<!tpu.dma_semaphore, #tpu.memory_space<semaphore_mem>>)
      %dma_wait3A_892 = arith.constant 0 : i32
      %dma_wait3A_893 = arith.constant 0 : i32
      %dma_wait3A_894 = arith.constant 1 : i32
      %dma_wait3A_895 = arith.constant 0 : i32
      %dma_wait3A_896 = arith.constant 0 : i32
      %dma_wait3A_897 = tpu.memref_slice %arg7[%dma_wait3A_894, %dma_wait3A_895, %dma_wait3A_896] : memref<2x125x128xf32, #tpu.memory_space<vmem>> -> memref<1x125x128xf32, #tpu.memory_space<vmem>>
      %dma_wait3A_898 = tpu.memref_squeeze %dma_wait3A_897 : memref<1x125x128xf32, #tpu.memory_space<vmem>> -> memref<125x128xf32, #tpu.memory_space<vmem>>
      %dma_wait3A_899 = arith.constant 0 : i32
      %dma_wait3A_900 = tpu.memref_slice %arg5[%dma_wait3A_892, %dma_wait3A_893, %dma_wait3A_899] : memref<2x8x125xi32, #tpu.memory_space<vmem>> -> memref<1x1x125xi32, #tpu.memory_space<vmem>>
      %dma_wait3A_901 = tpu.memref_squeeze %dma_wait3A_900 : memref<1x1x125xi32, #tpu.memory_space<vmem>> -> memref<125xi32, #tpu.memory_space<vmem>>
      %dma_wait3A_902 = arith.constant 0 : i32
      %dma_wait3A_903 = arith.constant 0 : i32
      %dma_wait3A_904 = tpu.memref_slice %arg2[%dma_wait3A_902, %dma_wait3A_903] : memref<10000x128xf32, #tpu.memory_space<hbm>> -> memref<10000x128xf32, #tpu.memory_space<hbm>>
      tpu.wait_indirect_dma semaphore(%arg12 : memref<!tpu.dma_semaphore, #tpu.memory_space<semaphore_mem>>) src(%dma_wait3A_904 : memref<10000x128xf32, #tpu.memory_space<hbm>>) dst(%dma_wait3A_898 : memref<125x128xf32, #tpu.memory_space<vmem>>)
      %run_scoped3A_905 = arith.constant 1 : i32
      %run_scoped3A_906 = arith.constant 1 : i32
      %run_scoped3A_907 = arith.constant 3 : i32
      "tpu.region"() ({
        %run_scoped3A_1122 = tpu.sem_alloc : memref<!tpu.dma_semaphore, #tpu.memory_space<semaphore_mem>>
        %dma_start3A_1123 = arith.constant 0 : i32
        %dma_start3A_1124 = arith.constant 0 : i32
        %dma_start3A_1125 = tpu.memref_slice %arg7[%run_scoped3A_905, %dma_start3A_1123, %dma_start3A_1124] : memref<2x125x128xf32, #tpu.memory_space<vmem>> -> memref<1x125x128xf32, #tpu.memory_space<vmem>>
        %dma_start3A_1126 = tpu.memref_squeeze %dma_start3A_1125 : memref<1x125x128xf32, #tpu.memory_space<vmem>> -> memref<125x128xf32, #tpu.memory_space<vmem>>
        %dma_start3A_1127 = arith.constant 0 : i32
        %dma_start3A_1128 = tpu.memref_slice %arg6[%run_scoped3A_906, %run_scoped3A_907, %dma_start3A_1127] : memref<2x8x125xi32, #tpu.memory_space<vmem>> -> memref<1x1x125xi32, #tpu.memory_space<vmem>>
        %dma_start3A_1129 = tpu.memref_squeeze %dma_start3A_1128 : memref<1x1x125xi32, #tpu.memory_space<vmem>> -> memref<125xi32, #tpu.memory_space<vmem>>
        %dma_start3A_1130 = arith.constant 0 : i32
        %dma_start3A_1131 = arith.constant 0 : i32
        %dma_start3A_1132 = tpu.memref_slice %arg8[%dma_start3A_1130, %dma_start3A_1131] : memref<10240x128xf32, #tpu.memory_space<vmem_shared>> -> memref<10240x128xf32, #tpu.memory_space<vmem_shared>>
        tpu.enqueue_indirect_dma source(%dma_start3A_1126 : memref<125x128xf32, #tpu.memory_space<vmem>>) target(%dma_start3A_1132 : memref<10240x128xf32, #tpu.memory_space<vmem_shared>>) offsets(%dma_start3A_1129 : memref<125xi32, #tpu.memory_space<vmem>>) semaphore(%run_scoped3A_1122 : memref<!tpu.dma_semaphore, #tpu.memory_space<semaphore_mem>>) {add = true}
        %dma_wait3A_1133 = arith.constant 0 : i32
        %dma_wait3A_1134 = arith.constant 0 : i32
        %dma_wait3A_1135 = tpu.memref_slice %arg7[%run_scoped3A_905, %dma_wait3A_1133, %dma_wait3A_1134] : memref<2x125x128xf32, #tpu.memory_space<vmem>> -> memref<1x125x128xf32, #tpu.memory_space<vmem>>
        %dma_wait3A_1136 = tpu.memref_squeeze %dma_wait3A_1135 : memref<1x125x128xf32, #tpu.memory_space<vmem>> -> memref<125x128xf32, #tpu.memory_space<vmem>>
        %dma_wait3A_1137 = arith.constant 0 : i32
        %dma_wait3A_1138 = tpu.memref_slice %arg6[%run_scoped3A_906, %run_scoped3A_907, %dma_wait3A_1137] : memref<2x8x125xi32, #tpu.memory_space<vmem>> -> memref<1x1x125xi32, #tpu.memory_space<vmem>>
        %dma_wait3A_1139 = tpu.memref_squeeze %dma_wait3A_1138 : memref<1x1x125xi32, #tpu.memory_space<vmem>> -> memref<125xi32, #tpu.memory_space<vmem>>
        %dma_wait3A_1140 = arith.constant 0 : i32
        %dma_wait3A_1141 = arith.constant 0 : i32
        %dma_wait3A_1142 = tpu.memref_slice %arg8[%dma_wait3A_1140, %dma_wait3A_1141] : memref<10240x128xf32, #tpu.memory_space<vmem_shared>> -> memref<10240x128xf32, #tpu.memory_space<vmem_shared>>
        tpu.wait_indirect_dma semaphore(%run_scoped3A_1122 : memref<!tpu.dma_semaphore, #tpu.memory_space<semaphore_mem>>) src(%dma_wait3A_1136 : memref<125x128xf32, #tpu.memory_space<vmem>>) dst(%dma_wait3A_1142 : memref<10240x128xf32, #tpu.memory_space<vmem_shared>>)
        tpu.yield
      }) : () -> ()
      %dma_start3A_908 = arith.constant 1 : i32
      %dma_start3A_909 = arith.constant 5 : i32
      %dma_start3A_910 = arith.constant 1 : i32
      %dma_start3A_911 = arith.constant 0 : i32
      %dma_start3A_912 = arith.constant 0 : i32
      %dma_start3A_913 = tpu.memref_slice %arg7[%dma_start3A_910, %dma_start3A_911, %dma_start3A_912] : memref<2x125x128xf32, #tpu.memory_space<vmem>> -> memref<1x125x128xf32, #tpu.memory_space<vmem>>
      %dma_start3A_914 = tpu.memref_squeeze %dma_start3A_913 : memref<1x125x128xf32, #tpu.memory_space<vmem>> -> memref<125x128xf32, #tpu.memory_space<vmem>>
      %dma_start3A_915 = arith.constant 0 : i32
      %dma_start3A_916 = tpu.memref_slice %arg5[%dma_start3A_908, %dma_start3A_909, %dma_start3A_915] : memref<2x8x125xi32, #tpu.memory_space<vmem>> -> memref<1x1x125xi32, #tpu.memory_space<vmem>>
      %dma_start3A_917 = tpu.memref_squeeze %dma_start3A_916 : memref<1x1x125xi32, #tpu.memory_space<vmem>> -> memref<125xi32, #tpu.memory_space<vmem>>
      %dma_start3A_918 = arith.constant 0 : i32
      %dma_start3A_919 = arith.constant 0 : i32
      %dma_start3A_920 = tpu.memref_slice %arg2[%dma_start3A_918, %dma_start3A_919] : memref<10000x128xf32, #tpu.memory_space<hbm>> -> memref<10000x128xf32, #tpu.memory_space<hbm>>
      tpu.enqueue_indirect_dma source(%dma_start3A_920 : memref<10000x128xf32, #tpu.memory_space<hbm>>) target(%dma_start3A_914 : memref<125x128xf32, #tpu.memory_space<vmem>>) offsets(%dma_start3A_917 : memref<125xi32, #tpu.memory_space<vmem>>) semaphore(%arg12 : memref<!tpu.dma_semaphore, #tpu.memory_space<semaphore_mem>>)
      %dma_wait3A_921 = arith.constant 0 : i32
      %dma_wait3A_922 = arith.constant 0 : i32
      %dma_wait3A_923 = arith.constant 0 : i32
      %dma_wait3A_924 = arith.constant 0 : i32
      %dma_wait3A_925 = arith.constant 0 : i32
      %dma_wait3A_926 = tpu.memref_slice %arg7[%dma_wait3A_923, %dma_wait3A_924, %dma_wait3A_925] : memref<2x125x128xf32, #tpu.memory_space<vmem>> -> memref<1x125x128xf32, #tpu.memory_space<vmem>>
      %dma_wait3A_927 = tpu.memref_squeeze %dma_wait3A_926 : memref<1x125x128xf32, #tpu.memory_space<vmem>> -> memref<125x128xf32, #tpu.memory_space<vmem>>
      %dma_wait3A_928 = arith.constant 0 : i32
      %dma_wait3A_929 = tpu.memref_slice %arg5[%dma_wait3A_921, %dma_wait3A_922, %dma_wait3A_928] : memref<2x8x125xi32, #tpu.memory_space<vmem>> -> memref<1x1x125xi32, #tpu.memory_space<vmem>>
      %dma_wait3A_930 = tpu.memref_squeeze %dma_wait3A_929 : memref<1x1x125xi32, #tpu.memory_space<vmem>> -> memref<125xi32, #tpu.memory_space<vmem>>
      %dma_wait3A_931 = arith.constant 0 : i32
      %dma_wait3A_932 = arith.constant 0 : i32
      %dma_wait3A_933 = tpu.memref_slice %arg2[%dma_wait3A_931, %dma_wait3A_932] : memref<10000x128xf32, #tpu.memory_space<hbm>> -> memref<10000x128xf32, #tpu.memory_space<hbm>>
      tpu.wait_indirect_dma semaphore(%arg11 : memref<!tpu.dma_semaphore, #tpu.memory_space<semaphore_mem>>) src(%dma_wait3A_933 : memref<10000x128xf32, #tpu.memory_space<hbm>>) dst(%dma_wait3A_927 : memref<125x128xf32, #tpu.memory_space<vmem>>)
      %run_scoped3A_934 = arith.constant 0 : i32
      %run_scoped3A_935 = arith.constant 1 : i32
      %run_scoped3A_936 = arith.constant 4 : i32
      "tpu.region"() ({
        %run_scoped3A_1122 = tpu.sem_alloc : memref<!tpu.dma_semaphore, #tpu.memory_space<semaphore_mem>>
        %dma_start3A_1123 = arith.constant 0 : i32
        %dma_start3A_1124 = arith.constant 0 : i32
        %dma_start3A_1125 = tpu.memref_slice %arg7[%run_scoped3A_934, %dma_start3A_1123, %dma_start3A_1124] : memref<2x125x128xf32, #tpu.memory_space<vmem>> -> memref<1x125x128xf32, #tpu.memory_space<vmem>>
        %dma_start3A_1126 = tpu.memref_squeeze %dma_start3A_1125 : memref<1x125x128xf32, #tpu.memory_space<vmem>> -> memref<125x128xf32, #tpu.memory_space<vmem>>
        %dma_start3A_1127 = arith.constant 0 : i32
        %dma_start3A_1128 = tpu.memref_slice %arg6[%run_scoped3A_935, %run_scoped3A_936, %dma_start3A_1127] : memref<2x8x125xi32, #tpu.memory_space<vmem>> -> memref<1x1x125xi32, #tpu.memory_space<vmem>>
        %dma_start3A_1129 = tpu.memref_squeeze %dma_start3A_1128 : memref<1x1x125xi32, #tpu.memory_space<vmem>> -> memref<125xi32, #tpu.memory_space<vmem>>
        %dma_start3A_1130 = arith.constant 0 : i32
        %dma_start3A_1131 = arith.constant 0 : i32
        %dma_start3A_1132 = tpu.memref_slice %arg8[%dma_start3A_1130, %dma_start3A_1131] : memref<10240x128xf32, #tpu.memory_space<vmem_shared>> -> memref<10240x128xf32, #tpu.memory_space<vmem_shared>>
        tpu.enqueue_indirect_dma source(%dma_start3A_1126 : memref<125x128xf32, #tpu.memory_space<vmem>>) target(%dma_start3A_1132 : memref<10240x128xf32, #tpu.memory_space<vmem_shared>>) offsets(%dma_start3A_1129 : memref<125xi32, #tpu.memory_space<vmem>>) semaphore(%run_scoped3A_1122 : memref<!tpu.dma_semaphore, #tpu.memory_space<semaphore_mem>>) {add = true}
        %dma_wait3A_1133 = arith.constant 0 : i32
        %dma_wait3A_1134 = arith.constant 0 : i32
        %dma_wait3A_1135 = tpu.memref_slice %arg7[%run_scoped3A_934, %dma_wait3A_1133, %dma_wait3A_1134] : memref<2x125x128xf32, #tpu.memory_space<vmem>> -> memref<1x125x128xf32, #tpu.memory_space<vmem>>
        %dma_wait3A_1136 = tpu.memref_squeeze %dma_wait3A_1135 : memref<1x125x128xf32, #tpu.memory_space<vmem>> -> memref<125x128xf32, #tpu.memory_space<vmem>>
        %dma_wait3A_1137 = arith.constant 0 : i32
        %dma_wait3A_1138 = tpu.memref_slice %arg6[%run_scoped3A_935, %run_scoped3A_936, %dma_wait3A_1137] : memref<2x8x125xi32, #tpu.memory_space<vmem>> -> memref<1x1x125xi32, #tpu.memory_space<vmem>>
        %dma_wait3A_1139 = tpu.memref_squeeze %dma_wait3A_1138 : memref<1x1x125xi32, #tpu.memory_space<vmem>> -> memref<125xi32, #tpu.memory_space<vmem>>
        %dma_wait3A_1140 = arith.constant 0 : i32
        %dma_wait3A_1141 = arith.constant 0 : i32
        %dma_wait3A_1142 = tpu.memref_slice %arg8[%dma_wait3A_1140, %dma_wait3A_1141] : memref<10240x128xf32, #tpu.memory_space<vmem_shared>> -> memref<10240x128xf32, #tpu.memory_space<vmem_shared>>
        tpu.wait_indirect_dma semaphore(%run_scoped3A_1122 : memref<!tpu.dma_semaphore, #tpu.memory_space<semaphore_mem>>) src(%dma_wait3A_1136 : memref<125x128xf32, #tpu.memory_space<vmem>>) dst(%dma_wait3A_1142 : memref<10240x128xf32, #tpu.memory_space<vmem_shared>>)
        tpu.yield
      }) : () -> ()
      %dma_start3A_937 = arith.constant 1 : i32
      %dma_start3A_938 = arith.constant 6 : i32
      %dma_start3A_939 = arith.constant 0 : i32
      %dma_start3A_940 = arith.constant 0 : i32
      %dma_start3A_941 = arith.constant 0 : i32
      %dma_start3A_942 = tpu.memref_slice %arg7[%dma_start3A_939, %dma_start3A_940, %dma_start3A_941] : memref<2x125x128xf32, #tpu.memory_space<vmem>> -> memref<1x125x128xf32, #tpu.memory_space<vmem>>
      %dma_start3A_943 = tpu.memref_squeeze %dma_start3A_942 : memref<1x125x128xf32, #tpu.memory_space<vmem>> -> memref<125x128xf32, #tpu.memory_space<vmem>>
      %dma_start3A_944 = arith.constant 0 : i32
      %dma_start3A_945 = tpu.memref_slice %arg5[%dma_start3A_937, %dma_start3A_938, %dma_start3A_944] : memref<2x8x125xi32, #tpu.memory_space<vmem>> -> memref<1x1x125xi32, #tpu.memory_space<vmem>>
      %dma_start3A_946 = tpu.memref_squeeze %dma_start3A_945 : memref<1x1x125xi32, #tpu.memory_space<vmem>> -> memref<125xi32, #tpu.memory_space<vmem>>
      %dma_start3A_947 = arith.constant 0 : i32
      %dma_start3A_948 = arith.constant 0 : i32
      %dma_start3A_949 = tpu.memref_slice %arg2[%dma_start3A_947, %dma_start3A_948] : memref<10000x128xf32, #tpu.memory_space<hbm>> -> memref<10000x128xf32, #tpu.memory_space<hbm>>
      tpu.enqueue_indirect_dma source(%dma_start3A_949 : memref<10000x128xf32, #tpu.memory_space<hbm>>) target(%dma_start3A_943 : memref<125x128xf32, #tpu.memory_space<vmem>>) offsets(%dma_start3A_946 : memref<125xi32, #tpu.memory_space<vmem>>) semaphore(%arg11 : memref<!tpu.dma_semaphore, #tpu.memory_space<semaphore_mem>>)
      %dma_wait3A_950 = arith.constant 0 : i32
      %dma_wait3A_951 = arith.constant 0 : i32
      %dma_wait3A_952 = arith.constant 1 : i32
      %dma_wait3A_953 = arith.constant 0 : i32
      %dma_wait3A_954 = arith.constant 0 : i32
      %dma_wait3A_955 = tpu.memref_slice %arg7[%dma_wait3A_952, %dma_wait3A_953, %dma_wait3A_954] : memref<2x125x128xf32, #tpu.memory_space<vmem>> -> memref<1x125x128xf32, #tpu.memory_space<vmem>>
      %dma_wait3A_956 = tpu.memref_squeeze %dma_wait3A_955 : memref<1x125x128xf32, #tpu.memory_space<vmem>> -> memref<125x128xf32, #tpu.memory_space<vmem>>
      %dma_wait3A_957 = arith.constant 0 : i32
      %dma_wait3A_958 = tpu.memref_slice %arg5[%dma_wait3A_950, %dma_wait3A_951, %dma_wait3A_957] : memref<2x8x125xi32, #tpu.memory_space<vmem>> -> memref<1x1x125xi32, #tpu.memory_space<vmem>>
      %dma_wait3A_959 = tpu.memref_squeeze %dma_wait3A_958 : memref<1x1x125xi32, #tpu.memory_space<vmem>> -> memref<125xi32, #tpu.memory_space<vmem>>
      %dma_wait3A_960 = arith.constant 0 : i32
      %dma_wait3A_961 = arith.constant 0 : i32
      %dma_wait3A_962 = tpu.memref_slice %arg2[%dma_wait3A_960, %dma_wait3A_961] : memref<10000x128xf32, #tpu.memory_space<hbm>> -> memref<10000x128xf32, #tpu.memory_space<hbm>>
      tpu.wait_indirect_dma semaphore(%arg12 : memref<!tpu.dma_semaphore, #tpu.memory_space<semaphore_mem>>) src(%dma_wait3A_962 : memref<10000x128xf32, #tpu.memory_space<hbm>>) dst(%dma_wait3A_956 : memref<125x128xf32, #tpu.memory_space<vmem>>)
      %run_scoped3A_963 = arith.constant 1 : i32
      %run_scoped3A_964 = arith.constant 1 : i32
      %run_scoped3A_965 = arith.constant 5 : i32
      "tpu.region"() ({
        %run_scoped3A_1122 = tpu.sem_alloc : memref<!tpu.dma_semaphore, #tpu.memory_space<semaphore_mem>>
        %dma_start3A_1123 = arith.constant 0 : i32
        %dma_start3A_1124 = arith.constant 0 : i32
        %dma_start3A_1125 = tpu.memref_slice %arg7[%run_scoped3A_963, %dma_start3A_1123, %dma_start3A_1124] : memref<2x125x128xf32, #tpu.memory_space<vmem>> -> memref<1x125x128xf32, #tpu.memory_space<vmem>>
        %dma_start3A_1126 = tpu.memref_squeeze %dma_start3A_1125 : memref<1x125x128xf32, #tpu.memory_space<vmem>> -> memref<125x128xf32, #tpu.memory_space<vmem>>
        %dma_start3A_1127 = arith.constant 0 : i32
        %dma_start3A_1128 = tpu.memref_slice %arg6[%run_scoped3A_964, %run_scoped3A_965, %dma_start3A_1127] : memref<2x8x125xi32, #tpu.memory_space<vmem>> -> memref<1x1x125xi32, #tpu.memory_space<vmem>>
        %dma_start3A_1129 = tpu.memref_squeeze %dma_start3A_1128 : memref<1x1x125xi32, #tpu.memory_space<vmem>> -> memref<125xi32, #tpu.memory_space<vmem>>
        %dma_start3A_1130 = arith.constant 0 : i32
        %dma_start3A_1131 = arith.constant 0 : i32
        %dma_start3A_1132 = tpu.memref_slice %arg8[%dma_start3A_1130, %dma_start3A_1131] : memref<10240x128xf32, #tpu.memory_space<vmem_shared>> -> memref<10240x128xf32, #tpu.memory_space<vmem_shared>>
        tpu.enqueue_indirect_dma source(%dma_start3A_1126 : memref<125x128xf32, #tpu.memory_space<vmem>>) target(%dma_start3A_1132 : memref<10240x128xf32, #tpu.memory_space<vmem_shared>>) offsets(%dma_start3A_1129 : memref<125xi32, #tpu.memory_space<vmem>>) semaphore(%run_scoped3A_1122 : memref<!tpu.dma_semaphore, #tpu.memory_space<semaphore_mem>>) {add = true}
        %dma_wait3A_1133 = arith.constant 0 : i32
        %dma_wait3A_1134 = arith.constant 0 : i32
        %dma_wait3A_1135 = tpu.memref_slice %arg7[%run_scoped3A_963, %dma_wait3A_1133, %dma_wait3A_1134] : memref<2x125x128xf32, #tpu.memory_space<vmem>> -> memref<1x125x128xf32, #tpu.memory_space<vmem>>
        %dma_wait3A_1136 = tpu.memref_squeeze %dma_wait3A_1135 : memref<1x125x128xf32, #tpu.memory_space<vmem>> -> memref<125x128xf32, #tpu.memory_space<vmem>>
        %dma_wait3A_1137 = arith.constant 0 : i32
        %dma_wait3A_1138 = tpu.memref_slice %arg6[%run_scoped3A_964, %run_scoped3A_965, %dma_wait3A_1137] : memref<2x8x125xi32, #tpu.memory_space<vmem>> -> memref<1x1x125xi32, #tpu.memory_space<vmem>>
        %dma_wait3A_1139 = tpu.memref_squeeze %dma_wait3A_1138 : memref<1x1x125xi32, #tpu.memory_space<vmem>> -> memref<125xi32, #tpu.memory_space<vmem>>
        %dma_wait3A_1140 = arith.constant 0 : i32
        %dma_wait3A_1141 = arith.constant 0 : i32
        %dma_wait3A_1142 = tpu.memref_slice %arg8[%dma_wait3A_1140, %dma_wait3A_1141] : memref<10240x128xf32, #tpu.memory_space<vmem_shared>> -> memref<10240x128xf32, #tpu.memory_space<vmem_shared>>
        tpu.wait_indirect_dma semaphore(%run_scoped3A_1122 : memref<!tpu.dma_semaphore, #tpu.memory_space<semaphore_mem>>) src(%dma_wait3A_1136 : memref<125x128xf32, #tpu.memory_space<vmem>>) dst(%dma_wait3A_1142 : memref<10240x128xf32, #tpu.memory_space<vmem_shared>>)
        tpu.yield
      }) : () -> ()
      %dma_start3A_966 = arith.constant 1 : i32
      %dma_start3A_967 = arith.constant 7 : i32
      %dma_start3A_968 = arith.constant 1 : i32
      %dma_start3A_969 = arith.constant 0 : i32
      %dma_start3A_970 = arith.constant 0 : i32
      %dma_start3A_971 = tpu.memref_slice %arg7[%dma_start3A_968, %dma_start3A_969, %dma_start3A_970] : memref<2x125x128xf32, #tpu.memory_space<vmem>> -> memref<1x125x128xf32, #tpu.memory_space<vmem>>
      %dma_start3A_972 = tpu.memref_squeeze %dma_start3A_971 : memref<1x125x128xf32, #tpu.memory_space<vmem>> -> memref<125x128xf32, #tpu.memory_space<vmem>>
      %dma_start3A_973 = arith.constant 0 : i32
      %dma_start3A_974 = tpu.memref_slice %arg5[%dma_start3A_966, %dma_start3A_967, %dma_start3A_973] : memref<2x8x125xi32, #tpu.memory_space<vmem>> -> memref<1x1x125xi32, #tpu.memory_space<vmem>>
      %dma_start3A_975 = tpu.memref_squeeze %dma_start3A_974 : memref<1x1x125xi32, #tpu.memory_space<vmem>> -> memref<125xi32, #tpu.memory_space<vmem>>
      %dma_start3A_976 = arith.constant 0 : i32
      %dma_start3A_977 = arith.constant 0 : i32
      %dma_start3A_978 = tpu.memref_slice %arg2[%dma_start3A_976, %dma_start3A_977] : memref<10000x128xf32, #tpu.memory_space<hbm>> -> memref<10000x128xf32, #tpu.memory_space<hbm>>
      tpu.enqueue_indirect_dma source(%dma_start3A_978 : memref<10000x128xf32, #tpu.memory_space<hbm>>) target(%dma_start3A_972 : memref<125x128xf32, #tpu.memory_space<vmem>>) offsets(%dma_start3A_975 : memref<125xi32, #tpu.memory_space<vmem>>) semaphore(%arg12 : memref<!tpu.dma_semaphore, #tpu.memory_space<semaphore_mem>>)
      %dma_wait3A_979 = arith.constant 0 : i32
      %dma_wait3A_980 = arith.constant 0 : i32
      %dma_wait3A_981 = arith.constant 0 : i32
      %dma_wait3A_982 = arith.constant 0 : i32
      %dma_wait3A_983 = arith.constant 0 : i32
      %dma_wait3A_984 = tpu.memref_slice %arg7[%dma_wait3A_981, %dma_wait3A_982, %dma_wait3A_983] : memref<2x125x128xf32, #tpu.memory_space<vmem>> -> memref<1x125x128xf32, #tpu.memory_space<vmem>>
      %dma_wait3A_985 = tpu.memref_squeeze %dma_wait3A_984 : memref<1x125x128xf32, #tpu.memory_space<vmem>> -> memref<125x128xf32, #tpu.memory_space<vmem>>
      %dma_wait3A_986 = arith.constant 0 : i32
      %dma_wait3A_987 = tpu.memref_slice %arg5[%dma_wait3A_979, %dma_wait3A_980, %dma_wait3A_986] : memref<2x8x125xi32, #tpu.memory_space<vmem>> -> memref<1x1x125xi32, #tpu.memory_space<vmem>>
      %dma_wait3A_988 = tpu.memref_squeeze %dma_wait3A_987 : memref<1x1x125xi32, #tpu.memory_space<vmem>> -> memref<125xi32, #tpu.memory_space<vmem>>
      %dma_wait3A_989 = arith.constant 0 : i32
      %dma_wait3A_990 = arith.constant 0 : i32
      %dma_wait3A_991 = tpu.memref_slice %arg2[%dma_wait3A_989, %dma_wait3A_990] : memref<10000x128xf32, #tpu.memory_space<hbm>> -> memref<10000x128xf32, #tpu.memory_space<hbm>>
      tpu.wait_indirect_dma semaphore(%arg11 : memref<!tpu.dma_semaphore, #tpu.memory_space<semaphore_mem>>) src(%dma_wait3A_991 : memref<10000x128xf32, #tpu.memory_space<hbm>>) dst(%dma_wait3A_985 : memref<125x128xf32, #tpu.memory_space<vmem>>)
      %run_scoped3A_992 = arith.constant 0 : i32
      %run_scoped3A_993 = arith.constant 1 : i32
      %run_scoped3A_994 = arith.constant 6 : i32
      "tpu.region"() ({
        %run_scoped3A_1122 = tpu.sem_alloc : memref<!tpu.dma_semaphore, #tpu.memory_space<semaphore_mem>>
        %dma_start3A_1123 = arith.constant 0 : i32
        %dma_start3A_1124 = arith.constant 0 : i32
        %dma_start3A_1125 = tpu.memref_slice %arg7[%run_scoped3A_992, %dma_start3A_1123, %dma_start3A_1124] : memref<2x125x128xf32, #tpu.memory_space<vmem>> -> memref<1x125x128xf32, #tpu.memory_space<vmem>>
        %dma_start3A_1126 = tpu.memref_squeeze %dma_start3A_1125 : memref<1x125x128xf32, #tpu.memory_space<vmem>> -> memref<125x128xf32, #tpu.memory_space<vmem>>
        %dma_start3A_1127 = arith.constant 0 : i32
        %dma_start3A_1128 = tpu.memref_slice %arg6[%run_scoped3A_993, %run_scoped3A_994, %dma_start3A_1127] : memref<2x8x125xi32, #tpu.memory_space<vmem>> -> memref<1x1x125xi32, #tpu.memory_space<vmem>>
        %dma_start3A_1129 = tpu.memref_squeeze %dma_start3A_1128 : memref<1x1x125xi32, #tpu.memory_space<vmem>> -> memref<125xi32, #tpu.memory_space<vmem>>
        %dma_start3A_1130 = arith.constant 0 : i32
        %dma_start3A_1131 = arith.constant 0 : i32
        %dma_start3A_1132 = tpu.memref_slice %arg8[%dma_start3A_1130, %dma_start3A_1131] : memref<10240x128xf32, #tpu.memory_space<vmem_shared>> -> memref<10240x128xf32, #tpu.memory_space<vmem_shared>>
        tpu.enqueue_indirect_dma source(%dma_start3A_1126 : memref<125x128xf32, #tpu.memory_space<vmem>>) target(%dma_start3A_1132 : memref<10240x128xf32, #tpu.memory_space<vmem_shared>>) offsets(%dma_start3A_1129 : memref<125xi32, #tpu.memory_space<vmem>>) semaphore(%run_scoped3A_1122 : memref<!tpu.dma_semaphore, #tpu.memory_space<semaphore_mem>>) {add = true}
        %dma_wait3A_1133 = arith.constant 0 : i32
        %dma_wait3A_1134 = arith.constant 0 : i32
        %dma_wait3A_1135 = tpu.memref_slice %arg7[%run_scoped3A_992, %dma_wait3A_1133, %dma_wait3A_1134] : memref<2x125x128xf32, #tpu.memory_space<vmem>> -> memref<1x125x128xf32, #tpu.memory_space<vmem>>
        %dma_wait3A_1136 = tpu.memref_squeeze %dma_wait3A_1135 : memref<1x125x128xf32, #tpu.memory_space<vmem>> -> memref<125x128xf32, #tpu.memory_space<vmem>>
        %dma_wait3A_1137 = arith.constant 0 : i32
        %dma_wait3A_1138 = tpu.memref_slice %arg6[%run_scoped3A_993, %run_scoped3A_994, %dma_wait3A_1137] : memref<2x8x125xi32, #tpu.memory_space<vmem>> -> memref<1x1x125xi32, #tpu.memory_space<vmem>>
        %dma_wait3A_1139 = tpu.memref_squeeze %dma_wait3A_1138 : memref<1x1x125xi32, #tpu.memory_space<vmem>> -> memref<125xi32, #tpu.memory_space<vmem>>
        %dma_wait3A_1140 = arith.constant 0 : i32
        %dma_wait3A_1141 = arith.constant 0 : i32
        %dma_wait3A_1142 = tpu.memref_slice %arg8[%dma_wait3A_1140, %dma_wait3A_1141] : memref<10240x128xf32, #tpu.memory_space<vmem_shared>> -> memref<10240x128xf32, #tpu.memory_space<vmem_shared>>
        tpu.wait_indirect_dma semaphore(%run_scoped3A_1122 : memref<!tpu.dma_semaphore, #tpu.memory_space<semaphore_mem>>) src(%dma_wait3A_1136 : memref<125x128xf32, #tpu.memory_space<vmem>>) dst(%dma_wait3A_1142 : memref<10240x128xf32, #tpu.memory_space<vmem_shared>>)
        tpu.yield
      }) : () -> ()
      %dma_wait3A_995 = arith.constant 0 : i32
      %dma_wait3A_996 = arith.constant 0 : i32
      %dma_wait3A_997 = arith.constant 0 : i32
      %dma_wait3A_998 = arith.constant 0 : i32
      %dma_wait3A_999 = arith.constant 0 : i32
      %dma_wait3A_1000 = tpu.memref_slice %arg5[%dma_wait3A_997, %dma_wait3A_998, %dma_wait3A_999] : memref<2x8x125xi32, #tpu.memory_space<vmem>> -> memref<1x8x125xi32, #tpu.memory_space<vmem>>
      %dma_wait3A_1001 = tpu.memref_squeeze %dma_wait3A_1000 : memref<1x8x125xi32, #tpu.memory_space<vmem>> -> memref<8x125xi32, #tpu.memory_space<vmem>>
      %dma_wait3A_1002 = arith.constant 0 : i32
      %dma_wait3A_1003 = arith.constant 0 : i32
      %dma_wait3A_1004 = tpu.memref_slice %arg3[%dma_wait3A_995, %add3A, %dma_wait3A_996, %dma_wait3A_1002, %dma_wait3A_1003] : memref<2x32x10x8x125xi32, #tpu.memory_space<hbm>> -> memref<1x1x1x8x125xi32, #tpu.memory_space<hbm>>
      %dma_wait3A_1005 = tpu.memref_squeeze %dma_wait3A_1004 : memref<1x1x1x8x125xi32, #tpu.memory_space<hbm>> -> memref<8x125xi32, #tpu.memory_space<hbm>>
      %dma_wait3A_1006 = arith.constant 0 : i32
      %dma_wait3A_1007 = arith.constant 0 : i32
      %dma_wait3A_1008 = tpu.memref_slice %arg5[%dma_wait3A_997, %dma_wait3A_1006, %dma_wait3A_1007] : memref<2x8x125xi32, #tpu.memory_space<vmem>> -> memref<1x8x125xi32, #tpu.memory_space<vmem>>
      %dma_wait3A_1009 = tpu.memref_squeeze %dma_wait3A_1008 : memref<1x8x125xi32, #tpu.memory_space<vmem>> -> memref<8x125xi32, #tpu.memory_space<vmem>>
      %dma_wait3A_1010 = arith.constant 0 : i32
      %dma_wait3A_1011 = arith.constant 0 : i32
      %dma_wait3A_1012 = tpu.memref_slice %arg3[%dma_wait3A_995, %add3A, %dma_wait3A_996, %dma_wait3A_1010, %dma_wait3A_1011] : memref<2x32x10x8x125xi32, #tpu.memory_space<hbm>> -> memref<1x1x1x8x125xi32, #tpu.memory_space<hbm>>
      %dma_wait3A_1013 = tpu.memref_squeeze %dma_wait3A_1012 : memref<1x1x1x8x125xi32, #tpu.memory_space<hbm>> -> memref<8x125xi32, #tpu.memory_space<hbm>>
      tpu.wait_dma2 semaphore(%arg9 : memref<!tpu.dma_semaphore, #tpu.memory_space<semaphore_mem>>) src(%dma_wait3A_1013 : memref<8x125xi32, #tpu.memory_space<hbm>>) dst(%dma_wait3A_1009 : memref<8x125xi32, #tpu.memory_space<vmem>>)
      %dma_wait3A_1014 = arith.constant 1 : i32
      %dma_wait3A_1015 = arith.constant 0 : i32
      %dma_wait3A_1016 = arith.constant 0 : i32
      %dma_wait3A_1017 = arith.constant 0 : i32
      %dma_wait3A_1018 = arith.constant 0 : i32
      %dma_wait3A_1019 = tpu.memref_slice %arg6[%dma_wait3A_1016, %dma_wait3A_1017, %dma_wait3A_1018] : memref<2x8x125xi32, #tpu.memory_space<vmem>> -> memref<1x8x125xi32, #tpu.memory_space<vmem>>
      %dma_wait3A_1020 = tpu.memref_squeeze %dma_wait3A_1019 : memref<1x8x125xi32, #tpu.memory_space<vmem>> -> memref<8x125xi32, #tpu.memory_space<vmem>>
      %dma_wait3A_1021 = arith.constant 0 : i32
      %dma_wait3A_1022 = arith.constant 0 : i32
      %dma_wait3A_1023 = tpu.memref_slice %arg3[%dma_wait3A_1014, %add3A, %dma_wait3A_1015, %dma_wait3A_1021, %dma_wait3A_1022] : memref<2x32x10x8x125xi32, #tpu.memory_space<hbm>> -> memref<1x1x1x8x125xi32, #tpu.memory_space<hbm>>
      %dma_wait3A_1024 = tpu.memref_squeeze %dma_wait3A_1023 : memref<1x1x1x8x125xi32, #tpu.memory_space<hbm>> -> memref<8x125xi32, #tpu.memory_space<hbm>>
      %dma_wait3A_1025 = arith.constant 0 : i32
      %dma_wait3A_1026 = arith.constant 0 : i32
      %dma_wait3A_1027 = tpu.memref_slice %arg6[%dma_wait3A_1016, %dma_wait3A_1025, %dma_wait3A_1026] : memref<2x8x125xi32, #tpu.memory_space<vmem>> -> memref<1x8x125xi32, #tpu.memory_space<vmem>>
      %dma_wait3A_1028 = tpu.memref_squeeze %dma_wait3A_1027 : memref<1x8x125xi32, #tpu.memory_space<vmem>> -> memref<8x125xi32, #tpu.memory_space<vmem>>
      %dma_wait3A_1029 = arith.constant 0 : i32
      %dma_wait3A_1030 = arith.constant 0 : i32
      %dma_wait3A_1031 = tpu.memref_slice %arg3[%dma_wait3A_1014, %add3A, %dma_wait3A_1015, %dma_wait3A_1029, %dma_wait3A_1030] : memref<2x32x10x8x125xi32, #tpu.memory_space<hbm>> -> memref<1x1x1x8x125xi32, #tpu.memory_space<hbm>>
      %dma_wait3A_1032 = tpu.memref_squeeze %dma_wait3A_1031 : memref<1x1x1x8x125xi32, #tpu.memory_space<hbm>> -> memref<8x125xi32, #tpu.memory_space<hbm>>
      tpu.wait_dma2 semaphore(%arg9 : memref<!tpu.dma_semaphore, #tpu.memory_space<semaphore_mem>>) src(%dma_wait3A_1032 : memref<8x125xi32, #tpu.memory_space<hbm>>) dst(%dma_wait3A_1028 : memref<8x125xi32, #tpu.memory_space<vmem>>)
      %dma_start3A_1033 = arith.constant 0 : i32
      %dma_start3A_1034 = arith.constant 0 : i32
      %dma_start3A_1035 = arith.constant 0 : i32
      %dma_start3A_1036 = arith.constant 0 : i32
      %dma_start3A_1037 = arith.constant 0 : i32
      %dma_start3A_1038 = tpu.memref_slice %arg7[%dma_start3A_1035, %dma_start3A_1036, %dma_start3A_1037] : memref<2x125x128xf32, #tpu.memory_space<vmem>> -> memref<1x125x128xf32, #tpu.memory_space<vmem>>
      %dma_start3A_1039 = tpu.memref_squeeze %dma_start3A_1038 : memref<1x125x128xf32, #tpu.memory_space<vmem>> -> memref<125x128xf32, #tpu.memory_space<vmem>>
      %dma_start3A_1040 = arith.constant 0 : i32
      %dma_start3A_1041 = tpu.memref_slice %arg5[%dma_start3A_1033, %dma_start3A_1034, %dma_start3A_1040] : memref<2x8x125xi32, #tpu.memory_space<vmem>> -> memref<1x1x125xi32, #tpu.memory_space<vmem>>
      %dma_start3A_1042 = tpu.memref_squeeze %dma_start3A_1041 : memref<1x1x125xi32, #tpu.memory_space<vmem>> -> memref<125xi32, #tpu.memory_space<vmem>>
      %dma_start3A_1043 = arith.constant 0 : i32
      %dma_start3A_1044 = arith.constant 0 : i32
      %dma_start3A_1045 = tpu.memref_slice %arg2[%dma_start3A_1043, %dma_start3A_1044] : memref<10000x128xf32, #tpu.memory_space<hbm>> -> memref<10000x128xf32, #tpu.memory_space<hbm>>
      tpu.enqueue_indirect_dma source(%dma_start3A_1045 : memref<10000x128xf32, #tpu.memory_space<hbm>>) target(%dma_start3A_1039 : memref<125x128xf32, #tpu.memory_space<vmem>>) offsets(%dma_start3A_1042 : memref<125xi32, #tpu.memory_space<vmem>>) semaphore(%arg11 : memref<!tpu.dma_semaphore, #tpu.memory_space<semaphore_mem>>)
      %dma_wait3A_1046 = arith.constant 0 : i32
      %dma_wait3A_1047 = arith.constant 0 : i32
      %dma_wait3A_1048 = arith.constant 1 : i32
      %dma_wait3A_1049 = arith.constant 0 : i32
      %dma_wait3A_1050 = arith.constant 0 : i32
      %dma_wait3A_1051 = tpu.memref_slice %arg7[%dma_wait3A_1048, %dma_wait3A_1049, %dma_wait3A_1050] : memref<2x125x128xf32, #tpu.memory_space<vmem>> -> memref<1x125x128xf32, #tpu.memory_space<vmem>>
      %dma_wait3A_1052 = tpu.memref_squeeze %dma_wait3A_1051 : memref<1x125x128xf32, #tpu.memory_space<vmem>> -> memref<125x128xf32, #tpu.memory_space<vmem>>
      %dma_wait3A_1053 = arith.constant 0 : i32
      %dma_wait3A_1054 = tpu.memref_slice %arg5[%dma_wait3A_1046, %dma_wait3A_1047, %dma_wait3A_1053] : memref<2x8x125xi32, #tpu.memory_space<vmem>> -> memref<1x1x125xi32, #tpu.memory_space<vmem>>
      %dma_wait3A_1055 = tpu.memref_squeeze %dma_wait3A_1054 : memref<1x1x125xi32, #tpu.memory_space<vmem>> -> memref<125xi32, #tpu.memory_space<vmem>>
      %dma_wait3A_1056 = arith.constant 0 : i32
      %dma_wait3A_1057 = arith.constant 0 : i32
      %dma_wait3A_1058 = tpu.memref_slice %arg2[%dma_wait3A_1056, %dma_wait3A_1057] : memref<10000x128xf32, #tpu.memory_space<hbm>> -> memref<10000x128xf32, #tpu.memory_space<hbm>>
      tpu.wait_indirect_dma semaphore(%arg12 : memref<!tpu.dma_semaphore, #tpu.memory_space<semaphore_mem>>) src(%dma_wait3A_1058 : memref<10000x128xf32, #tpu.memory_space<hbm>>) dst(%dma_wait3A_1052 : memref<125x128xf32, #tpu.memory_space<vmem>>)
      %run_scoped3A_1059 = arith.constant 1 : i32
      %run_scoped3A_1060 = arith.constant 1 : i32
      %run_scoped3A_1061 = arith.constant 7 : i32
      "tpu.region"() ({
        %run_scoped3A_1122 = tpu.sem_alloc : memref<!tpu.dma_semaphore, #tpu.memory_space<semaphore_mem>>
        %dma_start3A_1123 = arith.constant 0 : i32
        %dma_start3A_1124 = arith.constant 0 : i32
        %dma_start3A_1125 = tpu.memref_slice %arg7[%run_scoped3A_1059, %dma_start3A_1123, %dma_start3A_1124] : memref<2x125x128xf32, #tpu.memory_space<vmem>> -> memref<1x125x128xf32, #tpu.memory_space<vmem>>
        %dma_start3A_1126 = tpu.memref_squeeze %dma_start3A_1125 : memref<1x125x128xf32, #tpu.memory_space<vmem>> -> memref<125x128xf32, #tpu.memory_space<vmem>>
        %dma_start3A_1127 = arith.constant 0 : i32
        %dma_start3A_1128 = tpu.memref_slice %arg6[%run_scoped3A_1060, %run_scoped3A_1061, %dma_start3A_1127] : memref<2x8x125xi32, #tpu.memory_space<vmem>> -> memref<1x1x125xi32, #tpu.memory_space<vmem>>
        %dma_start3A_1129 = tpu.memref_squeeze %dma_start3A_1128 : memref<1x1x125xi32, #tpu.memory_space<vmem>> -> memref<125xi32, #tpu.memory_space<vmem>>
        %dma_start3A_1130 = arith.constant 0 : i32
        %dma_start3A_1131 = arith.constant 0 : i32
        %dma_start3A_1132 = tpu.memref_slice %arg8[%dma_start3A_1130, %dma_start3A_1131] : memref<10240x128xf32, #tpu.memory_space<vmem_shared>> -> memref<10240x128xf32, #tpu.memory_space<vmem_shared>>
        tpu.enqueue_indirect_dma source(%dma_start3A_1126 : memref<125x128xf32, #tpu.memory_space<vmem>>) target(%dma_start3A_1132 : memref<10240x128xf32, #tpu.memory_space<vmem_shared>>) offsets(%dma_start3A_1129 : memref<125xi32, #tpu.memory_space<vmem>>) semaphore(%run_scoped3A_1122 : memref<!tpu.dma_semaphore, #tpu.memory_space<semaphore_mem>>) {add = true}
        %dma_wait3A_1133 = arith.constant 0 : i32
        %dma_wait3A_1134 = arith.constant 0 : i32
        %dma_wait3A_1135 = tpu.memref_slice %arg7[%run_scoped3A_1059, %dma_wait3A_1133, %dma_wait3A_1134] : memref<2x125x128xf32, #tpu.memory_space<vmem>> -> memref<1x125x128xf32, #tpu.memory_space<vmem>>
        %dma_wait3A_1136 = tpu.memref_squeeze %dma_wait3A_1135 : memref<1x125x128xf32, #tpu.memory_space<vmem>> -> memref<125x128xf32, #tpu.memory_space<vmem>>
        %dma_wait3A_1137 = arith.constant 0 : i32
        %dma_wait3A_1138 = tpu.memref_slice %arg6[%run_scoped3A_1060, %run_scoped3A_1061, %dma_wait3A_1137] : memref<2x8x125xi32, #tpu.memory_space<vmem>> -> memref<1x1x125xi32, #tpu.memory_space<vmem>>
        %dma_wait3A_1139 = tpu.memref_squeeze %dma_wait3A_1138 : memref<1x1x125xi32, #tpu.memory_space<vmem>> -> memref<125xi32, #tpu.memory_space<vmem>>
        %dma_wait3A_1140 = arith.constant 0 : i32
        %dma_wait3A_1141 = arith.constant 0 : i32
        %dma_wait3A_1142 = tpu.memref_slice %arg8[%dma_wait3A_1140, %dma_wait3A_1141] : memref<10240x128xf32, #tpu.memory_space<vmem_shared>> -> memref<10240x128xf32, #tpu.memory_space<vmem_shared>>
        tpu.wait_indirect_dma semaphore(%run_scoped3A_1122 : memref<!tpu.dma_semaphore, #tpu.memory_space<semaphore_mem>>) src(%dma_wait3A_1136 : memref<125x128xf32, #tpu.memory_space<vmem>>) dst(%dma_wait3A_1142 : memref<10240x128xf32, #tpu.memory_space<vmem_shared>>)
        tpu.yield
      }) : () -> ()
      %dma_start3A_1062 = arith.constant 0 : i32
      %dma_start3A_1063 = arith.constant 1 : i32
      %dma_start3A_1064 = arith.constant 1 : i32
      %dma_start3A_1065 = arith.constant 0 : i32
      %dma_start3A_1066 = arith.constant 0 : i32
      %dma_start3A_1067 = tpu.memref_slice %arg7[%dma_start3A_1064, %dma_start3A_1065, %dma_start3A_1066] : memref<2x125x128xf32, #tpu.memory_space<vmem>> -> memref<1x125x128xf32, #tpu.memory_space<vmem>>
      %dma_start3A_1068 = tpu.memref_squeeze %dma_start3A_1067 : memref<1x125x128xf32, #tpu.memory_space<vmem>> -> memref<125x128xf32, #tpu.memory_space<vmem>>
      %dma_start3A_1069 = arith.constant 0 : i32
      %dma_start3A_1070 = tpu.memref_slice %arg5[%dma_start3A_1062, %dma_start3A_1063, %dma_start3A_1069] : memref<2x8x125xi32, #tpu.memory_space<vmem>> -> memref<1x1x125xi32, #tpu.memory_space<vmem>>
      %dma_start3A_1071 = tpu.memref_squeeze %dma_start3A_1070 : memref<1x1x125xi32, #tpu.memory_space<vmem>> -> memref<125xi32, #tpu.memory_space<vmem>>
      %dma_start3A_1072 = arith.constant 0 : i32
      %dma_start3A_1073 = arith.constant 0 : i32
      %dma_start3A_1074 = tpu.memref_slice %arg2[%dma_start3A_1072, %dma_start3A_1073] : memref<10000x128xf32, #tpu.memory_space<hbm>> -> memref<10000x128xf32, #tpu.memory_space<hbm>>
      tpu.enqueue_indirect_dma source(%dma_start3A_1074 : memref<10000x128xf32, #tpu.memory_space<hbm>>) target(%dma_start3A_1068 : memref<125x128xf32, #tpu.memory_space<vmem>>) offsets(%dma_start3A_1071 : memref<125xi32, #tpu.memory_space<vmem>>) semaphore(%arg12 : memref<!tpu.dma_semaphore, #tpu.memory_space<semaphore_mem>>)
      %add3A_1075 = arith.constant 2 : i32
      %add3A_1076 = arith.addi %add3A_804, %add3A_1075 : i32
      %ge3A_1077 = arith.constant 10 : i32
      %ge3A_1078 = arith.cmpi sge, %add3A_1076, %ge3A_1077 : i32
      %add3A_1079 = arith.constant 2 : i32
      %add3A_1080 = arith.addi %add3A_804, %add3A_1079 : i32
      %sub3A_1081 = arith.constant 10 : i32
      %sub3A_1082 = arith.subi %add3A_1080, %sub3A_1081 : i32
      %add3A_1083 = arith.constant 2 : i32
      %add3A_1084 = arith.addi %add3A_804, %add3A_1083 : i32
      %select_n3A_1085 = arith.select %ge3A_1078, %sub3A_1082, %add3A_1084 : i32
      %dma_start3A_1086 = arith.constant 0 : i32
      %dma_start3A_1087 = arith.constant 1 : i32
      %dma_start3A_1088 = arith.constant 0 : i32
      %dma_start3A_1089 = arith.constant 0 : i32
      %dma_start3A_1090 = tpu.memref_slice %arg5[%dma_start3A_1087, %dma_start3A_1088, %dma_start3A_1089] : memref<2x8x125xi32, #tpu.memory_space<vmem>> -> memref<1x8x125xi32, #tpu.memory_space<vmem>>
      %dma_start3A_1091 = tpu.memref_squeeze %dma_start3A_1090 : memref<1x8x125xi32, #tpu.memory_space<vmem>> -> memref<8x125xi32, #tpu.memory_space<vmem>>
      %dma_start3A_1092 = arith.constant 0 : i32
      %dma_start3A_1093 = arith.constant 0 : i32
      %dma_start3A_1094 = tpu.memref_slice %arg3[%dma_start3A_1086, %add3A, %select_n3A_1085, %dma_start3A_1092, %dma_start3A_1093] : memref<2x32x10x8x125xi32, #tpu.memory_space<hbm>> -> memref<1x1x1x8x125xi32, #tpu.memory_space<hbm>>
      %dma_start3A_1095 = tpu.memref_squeeze %dma_start3A_1094 : memref<1x1x1x8x125xi32, #tpu.memory_space<hbm>> -> memref<8x125xi32, #tpu.memory_space<hbm>>
      %dma_start3A_1096 = arith.constant 0 : i32
      %dma_start3A_1097 = arith.constant 0 : i32
      %dma_start3A_1098 = tpu.memref_slice %arg5[%dma_start3A_1087, %dma_start3A_1096, %dma_start3A_1097] : memref<2x8x125xi32, #tpu.memory_space<vmem>> -> memref<1x8x125xi32, #tpu.memory_space<vmem>>
      %dma_start3A_1099 = tpu.memref_squeeze %dma_start3A_1098 : memref<1x8x125xi32, #tpu.memory_space<vmem>> -> memref<8x125xi32, #tpu.memory_space<vmem>>
      %dma_start3A_1100 = arith.constant 0 : i32
      %dma_start3A_1101 = arith.constant 0 : i32
      %dma_start3A_1102 = tpu.memref_slice %arg3[%dma_start3A_1086, %add3A, %select_n3A_1085, %dma_start3A_1100, %dma_start3A_1101] : memref<2x32x10x8x125xi32, #tpu.memory_space<hbm>> -> memref<1x1x1x8x125xi32, #tpu.memory_space<hbm>>
      %dma_start3A_1103 = tpu.memref_squeeze %dma_start3A_1102 : memref<1x1x1x8x125xi32, #tpu.memory_space<hbm>> -> memref<8x125xi32, #tpu.memory_space<hbm>>
      tpu.enqueue_dma source(%dma_start3A_1103 : memref<8x125xi32, #tpu.memory_space<hbm>>) target(%dma_start3A_1099 : memref<8x125xi32, #tpu.memory_space<vmem>>) target_semaphore(%arg10 : memref<!tpu.dma_semaphore, #tpu.memory_space<semaphore_mem>>)
      %dma_start3A_1104 = arith.constant 1 : i32
      %dma_start3A_1105 = arith.constant 1 : i32
      %dma_start3A_1106 = arith.constant 0 : i32
      %dma_start3A_1107 = arith.constant 0 : i32
      %dma_start3A_1108 = tpu.memref_slice %arg6[%dma_start3A_1105, %dma_start3A_1106, %dma_start3A_1107] : memref<2x8x125xi32, #tpu.memory_space<vmem>> -> memref<1x8x125xi32, #tpu.memory_space<vmem>>
      %dma_start3A_1109 = tpu.memref_squeeze %dma_start3A_1108 : memref<1x8x125xi32, #tpu.memory_space<vmem>> -> memref<8x125xi32, #tpu.memory_space<vmem>>
      %dma_start3A_1110 = arith.constant 0 : i32
      %dma_start3A_1111 = arith.constant 0 : i32
      %dma_start3A_1112 = tpu.memref_slice %arg3[%dma_start3A_1104, %add3A, %select_n3A_1085, %dma_start3A_1110, %dma_start3A_1111] : memref<2x32x10x8x125xi32, #tpu.memory_space<hbm>> -> memref<1x1x1x8x125xi32, #tpu.memory_space<hbm>>
      %dma_start3A_1113 = tpu.memref_squeeze %dma_start3A_1112 : memref<1x1x1x8x125xi32, #tpu.memory_space<hbm>> -> memref<8x125xi32, #tpu.memory_space<hbm>>
      %dma_start3A_1114 = arith.constant 0 : i32
      %dma_start3A_1115 = arith.constant 0 : i32
      %dma_start3A_1116 = tpu.memref_slice %arg6[%dma_start3A_1105, %dma_start3A_1114, %dma_start3A_1115] : memref<2x8x125xi32, #tpu.memory_space<vmem>> -> memref<1x8x125xi32, #tpu.memory_space<vmem>>
      %dma_start3A_1117 = tpu.memref_squeeze %dma_start3A_1116 : memref<1x8x125xi32, #tpu.memory_space<vmem>> -> memref<8x125xi32, #tpu.memory_space<vmem>>
      %dma_start3A_1118 = arith.constant 0 : i32
      %dma_start3A_1119 = arith.constant 0 : i32
      %dma_start3A_1120 = tpu.memref_slice %arg3[%dma_start3A_1104, %add3A, %select_n3A_1085, %dma_start3A_1118, %dma_start3A_1119] : memref<2x32x10x8x125xi32, #tpu.memory_space<hbm>> -> memref<1x1x1x8x125xi32, #tpu.memory_space<hbm>>
      %dma_start3A_1121 = tpu.memref_squeeze %dma_start3A_1120 : memref<1x1x1x8x125xi32, #tpu.memory_space<hbm>> -> memref<8x125xi32, #tpu.memory_space<hbm>>
      tpu.enqueue_dma source(%dma_start3A_1121 : memref<8x125xi32, #tpu.memory_space<hbm>>) target(%dma_start3A_1117 : memref<8x125xi32, #tpu.memory_space<vmem>>) target_semaphore(%arg10 : memref<!tpu.dma_semaphore, #tpu.memory_space<semaphore_mem>>)
    }
    %scan3A_329 = arith.constant 5 : i32
    %dma_wait3A_330 = arith.constant 0 : i32
    %dma_wait3A_331 = arith.constant 0 : i32
    %dma_wait3A_332 = arith.constant 0 : i32
    %dma_wait3A_333 = arith.constant 0 : i32
    %dma_wait3A_334 = arith.constant 0 : i32
    %dma_wait3A_335 = tpu.memref_slice %arg7[%dma_wait3A_332, %dma_wait3A_333, %dma_wait3A_334] : memref<2x125x128xf32, #tpu.memory_space<vmem>> -> memref<1x125x128xf32, #tpu.memory_space<vmem>>
    %dma_wait3A_336 = tpu.memref_squeeze %dma_wait3A_335 : memref<1x125x128xf32, #tpu.memory_space<vmem>> -> memref<125x128xf32, #tpu.memory_space<vmem>>
    %dma_wait3A_337 = arith.constant 0 : i32
    %dma_wait3A_338 = tpu.memref_slice %arg5[%dma_wait3A_330, %dma_wait3A_331, %dma_wait3A_337] : memref<2x8x125xi32, #tpu.memory_space<vmem>> -> memref<1x1x125xi32, #tpu.memory_space<vmem>>
    %dma_wait3A_339 = tpu.memref_squeeze %dma_wait3A_338 : memref<1x1x125xi32, #tpu.memory_space<vmem>> -> memref<125xi32, #tpu.memory_space<vmem>>
    %dma_wait3A_340 = arith.constant 0 : i32
    %dma_wait3A_341 = arith.constant 0 : i32
    %dma_wait3A_342 = tpu.memref_slice %arg2[%dma_wait3A_340, %dma_wait3A_341] : memref<10000x128xf32, #tpu.memory_space<hbm>> -> memref<10000x128xf32, #tpu.memory_space<hbm>>
    tpu.wait_indirect_dma semaphore(%arg11 : memref<!tpu.dma_semaphore, #tpu.memory_space<semaphore_mem>>) src(%dma_wait3A_342 : memref<10000x128xf32, #tpu.memory_space<hbm>>) dst(%dma_wait3A_336 : memref<125x128xf32, #tpu.memory_space<vmem>>)
    %dma_wait3A_343 = arith.constant 0 : i32
    %dma_wait3A_344 = arith.constant 0 : i32
    %dma_wait3A_345 = arith.constant 1 : i32
    %dma_wait3A_346 = arith.constant 0 : i32
    %dma_wait3A_347 = arith.constant 0 : i32
    %dma_wait3A_348 = tpu.memref_slice %arg7[%dma_wait3A_345, %dma_wait3A_346, %dma_wait3A_347] : memref<2x125x128xf32, #tpu.memory_space<vmem>> -> memref<1x125x128xf32, #tpu.memory_space<vmem>>
    %dma_wait3A_349 = tpu.memref_squeeze %dma_wait3A_348 : memref<1x125x128xf32, #tpu.memory_space<vmem>> -> memref<125x128xf32, #tpu.memory_space<vmem>>
    %dma_wait3A_350 = arith.constant 0 : i32
    %dma_wait3A_351 = tpu.memref_slice %arg5[%dma_wait3A_343, %dma_wait3A_344, %dma_wait3A_350] : memref<2x8x125xi32, #tpu.memory_space<vmem>> -> memref<1x1x125xi32, #tpu.memory_space<vmem>>
    %dma_wait3A_352 = tpu.memref_squeeze %dma_wait3A_351 : memref<1x1x125xi32, #tpu.memory_space<vmem>> -> memref<125xi32, #tpu.memory_space<vmem>>
    %dma_wait3A_353 = arith.constant 0 : i32
    %dma_wait3A_354 = arith.constant 0 : i32
    %dma_wait3A_355 = tpu.memref_slice %arg2[%dma_wait3A_353, %dma_wait3A_354] : memref<10000x128xf32, #tpu.memory_space<hbm>> -> memref<10000x128xf32, #tpu.memory_space<hbm>>
    tpu.wait_indirect_dma semaphore(%arg12 : memref<!tpu.dma_semaphore, #tpu.memory_space<semaphore_mem>>) src(%dma_wait3A_355 : memref<10000x128xf32, #tpu.memory_space<hbm>>) dst(%dma_wait3A_349 : memref<125x128xf32, #tpu.memory_space<vmem>>)
    %dma_wait3A_356 = arith.constant 0 : i32
    %dma_wait3A_357 = arith.constant 0 : i32
    %dma_wait3A_358 = arith.constant 1 : i32
    %dma_wait3A_359 = arith.constant 0 : i32
    %dma_wait3A_360 = arith.constant 0 : i32
    %dma_wait3A_361 = tpu.memref_slice %arg5[%dma_wait3A_358, %dma_wait3A_359, %dma_wait3A_360] : memref<2x8x125xi32, #tpu.memory_space<vmem>> -> memref<1x8x125xi32, #tpu.memory_space<vmem>>
    %dma_wait3A_362 = tpu.memref_squeeze %dma_wait3A_361 : memref<1x8x125xi32, #tpu.memory_space<vmem>> -> memref<8x125xi32, #tpu.memory_space<vmem>>
    %dma_wait3A_363 = arith.constant 0 : i32
    %dma_wait3A_364 = arith.constant 0 : i32
    %dma_wait3A_365 = tpu.memref_slice %arg3[%dma_wait3A_356, %add3A, %dma_wait3A_357, %dma_wait3A_363, %dma_wait3A_364] : memref<2x32x10x8x125xi32, #tpu.memory_space<hbm>> -> memref<1x1x1x8x125xi32, #tpu.memory_space<hbm>>
    %dma_wait3A_366 = tpu.memref_squeeze %dma_wait3A_365 : memref<1x1x1x8x125xi32, #tpu.memory_space<hbm>> -> memref<8x125xi32, #tpu.memory_space<hbm>>
    %dma_wait3A_367 = arith.constant 0 : i32
    %dma_wait3A_368 = arith.constant 0 : i32
    %dma_wait3A_369 = tpu.memref_slice %arg5[%dma_wait3A_358, %dma_wait3A_367, %dma_wait3A_368] : memref<2x8x125xi32, #tpu.memory_space<vmem>> -> memref<1x8x125xi32, #tpu.memory_space<vmem>>
    %dma_wait3A_370 = tpu.memref_squeeze %dma_wait3A_369 : memref<1x8x125xi32, #tpu.memory_space<vmem>> -> memref<8x125xi32, #tpu.memory_space<vmem>>
    %dma_wait3A_371 = arith.constant 0 : i32
    %dma_wait3A_372 = arith.constant 0 : i32
    %dma_wait3A_373 = tpu.memref_slice %arg3[%dma_wait3A_356, %add3A, %dma_wait3A_357, %dma_wait3A_371, %dma_wait3A_372] : memref<2x32x10x8x125xi32, #tpu.memory_space<hbm>> -> memref<1x1x1x8x125xi32, #tpu.memory_space<hbm>>
    %dma_wait3A_374 = tpu.memref_squeeze %dma_wait3A_373 : memref<1x1x1x8x125xi32, #tpu.memory_space<hbm>> -> memref<8x125xi32, #tpu.memory_space<hbm>>
    tpu.wait_dma2 semaphore(%arg10 : memref<!tpu.dma_semaphore, #tpu.memory_space<semaphore_mem>>) src(%dma_wait3A_374 : memref<8x125xi32, #tpu.memory_space<hbm>>) dst(%dma_wait3A_370 : memref<8x125xi32, #tpu.memory_space<vmem>>)
    %dma_wait3A_375 = arith.constant 1 : i32
    %dma_wait3A_376 = arith.constant 0 : i32
    %dma_wait3A_377 = arith.constant 1 : i32
    %dma_wait3A_378 = arith.constant 0 : i32
    %dma_wait3A_379 = arith.constant 0 : i32
    %dma_wait3A_380 = tpu.memref_slice %arg6[%dma_wait3A_377, %dma_wait3A_378, %dma_wait3A_379] : memref<2x8x125xi32, #tpu.memory_space<vmem>> -> memref<1x8x125xi32, #tpu.memory_space<vmem>>
    %dma_wait3A_381 = tpu.memref_squeeze %dma_wait3A_380 : memref<1x8x125xi32, #tpu.memory_space<vmem>> -> memref<8x125xi32, #tpu.memory_space<vmem>>
    %dma_wait3A_382 = arith.constant 0 : i32
    %dma_wait3A_383 = arith.constant 0 : i32
    %dma_wait3A_384 = tpu.memref_slice %arg3[%dma_wait3A_375, %add3A, %dma_wait3A_376, %dma_wait3A_382, %dma_wait3A_383] : memref<2x32x10x8x125xi32, #tpu.memory_space<hbm>> -> memref<1x1x1x8x125xi32, #tpu.memory_space<hbm>>
    %dma_wait3A_385 = tpu.memref_squeeze %dma_wait3A_384 : memref<1x1x1x8x125xi32, #tpu.memory_space<hbm>> -> memref<8x125xi32, #tpu.memory_space<hbm>>
    %dma_wait3A_386 = arith.constant 0 : i32
    %dma_wait3A_387 = arith.constant 0 : i32
    %dma_wait3A_388 = tpu.memref_slice %arg6[%dma_wait3A_377, %dma_wait3A_386, %dma_wait3A_387] : memref<2x8x125xi32, #tpu.memory_space<vmem>> -> memref<1x8x125xi32, #tpu.memory_space<vmem>>
    %dma_wait3A_389 = tpu.memref_squeeze %dma_wait3A_388 : memref<1x8x125xi32, #tpu.memory_space<vmem>> -> memref<8x125xi32, #tpu.memory_space<vmem>>
    %dma_wait3A_390 = arith.constant 0 : i32
    %dma_wait3A_391 = arith.constant 0 : i32
    %dma_wait3A_392 = tpu.memref_slice %arg3[%dma_wait3A_375, %add3A, %dma_wait3A_376, %dma_wait3A_390, %dma_wait3A_391] : memref<2x32x10x8x125xi32, #tpu.memory_space<hbm>> -> memref<1x1x1x8x125xi32, #tpu.memory_space<hbm>>
    %dma_wait3A_393 = tpu.memref_squeeze %dma_wait3A_392 : memref<1x1x1x8x125xi32, #tpu.memory_space<hbm>> -> memref<8x125xi32, #tpu.memory_space<hbm>>
    tpu.wait_dma2 semaphore(%arg10 : memref<!tpu.dma_semaphore, #tpu.memory_space<semaphore_mem>>) src(%dma_wait3A_393 : memref<8x125xi32, #tpu.memory_space<hbm>>) dst(%dma_wait3A_389 : memref<8x125xi32, #tpu.memory_space<vmem>>)
    %barrier3A_394 = arith.constant 0 : index
    tpu.barrier barrier_id(%barrier3A_394)
    %mul3A_395 = arith.constant 640 : i32
    %mul3A_396 = arith.muli %arg1, %mul3A_395 : i32
    %add3A_397 = arith.constant 0 : i32
    %add3A_398 = arith.addi %mul3A_396, %add3A_397 : i32
    %dma_start3A_399 = arith.constant 0 : i32
    %dma_start3A_400 = tpu.memref_slice %arg4[%arg0, %add3A_398, %dma_start3A_399] : memref<2x10240x128xf32, #tpu.memory_space<hbm>> -> memref<1x128x128xf32, #tpu.memory_space<hbm>>
    %dma_start3A_401 = tpu.memref_squeeze %dma_start3A_400 : memref<1x128x128xf32, #tpu.memory_space<hbm>> -> memref<128x128xf32, #tpu.memory_space<hbm>>
    %dma_start3A_402 = arith.constant 0 : i32
    %dma_start3A_403 = tpu.memref_slice %arg8[%add3A_398, %dma_start3A_402] : memref<10240x128xf32, #tpu.memory_space<vmem_shared>> -> memref<128x128xf32, #tpu.memory_space<vmem_shared>>
    tpu.enqueue_dma source(%dma_start3A_403 : memref<128x128xf32, #tpu.memory_space<vmem_shared>>) target(%dma_start3A_401 : memref<128x128xf32, #tpu.memory_space<hbm>>) target_semaphore(%arg11 : memref<!tpu.dma_semaphore, #tpu.memory_space<semaphore_mem>>)
    %mul3A_404 = arith.constant 640 : i32
    %mul3A_405 = arith.muli %arg1, %mul3A_404 : i32
    %add3A_406 = arith.constant 128 : i32
    %add3A_407 = arith.addi %mul3A_405, %add3A_406 : i32
    %dma_start3A_408 = arith.constant 0 : i32
    %dma_start3A_409 = tpu.memref_slice %arg4[%arg0, %add3A_407, %dma_start3A_408] : memref<2x10240x128xf32, #tpu.memory_space<hbm>> -> memref<1x128x128xf32, #tpu.memory_space<hbm>>
    %dma_start3A_410 = tpu.memref_squeeze %dma_start3A_409 : memref<1x128x128xf32, #tpu.memory_space<hbm>> -> memref<128x128xf32, #tpu.memory_space<hbm>>
    %dma_start3A_411 = arith.constant 0 : i32
    %dma_start3A_412 = tpu.memref_slice %arg8[%add3A_407, %dma_start3A_411] : memref<10240x128xf32, #tpu.memory_space<vmem_shared>> -> memref<128x128xf32, #tpu.memory_space<vmem_shared>>
    tpu.enqueue_dma source(%dma_start3A_412 : memref<128x128xf32, #tpu.memory_space<vmem_shared>>) target(%dma_start3A_410 : memref<128x128xf32, #tpu.memory_space<hbm>>) target_semaphore(%arg11 : memref<!tpu.dma_semaphore, #tpu.memory_space<semaphore_mem>>)
    %mul3A_413 = arith.constant 640 : i32
    %mul3A_414 = arith.muli %arg1, %mul3A_413 : i32
    %add3A_415 = arith.constant 256 : i32
    %add3A_416 = arith.addi %mul3A_414, %add3A_415 : i32
    %dma_start3A_417 = arith.constant 0 : i32
    %dma_start3A_418 = tpu.memref_slice %arg4[%arg0, %add3A_416, %dma_start3A_417] : memref<2x10240x128xf32, #tpu.memory_space<hbm>> -> memref<1x128x128xf32, #tpu.memory_space<hbm>>
    %dma_start3A_419 = tpu.memref_squeeze %dma_start3A_418 : memref<1x128x128xf32, #tpu.memory_space<hbm>> -> memref<128x128xf32, #tpu.memory_space<hbm>>
    %dma_start3A_420 = arith.constant 0 : i32
    %dma_start3A_421 = tpu.memref_slice %arg8[%add3A_416, %dma_start3A_420] : memref<10240x128xf32, #tpu.memory_space<vmem_shared>> -> memref<128x128xf32, #tpu.memory_space<vmem_shared>>
    tpu.enqueue_dma source(%dma_start3A_421 : memref<128x128xf32, #tpu.memory_space<vmem_shared>>) target(%dma_start3A_419 : memref<128x128xf32, #tpu.memory_space<hbm>>) target_semaphore(%arg11 : memref<!tpu.dma_semaphore, #tpu.memory_space<semaphore_mem>>)
    %mul3A_422 = arith.constant 640 : i32
    %mul3A_423 = arith.muli %arg1, %mul3A_422 : i32
    %add3A_424 = arith.constant 384 : i32
    %add3A_425 = arith.addi %mul3A_423, %add3A_424 : i32
    %dma_start3A_426 = arith.constant 0 : i32
    %dma_start3A_427 = tpu.memref_slice %arg4[%arg0, %add3A_425, %dma_start3A_426] : memref<2x10240x128xf32, #tpu.memory_space<hbm>> -> memref<1x128x128xf32, #tpu.memory_space<hbm>>
    %dma_start3A_428 = tpu.memref_squeeze %dma_start3A_427 : memref<1x128x128xf32, #tpu.memory_space<hbm>> -> memref<128x128xf32, #tpu.memory_space<hbm>>
    %dma_start3A_429 = arith.constant 0 : i32
    %dma_start3A_430 = tpu.memref_slice %arg8[%add3A_425, %dma_start3A_429] : memref<10240x128xf32, #tpu.memory_space<vmem_shared>> -> memref<128x128xf32, #tpu.memory_space<vmem_shared>>
    tpu.enqueue_dma source(%dma_start3A_430 : memref<128x128xf32, #tpu.memory_space<vmem_shared>>) target(%dma_start3A_428 : memref<128x128xf32, #tpu.memory_space<hbm>>) target_semaphore(%arg11 : memref<!tpu.dma_semaphore, #tpu.memory_space<semaphore_mem>>)
    %mul3A_431 = arith.constant 640 : i32
    %mul3A_432 = arith.muli %arg1, %mul3A_431 : i32
    %add3A_433 = arith.constant 512 : i32
    %add3A_434 = arith.addi %mul3A_432, %add3A_433 : i32
    %dma_start3A_435 = arith.constant 0 : i32
    %dma_start3A_436 = tpu.memref_slice %arg4[%arg0, %add3A_434, %dma_start3A_435] : memref<2x10240x128xf32, #tpu.memory_space<hbm>> -> memref<1x128x128xf32, #tpu.memory_space<hbm>>
    %dma_start3A_437 = tpu.memref_squeeze %dma_start3A_436 : memref<1x128x128xf32, #tpu.memory_space<hbm>> -> memref<128x128xf32, #tpu.memory_space<hbm>>
    %dma_start3A_438 = arith.constant 0 : i32
    %dma_start3A_439 = tpu.memref_slice %arg8[%add3A_434, %dma_start3A_438] : memref<10240x128xf32, #tpu.memory_space<vmem_shared>> -> memref<128x128xf32, #tpu.memory_space<vmem_shared>>
    tpu.enqueue_dma source(%dma_start3A_439 : memref<128x128xf32, #tpu.memory_space<vmem_shared>>) target(%dma_start3A_437 : memref<128x128xf32, #tpu.memory_space<hbm>>) target_semaphore(%arg11 : memref<!tpu.dma_semaphore, #tpu.memory_space<semaphore_mem>>)
    %mul3A_440 = arith.constant 640 : i32
    %mul3A_441 = arith.muli %arg1, %mul3A_440 : i32
    %add3A_442 = arith.constant 0 : i32
    %add3A_443 = arith.addi %mul3A_441, %add3A_442 : i32
    %dma_wait3A_444 = arith.constant 0 : i32
    %dma_wait3A_445 = tpu.memref_slice %arg4[%arg0, %add3A_443, %dma_wait3A_444] : memref<2x10240x128xf32, #tpu.memory_space<hbm>> -> memref<1x128x128xf32, #tpu.memory_space<hbm>>
    %dma_wait3A_446 = tpu.memref_squeeze %dma_wait3A_445 : memref<1x128x128xf32, #tpu.memory_space<hbm>> -> memref<128x128xf32, #tpu.memory_space<hbm>>
    %dma_wait3A_447 = arith.constant 0 : i32
    %dma_wait3A_448 = tpu.memref_slice %arg8[%add3A_443, %dma_wait3A_447] : memref<10240x128xf32, #tpu.memory_space<vmem_shared>> -> memref<128x128xf32, #tpu.memory_space<vmem_shared>>
    tpu.wait_dma2 semaphore(%arg11 : memref<!tpu.dma_semaphore, #tpu.memory_space<semaphore_mem>>) src(%dma_wait3A_448 : memref<128x128xf32, #tpu.memory_space<vmem_shared>>) dst(%dma_wait3A_446 : memref<128x128xf32, #tpu.memory_space<hbm>>)
    %mul3A_449 = arith.constant 640 : i32
    %mul3A_450 = arith.muli %arg1, %mul3A_449 : i32
    %add3A_451 = arith.constant 128 : i32
    %add3A_452 = arith.addi %mul3A_450, %add3A_451 : i32
    %dma_wait3A_453 = arith.constant 0 : i32
    %dma_wait3A_454 = tpu.memref_slice %arg4[%arg0, %add3A_452, %dma_wait3A_453] : memref<2x10240x128xf32, #tpu.memory_space<hbm>> -> memref<1x128x128xf32, #tpu.memory_space<hbm>>
    %dma_wait3A_455 = tpu.memref_squeeze %dma_wait3A_454 : memref<1x128x128xf32, #tpu.memory_space<hbm>> -> memref<128x128xf32, #tpu.memory_space<hbm>>
    %dma_wait3A_456 = arith.constant 0 : i32
    %dma_wait3A_457 = tpu.memref_slice %arg8[%add3A_452, %dma_wait3A_456] : memref<10240x128xf32, #tpu.memory_space<vmem_shared>> -> memref<128x128xf32, #tpu.memory_space<vmem_shared>>
    tpu.wait_dma2 semaphore(%arg11 : memref<!tpu.dma_semaphore, #tpu.memory_space<semaphore_mem>>) src(%dma_wait3A_457 : memref<128x128xf32, #tpu.memory_space<vmem_shared>>) dst(%dma_wait3A_455 : memref<128x128xf32, #tpu.memory_space<hbm>>)
    %mul3A_458 = arith.constant 640 : i32
    %mul3A_459 = arith.muli %arg1, %mul3A_458 : i32
    %add3A_460 = arith.constant 256 : i32
    %add3A_461 = arith.addi %mul3A_459, %add3A_460 : i32
    %dma_wait3A_462 = arith.constant 0 : i32
    %dma_wait3A_463 = tpu.memref_slice %arg4[%arg0, %add3A_461, %dma_wait3A_462] : memref<2x10240x128xf32, #tpu.memory_space<hbm>> -> memref<1x128x128xf32, #tpu.memory_space<hbm>>
    %dma_wait3A_464 = tpu.memref_squeeze %dma_wait3A_463 : memref<1x128x128xf32, #tpu.memory_space<hbm>> -> memref<128x128xf32, #tpu.memory_space<hbm>>
    %dma_wait3A_465 = arith.constant 0 : i32
    %dma_wait3A_466 = tpu.memref_slice %arg8[%add3A_461, %dma_wait3A_465] : memref<10240x128xf32, #tpu.memory_space<vmem_shared>> -> memref<128x128xf32, #tpu.memory_space<vmem_shared>>
    tpu.wait_dma2 semaphore(%arg11 : memref<!tpu.dma_semaphore, #tpu.memory_space<semaphore_mem>>) src(%dma_wait3A_466 : memref<128x128xf32, #tpu.memory_space<vmem_shared>>) dst(%dma_wait3A_464 : memref<128x128xf32, #tpu.memory_space<hbm>>)
    %mul3A_467 = arith.constant 640 : i32
    %mul3A_468 = arith.muli %arg1, %mul3A_467 : i32
    %add3A_469 = arith.constant 384 : i32
    %add3A_470 = arith.addi %mul3A_468, %add3A_469 : i32
    %dma_wait3A_471 = arith.constant 0 : i32
    %dma_wait3A_472 = tpu.memref_slice %arg4[%arg0, %add3A_470, %dma_wait3A_471] : memref<2x10240x128xf32, #tpu.memory_space<hbm>> -> memref<1x128x128xf32, #tpu.memory_space<hbm>>
    %dma_wait3A_473 = tpu.memref_squeeze %dma_wait3A_472 : memref<1x128x128xf32, #tpu.memory_space<hbm>> -> memref<128x128xf32, #tpu.memory_space<hbm>>
    %dma_wait3A_474 = arith.constant 0 : i32
    %dma_wait3A_475 = tpu.memref_slice %arg8[%add3A_470, %dma_wait3A_474] : memref<10240x128xf32, #tpu.memory_space<vmem_shared>> -> memref<128x128xf32, #tpu.memory_space<vmem_shared>>
    tpu.wait_dma2 semaphore(%arg11 : memref<!tpu.dma_semaphore, #tpu.memory_space<semaphore_mem>>) src(%dma_wait3A_475 : memref<128x128xf32, #tpu.memory_space<vmem_shared>>) dst(%dma_wait3A_473 : memref<128x128xf32, #tpu.memory_space<hbm>>)
    %mul3A_476 = arith.constant 640 : i32
    %mul3A_477 = arith.muli %arg1, %mul3A_476 : i32
    %add3A_478 = arith.constant 512 : i32
    %add3A_479 = arith.addi %mul3A_477, %add3A_478 : i32
    %dma_wait3A_480 = arith.constant 0 : i32
    %dma_wait3A_481 = tpu.memref_slice %arg4[%arg0, %add3A_479, %dma_wait3A_480] : memref<2x10240x128xf32, #tpu.memory_space<hbm>> -> memref<1x128x128xf32, #tpu.memory_space<hbm>>
    %dma_wait3A_482 = tpu.memref_squeeze %dma_wait3A_481 : memref<1x128x128xf32, #tpu.memory_space<hbm>> -> memref<128x128xf32, #tpu.memory_space<hbm>>
    %dma_wait3A_483 = arith.constant 0 : i32
    %dma_wait3A_484 = tpu.memref_slice %arg8[%add3A_479, %dma_wait3A_483] : memref<10240x128xf32, #tpu.memory_space<vmem_shared>> -> memref<128x128xf32, #tpu.memory_space<vmem_shared>>
    tpu.wait_dma2 semaphore(%arg11 : memref<!tpu.dma_semaphore, #tpu.memory_space<semaphore_mem>>) src(%dma_wait3A_484 : memref<128x128xf32, #tpu.memory_space<vmem_shared>>) dst(%dma_wait3A_482 : memref<128x128xf32, #tpu.memory_space<hbm>>)
    return
  }
}

#map = affine_map<(d0, d1) -> (0, 0)>
#map1 = affine_map<(d0, d1) -> (0, 0, 0, 0, 0)>
#map2 = affine_map<(d0, d1) -> (0, 0, 0)>
module attributes {stable_mosaic.version = 14 : i64} {
  func.func @_agg_body(%arg0: i32, %arg1: i32, %arg2: memref<10000x128xf32, #tpu.memory_space<hbm>>, %arg3: memref<2x32x10x8x125xi32, #tpu.memory_space<hbm>>, %arg4: memref<2x10240x128xf32, #tpu.memory_space<hbm>>, %arg5: memref<2x8x125xi32, #tpu.memory_space<vmem>>, %arg6: memref<2x8x125xi32, #tpu.memory_space<vmem>>, %arg7: memref<2x125x128xf32, #tpu.memory_space<vmem>>, %arg8: memref<10240x128xf32, #tpu.memory_space<vmem_shared>>, %arg9: memref<!tpu.dma_semaphore, #tpu.memory_space<semaphore_mem>>, %arg10: memref<!tpu.dma_semaphore, #tpu.memory_space<semaphore_mem>>, %arg11: memref<!tpu.dma_semaphore, #tpu.memory_space<semaphore_mem>>, %arg12: memref<!tpu.dma_semaphore, #tpu.memory_space<semaphore_mem>>, %arg13: memref<!tpu.dma_semaphore, #tpu.memory_space<semaphore_mem>>) attributes {dimension_semantics = [#tpu.dimension_semantics<core_parallel>, #tpu.dimension_semantics<subcore_parallel>], iteration_bounds = array<i64: 2, 16>, scalar_prefetch = 0 : i64, scratch_operands = 9 : i64, tpu.core_type = #tpu.core_type<sc_vector_subcore>, window_params = [{transform_indices = #map}, {transform_indices = #map1}, {transform_indices = #map2}]} {
    %mul3A = arith.constant 16 : i32
    %mul3A_0 = arith.muli %arg0, %mul3A : i32
    %add3A = arith.addi %mul3A_0, %arg1 : i32
    %dma_start3A = arith.constant 0 : i32
    %dma_start3A_1 = arith.constant 0 : i32
    %dma_start3A_2 = arith.constant 0 : i32
    %dma_start3A_3 = arith.constant 0 : i32
    %dma_start3A_4 = arith.constant 0 : i32
    %dma_start3A_5 = tpu.memref_slice %arg5[%dma_start3A_2, %dma_start3A_3, %dma_start3A_4] : memref<2x8x125xi32, #tpu.memory_space<vmem>> -> memref<1x8x125xi32, #tpu.memory_space<vmem>>
    %dma_start3A_6 = tpu.memref_squeeze %dma_start3A_5 : memref<1x8x125xi32, #tpu.memory_space<vmem>> -> memref<8x125xi32, #tpu.memory_space<vmem>>
    %dma_start3A_7 = arith.constant 0 : i32
    %dma_start3A_8 = arith.constant 0 : i32
    %dma_start3A_9 = tpu.memref_slice %arg3[%dma_start3A, %add3A, %dma_start3A_1, %dma_start3A_7, %dma_start3A_8] : memref<2x32x10x8x125xi32, #tpu.memory_space<hbm>> -> memref<1x1x1x8x125xi32, #tpu.memory_space<hbm>>
    %dma_start3A_10 = tpu.memref_squeeze %dma_start3A_9 : memref<1x1x1x8x125xi32, #tpu.memory_space<hbm>> -> memref<8x125xi32, #tpu.memory_space<hbm>>
    %dma_start3A_11 = arith.constant 0 : i32
    %dma_start3A_12 = arith.constant 0 : i32
    %dma_start3A_13 = tpu.memref_slice %arg5[%dma_start3A_2, %dma_start3A_11, %dma_start3A_12] : memref<2x8x125xi32, #tpu.memory_space<vmem>> -> memref<1x8x125xi32, #tpu.memory_space<vmem>>
    %dma_start3A_14 = tpu.memref_squeeze %dma_start3A_13 : memref<1x8x125xi32, #tpu.memory_space<vmem>> -> memref<8x125xi32, #tpu.memory_space<vmem>>
    %dma_start3A_15 = arith.constant 0 : i32
    %dma_start3A_16 = arith.constant 0 : i32
    %dma_start3A_17 = tpu.memref_slice %arg3[%dma_start3A, %add3A, %dma_start3A_1, %dma_start3A_15, %dma_start3A_16] : memref<2x32x10x8x125xi32, #tpu.memory_space<hbm>> -> memref<1x1x1x8x125xi32, #tpu.memory_space<hbm>>
    %dma_start3A_18 = tpu.memref_squeeze %dma_start3A_17 : memref<1x1x1x8x125xi32, #tpu.memory_space<hbm>> -> memref<8x125xi32, #tpu.memory_space<hbm>>
    tpu.enqueue_dma source(%dma_start3A_18 : memref<8x125xi32, #tpu.memory_space<hbm>>) target(%dma_start3A_14 : memref<8x125xi32, #tpu.memory_space<vmem>>) target_semaphore(%arg9 : memref<!tpu.dma_semaphore, #tpu.memory_space<semaphore_mem>>)
    %dma_start3A_19 = arith.constant 1 : i32
    %dma_start3A_20 = arith.constant 0 : i32
    %dma_start3A_21 = arith.constant 0 : i32
    %dma_start3A_22 = arith.constant 0 : i32
    %dma_start3A_23 = arith.constant 0 : i32
    %dma_start3A_24 = tpu.memref_slice %arg6[%dma_start3A_21, %dma_start3A_22, %dma_start3A_23] : memref<2x8x125xi32, #tpu.memory_space<vmem>> -> memref<1x8x125xi32, #tpu.memory_space<vmem>>
    %dma_start3A_25 = tpu.memref_squeeze %dma_start3A_24 : memref<1x8x125xi32, #tpu.memory_space<vmem>> -> memref<8x125xi32, #tpu.memory_space<vmem>>
    %dma_start3A_26 = arith.constant 0 : i32
    %dma_start3A_27 = arith.constant 0 : i32
    %dma_start3A_28 = tpu.memref_slice %arg3[%dma_start3A_19, %add3A, %dma_start3A_20, %dma_start3A_26, %dma_start3A_27] : memref<2x32x10x8x125xi32, #tpu.memory_space<hbm>> -> memref<1x1x1x8x125xi32, #tpu.memory_space<hbm>>
    %dma_start3A_29 = tpu.memref_squeeze %dma_start3A_28 : memref<1x1x1x8x125xi32, #tpu.memory_space<hbm>> -> memref<8x125xi32, #tpu.memory_space<hbm>>
    %dma_start3A_30 = arith.constant 0 : i32
    %dma_start3A_31 = arith.constant 0 : i32
    %dma_start3A_32 = tpu.memref_slice %arg6[%dma_start3A_21, %dma_start3A_30, %dma_start3A_31] : memref<2x8x125xi32, #tpu.memory_space<vmem>> -> memref<1x8x125xi32, #tpu.memory_space<vmem>>
    %dma_start3A_33 = tpu.memref_squeeze %dma_start3A_32 : memref<1x8x125xi32, #tpu.memory_space<vmem>> -> memref<8x125xi32, #tpu.memory_space<vmem>>
    %dma_start3A_34 = arith.constant 0 : i32
    %dma_start3A_35 = arith.constant 0 : i32
    %dma_start3A_36 = tpu.memref_slice %arg3[%dma_start3A_19, %add3A, %dma_start3A_20, %dma_start3A_34, %dma_start3A_35] : memref<2x32x10x8x125xi32, #tpu.memory_space<hbm>> -> memref<1x1x1x8x125xi32, #tpu.memory_space<hbm>>
    %dma_start3A_37 = tpu.memref_squeeze %dma_start3A_36 : memref<1x1x1x8x125xi32, #tpu.memory_space<hbm>> -> memref<8x125xi32, #tpu.memory_space<hbm>>
    tpu.enqueue_dma source(%dma_start3A_37 : memref<8x125xi32, #tpu.memory_space<hbm>>) target(%dma_start3A_33 : memref<8x125xi32, #tpu.memory_space<vmem>>) target_semaphore(%arg9 : memref<!tpu.dma_semaphore, #tpu.memory_space<semaphore_mem>>)
    %dma_start3A_38 = arith.constant 0 : i32
    %dma_start3A_39 = arith.constant 1 : i32
    %dma_start3A_40 = arith.constant 1 : i32
    %dma_start3A_41 = arith.constant 0 : i32
    %dma_start3A_42 = arith.constant 0 : i32
    %dma_start3A_43 = tpu.memref_slice %arg5[%dma_start3A_40, %dma_start3A_41, %dma_start3A_42] : memref<2x8x125xi32, #tpu.memory_space<vmem>> -> memref<1x8x125xi32, #tpu.memory_space<vmem>>
    %dma_start3A_44 = tpu.memref_squeeze %dma_start3A_43 : memref<1x8x125xi32, #tpu.memory_space<vmem>> -> memref<8x125xi32, #tpu.memory_space<vmem>>
    %dma_start3A_45 = arith.constant 0 : i32
    %dma_start3A_46 = arith.constant 0 : i32
    %dma_start3A_47 = tpu.memref_slice %arg3[%dma_start3A_38, %add3A, %dma_start3A_39, %dma_start3A_45, %dma_start3A_46] : memref<2x32x10x8x125xi32, #tpu.memory_space<hbm>> -> memref<1x1x1x8x125xi32, #tpu.memory_space<hbm>>
    %dma_start3A_48 = tpu.memref_squeeze %dma_start3A_47 : memref<1x1x1x8x125xi32, #tpu.memory_space<hbm>> -> memref<8x125xi32, #tpu.memory_space<hbm>>
    %dma_start3A_49 = arith.constant 0 : i32
    %dma_start3A_50 = arith.constant 0 : i32
    %dma_start3A_51 = tpu.memref_slice %arg5[%dma_start3A_40, %dma_start3A_49, %dma_start3A_50] : memref<2x8x125xi32, #tpu.memory_space<vmem>> -> memref<1x8x125xi32, #tpu.memory_space<vmem>>
    %dma_start3A_52 = tpu.memref_squeeze %dma_start3A_51 : memref<1x8x125xi32, #tpu.memory_space<vmem>> -> memref<8x125xi32, #tpu.memory_space<vmem>>
    %dma_start3A_53 = arith.constant 0 : i32
    %dma_start3A_54 = arith.constant 0 : i32
    %dma_start3A_55 = tpu.memref_slice %arg3[%dma_start3A_38, %add3A, %dma_start3A_39, %dma_start3A_53, %dma_start3A_54] : memref<2x32x10x8x125xi32, #tpu.memory_space<hbm>> -> memref<1x1x1x8x125xi32, #tpu.memory_space<hbm>>
    %dma_start3A_56 = tpu.memref_squeeze %dma_start3A_55 : memref<1x1x1x8x125xi32, #tpu.memory_space<hbm>> -> memref<8x125xi32, #tpu.memory_space<hbm>>
    tpu.enqueue_dma source(%dma_start3A_56 : memref<8x125xi32, #tpu.memory_space<hbm>>) target(%dma_start3A_52 : memref<8x125xi32, #tpu.memory_space<vmem>>) target_semaphore(%arg10 : memref<!tpu.dma_semaphore, #tpu.memory_space<semaphore_mem>>)
    %dma_start3A_57 = arith.constant 1 : i32
    %dma_start3A_58 = arith.constant 1 : i32
    %dma_start3A_59 = arith.constant 1 : i32
    %dma_start3A_60 = arith.constant 0 : i32
    %dma_start3A_61 = arith.constant 0 : i32
    %dma_start3A_62 = tpu.memref_slice %arg6[%dma_start3A_59, %dma_start3A_60, %dma_start3A_61] : memref<2x8x125xi32, #tpu.memory_space<vmem>> -> memref<1x8x125xi32, #tpu.memory_space<vmem>>
    %dma_start3A_63 = tpu.memref_squeeze %dma_start3A_62 : memref<1x8x125xi32, #tpu.memory_space<vmem>> -> memref<8x125xi32, #tpu.memory_space<vmem>>
    %dma_start3A_64 = arith.constant 0 : i32
    %dma_start3A_65 = arith.constant 0 : i32
    %dma_start3A_66 = tpu.memref_slice %arg3[%dma_start3A_57, %add3A, %dma_start3A_58, %dma_start3A_64, %dma_start3A_65] : memref<2x32x10x8x125xi32, #tpu.memory_space<hbm>> -> memref<1x1x1x8x125xi32, #tpu.memory_space<hbm>>
    %dma_start3A_67 = tpu.memref_squeeze %dma_start3A_66 : memref<1x1x1x8x125xi32, #tpu.memory_space<hbm>> -> memref<8x125xi32, #tpu.memory_space<hbm>>
    %dma_start3A_68 = arith.constant 0 : i32
    %dma_start3A_69 = arith.constant 0 : i32
    %dma_start3A_70 = tpu.memref_slice %arg6[%dma_start3A_59, %dma_start3A_68, %dma_start3A_69] : memref<2x8x125xi32, #tpu.memory_space<vmem>> -> memref<1x8x125xi32, #tpu.memory_space<vmem>>
    %dma_start3A_71 = tpu.memref_squeeze %dma_start3A_70 : memref<1x8x125xi32, #tpu.memory_space<vmem>> -> memref<8x125xi32, #tpu.memory_space<vmem>>
    %dma_start3A_72 = arith.constant 0 : i32
    %dma_start3A_73 = arith.constant 0 : i32
    %dma_start3A_74 = tpu.memref_slice %arg3[%dma_start3A_57, %add3A, %dma_start3A_58, %dma_start3A_72, %dma_start3A_73] : memref<2x32x10x8x125xi32, #tpu.memory_space<hbm>> -> memref<1x1x1x8x125xi32, #tpu.memory_space<hbm>>
    %dma_start3A_75 = tpu.memref_squeeze %dma_start3A_74 : memref<1x1x1x8x125xi32, #tpu.memory_space<hbm>> -> memref<8x125xi32, #tpu.memory_space<hbm>>
    tpu.enqueue_dma source(%dma_start3A_75 : memref<8x125xi32, #tpu.memory_space<hbm>>) target(%dma_start3A_71 : memref<8x125xi32, #tpu.memory_space<vmem>>) target_semaphore(%arg10 : memref<!tpu.dma_semaphore, #tpu.memory_space<semaphore_mem>>)
    %scan3A = arith.constant 0 : i32
    %scan3A_76 = arith.constant 0 : i32
    %scan3A_77 = arith.constant 120 : i32
    %scan3A_78 = arith.addi %scan3A_76, %scan3A_77 : i32
    %scan3A_79 = arith.constant 1 : i32
    scf.for %scan3A_485 = %scan3A_76 to %scan3A_78 step %scan3A_79  : i32 {
      %broadcast_in_dim3A = arith.constant 0.000000e+00 : f32
      %broadcast_in_dim3A_486 = vector.broadcast %broadcast_in_dim3A : f32 to vector<16xf32>
      %swap3A = arith.constant 0 : i32
      %swap3A_487 = arith.index_cast %swap3A : i32 to index
      %swap3A_488 = arith.index_cast %scan3A_485 : i32 to index
      %swap3A_489 = arith.constant 0 : index
      %swap3A_490 = tpu.vector_load %arg7[%swap3A_487, %swap3A_488, %swap3A_489] {strides = array<i32>} : memref<2x125x128xf32, #tpu.memory_space<vmem>>, vector<1x1x16xf32>,
      %swap3A_491 = vector.shape_cast %swap3A_490 : vector<1x1x16xf32> to vector<16xf32>
      %swap3A_492 = vector.shape_cast %broadcast_in_dim3A_486 : vector<16xf32> to vector<1x1x16xf32>
      tpu.vector_store %arg7[%swap3A_487, %swap3A_488, %swap3A_489], %swap3A_492 {strides = array<i32>} : memref<2x125x128xf32, #tpu.memory_space<vmem>>, vector<1x1x16xf32>,
      %broadcast_in_dim3A_493 = arith.constant 0.000000e+00 : f32
      %broadcast_in_dim3A_494 = vector.broadcast %broadcast_in_dim3A_493 : f32 to vector<16xf32>
      %swap3A_495 = arith.constant 0 : i32
      %swap3A_496 = arith.index_cast %swap3A_495 : i32 to index
      %swap3A_497 = arith.index_cast %scan3A_485 : i32 to index
      %swap3A_498 = arith.constant 16 : index
      %swap3A_499 = tpu.vector_load %arg7[%swap3A_496, %swap3A_497, %swap3A_498] {strides = array<i32>} : memref<2x125x128xf32, #tpu.memory_space<vmem>>, vector<1x1x16xf32>,
      %swap3A_500 = vector.shape_cast %swap3A_499 : vector<1x1x16xf32> to vector<16xf32>
      %swap3A_501 = vector.shape_cast %broadcast_in_dim3A_494 : vector<16xf32> to vector<1x1x16xf32>
      tpu.vector_store %arg7[%swap3A_496, %swap3A_497, %swap3A_498], %swap3A_501 {strides = array<i32>} : memref<2x125x128xf32, #tpu.memory_space<vmem>>, vector<1x1x16xf32>,
      %broadcast_in_dim3A_502 = arith.constant 0.000000e+00 : f32
      %broadcast_in_dim3A_503 = vector.broadcast %broadcast_in_dim3A_502 : f32 to vector<16xf32>
      %swap3A_504 = arith.constant 0 : i32
      %swap3A_505 = arith.index_cast %swap3A_504 : i32 to index
      %swap3A_506 = arith.index_cast %scan3A_485 : i32 to index
      %swap3A_507 = arith.constant 32 : index
      %swap3A_508 = tpu.vector_load %arg7[%swap3A_505, %swap3A_506, %swap3A_507] {strides = array<i32>} : memref<2x125x128xf32, #tpu.memory_space<vmem>>, vector<1x1x16xf32>,
      %swap3A_509 = vector.shape_cast %swap3A_508 : vector<1x1x16xf32> to vector<16xf32>
      %swap3A_510 = vector.shape_cast %broadcast_in_dim3A_503 : vector<16xf32> to vector<1x1x16xf32>
      tpu.vector_store %arg7[%swap3A_505, %swap3A_506, %swap3A_507], %swap3A_510 {strides = array<i32>} : memref<2x125x128xf32, #tpu.memory_space<vmem>>, vector<1x1x16xf32>,
      %broadcast_in_dim3A_511 = arith.constant 0.000000e+00 : f32
      %broadcast_in_dim3A_512 = vector.broadcast %broadcast_in_dim3A_511 : f32 to vector<16xf32>
      %swap3A_513 = arith.constant 0 : i32
      %swap3A_514 = arith.index_cast %swap3A_513 : i32 to index
      %swap3A_515 = arith.index_cast %scan3A_485 : i32 to index
      %swap3A_516 = arith.constant 48 : index
      %swap3A_517 = tpu.vector_load %arg7[%swap3A_514, %swap3A_515, %swap3A_516] {strides = array<i32>} : memref<2x125x128xf32, #tpu.memory_space<vmem>>, vector<1x1x16xf32>,
      %swap3A_518 = vector.shape_cast %swap3A_517 : vector<1x1x16xf32> to vector<16xf32>
      %swap3A_519 = vector.shape_cast %broadcast_in_dim3A_512 : vector<16xf32> to vector<1x1x16xf32>
      tpu.vector_store %arg7[%swap3A_514, %swap3A_515, %swap3A_516], %swap3A_519 {strides = array<i32>} : memref<2x125x128xf32, #tpu.memory_space<vmem>>, vector<1x1x16xf32>,
      %broadcast_in_dim3A_520 = arith.constant 0.000000e+00 : f32
      %broadcast_in_dim3A_521 = vector.broadcast %broadcast_in_dim3A_520 : f32 to vector<16xf32>
      %swap3A_522 = arith.constant 0 : i32
      %swap3A_523 = arith.index_cast %swap3A_522 : i32 to index
      %swap3A_524 = arith.index_cast %scan3A_485 : i32 to index
      %swap3A_525 = arith.constant 64 : index
      %swap3A_526 = tpu.vector_load %arg7[%swap3A_523, %swap3A_524, %swap3A_525] {strides = array<i32>} : memref<2x125x128xf32, #tpu.memory_space<vmem>>, vector<1x1x16xf32>,
      %swap3A_527 = vector.shape_cast %swap3A_526 : vector<1x1x16xf32> to vector<16xf32>
      %swap3A_528 = vector.shape_cast %broadcast_in_dim3A_521 : vector<16xf32> to vector<1x1x16xf32>
      tpu.vector_store %arg7[%swap3A_523, %swap3A_524, %swap3A_525], %swap3A_528 {strides = array<i32>} : memref<2x125x128xf32, #tpu.memory_space<vmem>>, vector<1x1x16xf32>,
      %broadcast_in_dim3A_529 = arith.constant 0.000000e+00 : f32
      %broadcast_in_dim3A_530 = vector.broadcast %broadcast_in_dim3A_529 : f32 to vector<16xf32>
      %swap3A_531 = arith.constant 0 : i32
      %swap3A_532 = arith.index_cast %swap3A_531 : i32 to index
      %swap3A_533 = arith.index_cast %scan3A_485 : i32 to index
      %swap3A_534 = arith.constant 80 : index
      %swap3A_535 = tpu.vector_load %arg7[%swap3A_532, %swap3A_533, %swap3A_534] {strides = array<i32>} : memref<2x125x128xf32, #tpu.memory_space<vmem>>, vector<1x1x16xf32>,
      %swap3A_536 = vector.shape_cast %swap3A_535 : vector<1x1x16xf32> to vector<16xf32>
      %swap3A_537 = vector.shape_cast %broadcast_in_dim3A_530 : vector<16xf32> to vector<1x1x16xf32>
      tpu.vector_store %arg7[%swap3A_532, %swap3A_533, %swap3A_534], %swap3A_537 {strides = array<i32>} : memref<2x125x128xf32, #tpu.memory_space<vmem>>, vector<1x1x16xf32>,
      %broadcast_in_dim3A_538 = arith.constant 0.000000e+00 : f32
      %broadcast_in_dim3A_539 = vector.broadcast %broadcast_in_dim3A_538 : f32 to vector<16xf32>
      %swap3A_540 = arith.constant 0 : i32
      %swap3A_541 = arith.index_cast %swap3A_540 : i32 to index
      %swap3A_542 = arith.index_cast %scan3A_485 : i32 to index
      %swap3A_543 = arith.constant 96 : index
      %swap3A_544 = tpu.vector_load %arg7[%swap3A_541, %swap3A_542, %swap3A_543] {strides = array<i32>} : memref<2x125x128xf32, #tpu.memory_space<vmem>>, vector<1x1x16xf32>,
      %swap3A_545 = vector.shape_cast %swap3A_544 : vector<1x1x16xf32> to vector<16xf32>
      %swap3A_546 = vector.shape_cast %broadcast_in_dim3A_539 : vector<16xf32> to vector<1x1x16xf32>
      tpu.vector_store %arg7[%swap3A_541, %swap3A_542, %swap3A_543], %swap3A_546 {strides = array<i32>} : memref<2x125x128xf32, #tpu.memory_space<vmem>>, vector<1x1x16xf32>,
      %broadcast_in_dim3A_547 = arith.constant 0.000000e+00 : f32
      %broadcast_in_dim3A_548 = vector.broadcast %broadcast_in_dim3A_547 : f32 to vector<16xf32>
      %swap3A_549 = arith.constant 0 : i32
      %swap3A_550 = arith.index_cast %swap3A_549 : i32 to index
      %swap3A_551 = arith.index_cast %scan3A_485 : i32 to index
      %swap3A_552 = arith.constant 112 : index
      %swap3A_553 = tpu.vector_load %arg7[%swap3A_550, %swap3A_551, %swap3A_552] {strides = array<i32>} : memref<2x125x128xf32, #tpu.memory_space<vmem>>, vector<1x1x16xf32>,
      %swap3A_554 = vector.shape_cast %swap3A_553 : vector<1x1x16xf32> to vector<16xf32>
      %swap3A_555 = vector.shape_cast %broadcast_in_dim3A_548 : vector<16xf32> to vector<1x1x16xf32>
      tpu.vector_store %arg7[%swap3A_550, %swap3A_551, %swap3A_552], %swap3A_555 {strides = array<i32>} : memref<2x125x128xf32, #tpu.memory_space<vmem>>, vector<1x1x16xf32>,
    }
    %scan3A_80 = arith.constant 120 : i32
    %mul3A_81 = arith.constant 640 : i32
    %mul3A_82 = arith.muli %arg1, %mul3A_81 : i32
    %add3A_83 = arith.constant 0 : i32
    %add3A_84 = arith.addi %mul3A_82, %add3A_83 : i32
    %dma_start3A_85 = arith.constant 0 : i32
    %dma_start3A_86 = arith.constant 0 : i32
    %dma_start3A_87 = arith.constant 0 : i32
    %dma_start3A_88 = tpu.memref_slice %arg7[%dma_start3A_85, %dma_start3A_86, %dma_start3A_87] : memref<2x125x128xf32, #tpu.memory_space<vmem>> -> memref<1x120x128xf32, #tpu.memory_space<vmem>>
    %dma_start3A_89 = tpu.memref_squeeze %dma_start3A_88 : memref<1x120x128xf32, #tpu.memory_space<vmem>> -> memref<120x128xf32, #tpu.memory_space<vmem>>
    %dma_start3A_90 = arith.constant 0 : i32
    %dma_start3A_91 = tpu.memref_slice %arg8[%add3A_84, %dma_start3A_90] : memref<10240x128xf32, #tpu.memory_space<vmem_shared>> -> memref<120x128xf32, #tpu.memory_space<vmem_shared>>
    %dma_start3A_92 = arith.constant 0 : i32
    %dma_start3A_93 = tpu.memref_slice %arg8[%add3A_84, %dma_start3A_92] : memref<10240x128xf32, #tpu.memory_space<vmem_shared>> -> memref<120x128xf32, #tpu.memory_space<vmem_shared>>
    %dma_start3A_94 = arith.constant 0 : i32
    %dma_start3A_95 = arith.constant 0 : i32
    %dma_start3A_96 = tpu.memref_slice %arg7[%dma_start3A_85, %dma_start3A_94, %dma_start3A_95] : memref<2x125x128xf32, #tpu.memory_space<vmem>> -> memref<1x120x128xf32, #tpu.memory_space<vmem>>
    %dma_start3A_97 = tpu.memref_squeeze %dma_start3A_96 : memref<1x120x128xf32, #tpu.memory_space<vmem>> -> memref<120x128xf32, #tpu.memory_space<vmem>>
    tpu.enqueue_dma source(%dma_start3A_97 : memref<120x128xf32, #tpu.memory_space<vmem>>) target(%dma_start3A_93 : memref<120x128xf32, #tpu.memory_space<vmem_shared>>) target_semaphore(%arg13 : memref<!tpu.dma_semaphore, #tpu.memory_space<semaphore_mem>>)
    %mul3A_98 = arith.constant 640 : i32
    %mul3A_99 = arith.muli %arg1, %mul3A_98 : i32
    %add3A_100 = arith.constant 120 : i32
    %add3A_101 = arith.addi %mul3A_99, %add3A_100 : i32
    %dma_start3A_102 = arith.constant 0 : i32
    %dma_start3A_103 = arith.constant 0 : i32
    %dma_start3A_104 = arith.constant 0 : i32
    %dma_start3A_105 = tpu.memref_slice %arg7[%dma_start3A_102, %dma_start3A_103, %dma_start3A_104] : memref<2x125x128xf32, #tpu.memory_space<vmem>> -> memref<1x120x128xf32, #tpu.memory_space<vmem>>
    %dma_start3A_106 = tpu.memref_squeeze %dma_start3A_105 : memref<1x120x128xf32, #tpu.memory_space<vmem>> -> memref<120x128xf32, #tpu.memory_space<vmem>>
    %dma_start3A_107 = arith.constant 0 : i32
    %dma_start3A_108 = tpu.memref_slice %arg8[%add3A_101, %dma_start3A_107] : memref<10240x128xf32, #tpu.memory_space<vmem_shared>> -> memref<120x128xf32, #tpu.memory_space<vmem_shared>>
    %dma_start3A_109 = arith.constant 0 : i32
    %dma_start3A_110 = tpu.memref_slice %arg8[%add3A_101, %dma_start3A_109] : memref<10240x128xf32, #tpu.memory_space<vmem_shared>> -> memref<120x128xf32, #tpu.memory_space<vmem_shared>>
    %dma_start3A_111 = arith.constant 0 : i32
    %dma_start3A_112 = arith.constant 0 : i32
    %dma_start3A_113 = tpu.memref_slice %arg7[%dma_start3A_102, %dma_start3A_111, %dma_start3A_112] : memref<2x125x128xf32, #tpu.memory_space<vmem>> -> memref<1x120x128xf32, #tpu.memory_space<vmem>>
    %dma_start3A_114 = tpu.memref_squeeze %dma_start3A_113 : memref<1x120x128xf32, #tpu.memory_space<vmem>> -> memref<120x128xf32, #tpu.memory_space<vmem>>
    tpu.enqueue_dma source(%dma_start3A_114 : memref<120x128xf32, #tpu.memory_space<vmem>>) target(%dma_start3A_110 : memref<120x128xf32, #tpu.memory_space<vmem_shared>>) target_semaphore(%arg13 : memref<!tpu.dma_semaphore, #tpu.memory_space<semaphore_mem>>)
    %mul3A_115 = arith.constant 640 : i32
    %mul3A_116 = arith.muli %arg1, %mul3A_115 : i32
    %add3A_117 = arith.constant 240 : i32
    %add3A_118 = arith.addi %mul3A_116, %add3A_117 : i32
    %dma_start3A_119 = arith.constant 0 : i32
    %dma_start3A_120 = arith.constant 0 : i32
    %dma_start3A_121 = arith.constant 0 : i32
    %dma_start3A_122 = tpu.memref_slice %arg7[%dma_start3A_119, %dma_start3A_120, %dma_start3A_121] : memref<2x125x128xf32, #tpu.memory_space<vmem>> -> memref<1x120x128xf32, #tpu.memory_space<vmem>>
    %dma_start3A_123 = tpu.memref_squeeze %dma_start3A_122 : memref<1x120x128xf32, #tpu.memory_space<vmem>> -> memref<120x128xf32, #tpu.memory_space<vmem>>
    %dma_start3A_124 = arith.constant 0 : i32
    %dma_start3A_125 = tpu.memref_slice %arg8[%add3A_118, %dma_start3A_124] : memref<10240x128xf32, #tpu.memory_space<vmem_shared>> -> memref<120x128xf32, #tpu.memory_space<vmem_shared>>
    %dma_start3A_126 = arith.constant 0 : i32
    %dma_start3A_127 = tpu.memref_slice %arg8[%add3A_118, %dma_start3A_126] : memref<10240x128xf32, #tpu.memory_space<vmem_shared>> -> memref<120x128xf32, #tpu.memory_space<vmem_shared>>
    %dma_start3A_128 = arith.constant 0 : i32
    %dma_start3A_129 = arith.constant 0 : i32
    %dma_start3A_130 = tpu.memref_slice %arg7[%dma_start3A_119, %dma_start3A_128, %dma_start3A_129] : memref<2x125x128xf32, #tpu.memory_space<vmem>> -> memref<1x120x128xf32, #tpu.memory_space<vmem>>
    %dma_start3A_131 = tpu.memref_squeeze %dma_start3A_130 : memref<1x120x128xf32, #tpu.memory_space<vmem>> -> memref<120x128xf32, #tpu.memory_space<vmem>>
    tpu.enqueue_dma source(%dma_start3A_131 : memref<120x128xf32, #tpu.memory_space<vmem>>) target(%dma_start3A_127 : memref<120x128xf32, #tpu.memory_space<vmem_shared>>) target_semaphore(%arg13 : memref<!tpu.dma_semaphore, #tpu.memory_space<semaphore_mem>>)
    %mul3A_132 = arith.constant 640 : i32
    %mul3A_133 = arith.muli %arg1, %mul3A_132 : i32
    %add3A_134 = arith.constant 360 : i32
    %add3A_135 = arith.addi %mul3A_133, %add3A_134 : i32
    %dma_start3A_136 = arith.constant 0 : i32
    %dma_start3A_137 = arith.constant 0 : i32
    %dma_start3A_138 = arith.constant 0 : i32
    %dma_start3A_139 = tpu.memref_slice %arg7[%dma_start3A_136, %dma_start3A_137, %dma_start3A_138] : memref<2x125x128xf32, #tpu.memory_space<vmem>> -> memref<1x120x128xf32, #tpu.memory_space<vmem>>
    %dma_start3A_140 = tpu.memref_squeeze %dma_start3A_139 : memref<1x120x128xf32, #tpu.memory_space<vmem>> -> memref<120x128xf32, #tpu.memory_space<vmem>>
    %dma_start3A_141 = arith.constant 0 : i32
    %dma_start3A_142 = tpu.memref_slice %arg8[%add3A_135, %dma_start3A_141] : memref<10240x128xf32, #tpu.memory_space<vmem_shared>> -> memref<120x128xf32, #tpu.memory_space<vmem_shared>>
    %dma_start3A_143 = arith.constant 0 : i32
    %dma_start3A_144 = tpu.memref_slice %arg8[%add3A_135, %dma_start3A_143] : memref<10240x128xf32, #tpu.memory_space<vmem_shared>> -> memref<120x128xf32, #tpu.memory_space<vmem_shared>>
    %dma_start3A_145 = arith.constant 0 : i32
    %dma_start3A_146 = arith.constant 0 : i32
    %dma_start3A_147 = tpu.memref_slice %arg7[%dma_start3A_136, %dma_start3A_145, %dma_start3A_146] : memref<2x125x128xf32, #tpu.memory_space<vmem>> -> memref<1x120x128xf32, #tpu.memory_space<vmem>>
    %dma_start3A_148 = tpu.memref_squeeze %dma_start3A_147 : memref<1x120x128xf32, #tpu.memory_space<vmem>> -> memref<120x128xf32, #tpu.memory_space<vmem>>
    tpu.enqueue_dma source(%dma_start3A_148 : memref<120x128xf32, #tpu.memory_space<vmem>>) target(%dma_start3A_144 : memref<120x128xf32, #tpu.memory_space<vmem_shared>>) target_semaphore(%arg13 : memref<!tpu.dma_semaphore, #tpu.memory_space<semaphore_mem>>)
    %mul3A_149 = arith.constant 640 : i32
    %mul3A_150 = arith.muli %arg1, %mul3A_149 : i32
    %add3A_151 = arith.constant 480 : i32
    %add3A_152 = arith.addi %mul3A_150, %add3A_151 : i32
    %dma_start3A_153 = arith.constant 0 : i32
    %dma_start3A_154 = arith.constant 0 : i32
    %dma_start3A_155 = arith.constant 0 : i32
    %dma_start3A_156 = tpu.memref_slice %arg7[%dma_start3A_153, %dma_start3A_154, %dma_start3A_155] : memref<2x125x128xf32, #tpu.memory_space<vmem>> -> memref<1x120x128xf32, #tpu.memory_space<vmem>>
    %dma_start3A_157 = tpu.memref_squeeze %dma_start3A_156 : memref<1x120x128xf32, #tpu.memory_space<vmem>> -> memref<120x128xf32, #tpu.memory_space<vmem>>
    %dma_start3A_158 = arith.constant 0 : i32
    %dma_start3A_159 = tpu.memref_slice %arg8[%add3A_152, %dma_start3A_158] : memref<10240x128xf32, #tpu.memory_space<vmem_shared>> -> memref<120x128xf32, #tpu.memory_space<vmem_shared>>
    %dma_start3A_160 = arith.constant 0 : i32
    %dma_start3A_161 = tpu.memref_slice %arg8[%add3A_152, %dma_start3A_160] : memref<10240x128xf32, #tpu.memory_space<vmem_shared>> -> memref<120x128xf32, #tpu.memory_space<vmem_shared>>
    %dma_start3A_162 = arith.constant 0 : i32
    %dma_start3A_163 = arith.constant 0 : i32
    %dma_start3A_164 = tpu.memref_slice %arg7[%dma_start3A_153, %dma_start3A_162, %dma_start3A_163] : memref<2x125x128xf32, #tpu.memory_space<vmem>> -> memref<1x120x128xf32, #tpu.memory_space<vmem>>
    %dma_start3A_165 = tpu.memref_squeeze %dma_start3A_164 : memref<1x120x128xf32, #tpu.memory_space<vmem>> -> memref<120x128xf32, #tpu.memory_space<vmem>>
    tpu.enqueue_dma source(%dma_start3A_165 : memref<120x128xf32, #tpu.memory_space<vmem>>) target(%dma_start3A_161 : memref<120x128xf32, #tpu.memory_space<vmem_shared>>) target_semaphore(%arg13 : memref<!tpu.dma_semaphore, #tpu.memory_space<semaphore_mem>>)
    %mul3A_166 = arith.constant 640 : i32
    %mul3A_167 = arith.muli %arg1, %mul3A_166 : i32
    %add3A_168 = arith.constant 600 : i32
    %add3A_169 = arith.addi %mul3A_167, %add3A_168 : i32
    %dma_start3A_170 = arith.constant 0 : i32
    %dma_start3A_171 = arith.constant 0 : i32
    %dma_start3A_172 = arith.constant 0 : i32
    %dma_start3A_173 = tpu.memref_slice %arg7[%dma_start3A_170, %dma_start3A_171, %dma_start3A_172] : memref<2x125x128xf32, #tpu.memory_space<vmem>> -> memref<1x40x128xf32, #tpu.memory_space<vmem>>
    %dma_start3A_174 = tpu.memref_squeeze %dma_start3A_173 : memref<1x40x128xf32, #tpu.memory_space<vmem>> -> memref<40x128xf32, #tpu.memory_space<vmem>>
    %dma_start3A_175 = arith.constant 0 : i32
    %dma_start3A_176 = tpu.memref_slice %arg8[%add3A_169, %dma_start3A_175] : memref<10240x128xf32, #tpu.memory_space<vmem_shared>> -> memref<40x128xf32, #tpu.memory_space<vmem_shared>>
    %dma_start3A_177 = arith.constant 0 : i32
    %dma_start3A_178 = tpu.memref_slice %arg8[%add3A_169, %dma_start3A_177] : memref<10240x128xf32, #tpu.memory_space<vmem_shared>> -> memref<40x128xf32, #tpu.memory_space<vmem_shared>>
    %dma_start3A_179 = arith.constant 0 : i32
    %dma_start3A_180 = arith.constant 0 : i32
    %dma_start3A_181 = tpu.memref_slice %arg7[%dma_start3A_170, %dma_start3A_179, %dma_start3A_180] : memref<2x125x128xf32, #tpu.memory_space<vmem>> -> memref<1x40x128xf32, #tpu.memory_space<vmem>>
    %dma_start3A_182 = tpu.memref_squeeze %dma_start3A_181 : memref<1x40x128xf32, #tpu.memory_space<vmem>> -> memref<40x128xf32, #tpu.memory_space<vmem>>
    tpu.enqueue_dma source(%dma_start3A_182 : memref<40x128xf32, #tpu.memory_space<vmem>>) target(%dma_start3A_178 : memref<40x128xf32, #tpu.memory_space<vmem_shared>>) target_semaphore(%arg13 : memref<!tpu.dma_semaphore, #tpu.memory_space<semaphore_mem>>)
    %dma_wait3A = arith.constant 0 : i32
    %dma_wait3A_183 = arith.constant 0 : i32
    %dma_wait3A_184 = arith.constant 0 : i32
    %dma_wait3A_185 = arith.constant 0 : i32
    %dma_wait3A_186 = arith.constant 0 : i32
    %dma_wait3A_187 = tpu.memref_slice %arg5[%dma_wait3A_184, %dma_wait3A_185, %dma_wait3A_186] : memref<2x8x125xi32, #tpu.memory_space<vmem>> -> memref<1x8x125xi32, #tpu.memory_space<vmem>>
    %dma_wait3A_188 = tpu.memref_squeeze %dma_wait3A_187 : memref<1x8x125xi32, #tpu.memory_space<vmem>> -> memref<8x125xi32, #tpu.memory_space<vmem>>
    %dma_wait3A_189 = arith.constant 0 : i32
    %dma_wait3A_190 = arith.constant 0 : i32
    %dma_wait3A_191 = tpu.memref_slice %arg3[%dma_wait3A, %add3A, %dma_wait3A_183, %dma_wait3A_189, %dma_wait3A_190] : memref<2x32x10x8x125xi32, #tpu.memory_space<hbm>> -> memref<1x1x1x8x125xi32, #tpu.memory_space<hbm>>
    %dma_wait3A_192 = tpu.memref_squeeze %dma_wait3A_191 : memref<1x1x1x8x125xi32, #tpu.memory_space<hbm>> -> memref<8x125xi32, #tpu.memory_space<hbm>>
    %dma_wait3A_193 = arith.constant 0 : i32
    %dma_wait3A_194 = arith.constant 0 : i32
    %dma_wait3A_195 = tpu.memref_slice %arg5[%dma_wait3A_184, %dma_wait3A_193, %dma_wait3A_194] : memref<2x8x125xi32, #tpu.memory_space<vmem>> -> memref<1x8x125xi32, #tpu.memory_space<vmem>>
    %dma_wait3A_196 = tpu.memref_squeeze %dma_wait3A_195 : memref<1x8x125xi32, #tpu.memory_space<vmem>> -> memref<8x125xi32, #tpu.memory_space<vmem>>
    %dma_wait3A_197 = arith.constant 0 : i32
    %dma_wait3A_198 = arith.constant 0 : i32
    %dma_wait3A_199 = tpu.memref_slice %arg3[%dma_wait3A, %add3A, %dma_wait3A_183, %dma_wait3A_197, %dma_wait3A_198] : memref<2x32x10x8x125xi32, #tpu.memory_space<hbm>> -> memref<1x1x1x8x125xi32, #tpu.memory_space<hbm>>
    %dma_wait3A_200 = tpu.memref_squeeze %dma_wait3A_199 : memref<1x1x1x8x125xi32, #tpu.memory_space<hbm>> -> memref<8x125xi32, #tpu.memory_space<hbm>>
    tpu.wait_dma2 semaphore(%arg9 : memref<!tpu.dma_semaphore, #tpu.memory_space<semaphore_mem>>) src(%dma_wait3A_200 : memref<8x125xi32, #tpu.memory_space<hbm>>) dst(%dma_wait3A_196 : memref<8x125xi32, #tpu.memory_space<vmem>>)
    %dma_wait3A_201 = arith.constant 1 : i32
    %dma_wait3A_202 = arith.constant 0 : i32
    %dma_wait3A_203 = arith.constant 0 : i32
    %dma_wait3A_204 = arith.constant 0 : i32
    %dma_wait3A_205 = arith.constant 0 : i32
    %dma_wait3A_206 = tpu.memref_slice %arg6[%dma_wait3A_203, %dma_wait3A_204, %dma_wait3A_205] : memref<2x8x125xi32, #tpu.memory_space<vmem>> -> memref<1x8x125xi32, #tpu.memory_space<vmem>>
    %dma_wait3A_207 = tpu.memref_squeeze %dma_wait3A_206 : memref<1x8x125xi32, #tpu.memory_space<vmem>> -> memref<8x125xi32, #tpu.memory_space<vmem>>
    %dma_wait3A_208 = arith.constant 0 : i32
    %dma_wait3A_209 = arith.constant 0 : i32
    %dma_wait3A_210 = tpu.memref_slice %arg3[%dma_wait3A_201, %add3A, %dma_wait3A_202, %dma_wait3A_208, %dma_wait3A_209] : memref<2x32x10x8x125xi32, #tpu.memory_space<hbm>> -> memref<1x1x1x8x125xi32, #tpu.memory_space<hbm>>
    %dma_wait3A_211 = tpu.memref_squeeze %dma_wait3A_210 : memref<1x1x1x8x125xi32, #tpu.memory_space<hbm>> -> memref<8x125xi32, #tpu.memory_space<hbm>>
    %dma_wait3A_212 = arith.constant 0 : i32
    %dma_wait3A_213 = arith.constant 0 : i32
    %dma_wait3A_214 = tpu.memref_slice %arg6[%dma_wait3A_203, %dma_wait3A_212, %dma_wait3A_213] : memref<2x8x125xi32, #tpu.memory_space<vmem>> -> memref<1x8x125xi32, #tpu.memory_space<vmem>>
    %dma_wait3A_215 = tpu.memref_squeeze %dma_wait3A_214 : memref<1x8x125xi32, #tpu.memory_space<vmem>> -> memref<8x125xi32, #tpu.memory_space<vmem>>
    %dma_wait3A_216 = arith.constant 0 : i32
    %dma_wait3A_217 = arith.constant 0 : i32
    %dma_wait3A_218 = tpu.memref_slice %arg3[%dma_wait3A_201, %add3A, %dma_wait3A_202, %dma_wait3A_216, %dma_wait3A_217] : memref<2x32x10x8x125xi32, #tpu.memory_space<hbm>> -> memref<1x1x1x8x125xi32, #tpu.memory_space<hbm>>
    %dma_wait3A_219 = tpu.memref_squeeze %dma_wait3A_218 : memref<1x1x1x8x125xi32, #tpu.memory_space<hbm>> -> memref<8x125xi32, #tpu.memory_space<hbm>>
    tpu.wait_dma2 semaphore(%arg9 : memref<!tpu.dma_semaphore, #tpu.memory_space<semaphore_mem>>) src(%dma_wait3A_219 : memref<8x125xi32, #tpu.memory_space<hbm>>) dst(%dma_wait3A_215 : memref<8x125xi32, #tpu.memory_space<vmem>>)
    %dma_start3A_220 = arith.constant 0 : i32
    %dma_start3A_221 = arith.constant 1 : i32
    %dma_start3A_222 = arith.constant 1 : i32
    %dma_start3A_223 = arith.constant 0 : i32
    %dma_start3A_224 = arith.constant 0 : i32
    %dma_start3A_225 = tpu.memref_slice %arg7[%dma_start3A_222, %dma_start3A_223, %dma_start3A_224] : memref<2x125x128xf32, #tpu.memory_space<vmem>> -> memref<1x125x128xf32, #tpu.memory_space<vmem>>
    %dma_start3A_226 = tpu.memref_squeeze %dma_start3A_225 : memref<1x125x128xf32, #tpu.memory_space<vmem>> -> memref<125x128xf32, #tpu.memory_space<vmem>>
    %dma_start3A_227 = arith.constant 0 : i32
    %dma_start3A_228 = tpu.memref_slice %arg5[%dma_start3A_220, %dma_start3A_221, %dma_start3A_227] : memref<2x8x125xi32, #tpu.memory_space<vmem>> -> memref<1x1x125xi32, #tpu.memory_space<vmem>>
    %dma_start3A_229 = tpu.memref_squeeze %dma_start3A_228 : memref<1x1x125xi32, #tpu.memory_space<vmem>> -> memref<125xi32, #tpu.memory_space<vmem>>
    %dma_start3A_230 = arith.constant 0 : i32
    %dma_start3A_231 = arith.constant 0 : i32
    %dma_start3A_232 = tpu.memref_slice %arg2[%dma_start3A_230, %dma_start3A_231] : memref<10000x128xf32, #tpu.memory_space<hbm>> -> memref<10000x128xf32, #tpu.memory_space<hbm>>
    tpu.enqueue_indirect_dma source(%dma_start3A_232 : memref<10000x128xf32, #tpu.memory_space<hbm>>) target(%dma_start3A_226 : memref<125x128xf32, #tpu.memory_space<vmem>>) offsets(%dma_start3A_229 : memref<125xi32, #tpu.memory_space<vmem>>) semaphore(%arg12 : memref<!tpu.dma_semaphore, #tpu.memory_space<semaphore_mem>>)
    %dma_wait3A_233 = arith.constant 0 : i32
    %dma_wait3A_234 = arith.constant 0 : i32
    %dma_wait3A_235 = arith.constant 0 : i32
    %dma_wait3A_236 = tpu.memref_slice %arg7[%dma_wait3A_233, %dma_wait3A_234, %dma_wait3A_235] : memref<2x125x128xf32, #tpu.memory_space<vmem>> -> memref<1x120x128xf32, #tpu.memory_space<vmem>>
    %dma_wait3A_237 = tpu.memref_squeeze %dma_wait3A_236 : memref<1x120x128xf32, #tpu.memory_space<vmem>> -> memref<120x128xf32, #tpu.memory_space<vmem>>
    %dma_wait3A_238 = arith.constant 0 : i32
    %dma_wait3A_239 = tpu.memref_slice %arg8[%add3A_84, %dma_wait3A_238] : memref<10240x128xf32, #tpu.memory_space<vmem_shared>> -> memref<120x128xf32, #tpu.memory_space<vmem_shared>>
    %dma_wait3A_240 = arith.constant 0 : i32
    %dma_wait3A_241 = tpu.memref_slice %arg8[%add3A_84, %dma_wait3A_240] : memref<10240x128xf32, #tpu.memory_space<vmem_shared>> -> memref<120x128xf32, #tpu.memory_space<vmem_shared>>
    %dma_wait3A_242 = arith.constant 0 : i32
    %dma_wait3A_243 = arith.constant 0 : i32
    %dma_wait3A_244 = tpu.memref_slice %arg7[%dma_wait3A_233, %dma_wait3A_242, %dma_wait3A_243] : memref<2x125x128xf32, #tpu.memory_space<vmem>> -> memref<1x120x128xf32, #tpu.memory_space<vmem>>
    %dma_wait3A_245 = tpu.memref_squeeze %dma_wait3A_244 : memref<1x120x128xf32, #tpu.memory_space<vmem>> -> memref<120x128xf32, #tpu.memory_space<vmem>>
    tpu.wait_dma2 semaphore(%arg13 : memref<!tpu.dma_semaphore, #tpu.memory_space<semaphore_mem>>) src(%dma_wait3A_245 : memref<120x128xf32, #tpu.memory_space<vmem>>) dst(%dma_wait3A_241 : memref<120x128xf32, #tpu.memory_space<vmem_shared>>)
    %dma_wait3A_246 = arith.constant 0 : i32
    %dma_wait3A_247 = arith.constant 0 : i32
    %dma_wait3A_248 = arith.constant 0 : i32
    %dma_wait3A_249 = tpu.memref_slice %arg7[%dma_wait3A_246, %dma_wait3A_247, %dma_wait3A_248] : memref<2x125x128xf32, #tpu.memory_space<vmem>> -> memref<1x120x128xf32, #tpu.memory_space<vmem>>
    %dma_wait3A_250 = tpu.memref_squeeze %dma_wait3A_249 : memref<1x120x128xf32, #tpu.memory_space<vmem>> -> memref<120x128xf32, #tpu.memory_space<vmem>>
    %dma_wait3A_251 = arith.constant 0 : i32
    %dma_wait3A_252 = tpu.memref_slice %arg8[%add3A_101, %dma_wait3A_251] : memref<10240x128xf32, #tpu.memory_space<vmem_shared>> -> memref<120x128xf32, #tpu.memory_space<vmem_shared>>
    %dma_wait3A_253 = arith.constant 0 : i32
    %dma_wait3A_254 = tpu.memref_slice %arg8[%add3A_101, %dma_wait3A_253] : memref<10240x128xf32, #tpu.memory_space<vmem_shared>> -> memref<120x128xf32, #tpu.memory_space<vmem_shared>>
    %dma_wait3A_255 = arith.constant 0 : i32
    %dma_wait3A_256 = arith.constant 0 : i32
    %dma_wait3A_257 = tpu.memref_slice %arg7[%dma_wait3A_246, %dma_wait3A_255, %dma_wait3A_256] : memref<2x125x128xf32, #tpu.memory_space<vmem>> -> memref<1x120x128xf32, #tpu.memory_space<vmem>>
    %dma_wait3A_258 = tpu.memref_squeeze %dma_wait3A_257 : memref<1x120x128xf32, #tpu.memory_space<vmem>> -> memref<120x128xf32, #tpu.memory_space<vmem>>
    tpu.wait_dma2 semaphore(%arg13 : memref<!tpu.dma_semaphore, #tpu.memory_space<semaphore_mem>>) src(%dma_wait3A_258 : memref<120x128xf32, #tpu.memory_space<vmem>>) dst(%dma_wait3A_254 : memref<120x128xf32, #tpu.memory_space<vmem_shared>>)
    %dma_wait3A_259 = arith.constant 0 : i32
    %dma_wait3A_260 = arith.constant 0 : i32
    %dma_wait3A_261 = arith.constant 0 : i32
    %dma_wait3A_262 = tpu.memref_slice %arg7[%dma_wait3A_259, %dma_wait3A_260, %dma_wait3A_261] : memref<2x125x128xf32, #tpu.memory_space<vmem>> -> memref<1x120x128xf32, #tpu.memory_space<vmem>>
    %dma_wait3A_263 = tpu.memref_squeeze %dma_wait3A_262 : memref<1x120x128xf32, #tpu.memory_space<vmem>> -> memref<120x128xf32, #tpu.memory_space<vmem>>
    %dma_wait3A_264 = arith.constant 0 : i32
    %dma_wait3A_265 = tpu.memref_slice %arg8[%add3A_118, %dma_wait3A_264] : memref<10240x128xf32, #tpu.memory_space<vmem_shared>> -> memref<120x128xf32, #tpu.memory_space<vmem_shared>>
    %dma_wait3A_266 = arith.constant 0 : i32
    %dma_wait3A_267 = tpu.memref_slice %arg8[%add3A_118, %dma_wait3A_266] : memref<10240x128xf32, #tpu.memory_space<vmem_shared>> -> memref<120x128xf32, #tpu.memory_space<vmem_shared>>
    %dma_wait3A_268 = arith.constant 0 : i32
    %dma_wait3A_269 = arith.constant 0 : i32
    %dma_wait3A_270 = tpu.memref_slice %arg7[%dma_wait3A_259, %dma_wait3A_268, %dma_wait3A_269] : memref<2x125x128xf32, #tpu.memory_space<vmem>> -> memref<1x120x128xf32, #tpu.memory_space<vmem>>
    %dma_wait3A_271 = tpu.memref_squeeze %dma_wait3A_270 : memref<1x120x128xf32, #tpu.memory_space<vmem>> -> memref<120x128xf32, #tpu.memory_space<vmem>>
    tpu.wait_dma2 semaphore(%arg13 : memref<!tpu.dma_semaphore, #tpu.memory_space<semaphore_mem>>) src(%dma_wait3A_271 : memref<120x128xf32, #tpu.memory_space<vmem>>) dst(%dma_wait3A_267 : memref<120x128xf32, #tpu.memory_space<vmem_shared>>)
    %dma_wait3A_272 = arith.constant 0 : i32
    %dma_wait3A_273 = arith.constant 0 : i32
    %dma_wait3A_274 = arith.constant 0 : i32
    %dma_wait3A_275 = tpu.memref_slice %arg7[%dma_wait3A_272, %dma_wait3A_273, %dma_wait3A_274] : memref<2x125x128xf32, #tpu.memory_space<vmem>> -> memref<1x120x128xf32, #tpu.memory_space<vmem>>
    %dma_wait3A_276 = tpu.memref_squeeze %dma_wait3A_275 : memref<1x120x128xf32, #tpu.memory_space<vmem>> -> memref<120x128xf32, #tpu.memory_space<vmem>>
    %dma_wait3A_277 = arith.constant 0 : i32
    %dma_wait3A_278 = tpu.memref_slice %arg8[%add3A_135, %dma_wait3A_277] : memref<10240x128xf32, #tpu.memory_space<vmem_shared>> -> memref<120x128xf32, #tpu.memory_space<vmem_shared>>
    %dma_wait3A_279 = arith.constant 0 : i32
    %dma_wait3A_280 = tpu.memref_slice %arg8[%add3A_135, %dma_wait3A_279] : memref<10240x128xf32, #tpu.memory_space<vmem_shared>> -> memref<120x128xf32, #tpu.memory_space<vmem_shared>>
    %dma_wait3A_281 = arith.constant 0 : i32
    %dma_wait3A_282 = arith.constant 0 : i32
    %dma_wait3A_283 = tpu.memref_slice %arg7[%dma_wait3A_272, %dma_wait3A_281, %dma_wait3A_282] : memref<2x125x128xf32, #tpu.memory_space<vmem>> -> memref<1x120x128xf32, #tpu.memory_space<vmem>>
    %dma_wait3A_284 = tpu.memref_squeeze %dma_wait3A_283 : memref<1x120x128xf32, #tpu.memory_space<vmem>> -> memref<120x128xf32, #tpu.memory_space<vmem>>
    tpu.wait_dma2 semaphore(%arg13 : memref<!tpu.dma_semaphore, #tpu.memory_space<semaphore_mem>>) src(%dma_wait3A_284 : memref<120x128xf32, #tpu.memory_space<vmem>>) dst(%dma_wait3A_280 : memref<120x128xf32, #tpu.memory_space<vmem_shared>>)
    %dma_wait3A_285 = arith.constant 0 : i32
    %dma_wait3A_286 = arith.constant 0 : i32
    %dma_wait3A_287 = arith.constant 0 : i32
    %dma_wait3A_288 = tpu.memref_slice %arg7[%dma_wait3A_285, %dma_wait3A_286, %dma_wait3A_287] : memref<2x125x128xf32, #tpu.memory_space<vmem>> -> memref<1x120x128xf32, #tpu.memory_space<vmem>>
    %dma_wait3A_289 = tpu.memref_squeeze %dma_wait3A_288 : memref<1x120x128xf32, #tpu.memory_space<vmem>> -> memref<120x128xf32, #tpu.memory_space<vmem>>
    %dma_wait3A_290 = arith.constant 0 : i32
    %dma_wait3A_291 = tpu.memref_slice %arg8[%add3A_152, %dma_wait3A_290] : memref<10240x128xf32, #tpu.memory_space<vmem_shared>> -> memref<120x128xf32, #tpu.memory_space<vmem_shared>>
    %dma_wait3A_292 = arith.constant 0 : i32
    %dma_wait3A_293 = tpu.memref_slice %arg8[%add3A_152, %dma_wait3A_292] : memref<10240x128xf32, #tpu.memory_space<vmem_shared>> -> memref<120x128xf32, #tpu.memory_space<vmem_shared>>
    %dma_wait3A_294 = arith.constant 0 : i32
    %dma_wait3A_295 = arith.constant 0 : i32
    %dma_wait3A_296 = tpu.memref_slice %arg7[%dma_wait3A_285, %dma_wait3A_294, %dma_wait3A_295] : memref<2x125x128xf32, #tpu.memory_space<vmem>> -> memref<1x120x128xf32, #tpu.memory_space<vmem>>
    %dma_wait3A_297 = tpu.memref_squeeze %dma_wait3A_296 : memref<1x120x128xf32, #tpu.memory_space<vmem>> -> memref<120x128xf32, #tpu.memory_space<vmem>>
    tpu.wait_dma2 semaphore(%arg13 : memref<!tpu.dma_semaphore, #tpu.memory_space<semaphore_mem>>) src(%dma_wait3A_297 : memref<120x128xf32, #tpu.memory_space<vmem>>) dst(%dma_wait3A_293 : memref<120x128xf32, #tpu.memory_space<vmem_shared>>)
    %dma_wait3A_298 = arith.constant 0 : i32
    %dma_wait3A_299 = arith.constant 0 : i32
    %dma_wait3A_300 = arith.constant 0 : i32
    %dma_wait3A_301 = tpu.memref_slice %arg7[%dma_wait3A_298, %dma_wait3A_299, %dma_wait3A_300] : memref<2x125x128xf32, #tpu.memory_space<vmem>> -> memref<1x40x128xf32, #tpu.memory_space<vmem>>
    %dma_wait3A_302 = tpu.memref_squeeze %dma_wait3A_301 : memref<1x40x128xf32, #tpu.memory_space<vmem>> -> memref<40x128xf32, #tpu.memory_space<vmem>>
    %dma_wait3A_303 = arith.constant 0 : i32
    %dma_wait3A_304 = tpu.memref_slice %arg8[%add3A_169, %dma_wait3A_303] : memref<10240x128xf32, #tpu.memory_space<vmem_shared>> -> memref<40x128xf32, #tpu.memory_space<vmem_shared>>
    %dma_wait3A_305 = arith.constant 0 : i32
    %dma_wait3A_306 = tpu.memref_slice %arg8[%add3A_169, %dma_wait3A_305] : memref<10240x128xf32, #tpu.memory_space<vmem_shared>> -> memref<40x128xf32, #tpu.memory_space<vmem_shared>>
    %dma_wait3A_307 = arith.constant 0 : i32
    %dma_wait3A_308 = arith.constant 0 : i32
    %dma_wait3A_309 = tpu.memref_slice %arg7[%dma_wait3A_298, %dma_wait3A_307, %dma_wait3A_308] : memref<2x125x128xf32, #tpu.memory_space<vmem>> -> memref<1x40x128xf32, #tpu.memory_space<vmem>>
    %dma_wait3A_310 = tpu.memref_squeeze %dma_wait3A_309 : memref<1x40x128xf32, #tpu.memory_space<vmem>> -> memref<40x128xf32, #tpu.memory_space<vmem>>
    tpu.wait_dma2 semaphore(%arg13 : memref<!tpu.dma_semaphore, #tpu.memory_space<semaphore_mem>>) src(%dma_wait3A_310 : memref<40x128xf32, #tpu.memory_space<vmem>>) dst(%dma_wait3A_306 : memref<40x128xf32, #tpu.memory_space<vmem_shared>>)
    %dma_start3A_311 = arith.constant 0 : i32
    %dma_start3A_312 = arith.constant 0 : i32
    %dma_start3A_313 = arith.constant 0 : i32
    %dma_start3A_314 = arith.constant 0 : i32
    %dma_start3A_315 = arith.constant 0 : i32
    %dma_start3A_316 = tpu.memref_slice %arg7[%dma_start3A_313, %dma_start3A_314, %dma_start3A_315] : memref<2x125x128xf32, #tpu.memory_space<vmem>> -> memref<1x125x128xf32, #tpu.memory_space<vmem>>
    %dma_start3A_317 = tpu.memref_squeeze %dma_start3A_316 : memref<1x125x128xf32, #tpu.memory_space<vmem>> -> memref<125x128xf32, #tpu.memory_space<vmem>>
    %dma_start3A_318 = arith.constant 0 : i32
    %dma_start3A_319 = tpu.memref_slice %arg5[%dma_start3A_311, %dma_start3A_312, %dma_start3A_318] : memref<2x8x125xi32, #tpu.memory_space<vmem>> -> memref<1x1x125xi32, #tpu.memory_space<vmem>>
    %dma_start3A_320 = tpu.memref_squeeze %dma_start3A_319 : memref<1x1x125xi32, #tpu.memory_space<vmem>> -> memref<125xi32, #tpu.memory_space<vmem>>
    %dma_start3A_321 = arith.constant 0 : i32
    %dma_start3A_322 = arith.constant 0 : i32
    %dma_start3A_323 = tpu.memref_slice %arg2[%dma_start3A_321, %dma_start3A_322] : memref<10000x128xf32, #tpu.memory_space<hbm>> -> memref<10000x128xf32, #tpu.memory_space<hbm>>
    tpu.enqueue_indirect_dma source(%dma_start3A_323 : memref<10000x128xf32, #tpu.memory_space<hbm>>) target(%dma_start3A_317 : memref<125x128xf32, #tpu.memory_space<vmem>>) offsets(%dma_start3A_320 : memref<125xi32, #tpu.memory_space<vmem>>) semaphore(%arg11 : memref<!tpu.dma_semaphore, #tpu.memory_space<semaphore_mem>>)
    %barrier3A = arith.constant 0 : index
    tpu.barrier barrier_id(%barrier3A)
    %scan3A_324 = arith.constant 0 : i32
    %scan3A_325 = arith.constant 0 : i32
    %scan3A_326 = arith.constant 5 : i32
    %scan3A_327 = arith.addi %scan3A_325, %scan3A_326 : i32
    %scan3A_328 = arith.constant 1 : i32
    scf.for %scan3A_485 = %scan3A_325 to %scan3A_327 step %scan3A_328  : i32 {
      %mul3A_486 = arith.constant 2 : i32
      %mul3A_487 = arith.muli %mul3A_486, %scan3A_485 : i32
      %dma_wait3A_488 = arith.constant 0 : i32
      %dma_wait3A_489 = arith.constant 0 : i32
      %dma_wait3A_490 = arith.constant 0 : i32
      %dma_wait3A_491 = arith.constant 0 : i32
      %dma_wait3A_492 = arith.constant 0 : i32
      %dma_wait3A_493 = tpu.memref_slice %arg7[%dma_wait3A_490, %dma_wait3A_491, %dma_wait3A_492] : memref<2x125x128xf32, #tpu.memory_space<vmem>> -> memref<1x125x128xf32, #tpu.memory_space<vmem>>
      %dma_wait3A_494 = tpu.memref_squeeze %dma_wait3A_493 : memref<1x125x128xf32, #tpu.memory_space<vmem>> -> memref<125x128xf32, #tpu.memory_space<vmem>>
      %dma_wait3A_495 = arith.constant 0 : i32
      %dma_wait3A_496 = tpu.memref_slice %arg5[%dma_wait3A_488, %dma_wait3A_489, %dma_wait3A_495] : memref<2x8x125xi32, #tpu.memory_space<vmem>> -> memref<1x1x125xi32, #tpu.memory_space<vmem>>
      %dma_wait3A_497 = tpu.memref_squeeze %dma_wait3A_496 : memref<1x1x125xi32, #tpu.memory_space<vmem>> -> memref<125xi32, #tpu.memory_space<vmem>>
      %dma_wait3A_498 = arith.constant 0 : i32
      %dma_wait3A_499 = arith.constant 0 : i32
      %dma_wait3A_500 = tpu.memref_slice %arg2[%dma_wait3A_498, %dma_wait3A_499] : memref<10000x128xf32, #tpu.memory_space<hbm>> -> memref<10000x128xf32, #tpu.memory_space<hbm>>
      tpu.wait_indirect_dma semaphore(%arg11 : memref<!tpu.dma_semaphore, #tpu.memory_space<semaphore_mem>>) src(%dma_wait3A_500 : memref<10000x128xf32, #tpu.memory_space<hbm>>) dst(%dma_wait3A_494 : memref<125x128xf32, #tpu.memory_space<vmem>>)
      %run_scoped3A = arith.constant 0 : i32
      %run_scoped3A_501 = arith.constant 0 : i32
      %run_scoped3A_502 = arith.constant 0 : i32
      "tpu.region"() ({
        %run_scoped3A_1122 = tpu.sem_alloc : memref<!tpu.dma_semaphore, #tpu.memory_space<semaphore_mem>>
        %dma_start3A_1123 = arith.constant 0 : i32
        %dma_start3A_1124 = arith.constant 0 : i32
        %dma_start3A_1125 = tpu.memref_slice %arg7[%run_scoped3A, %dma_start3A_1123, %dma_start3A_1124] : memref<2x125x128xf32, #tpu.memory_space<vmem>> -> memref<1x125x128xf32, #tpu.memory_space<vmem>>
        %dma_start3A_1126 = tpu.memref_squeeze %dma_start3A_1125 : memref<1x125x128xf32, #tpu.memory_space<vmem>> -> memref<125x128xf32, #tpu.memory_space<vmem>>
        %dma_start3A_1127 = arith.constant 0 : i32
        %dma_start3A_1128 = tpu.memref_slice %arg6[%run_scoped3A_501, %run_scoped3A_502, %dma_start3A_1127] : memref<2x8x125xi32, #tpu.memory_space<vmem>> -> memref<1x1x125xi32, #tpu.memory_space<vmem>>
        %dma_start3A_1129 = tpu.memref_squeeze %dma_start3A_1128 : memref<1x1x125xi32, #tpu.memory_space<vmem>> -> memref<125xi32, #tpu.memory_space<vmem>>
        %dma_start3A_1130 = arith.constant 0 : i32
        %dma_start3A_1131 = arith.constant 0 : i32
        %dma_start3A_1132 = tpu.memref_slice %arg8[%dma_start3A_1130, %dma_start3A_1131] : memref<10240x128xf32, #tpu.memory_space<vmem_shared>> -> memref<10240x128xf32, #tpu.memory_space<vmem_shared>>
        tpu.enqueue_indirect_dma source(%dma_start3A_1126 : memref<125x128xf32, #tpu.memory_space<vmem>>) target(%dma_start3A_1132 : memref<10240x128xf32, #tpu.memory_space<vmem_shared>>) offsets(%dma_start3A_1129 : memref<125xi32, #tpu.memory_space<vmem>>) semaphore(%run_scoped3A_1122 : memref<!tpu.dma_semaphore, #tpu.memory_space<semaphore_mem>>) {add = true}
        %dma_wait3A_1133 = arith.constant 0 : i32
        %dma_wait3A_1134 = arith.constant 0 : i32
        %dma_wait3A_1135 = tpu.memref_slice %arg7[%run_scoped3A, %dma_wait3A_1133, %dma_wait3A_1134] : memref<2x125x128xf32, #tpu.memory_space<vmem>> -> memref<1x125x128xf32, #tpu.memory_space<vmem>>
        %dma_wait3A_1136 = tpu.memref_squeeze %dma_wait3A_1135 : memref<1x125x128xf32, #tpu.memory_space<vmem>> -> memref<125x128xf32, #tpu.memory_space<vmem>>
        %dma_wait3A_1137 = arith.constant 0 : i32
        %dma_wait3A_1138 = tpu.memref_slice %arg6[%run_scoped3A_501, %run_scoped3A_502, %dma_wait3A_1137] : memref<2x8x125xi32, #tpu.memory_space<vmem>> -> memref<1x1x125xi32, #tpu.memory_space<vmem>>
        %dma_wait3A_1139 = tpu.memref_squeeze %dma_wait3A_1138 : memref<1x1x125xi32, #tpu.memory_space<vmem>> -> memref<125xi32, #tpu.memory_space<vmem>>
        %dma_wait3A_1140 = arith.constant 0 : i32
        %dma_wait3A_1141 = arith.constant 0 : i32
        %dma_wait3A_1142 = tpu.memref_slice %arg8[%dma_wait3A_1140, %dma_wait3A_1141] : memref<10240x128xf32, #tpu.memory_space<vmem_shared>> -> memref<10240x128xf32, #tpu.memory_space<vmem_shared>>
        tpu.wait_indirect_dma semaphore(%run_scoped3A_1122 : memref<!tpu.dma_semaphore, #tpu.memory_space<semaphore_mem>>) src(%dma_wait3A_1136 : memref<125x128xf32, #tpu.memory_space<vmem>>) dst(%dma_wait3A_1142 : memref<10240x128xf32, #tpu.memory_space<vmem_shared>>)
        tpu.yield
      }) : () -> ()
      %dma_start3A_503 = arith.constant 0 : i32
      %dma_start3A_504 = arith.constant 2 : i32
      %dma_start3A_505 = arith.constant 0 : i32
      %dma_start3A_506 = arith.constant 0 : i32
      %dma_start3A_507 = arith.constant 0 : i32
      %dma_start3A_508 = tpu.memref_slice %arg7[%dma_start3A_505, %dma_start3A_506, %dma_start3A_507] : memref<2x125x128xf32, #tpu.memory_space<vmem>> -> memref<1x125x128xf32, #tpu.memory_space<vmem>>
      %dma_start3A_509 = tpu.memref_squeeze %dma_start3A_508 : memref<1x125x128xf32, #tpu.memory_space<vmem>> -> memref<125x128xf32, #tpu.memory_space<vmem>>
      %dma_start3A_510 = arith.constant 0 : i32
      %dma_start3A_511 = tpu.memref_slice %arg5[%dma_start3A_503, %dma_start3A_504, %dma_start3A_510] : memref<2x8x125xi32, #tpu.memory_space<vmem>> -> memref<1x1x125xi32, #tpu.memory_space<vmem>>
      %dma_start3A_512 = tpu.memref_squeeze %dma_start3A_511 : memref<1x1x125xi32, #tpu.memory_space<vmem>> -> memref<125xi32, #tpu.memory_space<vmem>>
      %dma_start3A_513 = arith.constant 0 : i32
      %dma_start3A_514 = arith.constant 0 : i32
      %dma_start3A_515 = tpu.memref_slice %arg2[%dma_start3A_513, %dma_start3A_514] : memref<10000x128xf32, #tpu.memory_space<hbm>> -> memref<10000x128xf32, #tpu.memory_space<hbm>>
      tpu.enqueue_indirect_dma source(%dma_start3A_515 : memref<10000x128xf32, #tpu.memory_space<hbm>>) target(%dma_start3A_509 : memref<125x128xf32, #tpu.memory_space<vmem>>) offsets(%dma_start3A_512 : memref<125xi32, #tpu.memory_space<vmem>>) semaphore(%arg11 : memref<!tpu.dma_semaphore, #tpu.memory_space<semaphore_mem>>)
      %dma_wait3A_516 = arith.constant 0 : i32
      %dma_wait3A_517 = arith.constant 0 : i32
      %dma_wait3A_518 = arith.constant 1 : i32
      %dma_wait3A_519 = arith.constant 0 : i32
      %dma_wait3A_520 = arith.constant 0 : i32
      %dma_wait3A_521 = tpu.memref_slice %arg7[%dma_wait3A_518, %dma_wait3A_519, %dma_wait3A_520] : memref<2x125x128xf32, #tpu.memory_space<vmem>> -> memref<1x125x128xf32, #tpu.memory_space<vmem>>
      %dma_wait3A_522 = tpu.memref_squeeze %dma_wait3A_521 : memref<1x125x128xf32, #tpu.memory_space<vmem>> -> memref<125x128xf32, #tpu.memory_space<vmem>>
      %dma_wait3A_523 = arith.constant 0 : i32
      %dma_wait3A_524 = tpu.memref_slice %arg5[%dma_wait3A_516, %dma_wait3A_517, %dma_wait3A_523] : memref<2x8x125xi32, #tpu.memory_space<vmem>> -> memref<1x1x125xi32, #tpu.memory_space<vmem>>
      %dma_wait3A_525 = tpu.memref_squeeze %dma_wait3A_524 : memref<1x1x125xi32, #tpu.memory_space<vmem>> -> memref<125xi32, #tpu.memory_space<vmem>>
      %dma_wait3A_526 = arith.constant 0 : i32
      %dma_wait3A_527 = arith.constant 0 : i32
      %dma_wait3A_528 = tpu.memref_slice %arg2[%dma_wait3A_526, %dma_wait3A_527] : memref<10000x128xf32, #tpu.memory_space<hbm>> -> memref<10000x128xf32, #tpu.memory_space<hbm>>
      tpu.wait_indirect_dma semaphore(%arg12 : memref<!tpu.dma_semaphore, #tpu.memory_space<semaphore_mem>>) src(%dma_wait3A_528 : memref<10000x128xf32, #tpu.memory_space<hbm>>) dst(%dma_wait3A_522 : memref<125x128xf32, #tpu.memory_space<vmem>>)
      %run_scoped3A_529 = arith.constant 1 : i32
      %run_scoped3A_530 = arith.constant 0 : i32
      %run_scoped3A_531 = arith.constant 1 : i32
      "tpu.region"() ({
        %run_scoped3A_1122 = tpu.sem_alloc : memref<!tpu.dma_semaphore, #tpu.memory_space<semaphore_mem>>
        %dma_start3A_1123 = arith.constant 0 : i32
        %dma_start3A_1124 = arith.constant 0 : i32
        %dma_start3A_1125 = tpu.memref_slice %arg7[%run_scoped3A_529, %dma_start3A_1123, %dma_start3A_1124] : memref<2x125x128xf32, #tpu.memory_space<vmem>> -> memref<1x125x128xf32, #tpu.memory_space<vmem>>
        %dma_start3A_1126 = tpu.memref_squeeze %dma_start3A_1125 : memref<1x125x128xf32, #tpu.memory_space<vmem>> -> memref<125x128xf32, #tpu.memory_space<vmem>>
        %dma_start3A_1127 = arith.constant 0 : i32
        %dma_start3A_1128 = tpu.memref_slice %arg6[%run_scoped3A_530, %run_scoped3A_531, %dma_start3A_1127] : memref<2x8x125xi32, #tpu.memory_space<vmem>> -> memref<1x1x125xi32, #tpu.memory_space<vmem>>
        %dma_start3A_1129 = tpu.memref_squeeze %dma_start3A_1128 : memref<1x1x125xi32, #tpu.memory_space<vmem>> -> memref<125xi32, #tpu.memory_space<vmem>>
        %dma_start3A_1130 = arith.constant 0 : i32
        %dma_start3A_1131 = arith.constant 0 : i32
        %dma_start3A_1132 = tpu.memref_slice %arg8[%dma_start3A_1130, %dma_start3A_1131] : memref<10240x128xf32, #tpu.memory_space<vmem_shared>> -> memref<10240x128xf32, #tpu.memory_space<vmem_shared>>
        tpu.enqueue_indirect_dma source(%dma_start3A_1126 : memref<125x128xf32, #tpu.memory_space<vmem>>) target(%dma_start3A_1132 : memref<10240x128xf32, #tpu.memory_space<vmem_shared>>) offsets(%dma_start3A_1129 : memref<125xi32, #tpu.memory_space<vmem>>) semaphore(%run_scoped3A_1122 : memref<!tpu.dma_semaphore, #tpu.memory_space<semaphore_mem>>) {add = true}
        %dma_wait3A_1133 = arith.constant 0 : i32
        %dma_wait3A_1134 = arith.constant 0 : i32
        %dma_wait3A_1135 = tpu.memref_slice %arg7[%run_scoped3A_529, %dma_wait3A_1133, %dma_wait3A_1134] : memref<2x125x128xf32, #tpu.memory_space<vmem>> -> memref<1x125x128xf32, #tpu.memory_space<vmem>>
        %dma_wait3A_1136 = tpu.memref_squeeze %dma_wait3A_1135 : memref<1x125x128xf32, #tpu.memory_space<vmem>> -> memref<125x128xf32, #tpu.memory_space<vmem>>
        %dma_wait3A_1137 = arith.constant 0 : i32
        %dma_wait3A_1138 = tpu.memref_slice %arg6[%run_scoped3A_530, %run_scoped3A_531, %dma_wait3A_1137] : memref<2x8x125xi32, #tpu.memory_space<vmem>> -> memref<1x1x125xi32, #tpu.memory_space<vmem>>
        %dma_wait3A_1139 = tpu.memref_squeeze %dma_wait3A_1138 : memref<1x1x125xi32, #tpu.memory_space<vmem>> -> memref<125xi32, #tpu.memory_space<vmem>>
        %dma_wait3A_1140 = arith.constant 0 : i32
        %dma_wait3A_1141 = arith.constant 0 : i32
        %dma_wait3A_1142 = tpu.memref_slice %arg8[%dma_wait3A_1140, %dma_wait3A_1141] : memref<10240x128xf32, #tpu.memory_space<vmem_shared>> -> memref<10240x128xf32, #tpu.memory_space<vmem_shared>>
        tpu.wait_indirect_dma semaphore(%run_scoped3A_1122 : memref<!tpu.dma_semaphore, #tpu.memory_space<semaphore_mem>>) src(%dma_wait3A_1136 : memref<125x128xf32, #tpu.memory_space<vmem>>) dst(%dma_wait3A_1142 : memref<10240x128xf32, #tpu.memory_space<vmem_shared>>)
        tpu.yield
      }) : () -> ()
      %dma_start3A_532 = arith.constant 0 : i32
      %dma_start3A_533 = arith.constant 3 : i32
      %dma_start3A_534 = arith.constant 1 : i32
      %dma_start3A_535 = arith.constant 0 : i32
      %dma_start3A_536 = arith.constant 0 : i32
      %dma_start3A_537 = tpu.memref_slice %arg7[%dma_start3A_534, %dma_start3A_535, %dma_start3A_536] : memref<2x125x128xf32, #tpu.memory_space<vmem>> -> memref<1x125x128xf32, #tpu.memory_space<vmem>>
      %dma_start3A_538 = tpu.memref_squeeze %dma_start3A_537 : memref<1x125x128xf32, #tpu.memory_space<vmem>> -> memref<125x128xf32, #tpu.memory_space<vmem>>
      %dma_start3A_539 = arith.constant 0 : i32
      %dma_start3A_540 = tpu.memref_slice %arg5[%dma_start3A_532, %dma_start3A_533, %dma_start3A_539] : memref<2x8x125xi32, #tpu.memory_space<vmem>> -> memref<1x1x125xi32, #tpu.memory_space<vmem>>
      %dma_start3A_541 = tpu.memref_squeeze %dma_start3A_540 : memref<1x1x125xi32, #tpu.memory_space<vmem>> -> memref<125xi32, #tpu.memory_space<vmem>>
      %dma_start3A_542 = arith.constant 0 : i32
      %dma_start3A_543 = arith.constant 0 : i32
      %dma_start3A_544 = tpu.memref_slice %arg2[%dma_start3A_542, %dma_start3A_543] : memref<10000x128xf32, #tpu.memory_space<hbm>> -> memref<10000x128xf32, #tpu.memory_space<hbm>>
      tpu.enqueue_indirect_dma source(%dma_start3A_544 : memref<10000x128xf32, #tpu.memory_space<hbm>>) target(%dma_start3A_538 : memref<125x128xf32, #tpu.memory_space<vmem>>) offsets(%dma_start3A_541 : memref<125xi32, #tpu.memory_space<vmem>>) semaphore(%arg12 : memref<!tpu.dma_semaphore, #tpu.memory_space<semaphore_mem>>)
      %dma_wait3A_545 = arith.constant 0 : i32
      %dma_wait3A_546 = arith.constant 0 : i32
      %dma_wait3A_547 = arith.constant 0 : i32
      %dma_wait3A_548 = arith.constant 0 : i32
      %dma_wait3A_549 = arith.constant 0 : i32
      %dma_wait3A_550 = tpu.memref_slice %arg7[%dma_wait3A_547, %dma_wait3A_548, %dma_wait3A_549] : memref<2x125x128xf32, #tpu.memory_space<vmem>> -> memref<1x125x128xf32, #tpu.memory_space<vmem>>
      %dma_wait3A_551 = tpu.memref_squeeze %dma_wait3A_550 : memref<1x125x128xf32, #tpu.memory_space<vmem>> -> memref<125x128xf32, #tpu.memory_space<vmem>>
      %dma_wait3A_552 = arith.constant 0 : i32
      %dma_wait3A_553 = tpu.memref_slice %arg5[%dma_wait3A_545, %dma_wait3A_546, %dma_wait3A_552] : memref<2x8x125xi32, #tpu.memory_space<vmem>> -> memref<1x1x125xi32, #tpu.memory_space<vmem>>
      %dma_wait3A_554 = tpu.memref_squeeze %dma_wait3A_553 : memref<1x1x125xi32, #tpu.memory_space<vmem>> -> memref<125xi32, #tpu.memory_space<vmem>>
      %dma_wait3A_555 = arith.constant 0 : i32
      %dma_wait3A_556 = arith.constant 0 : i32
      %dma_wait3A_557 = tpu.memref_slice %arg2[%dma_wait3A_555, %dma_wait3A_556] : memref<10000x128xf32, #tpu.memory_space<hbm>> -> memref<10000x128xf32, #tpu.memory_space<hbm>>
      tpu.wait_indirect_dma semaphore(%arg11 : memref<!tpu.dma_semaphore, #tpu.memory_space<semaphore_mem>>) src(%dma_wait3A_557 : memref<10000x128xf32, #tpu.memory_space<hbm>>) dst(%dma_wait3A_551 : memref<125x128xf32, #tpu.memory_space<vmem>>)
      %run_scoped3A_558 = arith.constant 0 : i32
      %run_scoped3A_559 = arith.constant 0 : i32
      %run_scoped3A_560 = arith.constant 2 : i32
      "tpu.region"() ({
        %run_scoped3A_1122 = tpu.sem_alloc : memref<!tpu.dma_semaphore, #tpu.memory_space<semaphore_mem>>
        %dma_start3A_1123 = arith.constant 0 : i32
        %dma_start3A_1124 = arith.constant 0 : i32
        %dma_start3A_1125 = tpu.memref_slice %arg7[%run_scoped3A_558, %dma_start3A_1123, %dma_start3A_1124] : memref<2x125x128xf32, #tpu.memory_space<vmem>> -> memref<1x125x128xf32, #tpu.memory_space<vmem>>
        %dma_start3A_1126 = tpu.memref_squeeze %dma_start3A_1125 : memref<1x125x128xf32, #tpu.memory_space<vmem>> -> memref<125x128xf32, #tpu.memory_space<vmem>>
        %dma_start3A_1127 = arith.constant 0 : i32
        %dma_start3A_1128 = tpu.memref_slice %arg6[%run_scoped3A_559, %run_scoped3A_560, %dma_start3A_1127] : memref<2x8x125xi32, #tpu.memory_space<vmem>> -> memref<1x1x125xi32, #tpu.memory_space<vmem>>
        %dma_start3A_1129 = tpu.memref_squeeze %dma_start3A_1128 : memref<1x1x125xi32, #tpu.memory_space<vmem>> -> memref<125xi32, #tpu.memory_space<vmem>>
        %dma_start3A_1130 = arith.constant 0 : i32
        %dma_start3A_1131 = arith.constant 0 : i32
        %dma_start3A_1132 = tpu.memref_slice %arg8[%dma_start3A_1130, %dma_start3A_1131] : memref<10240x128xf32, #tpu.memory_space<vmem_shared>> -> memref<10240x128xf32, #tpu.memory_space<vmem_shared>>
        tpu.enqueue_indirect_dma source(%dma_start3A_1126 : memref<125x128xf32, #tpu.memory_space<vmem>>) target(%dma_start3A_1132 : memref<10240x128xf32, #tpu.memory_space<vmem_shared>>) offsets(%dma_start3A_1129 : memref<125xi32, #tpu.memory_space<vmem>>) semaphore(%run_scoped3A_1122 : memref<!tpu.dma_semaphore, #tpu.memory_space<semaphore_mem>>) {add = true}
        %dma_wait3A_1133 = arith.constant 0 : i32
        %dma_wait3A_1134 = arith.constant 0 : i32
        %dma_wait3A_1135 = tpu.memref_slice %arg7[%run_scoped3A_558, %dma_wait3A_1133, %dma_wait3A_1134] : memref<2x125x128xf32, #tpu.memory_space<vmem>> -> memref<1x125x128xf32, #tpu.memory_space<vmem>>
        %dma_wait3A_1136 = tpu.memref_squeeze %dma_wait3A_1135 : memref<1x125x128xf32, #tpu.memory_space<vmem>> -> memref<125x128xf32, #tpu.memory_space<vmem>>
        %dma_wait3A_1137 = arith.constant 0 : i32
        %dma_wait3A_1138 = tpu.memref_slice %arg6[%run_scoped3A_559, %run_scoped3A_560, %dma_wait3A_1137] : memref<2x8x125xi32, #tpu.memory_space<vmem>> -> memref<1x1x125xi32, #tpu.memory_space<vmem>>
        %dma_wait3A_1139 = tpu.memref_squeeze %dma_wait3A_1138 : memref<1x1x125xi32, #tpu.memory_space<vmem>> -> memref<125xi32, #tpu.memory_space<vmem>>
        %dma_wait3A_1140 = arith.constant 0 : i32
        %dma_wait3A_1141 = arith.constant 0 : i32
        %dma_wait3A_1142 = tpu.memref_slice %arg8[%dma_wait3A_1140, %dma_wait3A_1141] : memref<10240x128xf32, #tpu.memory_space<vmem_shared>> -> memref<10240x128xf32, #tpu.memory_space<vmem_shared>>
        tpu.wait_indirect_dma semaphore(%run_scoped3A_1122 : memref<!tpu.dma_semaphore, #tpu.memory_space<semaphore_mem>>) src(%dma_wait3A_1136 : memref<125x128xf32, #tpu.memory_space<vmem>>) dst(%dma_wait3A_1142 : memref<10240x128xf32, #tpu.memory_space<vmem_shared>>)
        tpu.yield
      }) : () -> ()
      %dma_start3A_561 = arith.constant 0 : i32
      %dma_start3A_562 = arith.constant 4 : i32
      %dma_start3A_563 = arith.constant 0 : i32
      %dma_start3A_564 = arith.constant 0 : i32
      %dma_start3A_565 = arith.constant 0 : i32
      %dma_start3A_566 = tpu.memref_slice %arg7[%dma_start3A_563, %dma_start3A_564, %dma_start3A_565] : memref<2x125x128xf32, #tpu.memory_space<vmem>> -> memref<1x125x128xf32, #tpu.memory_space<vmem>>
      %dma_start3A_567 = tpu.memref_squeeze %dma_start3A_566 : memref<1x125x128xf32, #tpu.memory_space<vmem>> -> memref<125x128xf32, #tpu.memory_space<vmem>>
      %dma_start3A_568 = arith.constant 0 : i32
      %dma_start3A_569 = tpu.memref_slice %arg5[%dma_start3A_561, %dma_start3A_562, %dma_start3A_568] : memref<2x8x125xi32, #tpu.memory_space<vmem>> -> memref<1x1x125xi32, #tpu.memory_space<vmem>>
      %dma_start3A_570 = tpu.memref_squeeze %dma_start3A_569 : memref<1x1x125xi32, #tpu.memory_space<vmem>> -> memref<125xi32, #tpu.memory_space<vmem>>
      %dma_start3A_571 = arith.constant 0 : i32
      %dma_start3A_572 = arith.constant 0 : i32
      %dma_start3A_573 = tpu.memref_slice %arg2[%dma_start3A_571, %dma_start3A_572] : memref<10000x128xf32, #tpu.memory_space<hbm>> -> memref<10000x128xf32, #tpu.memory_space<hbm>>
      tpu.enqueue_indirect_dma source(%dma_start3A_573 : memref<10000x128xf32, #tpu.memory_space<hbm>>) target(%dma_start3A_567 : memref<125x128xf32, #tpu.memory_space<vmem>>) offsets(%dma_start3A_570 : memref<125xi32, #tpu.memory_space<vmem>>) semaphore(%arg11 : memref<!tpu.dma_semaphore, #tpu.memory_space<semaphore_mem>>)
      %dma_wait3A_574 = arith.constant 0 : i32
      %dma_wait3A_575 = arith.constant 0 : i32
      %dma_wait3A_576 = arith.constant 1 : i32
      %dma_wait3A_577 = arith.constant 0 : i32
      %dma_wait3A_578 = arith.constant 0 : i32
      %dma_wait3A_579 = tpu.memref_slice %arg7[%dma_wait3A_576, %dma_wait3A_577, %dma_wait3A_578] : memref<2x125x128xf32, #tpu.memory_space<vmem>> -> memref<1x125x128xf32, #tpu.memory_space<vmem>>
      %dma_wait3A_580 = tpu.memref_squeeze %dma_wait3A_579 : memref<1x125x128xf32, #tpu.memory_space<vmem>> -> memref<125x128xf32, #tpu.memory_space<vmem>>
      %dma_wait3A_581 = arith.constant 0 : i32
      %dma_wait3A_582 = tpu.memref_slice %arg5[%dma_wait3A_574, %dma_wait3A_575, %dma_wait3A_581] : memref<2x8x125xi32, #tpu.memory_space<vmem>> -> memref<1x1x125xi32, #tpu.memory_space<vmem>>
      %dma_wait3A_583 = tpu.memref_squeeze %dma_wait3A_582 : memref<1x1x125xi32, #tpu.memory_space<vmem>> -> memref<125xi32, #tpu.memory_space<vmem>>
      %dma_wait3A_584 = arith.constant 0 : i32
      %dma_wait3A_585 = arith.constant 0 : i32
      %dma_wait3A_586 = tpu.memref_slice %arg2[%dma_wait3A_584, %dma_wait3A_585] : memref<10000x128xf32, #tpu.memory_space<hbm>> -> memref<10000x128xf32, #tpu.memory_space<hbm>>
      tpu.wait_indirect_dma semaphore(%arg12 : memref<!tpu.dma_semaphore, #tpu.memory_space<semaphore_mem>>) src(%dma_wait3A_586 : memref<10000x128xf32, #tpu.memory_space<hbm>>) dst(%dma_wait3A_580 : memref<125x128xf32, #tpu.memory_space<vmem>>)
      %run_scoped3A_587 = arith.constant 1 : i32
      %run_scoped3A_588 = arith.constant 0 : i32
      %run_scoped3A_589 = arith.constant 3 : i32
      "tpu.region"() ({
        %run_scoped3A_1122 = tpu.sem_alloc : memref<!tpu.dma_semaphore, #tpu.memory_space<semaphore_mem>>
        %dma_start3A_1123 = arith.constant 0 : i32
        %dma_start3A_1124 = arith.constant 0 : i32
        %dma_start3A_1125 = tpu.memref_slice %arg7[%run_scoped3A_587, %dma_start3A_1123, %dma_start3A_1124] : memref<2x125x128xf32, #tpu.memory_space<vmem>> -> memref<1x125x128xf32, #tpu.memory_space<vmem>>
        %dma_start3A_1126 = tpu.memref_squeeze %dma_start3A_1125 : memref<1x125x128xf32, #tpu.memory_space<vmem>> -> memref<125x128xf32, #tpu.memory_space<vmem>>
        %dma_start3A_1127 = arith.constant 0 : i32
        %dma_start3A_1128 = tpu.memref_slice %arg6[%run_scoped3A_588, %run_scoped3A_589, %dma_start3A_1127] : memref<2x8x125xi32, #tpu.memory_space<vmem>> -> memref<1x1x125xi32, #tpu.memory_space<vmem>>
        %dma_start3A_1129 = tpu.memref_squeeze %dma_start3A_1128 : memref<1x1x125xi32, #tpu.memory_space<vmem>> -> memref<125xi32, #tpu.memory_space<vmem>>
        %dma_start3A_1130 = arith.constant 0 : i32
        %dma_start3A_1131 = arith.constant 0 : i32
        %dma_start3A_1132 = tpu.memref_slice %arg8[%dma_start3A_1130, %dma_start3A_1131] : memref<10240x128xf32, #tpu.memory_space<vmem_shared>> -> memref<10240x128xf32, #tpu.memory_space<vmem_shared>>
        tpu.enqueue_indirect_dma source(%dma_start3A_1126 : memref<125x128xf32, #tpu.memory_space<vmem>>) target(%dma_start3A_1132 : memref<10240x128xf32, #tpu.memory_space<vmem_shared>>) offsets(%dma_start3A_1129 : memref<125xi32, #tpu.memory_space<vmem>>) semaphore(%run_scoped3A_1122 : memref<!tpu.dma_semaphore, #tpu.memory_space<semaphore_mem>>) {add = true}
        %dma_wait3A_1133 = arith.constant 0 : i32
        %dma_wait3A_1134 = arith.constant 0 : i32
        %dma_wait3A_1135 = tpu.memref_slice %arg7[%run_scoped3A_587, %dma_wait3A_1133, %dma_wait3A_1134] : memref<2x125x128xf32, #tpu.memory_space<vmem>> -> memref<1x125x128xf32, #tpu.memory_space<vmem>>
        %dma_wait3A_1136 = tpu.memref_squeeze %dma_wait3A_1135 : memref<1x125x128xf32, #tpu.memory_space<vmem>> -> memref<125x128xf32, #tpu.memory_space<vmem>>
        %dma_wait3A_1137 = arith.constant 0 : i32
        %dma_wait3A_1138 = tpu.memref_slice %arg6[%run_scoped3A_588, %run_scoped3A_589, %dma_wait3A_1137] : memref<2x8x125xi32, #tpu.memory_space<vmem>> -> memref<1x1x125xi32, #tpu.memory_space<vmem>>
        %dma_wait3A_1139 = tpu.memref_squeeze %dma_wait3A_1138 : memref<1x1x125xi32, #tpu.memory_space<vmem>> -> memref<125xi32, #tpu.memory_space<vmem>>
        %dma_wait3A_1140 = arith.constant 0 : i32
        %dma_wait3A_1141 = arith.constant 0 : i32
        %dma_wait3A_1142 = tpu.memref_slice %arg8[%dma_wait3A_1140, %dma_wait3A_1141] : memref<10240x128xf32, #tpu.memory_space<vmem_shared>> -> memref<10240x128xf32, #tpu.memory_space<vmem_shared>>
        tpu.wait_indirect_dma semaphore(%run_scoped3A_1122 : memref<!tpu.dma_semaphore, #tpu.memory_space<semaphore_mem>>) src(%dma_wait3A_1136 : memref<125x128xf32, #tpu.memory_space<vmem>>) dst(%dma_wait3A_1142 : memref<10240x128xf32, #tpu.memory_space<vmem_shared>>)
        tpu.yield
      }) : () -> ()
      %dma_start3A_590 = arith.constant 0 : i32
      %dma_start3A_591 = arith.constant 5 : i32
      %dma_start3A_592 = arith.constant 1 : i32
      %dma_start3A_593 = arith.constant 0 : i32
      %dma_start3A_594 = arith.constant 0 : i32
      %dma_start3A_595 = tpu.memref_slice %arg7[%dma_start3A_592, %dma_start3A_593, %dma_start3A_594] : memref<2x125x128xf32, #tpu.memory_space<vmem>> -> memref<1x125x128xf32, #tpu.memory_space<vmem>>
      %dma_start3A_596 = tpu.memref_squeeze %dma_start3A_595 : memref<1x125x128xf32, #tpu.memory_space<vmem>> -> memref<125x128xf32, #tpu.memory_space<vmem>>
      %dma_start3A_597 = arith.constant 0 : i32
      %dma_start3A_598 = tpu.memref_slice %arg5[%dma_start3A_590, %dma_start3A_591, %dma_start3A_597] : memref<2x8x125xi32, #tpu.memory_space<vmem>> -> memref<1x1x125xi32, #tpu.memory_space<vmem>>
      %dma_start3A_599 = tpu.memref_squeeze %dma_start3A_598 : memref<1x1x125xi32, #tpu.memory_space<vmem>> -> memref<125xi32, #tpu.memory_space<vmem>>
      %dma_start3A_600 = arith.constant 0 : i32
      %dma_start3A_601 = arith.constant 0 : i32
      %dma_start3A_602 = tpu.memref_slice %arg2[%dma_start3A_600, %dma_start3A_601] : memref<10000x128xf32, #tpu.memory_space<hbm>> -> memref<10000x128xf32, #tpu.memory_space<hbm>>
      tpu.enqueue_indirect_dma source(%dma_start3A_602 : memref<10000x128xf32, #tpu.memory_space<hbm>>) target(%dma_start3A_596 : memref<125x128xf32, #tpu.memory_space<vmem>>) offsets(%dma_start3A_599 : memref<125xi32, #tpu.memory_space<vmem>>) semaphore(%arg12 : memref<!tpu.dma_semaphore, #tpu.memory_space<semaphore_mem>>)
      %dma_wait3A_603 = arith.constant 0 : i32
      %dma_wait3A_604 = arith.constant 0 : i32
      %dma_wait3A_605 = arith.constant 0 : i32
      %dma_wait3A_606 = arith.constant 0 : i32
      %dma_wait3A_607 = arith.constant 0 : i32
      %dma_wait3A_608 = tpu.memref_slice %arg7[%dma_wait3A_605, %dma_wait3A_606, %dma_wait3A_607] : memref<2x125x128xf32, #tpu.memory_space<vmem>> -> memref<1x125x128xf32, #tpu.memory_space<vmem>>
      %dma_wait3A_609 = tpu.memref_squeeze %dma_wait3A_608 : memref<1x125x128xf32, #tpu.memory_space<vmem>> -> memref<125x128xf32, #tpu.memory_space<vmem>>
      %dma_wait3A_610 = arith.constant 0 : i32
      %dma_wait3A_611 = tpu.memref_slice %arg5[%dma_wait3A_603, %dma_wait3A_604, %dma_wait3A_610] : memref<2x8x125xi32, #tpu.memory_space<vmem>> -> memref<1x1x125xi32, #tpu.memory_space<vmem>>
      %dma_wait3A_612 = tpu.memref_squeeze %dma_wait3A_611 : memref<1x1x125xi32, #tpu.memory_space<vmem>> -> memref<125xi32, #tpu.memory_space<vmem>>
      %dma_wait3A_613 = arith.constant 0 : i32
      %dma_wait3A_614 = arith.constant 0 : i32
      %dma_wait3A_615 = tpu.memref_slice %arg2[%dma_wait3A_613, %dma_wait3A_614] : memref<10000x128xf32, #tpu.memory_space<hbm>> -> memref<10000x128xf32, #tpu.memory_space<hbm>>
      tpu.wait_indirect_dma semaphore(%arg11 : memref<!tpu.dma_semaphore, #tpu.memory_space<semaphore_mem>>) src(%dma_wait3A_615 : memref<10000x128xf32, #tpu.memory_space<hbm>>) dst(%dma_wait3A_609 : memref<125x128xf32, #tpu.memory_space<vmem>>)
      %run_scoped3A_616 = arith.constant 0 : i32
      %run_scoped3A_617 = arith.constant 0 : i32
      %run_scoped3A_618 = arith.constant 4 : i32
      "tpu.region"() ({
        %run_scoped3A_1122 = tpu.sem_alloc : memref<!tpu.dma_semaphore, #tpu.memory_space<semaphore_mem>>
        %dma_start3A_1123 = arith.constant 0 : i32
        %dma_start3A_1124 = arith.constant 0 : i32
        %dma_start3A_1125 = tpu.memref_slice %arg7[%run_scoped3A_616, %dma_start3A_1123, %dma_start3A_1124] : memref<2x125x128xf32, #tpu.memory_space<vmem>> -> memref<1x125x128xf32, #tpu.memory_space<vmem>>
        %dma_start3A_1126 = tpu.memref_squeeze %dma_start3A_1125 : memref<1x125x128xf32, #tpu.memory_space<vmem>> -> memref<125x128xf32, #tpu.memory_space<vmem>>
        %dma_start3A_1127 = arith.constant 0 : i32
        %dma_start3A_1128 = tpu.memref_slice %arg6[%run_scoped3A_617, %run_scoped3A_618, %dma_start3A_1127] : memref<2x8x125xi32, #tpu.memory_space<vmem>> -> memref<1x1x125xi32, #tpu.memory_space<vmem>>
        %dma_start3A_1129 = tpu.memref_squeeze %dma_start3A_1128 : memref<1x1x125xi32, #tpu.memory_space<vmem>> -> memref<125xi32, #tpu.memory_space<vmem>>
        %dma_start3A_1130 = arith.constant 0 : i32
        %dma_start3A_1131 = arith.constant 0 : i32
        %dma_start3A_1132 = tpu.memref_slice %arg8[%dma_start3A_1130, %dma_start3A_1131] : memref<10240x128xf32, #tpu.memory_space<vmem_shared>> -> memref<10240x128xf32, #tpu.memory_space<vmem_shared>>
        tpu.enqueue_indirect_dma source(%dma_start3A_1126 : memref<125x128xf32, #tpu.memory_space<vmem>>) target(%dma_start3A_1132 : memref<10240x128xf32, #tpu.memory_space<vmem_shared>>) offsets(%dma_start3A_1129 : memref<125xi32, #tpu.memory_space<vmem>>) semaphore(%run_scoped3A_1122 : memref<!tpu.dma_semaphore, #tpu.memory_space<semaphore_mem>>) {add = true}
        %dma_wait3A_1133 = arith.constant 0 : i32
        %dma_wait3A_1134 = arith.constant 0 : i32
        %dma_wait3A_1135 = tpu.memref_slice %arg7[%run_scoped3A_616, %dma_wait3A_1133, %dma_wait3A_1134] : memref<2x125x128xf32, #tpu.memory_space<vmem>> -> memref<1x125x128xf32, #tpu.memory_space<vmem>>
        %dma_wait3A_1136 = tpu.memref_squeeze %dma_wait3A_1135 : memref<1x125x128xf32, #tpu.memory_space<vmem>> -> memref<125x128xf32, #tpu.memory_space<vmem>>
        %dma_wait3A_1137 = arith.constant 0 : i32
        %dma_wait3A_1138 = tpu.memref_slice %arg6[%run_scoped3A_617, %run_scoped3A_618, %dma_wait3A_1137] : memref<2x8x125xi32, #tpu.memory_space<vmem>> -> memref<1x1x125xi32, #tpu.memory_space<vmem>>
        %dma_wait3A_1139 = tpu.memref_squeeze %dma_wait3A_1138 : memref<1x1x125xi32, #tpu.memory_space<vmem>> -> memref<125xi32, #tpu.memory_space<vmem>>
        %dma_wait3A_1140 = arith.constant 0 : i32
        %dma_wait3A_1141 = arith.constant 0 : i32
        %dma_wait3A_1142 = tpu.memref_slice %arg8[%dma_wait3A_1140, %dma_wait3A_1141] : memref<10240x128xf32, #tpu.memory_space<vmem_shared>> -> memref<10240x128xf32, #tpu.memory_space<vmem_shared>>
        tpu.wait_indirect_dma semaphore(%run_scoped3A_1122 : memref<!tpu.dma_semaphore, #tpu.memory_space<semaphore_mem>>) src(%dma_wait3A_1136 : memref<125x128xf32, #tpu.memory_space<vmem>>) dst(%dma_wait3A_1142 : memref<10240x128xf32, #tpu.memory_space<vmem_shared>>)
        tpu.yield
      }) : () -> ()
      %dma_start3A_619 = arith.constant 0 : i32
      %dma_start3A_620 = arith.constant 6 : i32
      %dma_start3A_621 = arith.constant 0 : i32
      %dma_start3A_622 = arith.constant 0 : i32
      %dma_start3A_623 = arith.constant 0 : i32
      %dma_start3A_624 = tpu.memref_slice %arg7[%dma_start3A_621, %dma_start3A_622, %dma_start3A_623] : memref<2x125x128xf32, #tpu.memory_space<vmem>> -> memref<1x125x128xf32, #tpu.memory_space<vmem>>
      %dma_start3A_625 = tpu.memref_squeeze %dma_start3A_624 : memref<1x125x128xf32, #tpu.memory_space<vmem>> -> memref<125x128xf32, #tpu.memory_space<vmem>>
      %dma_start3A_626 = arith.constant 0 : i32
      %dma_start3A_627 = tpu.memref_slice %arg5[%dma_start3A_619, %dma_start3A_620, %dma_start3A_626] : memref<2x8x125xi32, #tpu.memory_space<vmem>> -> memref<1x1x125xi32, #tpu.memory_space<vmem>>
      %dma_start3A_628 = tpu.memref_squeeze %dma_start3A_627 : memref<1x1x125xi32, #tpu.memory_space<vmem>> -> memref<125xi32, #tpu.memory_space<vmem>>
      %dma_start3A_629 = arith.constant 0 : i32
      %dma_start3A_630 = arith.constant 0 : i32
      %dma_start3A_631 = tpu.memref_slice %arg2[%dma_start3A_629, %dma_start3A_630] : memref<10000x128xf32, #tpu.memory_space<hbm>> -> memref<10000x128xf32, #tpu.memory_space<hbm>>
      tpu.enqueue_indirect_dma source(%dma_start3A_631 : memref<10000x128xf32, #tpu.memory_space<hbm>>) target(%dma_start3A_625 : memref<125x128xf32, #tpu.memory_space<vmem>>) offsets(%dma_start3A_628 : memref<125xi32, #tpu.memory_space<vmem>>) semaphore(%arg11 : memref<!tpu.dma_semaphore, #tpu.memory_space<semaphore_mem>>)
      %dma_wait3A_632 = arith.constant 0 : i32
      %dma_wait3A_633 = arith.constant 0 : i32
      %dma_wait3A_634 = arith.constant 1 : i32
      %dma_wait3A_635 = arith.constant 0 : i32
      %dma_wait3A_636 = arith.constant 0 : i32
      %dma_wait3A_637 = tpu.memref_slice %arg7[%dma_wait3A_634, %dma_wait3A_635, %dma_wait3A_636] : memref<2x125x128xf32, #tpu.memory_space<vmem>> -> memref<1x125x128xf32, #tpu.memory_space<vmem>>
      %dma_wait3A_638 = tpu.memref_squeeze %dma_wait3A_637 : memref<1x125x128xf32, #tpu.memory_space<vmem>> -> memref<125x128xf32, #tpu.memory_space<vmem>>
      %dma_wait3A_639 = arith.constant 0 : i32
      %dma_wait3A_640 = tpu.memref_slice %arg5[%dma_wait3A_632, %dma_wait3A_633, %dma_wait3A_639] : memref<2x8x125xi32, #tpu.memory_space<vmem>> -> memref<1x1x125xi32, #tpu.memory_space<vmem>>
      %dma_wait3A_641 = tpu.memref_squeeze %dma_wait3A_640 : memref<1x1x125xi32, #tpu.memory_space<vmem>> -> memref<125xi32, #tpu.memory_space<vmem>>
      %dma_wait3A_642 = arith.constant 0 : i32
      %dma_wait3A_643 = arith.constant 0 : i32
      %dma_wait3A_644 = tpu.memref_slice %arg2[%dma_wait3A_642, %dma_wait3A_643] : memref<10000x128xf32, #tpu.memory_space<hbm>> -> memref<10000x128xf32, #tpu.memory_space<hbm>>
      tpu.wait_indirect_dma semaphore(%arg12 : memref<!tpu.dma_semaphore, #tpu.memory_space<semaphore_mem>>) src(%dma_wait3A_644 : memref<10000x128xf32, #tpu.memory_space<hbm>>) dst(%dma_wait3A_638 : memref<125x128xf32, #tpu.memory_space<vmem>>)
      %run_scoped3A_645 = arith.constant 1 : i32
      %run_scoped3A_646 = arith.constant 0 : i32
      %run_scoped3A_647 = arith.constant 5 : i32
      "tpu.region"() ({
        %run_scoped3A_1122 = tpu.sem_alloc : memref<!tpu.dma_semaphore, #tpu.memory_space<semaphore_mem>>
        %dma_start3A_1123 = arith.constant 0 : i32
        %dma_start3A_1124 = arith.constant 0 : i32
        %dma_start3A_1125 = tpu.memref_slice %arg7[%run_scoped3A_645, %dma_start3A_1123, %dma_start3A_1124] : memref<2x125x128xf32, #tpu.memory_space<vmem>> -> memref<1x125x128xf32, #tpu.memory_space<vmem>>
        %dma_start3A_1126 = tpu.memref_squeeze %dma_start3A_1125 : memref<1x125x128xf32, #tpu.memory_space<vmem>> -> memref<125x128xf32, #tpu.memory_space<vmem>>
        %dma_start3A_1127 = arith.constant 0 : i32
        %dma_start3A_1128 = tpu.memref_slice %arg6[%run_scoped3A_646, %run_scoped3A_647, %dma_start3A_1127] : memref<2x8x125xi32, #tpu.memory_space<vmem>> -> memref<1x1x125xi32, #tpu.memory_space<vmem>>
        %dma_start3A_1129 = tpu.memref_squeeze %dma_start3A_1128 : memref<1x1x125xi32, #tpu.memory_space<vmem>> -> memref<125xi32, #tpu.memory_space<vmem>>
        %dma_start3A_1130 = arith.constant 0 : i32
        %dma_start3A_1131 = arith.constant 0 : i32
        %dma_start3A_1132 = tpu.memref_slice %arg8[%dma_start3A_1130, %dma_start3A_1131] : memref<10240x128xf32, #tpu.memory_space<vmem_shared>> -> memref<10240x128xf32, #tpu.memory_space<vmem_shared>>
        tpu.enqueue_indirect_dma source(%dma_start3A_1126 : memref<125x128xf32, #tpu.memory_space<vmem>>) target(%dma_start3A_1132 : memref<10240x128xf32, #tpu.memory_space<vmem_shared>>) offsets(%dma_start3A_1129 : memref<125xi32, #tpu.memory_space<vmem>>) semaphore(%run_scoped3A_1122 : memref<!tpu.dma_semaphore, #tpu.memory_space<semaphore_mem>>) {add = true}
        %dma_wait3A_1133 = arith.constant 0 : i32
        %dma_wait3A_1134 = arith.constant 0 : i32
        %dma_wait3A_1135 = tpu.memref_slice %arg7[%run_scoped3A_645, %dma_wait3A_1133, %dma_wait3A_1134] : memref<2x125x128xf32, #tpu.memory_space<vmem>> -> memref<1x125x128xf32, #tpu.memory_space<vmem>>
        %dma_wait3A_1136 = tpu.memref_squeeze %dma_wait3A_1135 : memref<1x125x128xf32, #tpu.memory_space<vmem>> -> memref<125x128xf32, #tpu.memory_space<vmem>>
        %dma_wait3A_1137 = arith.constant 0 : i32
        %dma_wait3A_1138 = tpu.memref_slice %arg6[%run_scoped3A_646, %run_scoped3A_647, %dma_wait3A_1137] : memref<2x8x125xi32, #tpu.memory_space<vmem>> -> memref<1x1x125xi32, #tpu.memory_space<vmem>>
        %dma_wait3A_1139 = tpu.memref_squeeze %dma_wait3A_1138 : memref<1x1x125xi32, #tpu.memory_space<vmem>> -> memref<125xi32, #tpu.memory_space<vmem>>
        %dma_wait3A_1140 = arith.constant 0 : i32
        %dma_wait3A_1141 = arith.constant 0 : i32
        %dma_wait3A_1142 = tpu.memref_slice %arg8[%dma_wait3A_1140, %dma_wait3A_1141] : memref<10240x128xf32, #tpu.memory_space<vmem_shared>> -> memref<10240x128xf32, #tpu.memory_space<vmem_shared>>
        tpu.wait_indirect_dma semaphore(%run_scoped3A_1122 : memref<!tpu.dma_semaphore, #tpu.memory_space<semaphore_mem>>) src(%dma_wait3A_1136 : memref<125x128xf32, #tpu.memory_space<vmem>>) dst(%dma_wait3A_1142 : memref<10240x128xf32, #tpu.memory_space<vmem_shared>>)
        tpu.yield
      }) : () -> ()
      %dma_start3A_648 = arith.constant 0 : i32
      %dma_start3A_649 = arith.constant 7 : i32
      %dma_start3A_650 = arith.constant 1 : i32
      %dma_start3A_651 = arith.constant 0 : i32
      %dma_start3A_652 = arith.constant 0 : i32
      %dma_start3A_653 = tpu.memref_slice %arg7[%dma_start3A_650, %dma_start3A_651, %dma_start3A_652] : memref<2x125x128xf32, #tpu.memory_space<vmem>> -> memref<1x125x128xf32, #tpu.memory_space<vmem>>
      %dma_start3A_654 = tpu.memref_squeeze %dma_start3A_653 : memref<1x125x128xf32, #tpu.memory_space<vmem>> -> memref<125x128xf32, #tpu.memory_space<vmem>>
      %dma_start3A_655 = arith.constant 0 : i32
      %dma_start3A_656 = tpu.memref_slice %arg5[%dma_start3A_648, %dma_start3A_649, %dma_start3A_655] : memref<2x8x125xi32, #tpu.memory_space<vmem>> -> memref<1x1x125xi32, #tpu.memory_space<vmem>>
      %dma_start3A_657 = tpu.memref_squeeze %dma_start3A_656 : memref<1x1x125xi32, #tpu.memory_space<vmem>> -> memref<125xi32, #tpu.memory_space<vmem>>
      %dma_start3A_658 = arith.constant 0 : i32
      %dma_start3A_659 = arith.constant 0 : i32
      %dma_start3A_660 = tpu.memref_slice %arg2[%dma_start3A_658, %dma_start3A_659] : memref<10000x128xf32, #tpu.memory_space<hbm>> -> memref<10000x128xf32, #tpu.memory_space<hbm>>
      tpu.enqueue_indirect_dma source(%dma_start3A_660 : memref<10000x128xf32, #tpu.memory_space<hbm>>) target(%dma_start3A_654 : memref<125x128xf32, #tpu.memory_space<vmem>>) offsets(%dma_start3A_657 : memref<125xi32, #tpu.memory_space<vmem>>) semaphore(%arg12 : memref<!tpu.dma_semaphore, #tpu.memory_space<semaphore_mem>>)
      %dma_wait3A_661 = arith.constant 0 : i32
      %dma_wait3A_662 = arith.constant 0 : i32
      %dma_wait3A_663 = arith.constant 0 : i32
      %dma_wait3A_664 = arith.constant 0 : i32
      %dma_wait3A_665 = arith.constant 0 : i32
      %dma_wait3A_666 = tpu.memref_slice %arg7[%dma_wait3A_663, %dma_wait3A_664, %dma_wait3A_665] : memref<2x125x128xf32, #tpu.memory_space<vmem>> -> memref<1x125x128xf32, #tpu.memory_space<vmem>>
      %dma_wait3A_667 = tpu.memref_squeeze %dma_wait3A_666 : memref<1x125x128xf32, #tpu.memory_space<vmem>> -> memref<125x128xf32, #tpu.memory_space<vmem>>
      %dma_wait3A_668 = arith.constant 0 : i32
      %dma_wait3A_669 = tpu.memref_slice %arg5[%dma_wait3A_661, %dma_wait3A_662, %dma_wait3A_668] : memref<2x8x125xi32, #tpu.memory_space<vmem>> -> memref<1x1x125xi32, #tpu.memory_space<vmem>>
      %dma_wait3A_670 = tpu.memref_squeeze %dma_wait3A_669 : memref<1x1x125xi32, #tpu.memory_space<vmem>> -> memref<125xi32, #tpu.memory_space<vmem>>
      %dma_wait3A_671 = arith.constant 0 : i32
      %dma_wait3A_672 = arith.constant 0 : i32
      %dma_wait3A_673 = tpu.memref_slice %arg2[%dma_wait3A_671, %dma_wait3A_672] : memref<10000x128xf32, #tpu.memory_space<hbm>> -> memref<10000x128xf32, #tpu.memory_space<hbm>>
      tpu.wait_indirect_dma semaphore(%arg11 : memref<!tpu.dma_semaphore, #tpu.memory_space<semaphore_mem>>) src(%dma_wait3A_673 : memref<10000x128xf32, #tpu.memory_space<hbm>>) dst(%dma_wait3A_667 : memref<125x128xf32, #tpu.memory_space<vmem>>)
      %run_scoped3A_674 = arith.constant 0 : i32
      %run_scoped3A_675 = arith.constant 0 : i32
      %run_scoped3A_676 = arith.constant 6 : i32
      "tpu.region"() ({
        %run_scoped3A_1122 = tpu.sem_alloc : memref<!tpu.dma_semaphore, #tpu.memory_space<semaphore_mem>>
        %dma_start3A_1123 = arith.constant 0 : i32
        %dma_start3A_1124 = arith.constant 0 : i32
        %dma_start3A_1125 = tpu.memref_slice %arg7[%run_scoped3A_674, %dma_start3A_1123, %dma_start3A_1124] : memref<2x125x128xf32, #tpu.memory_space<vmem>> -> memref<1x125x128xf32, #tpu.memory_space<vmem>>
        %dma_start3A_1126 = tpu.memref_squeeze %dma_start3A_1125 : memref<1x125x128xf32, #tpu.memory_space<vmem>> -> memref<125x128xf32, #tpu.memory_space<vmem>>
        %dma_start3A_1127 = arith.constant 0 : i32
        %dma_start3A_1128 = tpu.memref_slice %arg6[%run_scoped3A_675, %run_scoped3A_676, %dma_start3A_1127] : memref<2x8x125xi32, #tpu.memory_space<vmem>> -> memref<1x1x125xi32, #tpu.memory_space<vmem>>
        %dma_start3A_1129 = tpu.memref_squeeze %dma_start3A_1128 : memref<1x1x125xi32, #tpu.memory_space<vmem>> -> memref<125xi32, #tpu.memory_space<vmem>>
        %dma_start3A_1130 = arith.constant 0 : i32
        %dma_start3A_1131 = arith.constant 0 : i32
        %dma_start3A_1132 = tpu.memref_slice %arg8[%dma_start3A_1130, %dma_start3A_1131] : memref<10240x128xf32, #tpu.memory_space<vmem_shared>> -> memref<10240x128xf32, #tpu.memory_space<vmem_shared>>
        tpu.enqueue_indirect_dma source(%dma_start3A_1126 : memref<125x128xf32, #tpu.memory_space<vmem>>) target(%dma_start3A_1132 : memref<10240x128xf32, #tpu.memory_space<vmem_shared>>) offsets(%dma_start3A_1129 : memref<125xi32, #tpu.memory_space<vmem>>) semaphore(%run_scoped3A_1122 : memref<!tpu.dma_semaphore, #tpu.memory_space<semaphore_mem>>) {add = true}
        %dma_wait3A_1133 = arith.constant 0 : i32
        %dma_wait3A_1134 = arith.constant 0 : i32
        %dma_wait3A_1135 = tpu.memref_slice %arg7[%run_scoped3A_674, %dma_wait3A_1133, %dma_wait3A_1134] : memref<2x125x128xf32, #tpu.memory_space<vmem>> -> memref<1x125x128xf32, #tpu.memory_space<vmem>>
        %dma_wait3A_1136 = tpu.memref_squeeze %dma_wait3A_1135 : memref<1x125x128xf32, #tpu.memory_space<vmem>> -> memref<125x128xf32, #tpu.memory_space<vmem>>
        %dma_wait3A_1137 = arith.constant 0 : i32
        %dma_wait3A_1138 = tpu.memref_slice %arg6[%run_scoped3A_675, %run_scoped3A_676, %dma_wait3A_1137] : memref<2x8x125xi32, #tpu.memory_space<vmem>> -> memref<1x1x125xi32, #tpu.memory_space<vmem>>
        %dma_wait3A_1139 = tpu.memref_squeeze %dma_wait3A_1138 : memref<1x1x125xi32, #tpu.memory_space<vmem>> -> memref<125xi32, #tpu.memory_space<vmem>>
        %dma_wait3A_1140 = arith.constant 0 : i32
        %dma_wait3A_1141 = arith.constant 0 : i32
        %dma_wait3A_1142 = tpu.memref_slice %arg8[%dma_wait3A_1140, %dma_wait3A_1141] : memref<10240x128xf32, #tpu.memory_space<vmem_shared>> -> memref<10240x128xf32, #tpu.memory_space<vmem_shared>>
        tpu.wait_indirect_dma semaphore(%run_scoped3A_1122 : memref<!tpu.dma_semaphore, #tpu.memory_space<semaphore_mem>>) src(%dma_wait3A_1136 : memref<125x128xf32, #tpu.memory_space<vmem>>) dst(%dma_wait3A_1142 : memref<10240x128xf32, #tpu.memory_space<vmem_shared>>)
        tpu.yield
      }) : () -> ()
      %dma_wait3A_677 = arith.constant 0 : i32
      %dma_wait3A_678 = arith.constant 0 : i32
      %dma_wait3A_679 = arith.constant 1 : i32
      %dma_wait3A_680 = arith.constant 0 : i32
      %dma_wait3A_681 = arith.constant 0 : i32
      %dma_wait3A_682 = tpu.memref_slice %arg5[%dma_wait3A_679, %dma_wait3A_680, %dma_wait3A_681] : memref<2x8x125xi32, #tpu.memory_space<vmem>> -> memref<1x8x125xi32, #tpu.memory_space<vmem>>
      %dma_wait3A_683 = tpu.memref_squeeze %dma_wait3A_682 : memref<1x8x125xi32, #tpu.memory_space<vmem>> -> memref<8x125xi32, #tpu.memory_space<vmem>>
      %dma_wait3A_684 = arith.constant 0 : i32
      %dma_wait3A_685 = arith.constant 0 : i32
      %dma_wait3A_686 = tpu.memref_slice %arg3[%dma_wait3A_677, %add3A, %dma_wait3A_678, %dma_wait3A_684, %dma_wait3A_685] : memref<2x32x10x8x125xi32, #tpu.memory_space<hbm>> -> memref<1x1x1x8x125xi32, #tpu.memory_space<hbm>>
      %dma_wait3A_687 = tpu.memref_squeeze %dma_wait3A_686 : memref<1x1x1x8x125xi32, #tpu.memory_space<hbm>> -> memref<8x125xi32, #tpu.memory_space<hbm>>
      %dma_wait3A_688 = arith.constant 0 : i32
      %dma_wait3A_689 = arith.constant 0 : i32
      %dma_wait3A_690 = tpu.memref_slice %arg5[%dma_wait3A_679, %dma_wait3A_688, %dma_wait3A_689] : memref<2x8x125xi32, #tpu.memory_space<vmem>> -> memref<1x8x125xi32, #tpu.memory_space<vmem>>
      %dma_wait3A_691 = tpu.memref_squeeze %dma_wait3A_690 : memref<1x8x125xi32, #tpu.memory_space<vmem>> -> memref<8x125xi32, #tpu.memory_space<vmem>>
      %dma_wait3A_692 = arith.constant 0 : i32
      %dma_wait3A_693 = arith.constant 0 : i32
      %dma_wait3A_694 = tpu.memref_slice %arg3[%dma_wait3A_677, %add3A, %dma_wait3A_678, %dma_wait3A_692, %dma_wait3A_693] : memref<2x32x10x8x125xi32, #tpu.memory_space<hbm>> -> memref<1x1x1x8x125xi32, #tpu.memory_space<hbm>>
      %dma_wait3A_695 = tpu.memref_squeeze %dma_wait3A_694 : memref<1x1x1x8x125xi32, #tpu.memory_space<hbm>> -> memref<8x125xi32, #tpu.memory_space<hbm>>
      tpu.wait_dma2 semaphore(%arg10 : memref<!tpu.dma_semaphore, #tpu.memory_space<semaphore_mem>>) src(%dma_wait3A_695 : memref<8x125xi32, #tpu.memory_space<hbm>>) dst(%dma_wait3A_691 : memref<8x125xi32, #tpu.memory_space<vmem>>)
      %dma_wait3A_696 = arith.constant 1 : i32
      %dma_wait3A_697 = arith.constant 0 : i32
      %dma_wait3A_698 = arith.constant 1 : i32
      %dma_wait3A_699 = arith.constant 0 : i32
      %dma_wait3A_700 = arith.constant 0 : i32
      %dma_wait3A_701 = tpu.memref_slice %arg6[%dma_wait3A_698, %dma_wait3A_699, %dma_wait3A_700] : memref<2x8x125xi32, #tpu.memory_space<vmem>> -> memref<1x8x125xi32, #tpu.memory_space<vmem>>
      %dma_wait3A_702 = tpu.memref_squeeze %dma_wait3A_701 : memref<1x8x125xi32, #tpu.memory_space<vmem>> -> memref<8x125xi32, #tpu.memory_space<vmem>>
      %dma_wait3A_703 = arith.constant 0 : i32
      %dma_wait3A_704 = arith.constant 0 : i32
      %dma_wait3A_705 = tpu.memref_slice %arg3[%dma_wait3A_696, %add3A, %dma_wait3A_697, %dma_wait3A_703, %dma_wait3A_704] : memref<2x32x10x8x125xi32, #tpu.memory_space<hbm>> -> memref<1x1x1x8x125xi32, #tpu.memory_space<hbm>>
      %dma_wait3A_706 = tpu.memref_squeeze %dma_wait3A_705 : memref<1x1x1x8x125xi32, #tpu.memory_space<hbm>> -> memref<8x125xi32, #tpu.memory_space<hbm>>
      %dma_wait3A_707 = arith.constant 0 : i32
      %dma_wait3A_708 = arith.constant 0 : i32
      %dma_wait3A_709 = tpu.memref_slice %arg6[%dma_wait3A_698, %dma_wait3A_707, %dma_wait3A_708] : memref<2x8x125xi32, #tpu.memory_space<vmem>> -> memref<1x8x125xi32, #tpu.memory_space<vmem>>
      %dma_wait3A_710 = tpu.memref_squeeze %dma_wait3A_709 : memref<1x8x125xi32, #tpu.memory_space<vmem>> -> memref<8x125xi32, #tpu.memory_space<vmem>>
      %dma_wait3A_711 = arith.constant 0 : i32
      %dma_wait3A_712 = arith.constant 0 : i32
      %dma_wait3A_713 = tpu.memref_slice %arg3[%dma_wait3A_696, %add3A, %dma_wait3A_697, %dma_wait3A_711, %dma_wait3A_712] : memref<2x32x10x8x125xi32, #tpu.memory_space<hbm>> -> memref<1x1x1x8x125xi32, #tpu.memory_space<hbm>>
      %dma_wait3A_714 = tpu.memref_squeeze %dma_wait3A_713 : memref<1x1x1x8x125xi32, #tpu.memory_space<hbm>> -> memref<8x125xi32, #tpu.memory_space<hbm>>
      tpu.wait_dma2 semaphore(%arg10 : memref<!tpu.dma_semaphore, #tpu.memory_space<semaphore_mem>>) src(%dma_wait3A_714 : memref<8x125xi32, #tpu.memory_space<hbm>>) dst(%dma_wait3A_710 : memref<8x125xi32, #tpu.memory_space<vmem>>)
      %dma_start3A_715 = arith.constant 1 : i32
      %dma_start3A_716 = arith.constant 0 : i32
      %dma_start3A_717 = arith.constant 0 : i32
      %dma_start3A_718 = arith.constant 0 : i32
      %dma_start3A_719 = arith.constant 0 : i32
      %dma_start3A_720 = tpu.memref_slice %arg7[%dma_start3A_717, %dma_start3A_718, %dma_start3A_719] : memref<2x125x128xf32, #tpu.memory_space<vmem>> -> memref<1x125x128xf32, #tpu.memory_space<vmem>>
      %dma_start3A_721 = tpu.memref_squeeze %dma_start3A_720 : memref<1x125x128xf32, #tpu.memory_space<vmem>> -> memref<125x128xf32, #tpu.memory_space<vmem>>
      %dma_start3A_722 = arith.constant 0 : i32
      %dma_start3A_723 = tpu.memref_slice %arg5[%dma_start3A_715, %dma_start3A_716, %dma_start3A_722] : memref<2x8x125xi32, #tpu.memory_space<vmem>> -> memref<1x1x125xi32, #tpu.memory_space<vmem>>
      %dma_start3A_724 = tpu.memref_squeeze %dma_start3A_723 : memref<1x1x125xi32, #tpu.memory_space<vmem>> -> memref<125xi32, #tpu.memory_space<vmem>>
      %dma_start3A_725 = arith.constant 0 : i32
      %dma_start3A_726 = arith.constant 0 : i32
      %dma_start3A_727 = tpu.memref_slice %arg2[%dma_start3A_725, %dma_start3A_726] : memref<10000x128xf32, #tpu.memory_space<hbm>> -> memref<10000x128xf32, #tpu.memory_space<hbm>>
      tpu.enqueue_indirect_dma source(%dma_start3A_727 : memref<10000x128xf32, #tpu.memory_space<hbm>>) target(%dma_start3A_721 : memref<125x128xf32, #tpu.memory_space<vmem>>) offsets(%dma_start3A_724 : memref<125xi32, #tpu.memory_space<vmem>>) semaphore(%arg11 : memref<!tpu.dma_semaphore, #tpu.memory_space<semaphore_mem>>)
      %dma_wait3A_728 = arith.constant 0 : i32
      %dma_wait3A_729 = arith.constant 0 : i32
      %dma_wait3A_730 = arith.constant 1 : i32
      %dma_wait3A_731 = arith.constant 0 : i32
      %dma_wait3A_732 = arith.constant 0 : i32
      %dma_wait3A_733 = tpu.memref_slice %arg7[%dma_wait3A_730, %dma_wait3A_731, %dma_wait3A_732] : memref<2x125x128xf32, #tpu.memory_space<vmem>> -> memref<1x125x128xf32, #tpu.memory_space<vmem>>
      %dma_wait3A_734 = tpu.memref_squeeze %dma_wait3A_733 : memref<1x125x128xf32, #tpu.memory_space<vmem>> -> memref<125x128xf32, #tpu.memory_space<vmem>>
      %dma_wait3A_735 = arith.constant 0 : i32
      %dma_wait3A_736 = tpu.memref_slice %arg5[%dma_wait3A_728, %dma_wait3A_729, %dma_wait3A_735] : memref<2x8x125xi32, #tpu.memory_space<vmem>> -> memref<1x1x125xi32, #tpu.memory_space<vmem>>
      %dma_wait3A_737 = tpu.memref_squeeze %dma_wait3A_736 : memref<1x1x125xi32, #tpu.memory_space<vmem>> -> memref<125xi32, #tpu.memory_space<vmem>>
      %dma_wait3A_738 = arith.constant 0 : i32
      %dma_wait3A_739 = arith.constant 0 : i32
      %dma_wait3A_740 = tpu.memref_slice %arg2[%dma_wait3A_738, %dma_wait3A_739] : memref<10000x128xf32, #tpu.memory_space<hbm>> -> memref<10000x128xf32, #tpu.memory_space<hbm>>
      tpu.wait_indirect_dma semaphore(%arg12 : memref<!tpu.dma_semaphore, #tpu.memory_space<semaphore_mem>>) src(%dma_wait3A_740 : memref<10000x128xf32, #tpu.memory_space<hbm>>) dst(%dma_wait3A_734 : memref<125x128xf32, #tpu.memory_space<vmem>>)
      %run_scoped3A_741 = arith.constant 1 : i32
      %run_scoped3A_742 = arith.constant 0 : i32
      %run_scoped3A_743 = arith.constant 7 : i32
      "tpu.region"() ({
        %run_scoped3A_1122 = tpu.sem_alloc : memref<!tpu.dma_semaphore, #tpu.memory_space<semaphore_mem>>
        %dma_start3A_1123 = arith.constant 0 : i32
        %dma_start3A_1124 = arith.constant 0 : i32
        %dma_start3A_1125 = tpu.memref_slice %arg7[%run_scoped3A_741, %dma_start3A_1123, %dma_start3A_1124] : memref<2x125x128xf32, #tpu.memory_space<vmem>> -> memref<1x125x128xf32, #tpu.memory_space<vmem>>
        %dma_start3A_1126 = tpu.memref_squeeze %dma_start3A_1125 : memref<1x125x128xf32, #tpu.memory_space<vmem>> -> memref<125x128xf32, #tpu.memory_space<vmem>>
        %dma_start3A_1127 = arith.constant 0 : i32
        %dma_start3A_1128 = tpu.memref_slice %arg6[%run_scoped3A_742, %run_scoped3A_743, %dma_start3A_1127] : memref<2x8x125xi32, #tpu.memory_space<vmem>> -> memref<1x1x125xi32, #tpu.memory_space<vmem>>
        %dma_start3A_1129 = tpu.memref_squeeze %dma_start3A_1128 : memref<1x1x125xi32, #tpu.memory_space<vmem>> -> memref<125xi32, #tpu.memory_space<vmem>>
        %dma_start3A_1130 = arith.constant 0 : i32
        %dma_start3A_1131 = arith.constant 0 : i32
        %dma_start3A_1132 = tpu.memref_slice %arg8[%dma_start3A_1130, %dma_start3A_1131] : memref<10240x128xf32, #tpu.memory_space<vmem_shared>> -> memref<10240x128xf32, #tpu.memory_space<vmem_shared>>
        tpu.enqueue_indirect_dma source(%dma_start3A_1126 : memref<125x128xf32, #tpu.memory_space<vmem>>) target(%dma_start3A_1132 : memref<10240x128xf32, #tpu.memory_space<vmem_shared>>) offsets(%dma_start3A_1129 : memref<125xi32, #tpu.memory_space<vmem>>) semaphore(%run_scoped3A_1122 : memref<!tpu.dma_semaphore, #tpu.memory_space<semaphore_mem>>) {add = true}
        %dma_wait3A_1133 = arith.constant 0 : i32
        %dma_wait3A_1134 = arith.constant 0 : i32
        %dma_wait3A_1135 = tpu.memref_slice %arg7[%run_scoped3A_741, %dma_wait3A_1133, %dma_wait3A_1134] : memref<2x125x128xf32, #tpu.memory_space<vmem>> -> memref<1x125x128xf32, #tpu.memory_space<vmem>>
        %dma_wait3A_1136 = tpu.memref_squeeze %dma_wait3A_1135 : memref<1x125x128xf32, #tpu.memory_space<vmem>> -> memref<125x128xf32, #tpu.memory_space<vmem>>
        %dma_wait3A_1137 = arith.constant 0 : i32
        %dma_wait3A_1138 = tpu.memref_slice %arg6[%run_scoped3A_742, %run_scoped3A_743, %dma_wait3A_1137] : memref<2x8x125xi32, #tpu.memory_space<vmem>> -> memref<1x1x125xi32, #tpu.memory_space<vmem>>
        %dma_wait3A_1139 = tpu.memref_squeeze %dma_wait3A_1138 : memref<1x1x125xi32, #tpu.memory_space<vmem>> -> memref<125xi32, #tpu.memory_space<vmem>>
        %dma_wait3A_1140 = arith.constant 0 : i32
        %dma_wait3A_1141 = arith.constant 0 : i32
        %dma_wait3A_1142 = tpu.memref_slice %arg8[%dma_wait3A_1140, %dma_wait3A_1141] : memref<10240x128xf32, #tpu.memory_space<vmem_shared>> -> memref<10240x128xf32, #tpu.memory_space<vmem_shared>>
        tpu.wait_indirect_dma semaphore(%run_scoped3A_1122 : memref<!tpu.dma_semaphore, #tpu.memory_space<semaphore_mem>>) src(%dma_wait3A_1136 : memref<125x128xf32, #tpu.memory_space<vmem>>) dst(%dma_wait3A_1142 : memref<10240x128xf32, #tpu.memory_space<vmem_shared>>)
        tpu.yield
      }) : () -> ()
      %dma_start3A_744 = arith.constant 1 : i32
      %dma_start3A_745 = arith.constant 1 : i32
      %dma_start3A_746 = arith.constant 1 : i32
      %dma_start3A_747 = arith.constant 0 : i32
      %dma_start3A_748 = arith.constant 0 : i32
      %dma_start3A_749 = tpu.memref_slice %arg7[%dma_start3A_746, %dma_start3A_747, %dma_start3A_748] : memref<2x125x128xf32, #tpu.memory_space<vmem>> -> memref<1x125x128xf32, #tpu.memory_space<vmem>>
      %dma_start3A_750 = tpu.memref_squeeze %dma_start3A_749 : memref<1x125x128xf32, #tpu.memory_space<vmem>> -> memref<125x128xf32, #tpu.memory_space<vmem>>
      %dma_start3A_751 = arith.constant 0 : i32
      %dma_start3A_752 = tpu.memref_slice %arg5[%dma_start3A_744, %dma_start3A_745, %dma_start3A_751] : memref<2x8x125xi32, #tpu.memory_space<vmem>> -> memref<1x1x125xi32, #tpu.memory_space<vmem>>
      %dma_start3A_753 = tpu.memref_squeeze %dma_start3A_752 : memref<1x1x125xi32, #tpu.memory_space<vmem>> -> memref<125xi32, #tpu.memory_space<vmem>>
      %dma_start3A_754 = arith.constant 0 : i32
      %dma_start3A_755 = arith.constant 0 : i32
      %dma_start3A_756 = tpu.memref_slice %arg2[%dma_start3A_754, %dma_start3A_755] : memref<10000x128xf32, #tpu.memory_space<hbm>> -> memref<10000x128xf32, #tpu.memory_space<hbm>>
      tpu.enqueue_indirect_dma source(%dma_start3A_756 : memref<10000x128xf32, #tpu.memory_space<hbm>>) target(%dma_start3A_750 : memref<125x128xf32, #tpu.memory_space<vmem>>) offsets(%dma_start3A_753 : memref<125xi32, #tpu.memory_space<vmem>>) semaphore(%arg12 : memref<!tpu.dma_semaphore, #tpu.memory_space<semaphore_mem>>)
      %add3A_757 = arith.constant 2 : i32
      %add3A_758 = arith.addi %mul3A_487, %add3A_757 : i32
      %ge3A = arith.constant 10 : i32
      %ge3A_759 = arith.cmpi sge, %add3A_758, %ge3A : i32
      %add3A_760 = arith.constant 2 : i32
      %add3A_761 = arith.addi %mul3A_487, %add3A_760 : i32
      %sub3A = arith.constant 10 : i32
      %sub3A_762 = arith.subi %add3A_761, %sub3A : i32
      %add3A_763 = arith.constant 2 : i32
      %add3A_764 = arith.addi %mul3A_487, %add3A_763 : i32
      %select_n3A = arith.select %ge3A_759, %sub3A_762, %add3A_764 : i32
      %dma_start3A_765 = arith.constant 0 : i32
      %dma_start3A_766 = arith.constant 0 : i32
      %dma_start3A_767 = arith.constant 0 : i32
      %dma_start3A_768 = arith.constant 0 : i32
      %dma_start3A_769 = tpu.memref_slice %arg5[%dma_start3A_766, %dma_start3A_767, %dma_start3A_768] : memref<2x8x125xi32, #tpu.memory_space<vmem>> -> memref<1x8x125xi32, #tpu.memory_space<vmem>>
      %dma_start3A_770 = tpu.memref_squeeze %dma_start3A_769 : memref<1x8x125xi32, #tpu.memory_space<vmem>> -> memref<8x125xi32, #tpu.memory_space<vmem>>
      %dma_start3A_771 = arith.constant 0 : i32
      %dma_start3A_772 = arith.constant 0 : i32
      %dma_start3A_773 = tpu.memref_slice %arg3[%dma_start3A_765, %add3A, %select_n3A, %dma_start3A_771, %dma_start3A_772] : memref<2x32x10x8x125xi32, #tpu.memory_space<hbm>> -> memref<1x1x1x8x125xi32, #tpu.memory_space<hbm>>
      %dma_start3A_774 = tpu.memref_squeeze %dma_start3A_773 : memref<1x1x1x8x125xi32, #tpu.memory_space<hbm>> -> memref<8x125xi32, #tpu.memory_space<hbm>>
      %dma_start3A_775 = arith.constant 0 : i32
      %dma_start3A_776 = arith.constant 0 : i32
      %dma_start3A_777 = tpu.memref_slice %arg5[%dma_start3A_766, %dma_start3A_775, %dma_start3A_776] : memref<2x8x125xi32, #tpu.memory_space<vmem>> -> memref<1x8x125xi32, #tpu.memory_space<vmem>>
      %dma_start3A_778 = tpu.memref_squeeze %dma_start3A_777 : memref<1x8x125xi32, #tpu.memory_space<vmem>> -> memref<8x125xi32, #tpu.memory_space<vmem>>
      %dma_start3A_779 = arith.constant 0 : i32
      %dma_start3A_780 = arith.constant 0 : i32
      %dma_start3A_781 = tpu.memref_slice %arg3[%dma_start3A_765, %add3A, %select_n3A, %dma_start3A_779, %dma_start3A_780] : memref<2x32x10x8x125xi32, #tpu.memory_space<hbm>> -> memref<1x1x1x8x125xi32, #tpu.memory_space<hbm>>
      %dma_start3A_782 = tpu.memref_squeeze %dma_start3A_781 : memref<1x1x1x8x125xi32, #tpu.memory_space<hbm>> -> memref<8x125xi32, #tpu.memory_space<hbm>>
      tpu.enqueue_dma source(%dma_start3A_782 : memref<8x125xi32, #tpu.memory_space<hbm>>) target(%dma_start3A_778 : memref<8x125xi32, #tpu.memory_space<vmem>>) target_semaphore(%arg9 : memref<!tpu.dma_semaphore, #tpu.memory_space<semaphore_mem>>)
      %dma_start3A_783 = arith.constant 1 : i32
      %dma_start3A_784 = arith.constant 0 : i32
      %dma_start3A_785 = arith.constant 0 : i32
      %dma_start3A_786 = arith.constant 0 : i32
      %dma_start3A_787 = tpu.memref_slice %arg6[%dma_start3A_784, %dma_start3A_785, %dma_start3A_786] : memref<2x8x125xi32, #tpu.memory_space<vmem>> -> memref<1x8x125xi32, #tpu.memory_space<vmem>>
      %dma_start3A_788 = tpu.memref_squeeze %dma_start3A_787 : memref<1x8x125xi32, #tpu.memory_space<vmem>> -> memref<8x125xi32, #tpu.memory_space<vmem>>
      %dma_start3A_789 = arith.constant 0 : i32
      %dma_start3A_790 = arith.constant 0 : i32
      %dma_start3A_791 = tpu.memref_slice %arg3[%dma_start3A_783, %add3A, %select_n3A, %dma_start3A_789, %dma_start3A_790] : memref<2x32x10x8x125xi32, #tpu.memory_space<hbm>> -> memref<1x1x1x8x125xi32, #tpu.memory_space<hbm>>
      %dma_start3A_792 = tpu.memref_squeeze %dma_start3A_791 : memref<1x1x1x8x125xi32, #tpu.memory_space<hbm>> -> memref<8x125xi32, #tpu.memory_space<hbm>>
      %dma_start3A_793 = arith.constant 0 : i32
      %dma_start3A_794 = arith.constant 0 : i32
      %dma_start3A_795 = tpu.memref_slice %arg6[%dma_start3A_784, %dma_start3A_793, %dma_start3A_794] : memref<2x8x125xi32, #tpu.memory_space<vmem>> -> memref<1x8x125xi32, #tpu.memory_space<vmem>>
      %dma_start3A_796 = tpu.memref_squeeze %dma_start3A_795 : memref<1x8x125xi32, #tpu.memory_space<vmem>> -> memref<8x125xi32, #tpu.memory_space<vmem>>
      %dma_start3A_797 = arith.constant 0 : i32
      %dma_start3A_798 = arith.constant 0 : i32
      %dma_start3A_799 = tpu.memref_slice %arg3[%dma_start3A_783, %add3A, %select_n3A, %dma_start3A_797, %dma_start3A_798] : memref<2x32x10x8x125xi32, #tpu.memory_space<hbm>> -> memref<1x1x1x8x125xi32, #tpu.memory_space<hbm>>
      %dma_start3A_800 = tpu.memref_squeeze %dma_start3A_799 : memref<1x1x1x8x125xi32, #tpu.memory_space<hbm>> -> memref<8x125xi32, #tpu.memory_space<hbm>>
      tpu.enqueue_dma source(%dma_start3A_800 : memref<8x125xi32, #tpu.memory_space<hbm>>) target(%dma_start3A_796 : memref<8x125xi32, #tpu.memory_space<vmem>>) target_semaphore(%arg9 : memref<!tpu.dma_semaphore, #tpu.memory_space<semaphore_mem>>)
      %mul3A_801 = arith.constant 2 : i32
      %mul3A_802 = arith.muli %mul3A_801, %scan3A_485 : i32
      %add3A_803 = arith.constant 1 : i32
      %add3A_804 = arith.addi %mul3A_802, %add3A_803 : i32
      %dma_wait3A_805 = arith.constant 0 : i32
      %dma_wait3A_806 = arith.constant 0 : i32
      %dma_wait3A_807 = arith.constant 0 : i32
      %dma_wait3A_808 = arith.constant 0 : i32
      %dma_wait3A_809 = arith.constant 0 : i32
      %dma_wait3A_810 = tpu.memref_slice %arg7[%dma_wait3A_807, %dma_wait3A_808, %dma_wait3A_809] : memref<2x125x128xf32, #tpu.memory_space<vmem>> -> memref<1x125x128xf32, #tpu.memory_space<vmem>>
      %dma_wait3A_811 = tpu.memref_squeeze %dma_wait3A_810 : memref<1x125x128xf32, #tpu.memory_space<vmem>> -> memref<125x128xf32, #tpu.memory_space<vmem>>
      %dma_wait3A_812 = arith.constant 0 : i32
      %dma_wait3A_813 = tpu.memref_slice %arg5[%dma_wait3A_805, %dma_wait3A_806, %dma_wait3A_812] : memref<2x8x125xi32, #tpu.memory_space<vmem>> -> memref<1x1x125xi32, #tpu.memory_space<vmem>>
      %dma_wait3A_814 = tpu.memref_squeeze %dma_wait3A_813 : memref<1x1x125xi32, #tpu.memory_space<vmem>> -> memref<125xi32, #tpu.memory_space<vmem>>
      %dma_wait3A_815 = arith.constant 0 : i32
      %dma_wait3A_816 = arith.constant 0 : i32
      %dma_wait3A_817 = tpu.memref_slice %arg2[%dma_wait3A_815, %dma_wait3A_816] : memref<10000x128xf32, #tpu.memory_space<hbm>> -> memref<10000x128xf32, #tpu.memory_space<hbm>>
      tpu.wait_indirect_dma semaphore(%arg11 : memref<!tpu.dma_semaphore, #tpu.memory_space<semaphore_mem>>) src(%dma_wait3A_817 : memref<10000x128xf32, #tpu.memory_space<hbm>>) dst(%dma_wait3A_811 : memref<125x128xf32, #tpu.memory_space<vmem>>)
      %run_scoped3A_818 = arith.constant 0 : i32
      %run_scoped3A_819 = arith.constant 1 : i32
      %run_scoped3A_820 = arith.constant 0 : i32
      "tpu.region"() ({
        %run_scoped3A_1122 = tpu.sem_alloc : memref<!tpu.dma_semaphore, #tpu.memory_space<semaphore_mem>>
        %dma_start3A_1123 = arith.constant 0 : i32
        %dma_start3A_1124 = arith.constant 0 : i32
        %dma_start3A_1125 = tpu.memref_slice %arg7[%run_scoped3A_818, %dma_start3A_1123, %dma_start3A_1124] : memref<2x125x128xf32, #tpu.memory_space<vmem>> -> memref<1x125x128xf32, #tpu.memory_space<vmem>>
        %dma_start3A_1126 = tpu.memref_squeeze %dma_start3A_1125 : memref<1x125x128xf32, #tpu.memory_space<vmem>> -> memref<125x128xf32, #tpu.memory_space<vmem>>
        %dma_start3A_1127 = arith.constant 0 : i32
        %dma_start3A_1128 = tpu.memref_slice %arg6[%run_scoped3A_819, %run_scoped3A_820, %dma_start3A_1127] : memref<2x8x125xi32, #tpu.memory_space<vmem>> -> memref<1x1x125xi32, #tpu.memory_space<vmem>>
        %dma_start3A_1129 = tpu.memref_squeeze %dma_start3A_1128 : memref<1x1x125xi32, #tpu.memory_space<vmem>> -> memref<125xi32, #tpu.memory_space<vmem>>
        %dma_start3A_1130 = arith.constant 0 : i32
        %dma_start3A_1131 = arith.constant 0 : i32
        %dma_start3A_1132 = tpu.memref_slice %arg8[%dma_start3A_1130, %dma_start3A_1131] : memref<10240x128xf32, #tpu.memory_space<vmem_shared>> -> memref<10240x128xf32, #tpu.memory_space<vmem_shared>>
        tpu.enqueue_indirect_dma source(%dma_start3A_1126 : memref<125x128xf32, #tpu.memory_space<vmem>>) target(%dma_start3A_1132 : memref<10240x128xf32, #tpu.memory_space<vmem_shared>>) offsets(%dma_start3A_1129 : memref<125xi32, #tpu.memory_space<vmem>>) semaphore(%run_scoped3A_1122 : memref<!tpu.dma_semaphore, #tpu.memory_space<semaphore_mem>>) {add = true}
        %dma_wait3A_1133 = arith.constant 0 : i32
        %dma_wait3A_1134 = arith.constant 0 : i32
        %dma_wait3A_1135 = tpu.memref_slice %arg7[%run_scoped3A_818, %dma_wait3A_1133, %dma_wait3A_1134] : memref<2x125x128xf32, #tpu.memory_space<vmem>> -> memref<1x125x128xf32, #tpu.memory_space<vmem>>
        %dma_wait3A_1136 = tpu.memref_squeeze %dma_wait3A_1135 : memref<1x125x128xf32, #tpu.memory_space<vmem>> -> memref<125x128xf32, #tpu.memory_space<vmem>>
        %dma_wait3A_1137 = arith.constant 0 : i32
        %dma_wait3A_1138 = tpu.memref_slice %arg6[%run_scoped3A_819, %run_scoped3A_820, %dma_wait3A_1137] : memref<2x8x125xi32, #tpu.memory_space<vmem>> -> memref<1x1x125xi32, #tpu.memory_space<vmem>>
        %dma_wait3A_1139 = tpu.memref_squeeze %dma_wait3A_1138 : memref<1x1x125xi32, #tpu.memory_space<vmem>> -> memref<125xi32, #tpu.memory_space<vmem>>
        %dma_wait3A_1140 = arith.constant 0 : i32
        %dma_wait3A_1141 = arith.constant 0 : i32
        %dma_wait3A_1142 = tpu.memref_slice %arg8[%dma_wait3A_1140, %dma_wait3A_1141] : memref<10240x128xf32, #tpu.memory_space<vmem_shared>> -> memref<10240x128xf32, #tpu.memory_space<vmem_shared>>
        tpu.wait_indirect_dma semaphore(%run_scoped3A_1122 : memref<!tpu.dma_semaphore, #tpu.memory_space<semaphore_mem>>) src(%dma_wait3A_1136 : memref<125x128xf32, #tpu.memory_space<vmem>>) dst(%dma_wait3A_1142 : memref<10240x128xf32, #tpu.memory_space<vmem_shared>>)
        tpu.yield
      }) : () -> ()
      %dma_start3A_821 = arith.constant 1 : i32
      %dma_start3A_822 = arith.constant 2 : i32
      %dma_start3A_823 = arith.constant 0 : i32
      %dma_start3A_824 = arith.constant 0 : i32
      %dma_start3A_825 = arith.constant 0 : i32
      %dma_start3A_826 = tpu.memref_slice %arg7[%dma_start3A_823, %dma_start3A_824, %dma_start3A_825] : memref<2x125x128xf32, #tpu.memory_space<vmem>> -> memref<1x125x128xf32, #tpu.memory_space<vmem>>
      %dma_start3A_827 = tpu.memref_squeeze %dma_start3A_826 : memref<1x125x128xf32, #tpu.memory_space<vmem>> -> memref<125x128xf32, #tpu.memory_space<vmem>>
      %dma_start3A_828 = arith.constant 0 : i32
      %dma_start3A_829 = tpu.memref_slice %arg5[%dma_start3A_821, %dma_start3A_822, %dma_start3A_828] : memref<2x8x125xi32, #tpu.memory_space<vmem>> -> memref<1x1x125xi32, #tpu.memory_space<vmem>>
      %dma_start3A_830 = tpu.memref_squeeze %dma_start3A_829 : memref<1x1x125xi32, #tpu.memory_space<vmem>> -> memref<125xi32, #tpu.memory_space<vmem>>
      %dma_start3A_831 = arith.constant 0 : i32
      %dma_start3A_832 = arith.constant 0 : i32
      %dma_start3A_833 = tpu.memref_slice %arg2[%dma_start3A_831, %dma_start3A_832] : memref<10000x128xf32, #tpu.memory_space<hbm>> -> memref<10000x128xf32, #tpu.memory_space<hbm>>
      tpu.enqueue_indirect_dma source(%dma_start3A_833 : memref<10000x128xf32, #tpu.memory_space<hbm>>) target(%dma_start3A_827 : memref<125x128xf32, #tpu.memory_space<vmem>>) offsets(%dma_start3A_830 : memref<125xi32, #tpu.memory_space<vmem>>) semaphore(%arg11 : memref<!tpu.dma_semaphore, #tpu.memory_space<semaphore_mem>>)
      %dma_wait3A_834 = arith.constant 0 : i32
      %dma_wait3A_835 = arith.constant 0 : i32
      %dma_wait3A_836 = arith.constant 1 : i32
      %dma_wait3A_837 = arith.constant 0 : i32
      %dma_wait3A_838 = arith.constant 0 : i32
      %dma_wait3A_839 = tpu.memref_slice %arg7[%dma_wait3A_836, %dma_wait3A_837, %dma_wait3A_838] : memref<2x125x128xf32, #tpu.memory_space<vmem>> -> memref<1x125x128xf32, #tpu.memory_space<vmem>>
      %dma_wait3A_840 = tpu.memref_squeeze %dma_wait3A_839 : memref<1x125x128xf32, #tpu.memory_space<vmem>> -> memref<125x128xf32, #tpu.memory_space<vmem>>
      %dma_wait3A_841 = arith.constant 0 : i32
      %dma_wait3A_842 = tpu.memref_slice %arg5[%dma_wait3A_834, %dma_wait3A_835, %dma_wait3A_841] : memref<2x8x125xi32, #tpu.memory_space<vmem>> -> memref<1x1x125xi32, #tpu.memory_space<vmem>>
      %dma_wait3A_843 = tpu.memref_squeeze %dma_wait3A_842 : memref<1x1x125xi32, #tpu.memory_space<vmem>> -> memref<125xi32, #tpu.memory_space<vmem>>
      %dma_wait3A_844 = arith.constant 0 : i32
      %dma_wait3A_845 = arith.constant 0 : i32
      %dma_wait3A_846 = tpu.memref_slice %arg2[%dma_wait3A_844, %dma_wait3A_845] : memref<10000x128xf32, #tpu.memory_space<hbm>> -> memref<10000x128xf32, #tpu.memory_space<hbm>>
      tpu.wait_indirect_dma semaphore(%arg12 : memref<!tpu.dma_semaphore, #tpu.memory_space<semaphore_mem>>) src(%dma_wait3A_846 : memref<10000x128xf32, #tpu.memory_space<hbm>>) dst(%dma_wait3A_840 : memref<125x128xf32, #tpu.memory_space<vmem>>)
      %run_scoped3A_847 = arith.constant 1 : i32
      %run_scoped3A_848 = arith.constant 1 : i32
      %run_scoped3A_849 = arith.constant 1 : i32
      "tpu.region"() ({
        %run_scoped3A_1122 = tpu.sem_alloc : memref<!tpu.dma_semaphore, #tpu.memory_space<semaphore_mem>>
        %dma_start3A_1123 = arith.constant 0 : i32
        %dma_start3A_1124 = arith.constant 0 : i32
        %dma_start3A_1125 = tpu.memref_slice %arg7[%run_scoped3A_847, %dma_start3A_1123, %dma_start3A_1124] : memref<2x125x128xf32, #tpu.memory_space<vmem>> -> memref<1x125x128xf32, #tpu.memory_space<vmem>>
        %dma_start3A_1126 = tpu.memref_squeeze %dma_start3A_1125 : memref<1x125x128xf32, #tpu.memory_space<vmem>> -> memref<125x128xf32, #tpu.memory_space<vmem>>
        %dma_start3A_1127 = arith.constant 0 : i32
        %dma_start3A_1128 = tpu.memref_slice %arg6[%run_scoped3A_848, %run_scoped3A_849, %dma_start3A_1127] : memref<2x8x125xi32, #tpu.memory_space<vmem>> -> memref<1x1x125xi32, #tpu.memory_space<vmem>>
        %dma_start3A_1129 = tpu.memref_squeeze %dma_start3A_1128 : memref<1x1x125xi32, #tpu.memory_space<vmem>> -> memref<125xi32, #tpu.memory_space<vmem>>
        %dma_start3A_1130 = arith.constant 0 : i32
        %dma_start3A_1131 = arith.constant 0 : i32
        %dma_start3A_1132 = tpu.memref_slice %arg8[%dma_start3A_1130, %dma_start3A_1131] : memref<10240x128xf32, #tpu.memory_space<vmem_shared>> -> memref<10240x128xf32, #tpu.memory_space<vmem_shared>>
        tpu.enqueue_indirect_dma source(%dma_start3A_1126 : memref<125x128xf32, #tpu.memory_space<vmem>>) target(%dma_start3A_1132 : memref<10240x128xf32, #tpu.memory_space<vmem_shared>>) offsets(%dma_start3A_1129 : memref<125xi32, #tpu.memory_space<vmem>>) semaphore(%run_scoped3A_1122 : memref<!tpu.dma_semaphore, #tpu.memory_space<semaphore_mem>>) {add = true}
        %dma_wait3A_1133 = arith.constant 0 : i32
        %dma_wait3A_1134 = arith.constant 0 : i32
        %dma_wait3A_1135 = tpu.memref_slice %arg7[%run_scoped3A_847, %dma_wait3A_1133, %dma_wait3A_1134] : memref<2x125x128xf32, #tpu.memory_space<vmem>> -> memref<1x125x128xf32, #tpu.memory_space<vmem>>
        %dma_wait3A_1136 = tpu.memref_squeeze %dma_wait3A_1135 : memref<1x125x128xf32, #tpu.memory_space<vmem>> -> memref<125x128xf32, #tpu.memory_space<vmem>>
        %dma_wait3A_1137 = arith.constant 0 : i32
        %dma_wait3A_1138 = tpu.memref_slice %arg6[%run_scoped3A_848, %run_scoped3A_849, %dma_wait3A_1137] : memref<2x8x125xi32, #tpu.memory_space<vmem>> -> memref<1x1x125xi32, #tpu.memory_space<vmem>>
        %dma_wait3A_1139 = tpu.memref_squeeze %dma_wait3A_1138 : memref<1x1x125xi32, #tpu.memory_space<vmem>> -> memref<125xi32, #tpu.memory_space<vmem>>
        %dma_wait3A_1140 = arith.constant 0 : i32
        %dma_wait3A_1141 = arith.constant 0 : i32
        %dma_wait3A_1142 = tpu.memref_slice %arg8[%dma_wait3A_1140, %dma_wait3A_1141] : memref<10240x128xf32, #tpu.memory_space<vmem_shared>> -> memref<10240x128xf32, #tpu.memory_space<vmem_shared>>
        tpu.wait_indirect_dma semaphore(%run_scoped3A_1122 : memref<!tpu.dma_semaphore, #tpu.memory_space<semaphore_mem>>) src(%dma_wait3A_1136 : memref<125x128xf32, #tpu.memory_space<vmem>>) dst(%dma_wait3A_1142 : memref<10240x128xf32, #tpu.memory_space<vmem_shared>>)
        tpu.yield
      }) : () -> ()
      %dma_start3A_850 = arith.constant 1 : i32
      %dma_start3A_851 = arith.constant 3 : i32
      %dma_start3A_852 = arith.constant 1 : i32
      %dma_start3A_853 = arith.constant 0 : i32
      %dma_start3A_854 = arith.constant 0 : i32
      %dma_start3A_855 = tpu.memref_slice %arg7[%dma_start3A_852, %dma_start3A_853, %dma_start3A_854] : memref<2x125x128xf32, #tpu.memory_space<vmem>> -> memref<1x125x128xf32, #tpu.memory_space<vmem>>
      %dma_start3A_856 = tpu.memref_squeeze %dma_start3A_855 : memref<1x125x128xf32, #tpu.memory_space<vmem>> -> memref<125x128xf32, #tpu.memory_space<vmem>>
      %dma_start3A_857 = arith.constant 0 : i32
      %dma_start3A_858 = tpu.memref_slice %arg5[%dma_start3A_850, %dma_start3A_851, %dma_start3A_857] : memref<2x8x125xi32, #tpu.memory_space<vmem>> -> memref<1x1x125xi32, #tpu.memory_space<vmem>>
      %dma_start3A_859 = tpu.memref_squeeze %dma_start3A_858 : memref<1x1x125xi32, #tpu.memory_space<vmem>> -> memref<125xi32, #tpu.memory_space<vmem>>
      %dma_start3A_860 = arith.constant 0 : i32
      %dma_start3A_861 = arith.constant 0 : i32
      %dma_start3A_862 = tpu.memref_slice %arg2[%dma_start3A_860, %dma_start3A_861] : memref<10000x128xf32, #tpu.memory_space<hbm>> -> memref<10000x128xf32, #tpu.memory_space<hbm>>
      tpu.enqueue_indirect_dma source(%dma_start3A_862 : memref<10000x128xf32, #tpu.memory_space<hbm>>) target(%dma_start3A_856 : memref<125x128xf32, #tpu.memory_space<vmem>>) offsets(%dma_start3A_859 : memref<125xi32, #tpu.memory_space<vmem>>) semaphore(%arg12 : memref<!tpu.dma_semaphore, #tpu.memory_space<semaphore_mem>>)
      %dma_wait3A_863 = arith.constant 0 : i32
      %dma_wait3A_864 = arith.constant 0 : i32
      %dma_wait3A_865 = arith.constant 0 : i32
      %dma_wait3A_866 = arith.constant 0 : i32
      %dma_wait3A_867 = arith.constant 0 : i32
      %dma_wait3A_868 = tpu.memref_slice %arg7[%dma_wait3A_865, %dma_wait3A_866, %dma_wait3A_867] : memref<2x125x128xf32, #tpu.memory_space<vmem>> -> memref<1x125x128xf32, #tpu.memory_space<vmem>>
      %dma_wait3A_869 = tpu.memref_squeeze %dma_wait3A_868 : memref<1x125x128xf32, #tpu.memory_space<vmem>> -> memref<125x128xf32, #tpu.memory_space<vmem>>
      %dma_wait3A_870 = arith.constant 0 : i32
      %dma_wait3A_871 = tpu.memref_slice %arg5[%dma_wait3A_863, %dma_wait3A_864, %dma_wait3A_870] : memref<2x8x125xi32, #tpu.memory_space<vmem>> -> memref<1x1x125xi32, #tpu.memory_space<vmem>>
      %dma_wait3A_872 = tpu.memref_squeeze %dma_wait3A_871 : memref<1x1x125xi32, #tpu.memory_space<vmem>> -> memref<125xi32, #tpu.memory_space<vmem>>
      %dma_wait3A_873 = arith.constant 0 : i32
      %dma_wait3A_874 = arith.constant 0 : i32
      %dma_wait3A_875 = tpu.memref_slice %arg2[%dma_wait3A_873, %dma_wait3A_874] : memref<10000x128xf32, #tpu.memory_space<hbm>> -> memref<10000x128xf32, #tpu.memory_space<hbm>>
      tpu.wait_indirect_dma semaphore(%arg11 : memref<!tpu.dma_semaphore, #tpu.memory_space<semaphore_mem>>) src(%dma_wait3A_875 : memref<10000x128xf32, #tpu.memory_space<hbm>>) dst(%dma_wait3A_869 : memref<125x128xf32, #tpu.memory_space<vmem>>)
      %run_scoped3A_876 = arith.constant 0 : i32
      %run_scoped3A_877 = arith.constant 1 : i32
      %run_scoped3A_878 = arith.constant 2 : i32
      "tpu.region"() ({
        %run_scoped3A_1122 = tpu.sem_alloc : memref<!tpu.dma_semaphore, #tpu.memory_space<semaphore_mem>>
        %dma_start3A_1123 = arith.constant 0 : i32
        %dma_start3A_1124 = arith.constant 0 : i32
        %dma_start3A_1125 = tpu.memref_slice %arg7[%run_scoped3A_876, %dma_start3A_1123, %dma_start3A_1124] : memref<2x125x128xf32, #tpu.memory_space<vmem>> -> memref<1x125x128xf32, #tpu.memory_space<vmem>>
        %dma_start3A_1126 = tpu.memref_squeeze %dma_start3A_1125 : memref<1x125x128xf32, #tpu.memory_space<vmem>> -> memref<125x128xf32, #tpu.memory_space<vmem>>
        %dma_start3A_1127 = arith.constant 0 : i32
        %dma_start3A_1128 = tpu.memref_slice %arg6[%run_scoped3A_877, %run_scoped3A_878, %dma_start3A_1127] : memref<2x8x125xi32, #tpu.memory_space<vmem>> -> memref<1x1x125xi32, #tpu.memory_space<vmem>>
        %dma_start3A_1129 = tpu.memref_squeeze %dma_start3A_1128 : memref<1x1x125xi32, #tpu.memory_space<vmem>> -> memref<125xi32, #tpu.memory_space<vmem>>
        %dma_start3A_1130 = arith.constant 0 : i32
        %dma_start3A_1131 = arith.constant 0 : i32
        %dma_start3A_1132 = tpu.memref_slice %arg8[%dma_start3A_1130, %dma_start3A_1131] : memref<10240x128xf32, #tpu.memory_space<vmem_shared>> -> memref<10240x128xf32, #tpu.memory_space<vmem_shared>>
        tpu.enqueue_indirect_dma source(%dma_start3A_1126 : memref<125x128xf32, #tpu.memory_space<vmem>>) target(%dma_start3A_1132 : memref<10240x128xf32, #tpu.memory_space<vmem_shared>>) offsets(%dma_start3A_1129 : memref<125xi32, #tpu.memory_space<vmem>>) semaphore(%run_scoped3A_1122 : memref<!tpu.dma_semaphore, #tpu.memory_space<semaphore_mem>>) {add = true}
        %dma_wait3A_1133 = arith.constant 0 : i32
        %dma_wait3A_1134 = arith.constant 0 : i32
        %dma_wait3A_1135 = tpu.memref_slice %arg7[%run_scoped3A_876, %dma_wait3A_1133, %dma_wait3A_1134] : memref<2x125x128xf32, #tpu.memory_space<vmem>> -> memref<1x125x128xf32, #tpu.memory_space<vmem>>
        %dma_wait3A_1136 = tpu.memref_squeeze %dma_wait3A_1135 : memref<1x125x128xf32, #tpu.memory_space<vmem>> -> memref<125x128xf32, #tpu.memory_space<vmem>>
        %dma_wait3A_1137 = arith.constant 0 : i32
        %dma_wait3A_1138 = tpu.memref_slice %arg6[%run_scoped3A_877, %run_scoped3A_878, %dma_wait3A_1137] : memref<2x8x125xi32, #tpu.memory_space<vmem>> -> memref<1x1x125xi32, #tpu.memory_space<vmem>>
        %dma_wait3A_1139 = tpu.memref_squeeze %dma_wait3A_1138 : memref<1x1x125xi32, #tpu.memory_space<vmem>> -> memref<125xi32, #tpu.memory_space<vmem>>
        %dma_wait3A_1140 = arith.constant 0 : i32
        %dma_wait3A_1141 = arith.constant 0 : i32
        %dma_wait3A_1142 = tpu.memref_slice %arg8[%dma_wait3A_1140, %dma_wait3A_1141] : memref<10240x128xf32, #tpu.memory_space<vmem_shared>> -> memref<10240x128xf32, #tpu.memory_space<vmem_shared>>
        tpu.wait_indirect_dma semaphore(%run_scoped3A_1122 : memref<!tpu.dma_semaphore, #tpu.memory_space<semaphore_mem>>) src(%dma_wait3A_1136 : memref<125x128xf32, #tpu.memory_space<vmem>>) dst(%dma_wait3A_1142 : memref<10240x128xf32, #tpu.memory_space<vmem_shared>>)
        tpu.yield
      }) : () -> ()
      %dma_start3A_879 = arith.constant 1 : i32
      %dma_start3A_880 = arith.constant 4 : i32
      %dma_start3A_881 = arith.constant 0 : i32
      %dma_start3A_882 = arith.constant 0 : i32
      %dma_start3A_883 = arith.constant 0 : i32
      %dma_start3A_884 = tpu.memref_slice %arg7[%dma_start3A_881, %dma_start3A_882, %dma_start3A_883] : memref<2x125x128xf32, #tpu.memory_space<vmem>> -> memref<1x125x128xf32, #tpu.memory_space<vmem>>
      %dma_start3A_885 = tpu.memref_squeeze %dma_start3A_884 : memref<1x125x128xf32, #tpu.memory_space<vmem>> -> memref<125x128xf32, #tpu.memory_space<vmem>>
      %dma_start3A_886 = arith.constant 0 : i32
      %dma_start3A_887 = tpu.memref_slice %arg5[%dma_start3A_879, %dma_start3A_880, %dma_start3A_886] : memref<2x8x125xi32, #tpu.memory_space<vmem>> -> memref<1x1x125xi32, #tpu.memory_space<vmem>>
      %dma_start3A_888 = tpu.memref_squeeze %dma_start3A_887 : memref<1x1x125xi32, #tpu.memory_space<vmem>> -> memref<125xi32, #tpu.memory_space<vmem>>
      %dma_start3A_889 = arith.constant 0 : i32
      %dma_start3A_890 = arith.constant 0 : i32
      %dma_start3A_891 = tpu.memref_slice %arg2[%dma_start3A_889, %dma_start3A_890] : memref<10000x128xf32, #tpu.memory_space<hbm>> -> memref<10000x128xf32, #tpu.memory_space<hbm>>
      tpu.enqueue_indirect_dma source(%dma_start3A_891 : memref<10000x128xf32, #tpu.memory_space<hbm>>) target(%dma_start3A_885 : memref<125x128xf32, #tpu.memory_space<vmem>>) offsets(%dma_start3A_888 : memref<125xi32, #tpu.memory_space<vmem>>) semaphore(%arg11 : memref<!tpu.dma_semaphore, #tpu.memory_space<semaphore_mem>>)
      %dma_wait3A_892 = arith.constant 0 : i32
      %dma_wait3A_893 = arith.constant 0 : i32
      %dma_wait3A_894 = arith.constant 1 : i32
      %dma_wait3A_895 = arith.constant 0 : i32
      %dma_wait3A_896 = arith.constant 0 : i32
      %dma_wait3A_897 = tpu.memref_slice %arg7[%dma_wait3A_894, %dma_wait3A_895, %dma_wait3A_896] : memref<2x125x128xf32, #tpu.memory_space<vmem>> -> memref<1x125x128xf32, #tpu.memory_space<vmem>>
      %dma_wait3A_898 = tpu.memref_squeeze %dma_wait3A_897 : memref<1x125x128xf32, #tpu.memory_space<vmem>> -> memref<125x128xf32, #tpu.memory_space<vmem>>
      %dma_wait3A_899 = arith.constant 0 : i32
      %dma_wait3A_900 = tpu.memref_slice %arg5[%dma_wait3A_892, %dma_wait3A_893, %dma_wait3A_899] : memref<2x8x125xi32, #tpu.memory_space<vmem>> -> memref<1x1x125xi32, #tpu.memory_space<vmem>>
      %dma_wait3A_901 = tpu.memref_squeeze %dma_wait3A_900 : memref<1x1x125xi32, #tpu.memory_space<vmem>> -> memref<125xi32, #tpu.memory_space<vmem>>
      %dma_wait3A_902 = arith.constant 0 : i32
      %dma_wait3A_903 = arith.constant 0 : i32
      %dma_wait3A_904 = tpu.memref_slice %arg2[%dma_wait3A_902, %dma_wait3A_903] : memref<10000x128xf32, #tpu.memory_space<hbm>> -> memref<10000x128xf32, #tpu.memory_space<hbm>>
      tpu.wait_indirect_dma semaphore(%arg12 : memref<!tpu.dma_semaphore, #tpu.memory_space<semaphore_mem>>) src(%dma_wait3A_904 : memref<10000x128xf32, #tpu.memory_space<hbm>>) dst(%dma_wait3A_898 : memref<125x128xf32, #tpu.memory_space<vmem>>)
      %run_scoped3A_905 = arith.constant 1 : i32
      %run_scoped3A_906 = arith.constant 1 : i32
      %run_scoped3A_907 = arith.constant 3 : i32
      "tpu.region"() ({
        %run_scoped3A_1122 = tpu.sem_alloc : memref<!tpu.dma_semaphore, #tpu.memory_space<semaphore_mem>>
        %dma_start3A_1123 = arith.constant 0 : i32
        %dma_start3A_1124 = arith.constant 0 : i32
        %dma_start3A_1125 = tpu.memref_slice %arg7[%run_scoped3A_905, %dma_start3A_1123, %dma_start3A_1124] : memref<2x125x128xf32, #tpu.memory_space<vmem>> -> memref<1x125x128xf32, #tpu.memory_space<vmem>>
        %dma_start3A_1126 = tpu.memref_squeeze %dma_start3A_1125 : memref<1x125x128xf32, #tpu.memory_space<vmem>> -> memref<125x128xf32, #tpu.memory_space<vmem>>
        %dma_start3A_1127 = arith.constant 0 : i32
        %dma_start3A_1128 = tpu.memref_slice %arg6[%run_scoped3A_906, %run_scoped3A_907, %dma_start3A_1127] : memref<2x8x125xi32, #tpu.memory_space<vmem>> -> memref<1x1x125xi32, #tpu.memory_space<vmem>>
        %dma_start3A_1129 = tpu.memref_squeeze %dma_start3A_1128 : memref<1x1x125xi32, #tpu.memory_space<vmem>> -> memref<125xi32, #tpu.memory_space<vmem>>
        %dma_start3A_1130 = arith.constant 0 : i32
        %dma_start3A_1131 = arith.constant 0 : i32
        %dma_start3A_1132 = tpu.memref_slice %arg8[%dma_start3A_1130, %dma_start3A_1131] : memref<10240x128xf32, #tpu.memory_space<vmem_shared>> -> memref<10240x128xf32, #tpu.memory_space<vmem_shared>>
        tpu.enqueue_indirect_dma source(%dma_start3A_1126 : memref<125x128xf32, #tpu.memory_space<vmem>>) target(%dma_start3A_1132 : memref<10240x128xf32, #tpu.memory_space<vmem_shared>>) offsets(%dma_start3A_1129 : memref<125xi32, #tpu.memory_space<vmem>>) semaphore(%run_scoped3A_1122 : memref<!tpu.dma_semaphore, #tpu.memory_space<semaphore_mem>>) {add = true}
        %dma_wait3A_1133 = arith.constant 0 : i32
        %dma_wait3A_1134 = arith.constant 0 : i32
        %dma_wait3A_1135 = tpu.memref_slice %arg7[%run_scoped3A_905, %dma_wait3A_1133, %dma_wait3A_1134] : memref<2x125x128xf32, #tpu.memory_space<vmem>> -> memref<1x125x128xf32, #tpu.memory_space<vmem>>
        %dma_wait3A_1136 = tpu.memref_squeeze %dma_wait3A_1135 : memref<1x125x128xf32, #tpu.memory_space<vmem>> -> memref<125x128xf32, #tpu.memory_space<vmem>>
        %dma_wait3A_1137 = arith.constant 0 : i32
        %dma_wait3A_1138 = tpu.memref_slice %arg6[%run_scoped3A_906, %run_scoped3A_907, %dma_wait3A_1137] : memref<2x8x125xi32, #tpu.memory_space<vmem>> -> memref<1x1x125xi32, #tpu.memory_space<vmem>>
        %dma_wait3A_1139 = tpu.memref_squeeze %dma_wait3A_1138 : memref<1x1x125xi32, #tpu.memory_space<vmem>> -> memref<125xi32, #tpu.memory_space<vmem>>
        %dma_wait3A_1140 = arith.constant 0 : i32
        %dma_wait3A_1141 = arith.constant 0 : i32
        %dma_wait3A_1142 = tpu.memref_slice %arg8[%dma_wait3A_1140, %dma_wait3A_1141] : memref<10240x128xf32, #tpu.memory_space<vmem_shared>> -> memref<10240x128xf32, #tpu.memory_space<vmem_shared>>
        tpu.wait_indirect_dma semaphore(%run_scoped3A_1122 : memref<!tpu.dma_semaphore, #tpu.memory_space<semaphore_mem>>) src(%dma_wait3A_1136 : memref<125x128xf32, #tpu.memory_space<vmem>>) dst(%dma_wait3A_1142 : memref<10240x128xf32, #tpu.memory_space<vmem_shared>>)
        tpu.yield
      }) : () -> ()
      %dma_start3A_908 = arith.constant 1 : i32
      %dma_start3A_909 = arith.constant 5 : i32
      %dma_start3A_910 = arith.constant 1 : i32
      %dma_start3A_911 = arith.constant 0 : i32
      %dma_start3A_912 = arith.constant 0 : i32
      %dma_start3A_913 = tpu.memref_slice %arg7[%dma_start3A_910, %dma_start3A_911, %dma_start3A_912] : memref<2x125x128xf32, #tpu.memory_space<vmem>> -> memref<1x125x128xf32, #tpu.memory_space<vmem>>
      %dma_start3A_914 = tpu.memref_squeeze %dma_start3A_913 : memref<1x125x128xf32, #tpu.memory_space<vmem>> -> memref<125x128xf32, #tpu.memory_space<vmem>>
      %dma_start3A_915 = arith.constant 0 : i32
      %dma_start3A_916 = tpu.memref_slice %arg5[%dma_start3A_908, %dma_start3A_909, %dma_start3A_915] : memref<2x8x125xi32, #tpu.memory_space<vmem>> -> memref<1x1x125xi32, #tpu.memory_space<vmem>>
      %dma_start3A_917 = tpu.memref_squeeze %dma_start3A_916 : memref<1x1x125xi32, #tpu.memory_space<vmem>> -> memref<125xi32, #tpu.memory_space<vmem>>
      %dma_start3A_918 = arith.constant 0 : i32
      %dma_start3A_919 = arith.constant 0 : i32
      %dma_start3A_920 = tpu.memref_slice %arg2[%dma_start3A_918, %dma_start3A_919] : memref<10000x128xf32, #tpu.memory_space<hbm>> -> memref<10000x128xf32, #tpu.memory_space<hbm>>
      tpu.enqueue_indirect_dma source(%dma_start3A_920 : memref<10000x128xf32, #tpu.memory_space<hbm>>) target(%dma_start3A_914 : memref<125x128xf32, #tpu.memory_space<vmem>>) offsets(%dma_start3A_917 : memref<125xi32, #tpu.memory_space<vmem>>) semaphore(%arg12 : memref<!tpu.dma_semaphore, #tpu.memory_space<semaphore_mem>>)
      %dma_wait3A_921 = arith.constant 0 : i32
      %dma_wait3A_922 = arith.constant 0 : i32
      %dma_wait3A_923 = arith.constant 0 : i32
      %dma_wait3A_924 = arith.constant 0 : i32
      %dma_wait3A_925 = arith.constant 0 : i32
      %dma_wait3A_926 = tpu.memref_slice %arg7[%dma_wait3A_923, %dma_wait3A_924, %dma_wait3A_925] : memref<2x125x128xf32, #tpu.memory_space<vmem>> -> memref<1x125x128xf32, #tpu.memory_space<vmem>>
      %dma_wait3A_927 = tpu.memref_squeeze %dma_wait3A_926 : memref<1x125x128xf32, #tpu.memory_space<vmem>> -> memref<125x128xf32, #tpu.memory_space<vmem>>
      %dma_wait3A_928 = arith.constant 0 : i32
      %dma_wait3A_929 = tpu.memref_slice %arg5[%dma_wait3A_921, %dma_wait3A_922, %dma_wait3A_928] : memref<2x8x125xi32, #tpu.memory_space<vmem>> -> memref<1x1x125xi32, #tpu.memory_space<vmem>>
      %dma_wait3A_930 = tpu.memref_squeeze %dma_wait3A_929 : memref<1x1x125xi32, #tpu.memory_space<vmem>> -> memref<125xi32, #tpu.memory_space<vmem>>
      %dma_wait3A_931 = arith.constant 0 : i32
      %dma_wait3A_932 = arith.constant 0 : i32
      %dma_wait3A_933 = tpu.memref_slice %arg2[%dma_wait3A_931, %dma_wait3A_932] : memref<10000x128xf32, #tpu.memory_space<hbm>> -> memref<10000x128xf32, #tpu.memory_space<hbm>>
      tpu.wait_indirect_dma semaphore(%arg11 : memref<!tpu.dma_semaphore, #tpu.memory_space<semaphore_mem>>) src(%dma_wait3A_933 : memref<10000x128xf32, #tpu.memory_space<hbm>>) dst(%dma_wait3A_927 : memref<125x128xf32, #tpu.memory_space<vmem>>)
      %run_scoped3A_934 = arith.constant 0 : i32
      %run_scoped3A_935 = arith.constant 1 : i32
      %run_scoped3A_936 = arith.constant 4 : i32
      "tpu.region"() ({
        %run_scoped3A_1122 = tpu.sem_alloc : memref<!tpu.dma_semaphore, #tpu.memory_space<semaphore_mem>>
        %dma_start3A_1123 = arith.constant 0 : i32
        %dma_start3A_1124 = arith.constant 0 : i32
        %dma_start3A_1125 = tpu.memref_slice %arg7[%run_scoped3A_934, %dma_start3A_1123, %dma_start3A_1124] : memref<2x125x128xf32, #tpu.memory_space<vmem>> -> memref<1x125x128xf32, #tpu.memory_space<vmem>>
        %dma_start3A_1126 = tpu.memref_squeeze %dma_start3A_1125 : memref<1x125x128xf32, #tpu.memory_space<vmem>> -> memref<125x128xf32, #tpu.memory_space<vmem>>
        %dma_start3A_1127 = arith.constant 0 : i32
        %dma_start3A_1128 = tpu.memref_slice %arg6[%run_scoped3A_935, %run_scoped3A_936, %dma_start3A_1127] : memref<2x8x125xi32, #tpu.memory_space<vmem>> -> memref<1x1x125xi32, #tpu.memory_space<vmem>>
        %dma_start3A_1129 = tpu.memref_squeeze %dma_start3A_1128 : memref<1x1x125xi32, #tpu.memory_space<vmem>> -> memref<125xi32, #tpu.memory_space<vmem>>
        %dma_start3A_1130 = arith.constant 0 : i32
        %dma_start3A_1131 = arith.constant 0 : i32
        %dma_start3A_1132 = tpu.memref_slice %arg8[%dma_start3A_1130, %dma_start3A_1131] : memref<10240x128xf32, #tpu.memory_space<vmem_shared>> -> memref<10240x128xf32, #tpu.memory_space<vmem_shared>>
        tpu.enqueue_indirect_dma source(%dma_start3A_1126 : memref<125x128xf32, #tpu.memory_space<vmem>>) target(%dma_start3A_1132 : memref<10240x128xf32, #tpu.memory_space<vmem_shared>>) offsets(%dma_start3A_1129 : memref<125xi32, #tpu.memory_space<vmem>>) semaphore(%run_scoped3A_1122 : memref<!tpu.dma_semaphore, #tpu.memory_space<semaphore_mem>>) {add = true}
        %dma_wait3A_1133 = arith.constant 0 : i32
        %dma_wait3A_1134 = arith.constant 0 : i32
        %dma_wait3A_1135 = tpu.memref_slice %arg7[%run_scoped3A_934, %dma_wait3A_1133, %dma_wait3A_1134] : memref<2x125x128xf32, #tpu.memory_space<vmem>> -> memref<1x125x128xf32, #tpu.memory_space<vmem>>
        %dma_wait3A_1136 = tpu.memref_squeeze %dma_wait3A_1135 : memref<1x125x128xf32, #tpu.memory_space<vmem>> -> memref<125x128xf32, #tpu.memory_space<vmem>>
        %dma_wait3A_1137 = arith.constant 0 : i32
        %dma_wait3A_1138 = tpu.memref_slice %arg6[%run_scoped3A_935, %run_scoped3A_936, %dma_wait3A_1137] : memref<2x8x125xi32, #tpu.memory_space<vmem>> -> memref<1x1x125xi32, #tpu.memory_space<vmem>>
        %dma_wait3A_1139 = tpu.memref_squeeze %dma_wait3A_1138 : memref<1x1x125xi32, #tpu.memory_space<vmem>> -> memref<125xi32, #tpu.memory_space<vmem>>
        %dma_wait3A_1140 = arith.constant 0 : i32
        %dma_wait3A_1141 = arith.constant 0 : i32
        %dma_wait3A_1142 = tpu.memref_slice %arg8[%dma_wait3A_1140, %dma_wait3A_1141] : memref<10240x128xf32, #tpu.memory_space<vmem_shared>> -> memref<10240x128xf32, #tpu.memory_space<vmem_shared>>
        tpu.wait_indirect_dma semaphore(%run_scoped3A_1122 : memref<!tpu.dma_semaphore, #tpu.memory_space<semaphore_mem>>) src(%dma_wait3A_1136 : memref<125x128xf32, #tpu.memory_space<vmem>>) dst(%dma_wait3A_1142 : memref<10240x128xf32, #tpu.memory_space<vmem_shared>>)
        tpu.yield
      }) : () -> ()
      %dma_start3A_937 = arith.constant 1 : i32
      %dma_start3A_938 = arith.constant 6 : i32
      %dma_start3A_939 = arith.constant 0 : i32
      %dma_start3A_940 = arith.constant 0 : i32
      %dma_start3A_941 = arith.constant 0 : i32
      %dma_start3A_942 = tpu.memref_slice %arg7[%dma_start3A_939, %dma_start3A_940, %dma_start3A_941] : memref<2x125x128xf32, #tpu.memory_space<vmem>> -> memref<1x125x128xf32, #tpu.memory_space<vmem>>
      %dma_start3A_943 = tpu.memref_squeeze %dma_start3A_942 : memref<1x125x128xf32, #tpu.memory_space<vmem>> -> memref<125x128xf32, #tpu.memory_space<vmem>>
      %dma_start3A_944 = arith.constant 0 : i32
      %dma_start3A_945 = tpu.memref_slice %arg5[%dma_start3A_937, %dma_start3A_938, %dma_start3A_944] : memref<2x8x125xi32, #tpu.memory_space<vmem>> -> memref<1x1x125xi32, #tpu.memory_space<vmem>>
      %dma_start3A_946 = tpu.memref_squeeze %dma_start3A_945 : memref<1x1x125xi32, #tpu.memory_space<vmem>> -> memref<125xi32, #tpu.memory_space<vmem>>
      %dma_start3A_947 = arith.constant 0 : i32
      %dma_start3A_948 = arith.constant 0 : i32
      %dma_start3A_949 = tpu.memref_slice %arg2[%dma_start3A_947, %dma_start3A_948] : memref<10000x128xf32, #tpu.memory_space<hbm>> -> memref<10000x128xf32, #tpu.memory_space<hbm>>
      tpu.enqueue_indirect_dma source(%dma_start3A_949 : memref<10000x128xf32, #tpu.memory_space<hbm>>) target(%dma_start3A_943 : memref<125x128xf32, #tpu.memory_space<vmem>>) offsets(%dma_start3A_946 : memref<125xi32, #tpu.memory_space<vmem>>) semaphore(%arg11 : memref<!tpu.dma_semaphore, #tpu.memory_space<semaphore_mem>>)
      %dma_wait3A_950 = arith.constant 0 : i32
      %dma_wait3A_951 = arith.constant 0 : i32
      %dma_wait3A_952 = arith.constant 1 : i32
      %dma_wait3A_953 = arith.constant 0 : i32
      %dma_wait3A_954 = arith.constant 0 : i32
      %dma_wait3A_955 = tpu.memref_slice %arg7[%dma_wait3A_952, %dma_wait3A_953, %dma_wait3A_954] : memref<2x125x128xf32, #tpu.memory_space<vmem>> -> memref<1x125x128xf32, #tpu.memory_space<vmem>>
      %dma_wait3A_956 = tpu.memref_squeeze %dma_wait3A_955 : memref<1x125x128xf32, #tpu.memory_space<vmem>> -> memref<125x128xf32, #tpu.memory_space<vmem>>
      %dma_wait3A_957 = arith.constant 0 : i32
      %dma_wait3A_958 = tpu.memref_slice %arg5[%dma_wait3A_950, %dma_wait3A_951, %dma_wait3A_957] : memref<2x8x125xi32, #tpu.memory_space<vmem>> -> memref<1x1x125xi32, #tpu.memory_space<vmem>>
      %dma_wait3A_959 = tpu.memref_squeeze %dma_wait3A_958 : memref<1x1x125xi32, #tpu.memory_space<vmem>> -> memref<125xi32, #tpu.memory_space<vmem>>
      %dma_wait3A_960 = arith.constant 0 : i32
      %dma_wait3A_961 = arith.constant 0 : i32
      %dma_wait3A_962 = tpu.memref_slice %arg2[%dma_wait3A_960, %dma_wait3A_961] : memref<10000x128xf32, #tpu.memory_space<hbm>> -> memref<10000x128xf32, #tpu.memory_space<hbm>>
      tpu.wait_indirect_dma semaphore(%arg12 : memref<!tpu.dma_semaphore, #tpu.memory_space<semaphore_mem>>) src(%dma_wait3A_962 : memref<10000x128xf32, #tpu.memory_space<hbm>>) dst(%dma_wait3A_956 : memref<125x128xf32, #tpu.memory_space<vmem>>)
      %run_scoped3A_963 = arith.constant 1 : i32
      %run_scoped3A_964 = arith.constant 1 : i32
      %run_scoped3A_965 = arith.constant 5 : i32
      "tpu.region"() ({
        %run_scoped3A_1122 = tpu.sem_alloc : memref<!tpu.dma_semaphore, #tpu.memory_space<semaphore_mem>>
        %dma_start3A_1123 = arith.constant 0 : i32
        %dma_start3A_1124 = arith.constant 0 : i32
        %dma_start3A_1125 = tpu.memref_slice %arg7[%run_scoped3A_963, %dma_start3A_1123, %dma_start3A_1124] : memref<2x125x128xf32, #tpu.memory_space<vmem>> -> memref<1x125x128xf32, #tpu.memory_space<vmem>>
        %dma_start3A_1126 = tpu.memref_squeeze %dma_start3A_1125 : memref<1x125x128xf32, #tpu.memory_space<vmem>> -> memref<125x128xf32, #tpu.memory_space<vmem>>
        %dma_start3A_1127 = arith.constant 0 : i32
        %dma_start3A_1128 = tpu.memref_slice %arg6[%run_scoped3A_964, %run_scoped3A_965, %dma_start3A_1127] : memref<2x8x125xi32, #tpu.memory_space<vmem>> -> memref<1x1x125xi32, #tpu.memory_space<vmem>>
        %dma_start3A_1129 = tpu.memref_squeeze %dma_start3A_1128 : memref<1x1x125xi32, #tpu.memory_space<vmem>> -> memref<125xi32, #tpu.memory_space<vmem>>
        %dma_start3A_1130 = arith.constant 0 : i32
        %dma_start3A_1131 = arith.constant 0 : i32
        %dma_start3A_1132 = tpu.memref_slice %arg8[%dma_start3A_1130, %dma_start3A_1131] : memref<10240x128xf32, #tpu.memory_space<vmem_shared>> -> memref<10240x128xf32, #tpu.memory_space<vmem_shared>>
        tpu.enqueue_indirect_dma source(%dma_start3A_1126 : memref<125x128xf32, #tpu.memory_space<vmem>>) target(%dma_start3A_1132 : memref<10240x128xf32, #tpu.memory_space<vmem_shared>>) offsets(%dma_start3A_1129 : memref<125xi32, #tpu.memory_space<vmem>>) semaphore(%run_scoped3A_1122 : memref<!tpu.dma_semaphore, #tpu.memory_space<semaphore_mem>>) {add = true}
        %dma_wait3A_1133 = arith.constant 0 : i32
        %dma_wait3A_1134 = arith.constant 0 : i32
        %dma_wait3A_1135 = tpu.memref_slice %arg7[%run_scoped3A_963, %dma_wait3A_1133, %dma_wait3A_1134] : memref<2x125x128xf32, #tpu.memory_space<vmem>> -> memref<1x125x128xf32, #tpu.memory_space<vmem>>
        %dma_wait3A_1136 = tpu.memref_squeeze %dma_wait3A_1135 : memref<1x125x128xf32, #tpu.memory_space<vmem>> -> memref<125x128xf32, #tpu.memory_space<vmem>>
        %dma_wait3A_1137 = arith.constant 0 : i32
        %dma_wait3A_1138 = tpu.memref_slice %arg6[%run_scoped3A_964, %run_scoped3A_965, %dma_wait3A_1137] : memref<2x8x125xi32, #tpu.memory_space<vmem>> -> memref<1x1x125xi32, #tpu.memory_space<vmem>>
        %dma_wait3A_1139 = tpu.memref_squeeze %dma_wait3A_1138 : memref<1x1x125xi32, #tpu.memory_space<vmem>> -> memref<125xi32, #tpu.memory_space<vmem>>
        %dma_wait3A_1140 = arith.constant 0 : i32
        %dma_wait3A_1141 = arith.constant 0 : i32
        %dma_wait3A_1142 = tpu.memref_slice %arg8[%dma_wait3A_1140, %dma_wait3A_1141] : memref<10240x128xf32, #tpu.memory_space<vmem_shared>> -> memref<10240x128xf32, #tpu.memory_space<vmem_shared>>
        tpu.wait_indirect_dma semaphore(%run_scoped3A_1122 : memref<!tpu.dma_semaphore, #tpu.memory_space<semaphore_mem>>) src(%dma_wait3A_1136 : memref<125x128xf32, #tpu.memory_space<vmem>>) dst(%dma_wait3A_1142 : memref<10240x128xf32, #tpu.memory_space<vmem_shared>>)
        tpu.yield
      }) : () -> ()
      %dma_start3A_966 = arith.constant 1 : i32
      %dma_start3A_967 = arith.constant 7 : i32
      %dma_start3A_968 = arith.constant 1 : i32
      %dma_start3A_969 = arith.constant 0 : i32
      %dma_start3A_970 = arith.constant 0 : i32
      %dma_start3A_971 = tpu.memref_slice %arg7[%dma_start3A_968, %dma_start3A_969, %dma_start3A_970] : memref<2x125x128xf32, #tpu.memory_space<vmem>> -> memref<1x125x128xf32, #tpu.memory_space<vmem>>
      %dma_start3A_972 = tpu.memref_squeeze %dma_start3A_971 : memref<1x125x128xf32, #tpu.memory_space<vmem>> -> memref<125x128xf32, #tpu.memory_space<vmem>>
      %dma_start3A_973 = arith.constant 0 : i32
      %dma_start3A_974 = tpu.memref_slice %arg5[%dma_start3A_966, %dma_start3A_967, %dma_start3A_973] : memref<2x8x125xi32, #tpu.memory_space<vmem>> -> memref<1x1x125xi32, #tpu.memory_space<vmem>>
      %dma_start3A_975 = tpu.memref_squeeze %dma_start3A_974 : memref<1x1x125xi32, #tpu.memory_space<vmem>> -> memref<125xi32, #tpu.memory_space<vmem>>
      %dma_start3A_976 = arith.constant 0 : i32
      %dma_start3A_977 = arith.constant 0 : i32
      %dma_start3A_978 = tpu.memref_slice %arg2[%dma_start3A_976, %dma_start3A_977] : memref<10000x128xf32, #tpu.memory_space<hbm>> -> memref<10000x128xf32, #tpu.memory_space<hbm>>
      tpu.enqueue_indirect_dma source(%dma_start3A_978 : memref<10000x128xf32, #tpu.memory_space<hbm>>) target(%dma_start3A_972 : memref<125x128xf32, #tpu.memory_space<vmem>>) offsets(%dma_start3A_975 : memref<125xi32, #tpu.memory_space<vmem>>) semaphore(%arg12 : memref<!tpu.dma_semaphore, #tpu.memory_space<semaphore_mem>>)
      %dma_wait3A_979 = arith.constant 0 : i32
      %dma_wait3A_980 = arith.constant 0 : i32
      %dma_wait3A_981 = arith.constant 0 : i32
      %dma_wait3A_982 = arith.constant 0 : i32
      %dma_wait3A_983 = arith.constant 0 : i32
      %dma_wait3A_984 = tpu.memref_slice %arg7[%dma_wait3A_981, %dma_wait3A_982, %dma_wait3A_983] : memref<2x125x128xf32, #tpu.memory_space<vmem>> -> memref<1x125x128xf32, #tpu.memory_space<vmem>>
      %dma_wait3A_985 = tpu.memref_squeeze %dma_wait3A_984 : memref<1x125x128xf32, #tpu.memory_space<vmem>> -> memref<125x128xf32, #tpu.memory_space<vmem>>
      %dma_wait3A_986 = arith.constant 0 : i32
      %dma_wait3A_987 = tpu.memref_slice %arg5[%dma_wait3A_979, %dma_wait3A_980, %dma_wait3A_986] : memref<2x8x125xi32, #tpu.memory_space<vmem>> -> memref<1x1x125xi32, #tpu.memory_space<vmem>>
      %dma_wait3A_988 = tpu.memref_squeeze %dma_wait3A_987 : memref<1x1x125xi32, #tpu.memory_space<vmem>> -> memref<125xi32, #tpu.memory_space<vmem>>
      %dma_wait3A_989 = arith.constant 0 : i32
      %dma_wait3A_990 = arith.constant 0 : i32
      %dma_wait3A_991 = tpu.memref_slice %arg2[%dma_wait3A_989, %dma_wait3A_990] : memref<10000x128xf32, #tpu.memory_space<hbm>> -> memref<10000x128xf32, #tpu.memory_space<hbm>>
      tpu.wait_indirect_dma semaphore(%arg11 : memref<!tpu.dma_semaphore, #tpu.memory_space<semaphore_mem>>) src(%dma_wait3A_991 : memref<10000x128xf32, #tpu.memory_space<hbm>>) dst(%dma_wait3A_985 : memref<125x128xf32, #tpu.memory_space<vmem>>)
      %run_scoped3A_992 = arith.constant 0 : i32
      %run_scoped3A_993 = arith.constant 1 : i32
      %run_scoped3A_994 = arith.constant 6 : i32
      "tpu.region"() ({
        %run_scoped3A_1122 = tpu.sem_alloc : memref<!tpu.dma_semaphore, #tpu.memory_space<semaphore_mem>>
        %dma_start3A_1123 = arith.constant 0 : i32
        %dma_start3A_1124 = arith.constant 0 : i32
        %dma_start3A_1125 = tpu.memref_slice %arg7[%run_scoped3A_992, %dma_start3A_1123, %dma_start3A_1124] : memref<2x125x128xf32, #tpu.memory_space<vmem>> -> memref<1x125x128xf32, #tpu.memory_space<vmem>>
        %dma_start3A_1126 = tpu.memref_squeeze %dma_start3A_1125 : memref<1x125x128xf32, #tpu.memory_space<vmem>> -> memref<125x128xf32, #tpu.memory_space<vmem>>
        %dma_start3A_1127 = arith.constant 0 : i32
        %dma_start3A_1128 = tpu.memref_slice %arg6[%run_scoped3A_993, %run_scoped3A_994, %dma_start3A_1127] : memref<2x8x125xi32, #tpu.memory_space<vmem>> -> memref<1x1x125xi32, #tpu.memory_space<vmem>>
        %dma_start3A_1129 = tpu.memref_squeeze %dma_start3A_1128 : memref<1x1x125xi32, #tpu.memory_space<vmem>> -> memref<125xi32, #tpu.memory_space<vmem>>
        %dma_start3A_1130 = arith.constant 0 : i32
        %dma_start3A_1131 = arith.constant 0 : i32
        %dma_start3A_1132 = tpu.memref_slice %arg8[%dma_start3A_1130, %dma_start3A_1131] : memref<10240x128xf32, #tpu.memory_space<vmem_shared>> -> memref<10240x128xf32, #tpu.memory_space<vmem_shared>>
        tpu.enqueue_indirect_dma source(%dma_start3A_1126 : memref<125x128xf32, #tpu.memory_space<vmem>>) target(%dma_start3A_1132 : memref<10240x128xf32, #tpu.memory_space<vmem_shared>>) offsets(%dma_start3A_1129 : memref<125xi32, #tpu.memory_space<vmem>>) semaphore(%run_scoped3A_1122 : memref<!tpu.dma_semaphore, #tpu.memory_space<semaphore_mem>>) {add = true}
        %dma_wait3A_1133 = arith.constant 0 : i32
        %dma_wait3A_1134 = arith.constant 0 : i32
        %dma_wait3A_1135 = tpu.memref_slice %arg7[%run_scoped3A_992, %dma_wait3A_1133, %dma_wait3A_1134] : memref<2x125x128xf32, #tpu.memory_space<vmem>> -> memref<1x125x128xf32, #tpu.memory_space<vmem>>
        %dma_wait3A_1136 = tpu.memref_squeeze %dma_wait3A_1135 : memref<1x125x128xf32, #tpu.memory_space<vmem>> -> memref<125x128xf32, #tpu.memory_space<vmem>>
        %dma_wait3A_1137 = arith.constant 0 : i32
        %dma_wait3A_1138 = tpu.memref_slice %arg6[%run_scoped3A_993, %run_scoped3A_994, %dma_wait3A_1137] : memref<2x8x125xi32, #tpu.memory_space<vmem>> -> memref<1x1x125xi32, #tpu.memory_space<vmem>>
        %dma_wait3A_1139 = tpu.memref_squeeze %dma_wait3A_1138 : memref<1x1x125xi32, #tpu.memory_space<vmem>> -> memref<125xi32, #tpu.memory_space<vmem>>
        %dma_wait3A_1140 = arith.constant 0 : i32
        %dma_wait3A_1141 = arith.constant 0 : i32
        %dma_wait3A_1142 = tpu.memref_slice %arg8[%dma_wait3A_1140, %dma_wait3A_1141] : memref<10240x128xf32, #tpu.memory_space<vmem_shared>> -> memref<10240x128xf32, #tpu.memory_space<vmem_shared>>
        tpu.wait_indirect_dma semaphore(%run_scoped3A_1122 : memref<!tpu.dma_semaphore, #tpu.memory_space<semaphore_mem>>) src(%dma_wait3A_1136 : memref<125x128xf32, #tpu.memory_space<vmem>>) dst(%dma_wait3A_1142 : memref<10240x128xf32, #tpu.memory_space<vmem_shared>>)
        tpu.yield
      }) : () -> ()
      %dma_wait3A_995 = arith.constant 0 : i32
      %dma_wait3A_996 = arith.constant 0 : i32
      %dma_wait3A_997 = arith.constant 0 : i32
      %dma_wait3A_998 = arith.constant 0 : i32
      %dma_wait3A_999 = arith.constant 0 : i32
      %dma_wait3A_1000 = tpu.memref_slice %arg5[%dma_wait3A_997, %dma_wait3A_998, %dma_wait3A_999] : memref<2x8x125xi32, #tpu.memory_space<vmem>> -> memref<1x8x125xi32, #tpu.memory_space<vmem>>
      %dma_wait3A_1001 = tpu.memref_squeeze %dma_wait3A_1000 : memref<1x8x125xi32, #tpu.memory_space<vmem>> -> memref<8x125xi32, #tpu.memory_space<vmem>>
      %dma_wait3A_1002 = arith.constant 0 : i32
      %dma_wait3A_1003 = arith.constant 0 : i32
      %dma_wait3A_1004 = tpu.memref_slice %arg3[%dma_wait3A_995, %add3A, %dma_wait3A_996, %dma_wait3A_1002, %dma_wait3A_1003] : memref<2x32x10x8x125xi32, #tpu.memory_space<hbm>> -> memref<1x1x1x8x125xi32, #tpu.memory_space<hbm>>
      %dma_wait3A_1005 = tpu.memref_squeeze %dma_wait3A_1004 : memref<1x1x1x8x125xi32, #tpu.memory_space<hbm>> -> memref<8x125xi32, #tpu.memory_space<hbm>>
      %dma_wait3A_1006 = arith.constant 0 : i32
      %dma_wait3A_1007 = arith.constant 0 : i32
      %dma_wait3A_1008 = tpu.memref_slice %arg5[%dma_wait3A_997, %dma_wait3A_1006, %dma_wait3A_1007] : memref<2x8x125xi32, #tpu.memory_space<vmem>> -> memref<1x8x125xi32, #tpu.memory_space<vmem>>
      %dma_wait3A_1009 = tpu.memref_squeeze %dma_wait3A_1008 : memref<1x8x125xi32, #tpu.memory_space<vmem>> -> memref<8x125xi32, #tpu.memory_space<vmem>>
      %dma_wait3A_1010 = arith.constant 0 : i32
      %dma_wait3A_1011 = arith.constant 0 : i32
      %dma_wait3A_1012 = tpu.memref_slice %arg3[%dma_wait3A_995, %add3A, %dma_wait3A_996, %dma_wait3A_1010, %dma_wait3A_1011] : memref<2x32x10x8x125xi32, #tpu.memory_space<hbm>> -> memref<1x1x1x8x125xi32, #tpu.memory_space<hbm>>
      %dma_wait3A_1013 = tpu.memref_squeeze %dma_wait3A_1012 : memref<1x1x1x8x125xi32, #tpu.memory_space<hbm>> -> memref<8x125xi32, #tpu.memory_space<hbm>>
      tpu.wait_dma2 semaphore(%arg9 : memref<!tpu.dma_semaphore, #tpu.memory_space<semaphore_mem>>) src(%dma_wait3A_1013 : memref<8x125xi32, #tpu.memory_space<hbm>>) dst(%dma_wait3A_1009 : memref<8x125xi32, #tpu.memory_space<vmem>>)
      %dma_wait3A_1014 = arith.constant 1 : i32
      %dma_wait3A_1015 = arith.constant 0 : i32
      %dma_wait3A_1016 = arith.constant 0 : i32
      %dma_wait3A_1017 = arith.constant 0 : i32
      %dma_wait3A_1018 = arith.constant 0 : i32
      %dma_wait3A_1019 = tpu.memref_slice %arg6[%dma_wait3A_1016, %dma_wait3A_1017, %dma_wait3A_1018] : memref<2x8x125xi32, #tpu.memory_space<vmem>> -> memref<1x8x125xi32, #tpu.memory_space<vmem>>
      %dma_wait3A_1020 = tpu.memref_squeeze %dma_wait3A_1019 : memref<1x8x125xi32, #tpu.memory_space<vmem>> -> memref<8x125xi32, #tpu.memory_space<vmem>>
      %dma_wait3A_1021 = arith.constant 0 : i32
      %dma_wait3A_1022 = arith.constant 0 : i32
      %dma_wait3A_1023 = tpu.memref_slice %arg3[%dma_wait3A_1014, %add3A, %dma_wait3A_1015, %dma_wait3A_1021, %dma_wait3A_1022] : memref<2x32x10x8x125xi32, #tpu.memory_space<hbm>> -> memref<1x1x1x8x125xi32, #tpu.memory_space<hbm>>
      %dma_wait3A_1024 = tpu.memref_squeeze %dma_wait3A_1023 : memref<1x1x1x8x125xi32, #tpu.memory_space<hbm>> -> memref<8x125xi32, #tpu.memory_space<hbm>>
      %dma_wait3A_1025 = arith.constant 0 : i32
      %dma_wait3A_1026 = arith.constant 0 : i32
      %dma_wait3A_1027 = tpu.memref_slice %arg6[%dma_wait3A_1016, %dma_wait3A_1025, %dma_wait3A_1026] : memref<2x8x125xi32, #tpu.memory_space<vmem>> -> memref<1x8x125xi32, #tpu.memory_space<vmem>>
      %dma_wait3A_1028 = tpu.memref_squeeze %dma_wait3A_1027 : memref<1x8x125xi32, #tpu.memory_space<vmem>> -> memref<8x125xi32, #tpu.memory_space<vmem>>
      %dma_wait3A_1029 = arith.constant 0 : i32
      %dma_wait3A_1030 = arith.constant 0 : i32
      %dma_wait3A_1031 = tpu.memref_slice %arg3[%dma_wait3A_1014, %add3A, %dma_wait3A_1015, %dma_wait3A_1029, %dma_wait3A_1030] : memref<2x32x10x8x125xi32, #tpu.memory_space<hbm>> -> memref<1x1x1x8x125xi32, #tpu.memory_space<hbm>>
      %dma_wait3A_1032 = tpu.memref_squeeze %dma_wait3A_1031 : memref<1x1x1x8x125xi32, #tpu.memory_space<hbm>> -> memref<8x125xi32, #tpu.memory_space<hbm>>
      tpu.wait_dma2 semaphore(%arg9 : memref<!tpu.dma_semaphore, #tpu.memory_space<semaphore_mem>>) src(%dma_wait3A_1032 : memref<8x125xi32, #tpu.memory_space<hbm>>) dst(%dma_wait3A_1028 : memref<8x125xi32, #tpu.memory_space<vmem>>)
      %dma_start3A_1033 = arith.constant 0 : i32
      %dma_start3A_1034 = arith.constant 0 : i32
      %dma_start3A_1035 = arith.constant 0 : i32
      %dma_start3A_1036 = arith.constant 0 : i32
      %dma_start3A_1037 = arith.constant 0 : i32
      %dma_start3A_1038 = tpu.memref_slice %arg7[%dma_start3A_1035, %dma_start3A_1036, %dma_start3A_1037] : memref<2x125x128xf32, #tpu.memory_space<vmem>> -> memref<1x125x128xf32, #tpu.memory_space<vmem>>
      %dma_start3A_1039 = tpu.memref_squeeze %dma_start3A_1038 : memref<1x125x128xf32, #tpu.memory_space<vmem>> -> memref<125x128xf32, #tpu.memory_space<vmem>>
      %dma_start3A_1040 = arith.constant 0 : i32
      %dma_start3A_1041 = tpu.memref_slice %arg5[%dma_start3A_1033, %dma_start3A_1034, %dma_start3A_1040] : memref<2x8x125xi32, #tpu.memory_space<vmem>> -> memref<1x1x125xi32, #tpu.memory_space<vmem>>
      %dma_start3A_1042 = tpu.memref_squeeze %dma_start3A_1041 : memref<1x1x125xi32, #tpu.memory_space<vmem>> -> memref<125xi32, #tpu.memory_space<vmem>>
      %dma_start3A_1043 = arith.constant 0 : i32
      %dma_start3A_1044 = arith.constant 0 : i32
      %dma_start3A_1045 = tpu.memref_slice %arg2[%dma_start3A_1043, %dma_start3A_1044] : memref<10000x128xf32, #tpu.memory_space<hbm>> -> memref<10000x128xf32, #tpu.memory_space<hbm>>
      tpu.enqueue_indirect_dma source(%dma_start3A_1045 : memref<10000x128xf32, #tpu.memory_space<hbm>>) target(%dma_start3A_1039 : memref<125x128xf32, #tpu.memory_space<vmem>>) offsets(%dma_start3A_1042 : memref<125xi32, #tpu.memory_space<vmem>>) semaphore(%arg11 : memref<!tpu.dma_semaphore, #tpu.memory_space<semaphore_mem>>)
      %dma_wait3A_1046 = arith.constant 0 : i32
      %dma_wait3A_1047 = arith.constant 0 : i32
      %dma_wait3A_1048 = arith.constant 1 : i32
      %dma_wait3A_1049 = arith.constant 0 : i32
      %dma_wait3A_1050 = arith.constant 0 : i32
      %dma_wait3A_1051 = tpu.memref_slice %arg7[%dma_wait3A_1048, %dma_wait3A_1049, %dma_wait3A_1050] : memref<2x125x128xf32, #tpu.memory_space<vmem>> -> memref<1x125x128xf32, #tpu.memory_space<vmem>>
      %dma_wait3A_1052 = tpu.memref_squeeze %dma_wait3A_1051 : memref<1x125x128xf32, #tpu.memory_space<vmem>> -> memref<125x128xf32, #tpu.memory_space<vmem>>
      %dma_wait3A_1053 = arith.constant 0 : i32
      %dma_wait3A_1054 = tpu.memref_slice %arg5[%dma_wait3A_1046, %dma_wait3A_1047, %dma_wait3A_1053] : memref<2x8x125xi32, #tpu.memory_space<vmem>> -> memref<1x1x125xi32, #tpu.memory_space<vmem>>
      %dma_wait3A_1055 = tpu.memref_squeeze %dma_wait3A_1054 : memref<1x1x125xi32, #tpu.memory_space<vmem>> -> memref<125xi32, #tpu.memory_space<vmem>>
      %dma_wait3A_1056 = arith.constant 0 : i32
      %dma_wait3A_1057 = arith.constant 0 : i32
      %dma_wait3A_1058 = tpu.memref_slice %arg2[%dma_wait3A_1056, %dma_wait3A_1057] : memref<10000x128xf32, #tpu.memory_space<hbm>> -> memref<10000x128xf32, #tpu.memory_space<hbm>>
      tpu.wait_indirect_dma semaphore(%arg12 : memref<!tpu.dma_semaphore, #tpu.memory_space<semaphore_mem>>) src(%dma_wait3A_1058 : memref<10000x128xf32, #tpu.memory_space<hbm>>) dst(%dma_wait3A_1052 : memref<125x128xf32, #tpu.memory_space<vmem>>)
      %run_scoped3A_1059 = arith.constant 1 : i32
      %run_scoped3A_1060 = arith.constant 1 : i32
      %run_scoped3A_1061 = arith.constant 7 : i32
      "tpu.region"() ({
        %run_scoped3A_1122 = tpu.sem_alloc : memref<!tpu.dma_semaphore, #tpu.memory_space<semaphore_mem>>
        %dma_start3A_1123 = arith.constant 0 : i32
        %dma_start3A_1124 = arith.constant 0 : i32
        %dma_start3A_1125 = tpu.memref_slice %arg7[%run_scoped3A_1059, %dma_start3A_1123, %dma_start3A_1124] : memref<2x125x128xf32, #tpu.memory_space<vmem>> -> memref<1x125x128xf32, #tpu.memory_space<vmem>>
        %dma_start3A_1126 = tpu.memref_squeeze %dma_start3A_1125 : memref<1x125x128xf32, #tpu.memory_space<vmem>> -> memref<125x128xf32, #tpu.memory_space<vmem>>
        %dma_start3A_1127 = arith.constant 0 : i32
        %dma_start3A_1128 = tpu.memref_slice %arg6[%run_scoped3A_1060, %run_scoped3A_1061, %dma_start3A_1127] : memref<2x8x125xi32, #tpu.memory_space<vmem>> -> memref<1x1x125xi32, #tpu.memory_space<vmem>>
        %dma_start3A_1129 = tpu.memref_squeeze %dma_start3A_1128 : memref<1x1x125xi32, #tpu.memory_space<vmem>> -> memref<125xi32, #tpu.memory_space<vmem>>
        %dma_start3A_1130 = arith.constant 0 : i32
        %dma_start3A_1131 = arith.constant 0 : i32
        %dma_start3A_1132 = tpu.memref_slice %arg8[%dma_start3A_1130, %dma_start3A_1131] : memref<10240x128xf32, #tpu.memory_space<vmem_shared>> -> memref<10240x128xf32, #tpu.memory_space<vmem_shared>>
        tpu.enqueue_indirect_dma source(%dma_start3A_1126 : memref<125x128xf32, #tpu.memory_space<vmem>>) target(%dma_start3A_1132 : memref<10240x128xf32, #tpu.memory_space<vmem_shared>>) offsets(%dma_start3A_1129 : memref<125xi32, #tpu.memory_space<vmem>>) semaphore(%run_scoped3A_1122 : memref<!tpu.dma_semaphore, #tpu.memory_space<semaphore_mem>>) {add = true}
        %dma_wait3A_1133 = arith.constant 0 : i32
        %dma_wait3A_1134 = arith.constant 0 : i32
        %dma_wait3A_1135 = tpu.memref_slice %arg7[%run_scoped3A_1059, %dma_wait3A_1133, %dma_wait3A_1134] : memref<2x125x128xf32, #tpu.memory_space<vmem>> -> memref<1x125x128xf32, #tpu.memory_space<vmem>>
        %dma_wait3A_1136 = tpu.memref_squeeze %dma_wait3A_1135 : memref<1x125x128xf32, #tpu.memory_space<vmem>> -> memref<125x128xf32, #tpu.memory_space<vmem>>
        %dma_wait3A_1137 = arith.constant 0 : i32
        %dma_wait3A_1138 = tpu.memref_slice %arg6[%run_scoped3A_1060, %run_scoped3A_1061, %dma_wait3A_1137] : memref<2x8x125xi32, #tpu.memory_space<vmem>> -> memref<1x1x125xi32, #tpu.memory_space<vmem>>
        %dma_wait3A_1139 = tpu.memref_squeeze %dma_wait3A_1138 : memref<1x1x125xi32, #tpu.memory_space<vmem>> -> memref<125xi32, #tpu.memory_space<vmem>>
        %dma_wait3A_1140 = arith.constant 0 : i32
        %dma_wait3A_1141 = arith.constant 0 : i32
        %dma_wait3A_1142 = tpu.memref_slice %arg8[%dma_wait3A_1140, %dma_wait3A_1141] : memref<10240x128xf32, #tpu.memory_space<vmem_shared>> -> memref<10240x128xf32, #tpu.memory_space<vmem_shared>>
        tpu.wait_indirect_dma semaphore(%run_scoped3A_1122 : memref<!tpu.dma_semaphore, #tpu.memory_space<semaphore_mem>>) src(%dma_wait3A_1136 : memref<125x128xf32, #tpu.memory_space<vmem>>) dst(%dma_wait3A_1142 : memref<10240x128xf32, #tpu.memory_space<vmem_shared>>)
        tpu.yield
      }) : () -> ()
      %dma_start3A_1062 = arith.constant 0 : i32
      %dma_start3A_1063 = arith.constant 1 : i32
      %dma_start3A_1064 = arith.constant 1 : i32
      %dma_start3A_1065 = arith.constant 0 : i32
      %dma_start3A_1066 = arith.constant 0 : i32
      %dma_start3A_1067 = tpu.memref_slice %arg7[%dma_start3A_1064, %dma_start3A_1065, %dma_start3A_1066] : memref<2x125x128xf32, #tpu.memory_space<vmem>> -> memref<1x125x128xf32, #tpu.memory_space<vmem>>
      %dma_start3A_1068 = tpu.memref_squeeze %dma_start3A_1067 : memref<1x125x128xf32, #tpu.memory_space<vmem>> -> memref<125x128xf32, #tpu.memory_space<vmem>>
      %dma_start3A_1069 = arith.constant 0 : i32
      %dma_start3A_1070 = tpu.memref_slice %arg5[%dma_start3A_1062, %dma_start3A_1063, %dma_start3A_1069] : memref<2x8x125xi32, #tpu.memory_space<vmem>> -> memref<1x1x125xi32, #tpu.memory_space<vmem>>
      %dma_start3A_1071 = tpu.memref_squeeze %dma_start3A_1070 : memref<1x1x125xi32, #tpu.memory_space<vmem>> -> memref<125xi32, #tpu.memory_space<vmem>>
      %dma_start3A_1072 = arith.constant 0 : i32
      %dma_start3A_1073 = arith.constant 0 : i32
      %dma_start3A_1074 = tpu.memref_slice %arg2[%dma_start3A_1072, %dma_start3A_1073] : memref<10000x128xf32, #tpu.memory_space<hbm>> -> memref<10000x128xf32, #tpu.memory_space<hbm>>
      tpu.enqueue_indirect_dma source(%dma_start3A_1074 : memref<10000x128xf32, #tpu.memory_space<hbm>>) target(%dma_start3A_1068 : memref<125x128xf32, #tpu.memory_space<vmem>>) offsets(%dma_start3A_1071 : memref<125xi32, #tpu.memory_space<vmem>>) semaphore(%arg12 : memref<!tpu.dma_semaphore, #tpu.memory_space<semaphore_mem>>)
      %add3A_1075 = arith.constant 2 : i32
      %add3A_1076 = arith.addi %add3A_804, %add3A_1075 : i32
      %ge3A_1077 = arith.constant 10 : i32
      %ge3A_1078 = arith.cmpi sge, %add3A_1076, %ge3A_1077 : i32
      %add3A_1079 = arith.constant 2 : i32
      %add3A_1080 = arith.addi %add3A_804, %add3A_1079 : i32
      %sub3A_1081 = arith.constant 10 : i32
      %sub3A_1082 = arith.subi %add3A_1080, %sub3A_1081 : i32
      %add3A_1083 = arith.constant 2 : i32
      %add3A_1084 = arith.addi %add3A_804, %add3A_1083 : i32
      %select_n3A_1085 = arith.select %ge3A_1078, %sub3A_1082, %add3A_1084 : i32
      %dma_start3A_1086 = arith.constant 0 : i32
      %dma_start3A_1087 = arith.constant 1 : i32
      %dma_start3A_1088 = arith.constant 0 : i32
      %dma_start3A_1089 = arith.constant 0 : i32
      %dma_start3A_1090 = tpu.memref_slice %arg5[%dma_start3A_1087, %dma_start3A_1088, %dma_start3A_1089] : memref<2x8x125xi32, #tpu.memory_space<vmem>> -> memref<1x8x125xi32, #tpu.memory_space<vmem>>
      %dma_start3A_1091 = tpu.memref_squeeze %dma_start3A_1090 : memref<1x8x125xi32, #tpu.memory_space<vmem>> -> memref<8x125xi32, #tpu.memory_space<vmem>>
      %dma_start3A_1092 = arith.constant 0 : i32
      %dma_start3A_1093 = arith.constant 0 : i32
      %dma_start3A_1094 = tpu.memref_slice %arg3[%dma_start3A_1086, %add3A, %select_n3A_1085, %dma_start3A_1092, %dma_start3A_1093] : memref<2x32x10x8x125xi32, #tpu.memory_space<hbm>> -> memref<1x1x1x8x125xi32, #tpu.memory_space<hbm>>
      %dma_start3A_1095 = tpu.memref_squeeze %dma_start3A_1094 : memref<1x1x1x8x125xi32, #tpu.memory_space<hbm>> -> memref<8x125xi32, #tpu.memory_space<hbm>>
      %dma_start3A_1096 = arith.constant 0 : i32
      %dma_start3A_1097 = arith.constant 0 : i32
      %dma_start3A_1098 = tpu.memref_slice %arg5[%dma_start3A_1087, %dma_start3A_1096, %dma_start3A_1097] : memref<2x8x125xi32, #tpu.memory_space<vmem>> -> memref<1x8x125xi32, #tpu.memory_space<vmem>>
      %dma_start3A_1099 = tpu.memref_squeeze %dma_start3A_1098 : memref<1x8x125xi32, #tpu.memory_space<vmem>> -> memref<8x125xi32, #tpu.memory_space<vmem>>
      %dma_start3A_1100 = arith.constant 0 : i32
      %dma_start3A_1101 = arith.constant 0 : i32
      %dma_start3A_1102 = tpu.memref_slice %arg3[%dma_start3A_1086, %add3A, %select_n3A_1085, %dma_start3A_1100, %dma_start3A_1101] : memref<2x32x10x8x125xi32, #tpu.memory_space<hbm>> -> memref<1x1x1x8x125xi32, #tpu.memory_space<hbm>>
      %dma_start3A_1103 = tpu.memref_squeeze %dma_start3A_1102 : memref<1x1x1x8x125xi32, #tpu.memory_space<hbm>> -> memref<8x125xi32, #tpu.memory_space<hbm>>
      tpu.enqueue_dma source(%dma_start3A_1103 : memref<8x125xi32, #tpu.memory_space<hbm>>) target(%dma_start3A_1099 : memref<8x125xi32, #tpu.memory_space<vmem>>) target_semaphore(%arg10 : memref<!tpu.dma_semaphore, #tpu.memory_space<semaphore_mem>>)
      %dma_start3A_1104 = arith.constant 1 : i32
      %dma_start3A_1105 = arith.constant 1 : i32
      %dma_start3A_1106 = arith.constant 0 : i32
      %dma_start3A_1107 = arith.constant 0 : i32
      %dma_start3A_1108 = tpu.memref_slice %arg6[%dma_start3A_1105, %dma_start3A_1106, %dma_start3A_1107] : memref<2x8x125xi32, #tpu.memory_space<vmem>> -> memref<1x8x125xi32, #tpu.memory_space<vmem>>
      %dma_start3A_1109 = tpu.memref_squeeze %dma_start3A_1108 : memref<1x8x125xi32, #tpu.memory_space<vmem>> -> memref<8x125xi32, #tpu.memory_space<vmem>>
      %dma_start3A_1110 = arith.constant 0 : i32
      %dma_start3A_1111 = arith.constant 0 : i32
      %dma_start3A_1112 = tpu.memref_slice %arg3[%dma_start3A_1104, %add3A, %select_n3A_1085, %dma_start3A_1110, %dma_start3A_1111] : memref<2x32x10x8x125xi32, #tpu.memory_space<hbm>> -> memref<1x1x1x8x125xi32, #tpu.memory_space<hbm>>
      %dma_start3A_1113 = tpu.memref_squeeze %dma_start3A_1112 : memref<1x1x1x8x125xi32, #tpu.memory_space<hbm>> -> memref<8x125xi32, #tpu.memory_space<hbm>>
      %dma_start3A_1114 = arith.constant 0 : i32
      %dma_start3A_1115 = arith.constant 0 : i32
      %dma_start3A_1116 = tpu.memref_slice %arg6[%dma_start3A_1105, %dma_start3A_1114, %dma_start3A_1115] : memref<2x8x125xi32, #tpu.memory_space<vmem>> -> memref<1x8x125xi32, #tpu.memory_space<vmem>>
      %dma_start3A_1117 = tpu.memref_squeeze %dma_start3A_1116 : memref<1x8x125xi32, #tpu.memory_space<vmem>> -> memref<8x125xi32, #tpu.memory_space<vmem>>
      %dma_start3A_1118 = arith.constant 0 : i32
      %dma_start3A_1119 = arith.constant 0 : i32
      %dma_start3A_1120 = tpu.memref_slice %arg3[%dma_start3A_1104, %add3A, %select_n3A_1085, %dma_start3A_1118, %dma_start3A_1119] : memref<2x32x10x8x125xi32, #tpu.memory_space<hbm>> -> memref<1x1x1x8x125xi32, #tpu.memory_space<hbm>>
      %dma_start3A_1121 = tpu.memref_squeeze %dma_start3A_1120 : memref<1x1x1x8x125xi32, #tpu.memory_space<hbm>> -> memref<8x125xi32, #tpu.memory_space<hbm>>
      tpu.enqueue_dma source(%dma_start3A_1121 : memref<8x125xi32, #tpu.memory_space<hbm>>) target(%dma_start3A_1117 : memref<8x125xi32, #tpu.memory_space<vmem>>) target_semaphore(%arg10 : memref<!tpu.dma_semaphore, #tpu.memory_space<semaphore_mem>>)
    }
    %scan3A_329 = arith.constant 5 : i32
    %dma_wait3A_330 = arith.constant 0 : i32
    %dma_wait3A_331 = arith.constant 0 : i32
    %dma_wait3A_332 = arith.constant 0 : i32
    %dma_wait3A_333 = arith.constant 0 : i32
    %dma_wait3A_334 = arith.constant 0 : i32
    %dma_wait3A_335 = tpu.memref_slice %arg7[%dma_wait3A_332, %dma_wait3A_333, %dma_wait3A_334] : memref<2x125x128xf32, #tpu.memory_space<vmem>> -> memref<1x125x128xf32, #tpu.memory_space<vmem>>
    %dma_wait3A_336 = tpu.memref_squeeze %dma_wait3A_335 : memref<1x125x128xf32, #tpu.memory_space<vmem>> -> memref<125x128xf32, #tpu.memory_space<vmem>>
    %dma_wait3A_337 = arith.constant 0 : i32
    %dma_wait3A_338 = tpu.memref_slice %arg5[%dma_wait3A_330, %dma_wait3A_331, %dma_wait3A_337] : memref<2x8x125xi32, #tpu.memory_space<vmem>> -> memref<1x1x125xi32, #tpu.memory_space<vmem>>
    %dma_wait3A_339 = tpu.memref_squeeze %dma_wait3A_338 : memref<1x1x125xi32, #tpu.memory_space<vmem>> -> memref<125xi32, #tpu.memory_space<vmem>>
    %dma_wait3A_340 = arith.constant 0 : i32
    %dma_wait3A_341 = arith.constant 0 : i32
    %dma_wait3A_342 = tpu.memref_slice %arg2[%dma_wait3A_340, %dma_wait3A_341] : memref<10000x128xf32, #tpu.memory_space<hbm>> -> memref<10000x128xf32, #tpu.memory_space<hbm>>
    tpu.wait_indirect_dma semaphore(%arg11 : memref<!tpu.dma_semaphore, #tpu.memory_space<semaphore_mem>>) src(%dma_wait3A_342 : memref<10000x128xf32, #tpu.memory_space<hbm>>) dst(%dma_wait3A_336 : memref<125x128xf32, #tpu.memory_space<vmem>>)
    %dma_wait3A_343 = arith.constant 0 : i32
    %dma_wait3A_344 = arith.constant 0 : i32
    %dma_wait3A_345 = arith.constant 1 : i32
    %dma_wait3A_346 = arith.constant 0 : i32
    %dma_wait3A_347 = arith.constant 0 : i32
    %dma_wait3A_348 = tpu.memref_slice %arg7[%dma_wait3A_345, %dma_wait3A_346, %dma_wait3A_347] : memref<2x125x128xf32, #tpu.memory_space<vmem>> -> memref<1x125x128xf32, #tpu.memory_space<vmem>>
    %dma_wait3A_349 = tpu.memref_squeeze %dma_wait3A_348 : memref<1x125x128xf32, #tpu.memory_space<vmem>> -> memref<125x128xf32, #tpu.memory_space<vmem>>
    %dma_wait3A_350 = arith.constant 0 : i32
    %dma_wait3A_351 = tpu.memref_slice %arg5[%dma_wait3A_343, %dma_wait3A_344, %dma_wait3A_350] : memref<2x8x125xi32, #tpu.memory_space<vmem>> -> memref<1x1x125xi32, #tpu.memory_space<vmem>>
    %dma_wait3A_352 = tpu.memref_squeeze %dma_wait3A_351 : memref<1x1x125xi32, #tpu.memory_space<vmem>> -> memref<125xi32, #tpu.memory_space<vmem>>
    %dma_wait3A_353 = arith.constant 0 : i32
    %dma_wait3A_354 = arith.constant 0 : i32
    %dma_wait3A_355 = tpu.memref_slice %arg2[%dma_wait3A_353, %dma_wait3A_354] : memref<10000x128xf32, #tpu.memory_space<hbm>> -> memref<10000x128xf32, #tpu.memory_space<hbm>>
    tpu.wait_indirect_dma semaphore(%arg12 : memref<!tpu.dma_semaphore, #tpu.memory_space<semaphore_mem>>) src(%dma_wait3A_355 : memref<10000x128xf32, #tpu.memory_space<hbm>>) dst(%dma_wait3A_349 : memref<125x128xf32, #tpu.memory_space<vmem>>)
    %dma_wait3A_356 = arith.constant 0 : i32
    %dma_wait3A_357 = arith.constant 0 : i32
    %dma_wait3A_358 = arith.constant 1 : i32
    %dma_wait3A_359 = arith.constant 0 : i32
    %dma_wait3A_360 = arith.constant 0 : i32
    %dma_wait3A_361 = tpu.memref_slice %arg5[%dma_wait3A_358, %dma_wait3A_359, %dma_wait3A_360] : memref<2x8x125xi32, #tpu.memory_space<vmem>> -> memref<1x8x125xi32, #tpu.memory_space<vmem>>
    %dma_wait3A_362 = tpu.memref_squeeze %dma_wait3A_361 : memref<1x8x125xi32, #tpu.memory_space<vmem>> -> memref<8x125xi32, #tpu.memory_space<vmem>>
    %dma_wait3A_363 = arith.constant 0 : i32
    %dma_wait3A_364 = arith.constant 0 : i32
    %dma_wait3A_365 = tpu.memref_slice %arg3[%dma_wait3A_356, %add3A, %dma_wait3A_357, %dma_wait3A_363, %dma_wait3A_364] : memref<2x32x10x8x125xi32, #tpu.memory_space<hbm>> -> memref<1x1x1x8x125xi32, #tpu.memory_space<hbm>>
    %dma_wait3A_366 = tpu.memref_squeeze %dma_wait3A_365 : memref<1x1x1x8x125xi32, #tpu.memory_space<hbm>> -> memref<8x125xi32, #tpu.memory_space<hbm>>
    %dma_wait3A_367 = arith.constant 0 : i32
    %dma_wait3A_368 = arith.constant 0 : i32
    %dma_wait3A_369 = tpu.memref_slice %arg5[%dma_wait3A_358, %dma_wait3A_367, %dma_wait3A_368] : memref<2x8x125xi32, #tpu.memory_space<vmem>> -> memref<1x8x125xi32, #tpu.memory_space<vmem>>
    %dma_wait3A_370 = tpu.memref_squeeze %dma_wait3A_369 : memref<1x8x125xi32, #tpu.memory_space<vmem>> -> memref<8x125xi32, #tpu.memory_space<vmem>>
    %dma_wait3A_371 = arith.constant 0 : i32
    %dma_wait3A_372 = arith.constant 0 : i32
    %dma_wait3A_373 = tpu.memref_slice %arg3[%dma_wait3A_356, %add3A, %dma_wait3A_357, %dma_wait3A_371, %dma_wait3A_372] : memref<2x32x10x8x125xi32, #tpu.memory_space<hbm>> -> memref<1x1x1x8x125xi32, #tpu.memory_space<hbm>>
    %dma_wait3A_374 = tpu.memref_squeeze %dma_wait3A_373 : memref<1x1x1x8x125xi32, #tpu.memory_space<hbm>> -> memref<8x125xi32, #tpu.memory_space<hbm>>
    tpu.wait_dma2 semaphore(%arg10 : memref<!tpu.dma_semaphore, #tpu.memory_space<semaphore_mem>>) src(%dma_wait3A_374 : memref<8x125xi32, #tpu.memory_space<hbm>>) dst(%dma_wait3A_370 : memref<8x125xi32, #tpu.memory_space<vmem>>)
    %dma_wait3A_375 = arith.constant 1 : i32
    %dma_wait3A_376 = arith.constant 0 : i32
    %dma_wait3A_377 = arith.constant 1 : i32
    %dma_wait3A_378 = arith.constant 0 : i32
    %dma_wait3A_379 = arith.constant 0 : i32
    %dma_wait3A_380 = tpu.memref_slice %arg6[%dma_wait3A_377, %dma_wait3A_378, %dma_wait3A_379] : memref<2x8x125xi32, #tpu.memory_space<vmem>> -> memref<1x8x125xi32, #tpu.memory_space<vmem>>
    %dma_wait3A_381 = tpu.memref_squeeze %dma_wait3A_380 : memref<1x8x125xi32, #tpu.memory_space<vmem>> -> memref<8x125xi32, #tpu.memory_space<vmem>>
    %dma_wait3A_382 = arith.constant 0 : i32
    %dma_wait3A_383 = arith.constant 0 : i32
    %dma_wait3A_384 = tpu.memref_slice %arg3[%dma_wait3A_375, %add3A, %dma_wait3A_376, %dma_wait3A_382, %dma_wait3A_383] : memref<2x32x10x8x125xi32, #tpu.memory_space<hbm>> -> memref<1x1x1x8x125xi32, #tpu.memory_space<hbm>>
    %dma_wait3A_385 = tpu.memref_squeeze %dma_wait3A_384 : memref<1x1x1x8x125xi32, #tpu.memory_space<hbm>> -> memref<8x125xi32, #tpu.memory_space<hbm>>
    %dma_wait3A_386 = arith.constant 0 : i32
    %dma_wait3A_387 = arith.constant 0 : i32
    %dma_wait3A_388 = tpu.memref_slice %arg6[%dma_wait3A_377, %dma_wait3A_386, %dma_wait3A_387] : memref<2x8x125xi32, #tpu.memory_space<vmem>> -> memref<1x8x125xi32, #tpu.memory_space<vmem>>
    %dma_wait3A_389 = tpu.memref_squeeze %dma_wait3A_388 : memref<1x8x125xi32, #tpu.memory_space<vmem>> -> memref<8x125xi32, #tpu.memory_space<vmem>>
    %dma_wait3A_390 = arith.constant 0 : i32
    %dma_wait3A_391 = arith.constant 0 : i32
    %dma_wait3A_392 = tpu.memref_slice %arg3[%dma_wait3A_375, %add3A, %dma_wait3A_376, %dma_wait3A_390, %dma_wait3A_391] : memref<2x32x10x8x125xi32, #tpu.memory_space<hbm>> -> memref<1x1x1x8x125xi32, #tpu.memory_space<hbm>>
    %dma_wait3A_393 = tpu.memref_squeeze %dma_wait3A_392 : memref<1x1x1x8x125xi32, #tpu.memory_space<hbm>> -> memref<8x125xi32, #tpu.memory_space<hbm>>
    tpu.wait_dma2 semaphore(%arg10 : memref<!tpu.dma_semaphore, #tpu.memory_space<semaphore_mem>>) src(%dma_wait3A_393 : memref<8x125xi32, #tpu.memory_space<hbm>>) dst(%dma_wait3A_389 : memref<8x125xi32, #tpu.memory_space<vmem>>)
    %barrier3A_394 = arith.constant 0 : index
    tpu.barrier barrier_id(%barrier3A_394)
    %mul3A_395 = arith.constant 640 : i32
    %mul3A_396 = arith.muli %arg1, %mul3A_395 : i32
    %add3A_397 = arith.constant 0 : i32
    %add3A_398 = arith.addi %mul3A_396, %add3A_397 : i32
    %dma_start3A_399 = arith.constant 0 : i32
    %dma_start3A_400 = tpu.memref_slice %arg4[%arg0, %add3A_398, %dma_start3A_399] : memref<2x10240x128xf32, #tpu.memory_space<hbm>> -> memref<1x128x128xf32, #tpu.memory_space<hbm>>
    %dma_start3A_401 = tpu.memref_squeeze %dma_start3A_400 : memref<1x128x128xf32, #tpu.memory_space<hbm>> -> memref<128x128xf32, #tpu.memory_space<hbm>>
    %dma_start3A_402 = arith.constant 0 : i32
    %dma_start3A_403 = tpu.memref_slice %arg8[%add3A_398, %dma_start3A_402] : memref<10240x128xf32, #tpu.memory_space<vmem_shared>> -> memref<128x128xf32, #tpu.memory_space<vmem_shared>>
    tpu.enqueue_dma source(%dma_start3A_403 : memref<128x128xf32, #tpu.memory_space<vmem_shared>>) target(%dma_start3A_401 : memref<128x128xf32, #tpu.memory_space<hbm>>) target_semaphore(%arg11 : memref<!tpu.dma_semaphore, #tpu.memory_space<semaphore_mem>>)
    %mul3A_404 = arith.constant 640 : i32
    %mul3A_405 = arith.muli %arg1, %mul3A_404 : i32
    %add3A_406 = arith.constant 128 : i32
    %add3A_407 = arith.addi %mul3A_405, %add3A_406 : i32
    %dma_start3A_408 = arith.constant 0 : i32
    %dma_start3A_409 = tpu.memref_slice %arg4[%arg0, %add3A_407, %dma_start3A_408] : memref<2x10240x128xf32, #tpu.memory_space<hbm>> -> memref<1x128x128xf32, #tpu.memory_space<hbm>>
    %dma_start3A_410 = tpu.memref_squeeze %dma_start3A_409 : memref<1x128x128xf32, #tpu.memory_space<hbm>> -> memref<128x128xf32, #tpu.memory_space<hbm>>
    %dma_start3A_411 = arith.constant 0 : i32
    %dma_start3A_412 = tpu.memref_slice %arg8[%add3A_407, %dma_start3A_411] : memref<10240x128xf32, #tpu.memory_space<vmem_shared>> -> memref<128x128xf32, #tpu.memory_space<vmem_shared>>
    tpu.enqueue_dma source(%dma_start3A_412 : memref<128x128xf32, #tpu.memory_space<vmem_shared>>) target(%dma_start3A_410 : memref<128x128xf32, #tpu.memory_space<hbm>>) target_semaphore(%arg11 : memref<!tpu.dma_semaphore, #tpu.memory_space<semaphore_mem>>)
    %mul3A_413 = arith.constant 640 : i32
    %mul3A_414 = arith.muli %arg1, %mul3A_413 : i32
    %add3A_415 = arith.constant 256 : i32
    %add3A_416 = arith.addi %mul3A_414, %add3A_415 : i32
    %dma_start3A_417 = arith.constant 0 : i32
    %dma_start3A_418 = tpu.memref_slice %arg4[%arg0, %add3A_416, %dma_start3A_417] : memref<2x10240x128xf32, #tpu.memory_space<hbm>> -> memref<1x128x128xf32, #tpu.memory_space<hbm>>
    %dma_start3A_419 = tpu.memref_squeeze %dma_start3A_418 : memref<1x128x128xf32, #tpu.memory_space<hbm>> -> memref<128x128xf32, #tpu.memory_space<hbm>>
    %dma_start3A_420 = arith.constant 0 : i32
    %dma_start3A_421 = tpu.memref_slice %arg8[%add3A_416, %dma_start3A_420] : memref<10240x128xf32, #tpu.memory_space<vmem_shared>> -> memref<128x128xf32, #tpu.memory_space<vmem_shared>>
    tpu.enqueue_dma source(%dma_start3A_421 : memref<128x128xf32, #tpu.memory_space<vmem_shared>>) target(%dma_start3A_419 : memref<128x128xf32, #tpu.memory_space<hbm>>) target_semaphore(%arg11 : memref<!tpu.dma_semaphore, #tpu.memory_space<semaphore_mem>>)
    %mul3A_422 = arith.constant 640 : i32
    %mul3A_423 = arith.muli %arg1, %mul3A_422 : i32
    %add3A_424 = arith.constant 384 : i32
    %add3A_425 = arith.addi %mul3A_423, %add3A_424 : i32
    %dma_start3A_426 = arith.constant 0 : i32
    %dma_start3A_427 = tpu.memref_slice %arg4[%arg0, %add3A_425, %dma_start3A_426] : memref<2x10240x128xf32, #tpu.memory_space<hbm>> -> memref<1x128x128xf32, #tpu.memory_space<hbm>>
    %dma_start3A_428 = tpu.memref_squeeze %dma_start3A_427 : memref<1x128x128xf32, #tpu.memory_space<hbm>> -> memref<128x128xf32, #tpu.memory_space<hbm>>
    %dma_start3A_429 = arith.constant 0 : i32
    %dma_start3A_430 = tpu.memref_slice %arg8[%add3A_425, %dma_start3A_429] : memref<10240x128xf32, #tpu.memory_space<vmem_shared>> -> memref<128x128xf32, #tpu.memory_space<vmem_shared>>
    tpu.enqueue_dma source(%dma_start3A_430 : memref<128x128xf32, #tpu.memory_space<vmem_shared>>) target(%dma_start3A_428 : memref<128x128xf32, #tpu.memory_space<hbm>>) target_semaphore(%arg11 : memref<!tpu.dma_semaphore, #tpu.memory_space<semaphore_mem>>)
    %mul3A_431 = arith.constant 640 : i32
    %mul3A_432 = arith.muli %arg1, %mul3A_431 : i32
    %add3A_433 = arith.constant 512 : i32
    %add3A_434 = arith.addi %mul3A_432, %add3A_433 : i32
    %dma_start3A_435 = arith.constant 0 : i32
    %dma_start3A_436 = tpu.memref_slice %arg4[%arg0, %add3A_434, %dma_start3A_435] : memref<2x10240x128xf32, #tpu.memory_space<hbm>> -> memref<1x128x128xf32, #tpu.memory_space<hbm>>
    %dma_start3A_437 = tpu.memref_squeeze %dma_start3A_436 : memref<1x128x128xf32, #tpu.memory_space<hbm>> -> memref<128x128xf32, #tpu.memory_space<hbm>>
    %dma_start3A_438 = arith.constant 0 : i32
    %dma_start3A_439 = tpu.memref_slice %arg8[%add3A_434, %dma_start3A_438] : memref<10240x128xf32, #tpu.memory_space<vmem_shared>> -> memref<128x128xf32, #tpu.memory_space<vmem_shared>>
    tpu.enqueue_dma source(%dma_start3A_439 : memref<128x128xf32, #tpu.memory_space<vmem_shared>>) target(%dma_start3A_437 : memref<128x128xf32, #tpu.memory_space<hbm>>) target_semaphore(%arg11 : memref<!tpu.dma_semaphore, #tpu.memory_space<semaphore_mem>>)
    %mul3A_440 = arith.constant 640 : i32
    %mul3A_441 = arith.muli %arg1, %mul3A_440 : i32
    %add3A_442 = arith.constant 0 : i32
    %add3A_443 = arith.addi %mul3A_441, %add3A_442 : i32
    %dma_wait3A_444 = arith.constant 0 : i32
    %dma_wait3A_445 = tpu.memref_slice %arg4[%arg0, %add3A_443, %dma_wait3A_444] : memref<2x10240x128xf32, #tpu.memory_space<hbm>> -> memref<1x128x128xf32, #tpu.memory_space<hbm>>
    %dma_wait3A_446 = tpu.memref_squeeze %dma_wait3A_445 : memref<1x128x128xf32, #tpu.memory_space<hbm>> -> memref<128x128xf32, #tpu.memory_space<hbm>>
    %dma_wait3A_447 = arith.constant 0 : i32
    %dma_wait3A_448 = tpu.memref_slice %arg8[%add3A_443, %dma_wait3A_447] : memref<10240x128xf32, #tpu.memory_space<vmem_shared>> -> memref<128x128xf32, #tpu.memory_space<vmem_shared>>
    tpu.wait_dma2 semaphore(%arg11 : memref<!tpu.dma_semaphore, #tpu.memory_space<semaphore_mem>>) src(%dma_wait3A_448 : memref<128x128xf32, #tpu.memory_space<vmem_shared>>) dst(%dma_wait3A_446 : memref<128x128xf32, #tpu.memory_space<hbm>>)
    %mul3A_449 = arith.constant 640 : i32
    %mul3A_450 = arith.muli %arg1, %mul3A_449 : i32
    %add3A_451 = arith.constant 128 : i32
    %add3A_452 = arith.addi %mul3A_450, %add3A_451 : i32
    %dma_wait3A_453 = arith.constant 0 : i32
    %dma_wait3A_454 = tpu.memref_slice %arg4[%arg0, %add3A_452, %dma_wait3A_453] : memref<2x10240x128xf32, #tpu.memory_space<hbm>> -> memref<1x128x128xf32, #tpu.memory_space<hbm>>
    %dma_wait3A_455 = tpu.memref_squeeze %dma_wait3A_454 : memref<1x128x128xf32, #tpu.memory_space<hbm>> -> memref<128x128xf32, #tpu.memory_space<hbm>>
    %dma_wait3A_456 = arith.constant 0 : i32
    %dma_wait3A_457 = tpu.memref_slice %arg8[%add3A_452, %dma_wait3A_456] : memref<10240x128xf32, #tpu.memory_space<vmem_shared>> -> memref<128x128xf32, #tpu.memory_space<vmem_shared>>
    tpu.wait_dma2 semaphore(%arg11 : memref<!tpu.dma_semaphore, #tpu.memory_space<semaphore_mem>>) src(%dma_wait3A_457 : memref<128x128xf32, #tpu.memory_space<vmem_shared>>) dst(%dma_wait3A_455 : memref<128x128xf32, #tpu.memory_space<hbm>>)
    %mul3A_458 = arith.constant 640 : i32
    %mul3A_459 = arith.muli %arg1, %mul3A_458 : i32
    %add3A_460 = arith.constant 256 : i32
    %add3A_461 = arith.addi %mul3A_459, %add3A_460 : i32
    %dma_wait3A_462 = arith.constant 0 : i32
    %dma_wait3A_463 = tpu.memref_slice %arg4[%arg0, %add3A_461, %dma_wait3A_462] : memref<2x10240x128xf32, #tpu.memory_space<hbm>> -> memref<1x128x128xf32, #tpu.memory_space<hbm>>
    %dma_wait3A_464 = tpu.memref_squeeze %dma_wait3A_463 : memref<1x128x128xf32, #tpu.memory_space<hbm>> -> memref<128x128xf32, #tpu.memory_space<hbm>>
    %dma_wait3A_465 = arith.constant 0 : i32
    %dma_wait3A_466 = tpu.memref_slice %arg8[%add3A_461, %dma_wait3A_465] : memref<10240x128xf32, #tpu.memory_space<vmem_shared>> -> memref<128x128xf32, #tpu.memory_space<vmem_shared>>
    tpu.wait_dma2 semaphore(%arg11 : memref<!tpu.dma_semaphore, #tpu.memory_space<semaphore_mem>>) src(%dma_wait3A_466 : memref<128x128xf32, #tpu.memory_space<vmem_shared>>) dst(%dma_wait3A_464 : memref<128x128xf32, #tpu.memory_space<hbm>>)
    %mul3A_467 = arith.constant 640 : i32
    %mul3A_468 = arith.muli %arg1, %mul3A_467 : i32
    %add3A_469 = arith.constant 384 : i32
    %add3A_470 = arith.addi %mul3A_468, %add3A_469 : i32
    %dma_wait3A_471 = arith.constant 0 : i32
    %dma_wait3A_472 = tpu.memref_slice %arg4[%arg0, %add3A_470, %dma_wait3A_471] : memref<2x10240x128xf32, #tpu.memory_space<hbm>> -> memref<1x128x128xf32, #tpu.memory_space<hbm>>
    %dma_wait3A_473 = tpu.memref_squeeze %dma_wait3A_472 : memref<1x128x128xf32, #tpu.memory_space<hbm>> -> memref<128x128xf32, #tpu.memory_space<hbm>>
    %dma_wait3A_474 = arith.constant 0 : i32
    %dma_wait3A_475 = tpu.memref_slice %arg8[%add3A_470, %dma_wait3A_474] : memref<10240x128xf32, #tpu.memory_space<vmem_shared>> -> memref<128x128xf32, #tpu.memory_space<vmem_shared>>
    tpu.wait_dma2 semaphore(%arg11 : memref<!tpu.dma_semaphore, #tpu.memory_space<semaphore_mem>>) src(%dma_wait3A_475 : memref<128x128xf32, #tpu.memory_space<vmem_shared>>) dst(%dma_wait3A_473 : memref<128x128xf32, #tpu.memory_space<hbm>>)
    %mul3A_476 = arith.constant 640 : i32
    %mul3A_477 = arith.muli %arg1, %mul3A_476 : i32
    %add3A_478 = arith.constant 512 : i32
    %add3A_479 = arith.addi %mul3A_477, %add3A_478 : i32
    %dma_wait3A_480 = arith.constant 0 : i32
    %dma_wait3A_481 = tpu.memref_slice %arg4[%arg0, %add3A_479, %dma_wait3A_480] : memref<2x10240x128xf32, #tpu.memory_space<hbm>> -> memref<1x128x128xf32, #tpu.memory_space<hbm>>
    %dma_wait3A_482 = tpu.memref_squeeze %dma_wait3A_481 : memref<1x128x128xf32, #tpu.memory_space<hbm>> -> memref<128x128xf32, #tpu.memory_space<hbm>>
    %dma_wait3A_483 = arith.constant 0 : i32
    %dma_wait3A_484 = tpu.memref_slice %arg8[%add3A_479, %dma_wait3A_483] : memref<10240x128xf32, #tpu.memory_space<vmem_shared>> -> memref<128x128xf32, #tpu.memory_space<vmem_shared>>
    tpu.wait_dma2 semaphore(%arg11 : memref<!tpu.dma_semaphore, #tpu.memory_space<semaphore_mem>>) src(%dma_wait3A_484 : memref<128x128xf32, #tpu.memory_space<vmem_shared>>) dst(%dma_wait3A_482 : memref<128x128xf32, #tpu.memory_space<hbm>>)
    return
  }
}

module attributes {stable_mosaic.version = 14 : i64} {
  func.func @_mlp_body(%arg0: i32, %arg1: memref<1xf32, #tpu.memory_space<smem>>, %arg2: memref<2000x128xf32, #tpu.memory_space<vmem>>, %arg3: memref<2x2000x128xf32, #tpu.memory_space<vmem>>, %arg4: memref<128x128xf32, #tpu.memory_space<vmem>>, %arg5: memref<1x128xf32, #tpu.memory_space<vmem>>, %arg6: memref<128x128xf32, #tpu.memory_space<vmem>>, %arg7: memref<1x128xf32, #tpu.memory_space<vmem>>, %arg8: memref<2000x128xf32, #tpu.memory_space<vmem>>) attributes {dimension_semantics = [#tpu.dimension_semantics<arbitrary>], iteration_bounds = array<i64: 5>, scalar_prefetch = 0 : i64, scratch_operands = 0 : i64, tpu.core_type = #tpu.core_type<tc>, window_params = [{transform_indices = @transform_0, window_bounds = array<i64: 1>}, {transform_indices = @transform_1, window_bounds = array<i64: 2000, 128>}, {transform_indices = @transform_2, window_bounds = array<i64: 2, 2000, 128>}, {pipeline_mode = #tpu.pipeline_mode<synchronous>, transform_indices = @transform_3, window_bounds = array<i64: 128, 128>}, {pipeline_mode = #tpu.pipeline_mode<synchronous>, transform_indices = @transform_4, window_bounds = array<i64: 1, 128>}, {pipeline_mode = #tpu.pipeline_mode<synchronous>, transform_indices = @transform_5, window_bounds = array<i64: 128, 128>}, {pipeline_mode = #tpu.pipeline_mode<synchronous>, transform_indices = @transform_6, window_bounds = array<i64: 1, 128>}, {transform_indices = @transform_7, window_bounds = array<i64: 2000, 128>}]} {
    %get3A = arith.constant 0 : index
    %get3A_0 = memref.load %arg1[%get3A] : memref<1xf32, #tpu.memory_space<smem>>
    %add3A = arith.constant 1.000000e+00 : f32
    %add3A_1 = arith.addf %add3A, %get3A_0 : f32
    %get3A_2 = arith.constant 0 : index
    %get3A_3 = arith.constant 0 : index
    %get3A_4 = vector.load %arg2[%get3A_2, %get3A_3] : memref<2000x128xf32, #tpu.memory_space<vmem>>, vector<2000x128xf32>
    %mul3A = vector.broadcast %add3A_1 : f32 to vector<2000x128xf32>
    %mul3A_5 = arith.mulf %mul3A, %get3A_4 : vector<2000x128xf32>
    %get3A_6 = arith.constant 0 : index
    %get3A_7 = arith.constant 0 : index
    %get3A_8 = arith.constant 0 : index
    %get3A_9 = vector.load %arg3[%get3A_6, %get3A_7, %get3A_8] : memref<2x2000x128xf32, #tpu.memory_space<vmem>>, vector<1x2000x128xf32>
    %get3A_10 = vector.shape_cast %get3A_9 : vector<1x2000x128xf32> to vector<2000x128xf32>
    %add3A_11 = arith.addf %mul3A_5, %get3A_10 : vector<2000x128xf32>
    %get3A_12 = arith.constant 1 : index
    %get3A_13 = arith.constant 0 : index
    %get3A_14 = arith.constant 0 : index
    %get3A_15 = vector.load %arg3[%get3A_12, %get3A_13, %get3A_14] : memref<2x2000x128xf32, #tpu.memory_space<vmem>>, vector<1x2000x128xf32>
    %get3A_16 = vector.shape_cast %get3A_15 : vector<1x2000x128xf32> to vector<2000x128xf32>
    %add3A_17 = arith.addf %add3A_11, %get3A_16 : vector<2000x128xf32>
    %get3A_18 = arith.constant 0 : index
    %get3A_19 = arith.constant 0 : index
    %get3A_20 = vector.load %arg4[%get3A_18, %get3A_19] : memref<128x128xf32, #tpu.memory_space<vmem>>, vector<128x128xf32>
    %dot_general3A = arith.constant dense<0.000000e+00> : vector<2000x128xf32>
    %dot_general3A_21 = tpu.matmul %add3A_17, %get3A_20, %dot_general3A {dimension_numbers = #tpu.dot_dimension_numbers<[1], [0], [0], [1], [0, 0, 1, 1], [], []>, transpose_lhs_hint = false} : vector<2000x128xf32>, vector<128x128xf32>, vector<2000x128xf32> -> vector<2000x128xf32>
    %get3A_22 = arith.constant 0 : index
    %get3A_23 = arith.constant 0 : index
    %get3A_24 = vector.load %arg5[%get3A_22, %get3A_23] : memref<1x128xf32, #tpu.memory_space<vmem>>, vector<1x128xf32>
    %add3A_25 = vector.broadcast %get3A_24 : vector<1x128xf32> to vector<2000x128xf32>
    %add3A_26 = arith.addf %dot_general3A_21, %add3A_25 : vector<2000x128xf32>
    %max3A = arith.constant 0.000000e+00 : f32
    %max3A_27 = vector.broadcast %max3A : f32 to vector<2000x128xf32>
    %max3A_28 = arith.maximumf %add3A_26, %max3A_27 : vector<2000x128xf32>
    %get3A_29 = arith.constant 0 : index
    %get3A_30 = arith.constant 0 : index
    %get3A_31 = vector.load %arg6[%get3A_29, %get3A_30] : memref<128x128xf32, #tpu.memory_space<vmem>>, vector<128x128xf32>
    %dot_general3A_32 = arith.constant dense<0.000000e+00> : vector<2000x128xf32>
    %dot_general3A_33 = tpu.matmul %max3A_28, %get3A_31, %dot_general3A_32 {dimension_numbers = #tpu.dot_dimension_numbers<[1], [0], [0], [1], [0, 0, 1, 1], [], []>, transpose_lhs_hint = false} : vector<2000x128xf32>, vector<128x128xf32>, vector<2000x128xf32> -> vector<2000x128xf32>
    %get3A_34 = arith.constant 0 : index
    %get3A_35 = arith.constant 0 : index
    %get3A_36 = vector.load %arg7[%get3A_34, %get3A_35] : memref<1x128xf32, #tpu.memory_space<vmem>>, vector<1x128xf32>
    %add3A_37 = vector.broadcast %get3A_36 : vector<1x128xf32> to vector<2000x128xf32>
    %add3A_38 = arith.addf %dot_general3A_33, %add3A_37 : vector<2000x128xf32>
    %swap3A = arith.constant 0 : index
    %swap3A_39 = arith.constant 0 : index
    %swap3A_40 = vector.load %arg8[%swap3A, %swap3A_39] : memref<2000x128xf32, #tpu.memory_space<vmem>>, vector<2000x128xf32>
    tpu.vector_store %arg8[%swap3A, %swap3A_39], %add3A_38 {strides = array<i32>} : memref<2000x128xf32, #tpu.memory_space<vmem>>, vector<2000x128xf32>,
    return
  }
  func.func @transform_0(%arg0: i32) -> i32 {
    %c0_i32 = arith.constant 0 : i32
    %c0_i32_0 = arith.constant 0 : i32
    return %c0_i32 : i32
  }
  func.func @transform_1(%arg0: i32) -> (i32, i32) {
    %c0_i32 = arith.constant 0 : i32
    %c0_i32_0 = arith.constant 0 : i32
    return %arg0, %c0_i32 : i32, i32
  }
  func.func @transform_2(%arg0: i32) -> (i32, i32, i32) {
    %c0_i32 = arith.constant 0 : i32
    %c0_i32_0 = arith.constant 0 : i32
    %c0_i32_1 = arith.constant 0 : i32
    return %c0_i32, %arg0, %c0_i32_0 : i32, i32, i32
  }
  func.func @transform_3(%arg0: i32) -> (i32, i32) {
    %c0_i32 = arith.constant 0 : i32
    %c0_i32_0 = arith.constant 0 : i32
    %c0_i32_1 = arith.constant 0 : i32
    return %c0_i32, %c0_i32_0 : i32, i32
  }
  func.func @transform_4(%arg0: i32) -> (i32, i32) {
    %c0_i32 = arith.constant 0 : i32
    %c0_i32_0 = arith.constant 0 : i32
    %c0_i32_1 = arith.constant 0 : i32
    return %c0_i32, %c0_i32_0 : i32, i32
  }
  func.func @transform_5(%arg0: i32) -> (i32, i32) {
    %c0_i32 = arith.constant 0 : i32
    %c0_i32_0 = arith.constant 0 : i32
    %c0_i32_1 = arith.constant 0 : i32
    return %c0_i32, %c0_i32_0 : i32, i32
  }
  func.func @transform_6(%arg0: i32) -> (i32, i32) {
    %c0_i32 = arith.constant 0 : i32
    %c0_i32_0 = arith.constant 0 : i32
    %c0_i32_1 = arith.constant 0 : i32
    return %c0_i32, %c0_i32_0 : i32, i32
  }
  func.func @transform_7(%arg0: i32) -> (i32, i32) {
    %c0_i32 = arith.constant 0 : i32
    %c0_i32_0 = arith.constant 0 : i32
    return %arg0, %c0_i32 : i32, i32
  }
}

module attributes {stable_mosaic.version = 14 : i64} {
  func.func @_mlp_body(%arg0: i32, %arg1: memref<1xf32, #tpu.memory_space<smem>>, %arg2: memref<2000x128xf32, #tpu.memory_space<vmem>>, %arg3: memref<2x2000x128xf32, #tpu.memory_space<vmem>>, %arg4: memref<128x128xf32, #tpu.memory_space<vmem>>, %arg5: memref<1x128xf32, #tpu.memory_space<vmem>>, %arg6: memref<128x128xf32, #tpu.memory_space<vmem>>, %arg7: memref<1x128xf32, #tpu.memory_space<vmem>>, %arg8: memref<2000x128xf32, #tpu.memory_space<vmem>>) attributes {dimension_semantics = [#tpu.dimension_semantics<arbitrary>], iteration_bounds = array<i64: 5>, scalar_prefetch = 0 : i64, scratch_operands = 0 : i64, tpu.core_type = #tpu.core_type<tc>, window_params = [{transform_indices = @transform_0, window_bounds = array<i64: 1>}, {transform_indices = @transform_1, window_bounds = array<i64: 2000, 128>}, {transform_indices = @transform_2, window_bounds = array<i64: 2, 2000, 128>}, {pipeline_mode = #tpu.pipeline_mode<synchronous>, transform_indices = @transform_3, window_bounds = array<i64: 128, 128>}, {pipeline_mode = #tpu.pipeline_mode<synchronous>, transform_indices = @transform_4, window_bounds = array<i64: 1, 128>}, {pipeline_mode = #tpu.pipeline_mode<synchronous>, transform_indices = @transform_5, window_bounds = array<i64: 128, 128>}, {pipeline_mode = #tpu.pipeline_mode<synchronous>, transform_indices = @transform_6, window_bounds = array<i64: 1, 128>}, {transform_indices = @transform_7, window_bounds = array<i64: 2000, 128>}]} {
    %get3A = arith.constant 0 : index
    %get3A_0 = memref.load %arg1[%get3A] : memref<1xf32, #tpu.memory_space<smem>>
    %add3A = arith.constant 1.000000e+00 : f32
    %add3A_1 = arith.addf %add3A, %get3A_0 : f32
    %get3A_2 = arith.constant 0 : index
    %get3A_3 = arith.constant 0 : index
    %get3A_4 = vector.load %arg2[%get3A_2, %get3A_3] : memref<2000x128xf32, #tpu.memory_space<vmem>>, vector<2000x128xf32>
    %mul3A = vector.broadcast %add3A_1 : f32 to vector<2000x128xf32>
    %mul3A_5 = arith.mulf %mul3A, %get3A_4 : vector<2000x128xf32>
    %get3A_6 = arith.constant 0 : index
    %get3A_7 = arith.constant 0 : index
    %get3A_8 = arith.constant 0 : index
    %get3A_9 = vector.load %arg3[%get3A_6, %get3A_7, %get3A_8] : memref<2x2000x128xf32, #tpu.memory_space<vmem>>, vector<1x2000x128xf32>
    %get3A_10 = vector.shape_cast %get3A_9 : vector<1x2000x128xf32> to vector<2000x128xf32>
    %add3A_11 = arith.addf %mul3A_5, %get3A_10 : vector<2000x128xf32>
    %get3A_12 = arith.constant 1 : index
    %get3A_13 = arith.constant 0 : index
    %get3A_14 = arith.constant 0 : index
    %get3A_15 = vector.load %arg3[%get3A_12, %get3A_13, %get3A_14] : memref<2x2000x128xf32, #tpu.memory_space<vmem>>, vector<1x2000x128xf32>
    %get3A_16 = vector.shape_cast %get3A_15 : vector<1x2000x128xf32> to vector<2000x128xf32>
    %add3A_17 = arith.addf %add3A_11, %get3A_16 : vector<2000x128xf32>
    %get3A_18 = arith.constant 0 : index
    %get3A_19 = arith.constant 0 : index
    %get3A_20 = vector.load %arg4[%get3A_18, %get3A_19] : memref<128x128xf32, #tpu.memory_space<vmem>>, vector<128x128xf32>
    %dot_general3A = arith.constant dense<0.000000e+00> : vector<2000x128xf32>
    %dot_general3A_21 = tpu.matmul %add3A_17, %get3A_20, %dot_general3A {dimension_numbers = #tpu.dot_dimension_numbers<[1], [0], [0], [1], [0, 0, 1, 1], [], []>, transpose_lhs_hint = false} : vector<2000x128xf32>, vector<128x128xf32>, vector<2000x128xf32> -> vector<2000x128xf32>
    %get3A_22 = arith.constant 0 : index
    %get3A_23 = arith.constant 0 : index
    %get3A_24 = vector.load %arg5[%get3A_22, %get3A_23] : memref<1x128xf32, #tpu.memory_space<vmem>>, vector<1x128xf32>
    %add3A_25 = vector.broadcast %get3A_24 : vector<1x128xf32> to vector<2000x128xf32>
    %add3A_26 = arith.addf %dot_general3A_21, %add3A_25 : vector<2000x128xf32>
    %max3A = arith.constant 0.000000e+00 : f32
    %max3A_27 = vector.broadcast %max3A : f32 to vector<2000x128xf32>
    %max3A_28 = arith.maximumf %add3A_26, %max3A_27 : vector<2000x128xf32>
    %get3A_29 = arith.constant 0 : index
    %get3A_30 = arith.constant 0 : index
    %get3A_31 = vector.load %arg6[%get3A_29, %get3A_30] : memref<128x128xf32, #tpu.memory_space<vmem>>, vector<128x128xf32>
    %dot_general3A_32 = arith.constant dense<0.000000e+00> : vector<2000x128xf32>
    %dot_general3A_33 = tpu.matmul %max3A_28, %get3A_31, %dot_general3A_32 {dimension_numbers = #tpu.dot_dimension_numbers<[1], [0], [0], [1], [0, 0, 1, 1], [], []>, transpose_lhs_hint = false} : vector<2000x128xf32>, vector<128x128xf32>, vector<2000x128xf32> -> vector<2000x128xf32>
    %get3A_34 = arith.constant 0 : index
    %get3A_35 = arith.constant 0 : index
    %get3A_36 = vector.load %arg7[%get3A_34, %get3A_35] : memref<1x128xf32, #tpu.memory_space<vmem>>, vector<1x128xf32>
    %add3A_37 = vector.broadcast %get3A_36 : vector<1x128xf32> to vector<2000x128xf32>
    %add3A_38 = arith.addf %dot_general3A_33, %add3A_37 : vector<2000x128xf32>
    %swap3A = arith.constant 0 : index
    %swap3A_39 = arith.constant 0 : index
    %swap3A_40 = vector.load %arg8[%swap3A, %swap3A_39] : memref<2000x128xf32, #tpu.memory_space<vmem>>, vector<2000x128xf32>
    tpu.vector_store %arg8[%swap3A, %swap3A_39], %add3A_38 {strides = array<i32>} : memref<2000x128xf32, #tpu.memory_space<vmem>>, vector<2000x128xf32>,
    return
  }
  func.func @transform_0(%arg0: i32) -> i32 {
    %c0_i32 = arith.constant 0 : i32
    %c0_i32_0 = arith.constant 0 : i32
    return %c0_i32 : i32
  }
  func.func @transform_1(%arg0: i32) -> (i32, i32) {
    %c0_i32 = arith.constant 0 : i32
    %c0_i32_0 = arith.constant 0 : i32
    return %arg0, %c0_i32 : i32, i32
  }
  func.func @transform_2(%arg0: i32) -> (i32, i32, i32) {
    %c0_i32 = arith.constant 0 : i32
    %c0_i32_0 = arith.constant 0 : i32
    %c0_i32_1 = arith.constant 0 : i32
    return %c0_i32, %arg0, %c0_i32_0 : i32, i32, i32
  }
  func.func @transform_3(%arg0: i32) -> (i32, i32) {
    %c0_i32 = arith.constant 0 : i32
    %c0_i32_0 = arith.constant 0 : i32
    %c0_i32_1 = arith.constant 0 : i32
    return %c0_i32, %c0_i32_0 : i32, i32
  }
  func.func @transform_4(%arg0: i32) -> (i32, i32) {
    %c0_i32 = arith.constant 0 : i32
    %c0_i32_0 = arith.constant 0 : i32
    %c0_i32_1 = arith.constant 0 : i32
    return %c0_i32, %c0_i32_0 : i32, i32
  }
  func.func @transform_5(%arg0: i32) -> (i32, i32) {
    %c0_i32 = arith.constant 0 : i32
    %c0_i32_0 = arith.constant 0 : i32
    %c0_i32_1 = arith.constant 0 : i32
    return %c0_i32, %c0_i32_0 : i32, i32
  }
  func.func @transform_6(%arg0: i32) -> (i32, i32) {
    %c0_i32 = arith.constant 0 : i32
    %c0_i32_0 = arith.constant 0 : i32
    %c0_i32_1 = arith.constant 0 : i32
    return %c0_i32, %c0_i32_0 : i32, i32
  }
  func.func @transform_7(%arg0: i32) -> (i32, i32) {
    %c0_i32 = arith.constant 0 : i32
    %c0_i32_0 = arith.constant 0 : i32
    return %arg0, %c0_i32 : i32, i32
  }
}

</mosaic_0001>

<sc_bundles>
// kernel: kernel.6.cloned.1.call-start
scs
__scs_entry_jumppad:
0x0: {  	(pc) =	sbr.rel $0x88, $3  }
0x1: {  	(tag) =	ssettag $0x0;
	lr =	simm.s32 $0x1  }
0x2: {  	[smem:$0x3F95] =	sst lr;
	_ =	strace $0xD0000000  }
0x3: {  	_ = 	snop  }
0x4: {  	_ = 	snop  }
0x5: {  	_ = 	snop  }
0x6: {  	_ = 	snop  }
0x7: {  	_ = 	snop  }
__scs_overlays_trampoline_lowered:
0x8: {  	[smem:$0x3FA4] =	sst s0  }
0x9: {  	[smem:$0x3FA5] =	sst s1  }
0xa: {  	[smem:$0x3FA6] =	sst s2  }
0xb: {  	[smem:$0x3FA7] =	sst s3  }
0xc: {  	[smem:$0x3FA8] =	sst s4  }
0xd: {  	[smem:$0x3FA9] =	sst s5  }
0xe: {  	[smem:$0x3FAA] =	sst s6  }
0xf: {  	[smem:$0x3FAB] =	sst s7  }
0x10: {  	[smem:$0x3FAC] =	sst s8  }
0x11: {  	[smem:$0x3FAD] =	sst s9;
	s0 =	simm.s32 @!p0 $0x0  }
0x12: {  	s1 =	sld [smem:$0x3F93];
	s0 =	simm.s32 @p0 $0x1  }
0x13: {  	[smem:$0x3FAE] =	sst s0;
	s0 =	simm.s32 @!p1 $0x0  }
0x14: {  	s2 =	sld [smem:$0x3F92];
	s0 =	simm.s32 @p1 $0x1  }
0x15: {  	[smem:$0x3FAF] =	sst s0;
	s0 =	simm.s32 @!p2 $0x0  }
0x16: {  	s3 =	sld [smem:$0x3FDB];
	s0 =	simm.s32 @p2 $0x1  }
0x17: {  	s4 =	simm.s32 $0x1BF5;
	[smem:$0x3FB1] =	sst s0  }
0x18: {  	s0 =	sld [smem:$0x3F94];
	_ =	swait.ge [sflag:s4], $0x0  }
0x19: {  	s7 =	sld [smem:$0x3F95]  }
0x1a: {  	s8 =	sadd.s32 $0xFFFFE003, lr  }
0x1b: {  	s9 =	sadd.s32 $0xFFFFFEF7, lr;
	s5 =	simm.s32 $0xFFFFFFFF;
	p2 =	slt.u32 s8, $0xFFFFF086  }
0x1c: {  	p1 =	slt.u32 s9, $0xF7A;
	s5 =	simm.s32 @!p2 $0x0  }
0x1d: {  	s5 =	simm.s32 @p1 $0x1;
	p0 =	seq.s32 s7, s2  }
0x1e: {  	s7 =	smul.u32 @!p0 $0xF7A, s2;
	p2 =	seq.s32 @!p0 s5, $0x0  }
0x1f: {  	s9 =	smul.u32 $0xF7A, s1;
	s8 =	simm.s32 @!p0 $0x1BF5;
	p2 =	por !p2, p0  }
0x20: {  	[sflag:s8] =	ssyncset.s32 @!p0 $0xFFFFF086;
	s6 =	sadd.s32 @!p0 s3, s7;
	s7 =	simm.s32 @!p0 $0x108  }
0x21: {  	s3 =	sadd.s32 s3, s9;
	s6 =	sadd.s32 @!p0 $0x88, s6;
	s7 =	simm.s32 @p2 $0x1082  }
0x22: {  	[simem:s7], [sflag:s8] =	dma.local @!p0 [hbm:s6], $0xF7A  }
0x23: {  	s9 =	sor.u32 $0xD0000000, s2;
	s6 =	simm.s32 $0x108;
	_ =	swait.ge @!p0 [sflag:s8], $0x0  }
0x24: {  	s3 =	sadd.s32 $0x88, s3;
	s6 =	simm.s32 @!p1 $0x1082;
	[sflag:s4] =	ssyncset.s32 $0xFFFFF086  }
0x25: {  	[simem:s6], [sflag:s4] =	dma.local [hbm:s3], $0xF7A  }
0x26: {  	[smem:$0x3F95] =	sst s1;
	(tag) =	ssettag s2;
	_ =	strace s9  }
0x27: {  	s1 =	sld [smem:$0x3FA5]  }
0x28: {  	s2 =	sld [smem:$0x3FA6]  }
0x29: {  	s4 =	sld [smem:$0x3FA8]  }
0x2a: {  	p0 =	seq.s32 s5, $0x0;
	s5 =	sld [smem:$0x3FA9]  }
0x2b: {  	s6 =	sld [smem:$0x3FAA]  }
0x2c: {  	s7 =	sld [smem:$0x3FAB]  }
0x2d: {  	s3 =	simm.s32 $0x108;
	s8 =	sld [smem:$0x3FAC]  }
0x2e: {  	s3 =	simm.s32 @!p0 $0x1082;
	s9 =	sld [smem:$0x3FAD]  }
0x2f: {  	lr =	sadd.s32 s0, s3;
	s0 =	sld [smem:$0x3FA4]  }
0x30: {  	s3 =	sld [smem:$0x3FA7]  }
0x31: {  	[smem:$0x3FB0] =	sst s10  }
0x32: {  	s10 =	sld [smem:$0x3FAE];
	_ =	sdelay $0x3  }
0x33: {  	p0 =	seq.s32 s10, $0x1;
	s10 =	sld [smem:$0x3FB0];
	_ =	sdelay $0x3  }
0x34: {  	[smem:$0x3FB0] =	sst s10  }
0x35: {  	s10 =	sld [smem:$0x3FAF];
	_ =	sdelay $0x3  }
0x36: {  	p1 =	seq.s32 s10, $0x1;
	s10 =	sld [smem:$0x3FB0];
	_ =	sdelay $0x3  }
0x37: {  	[smem:$0x3FB0] =	sst s10  }
0x38: {  	s10 =	sld [smem:$0x3FB1]  }
0x39: {  	_ = 	snop;
	(pc) =	sbr.ind lr, $3  }
0x3a: {  	_ = 	snop  }
0x3b: {  	_ = 	snop  }
0x3c: {  	p2 =	seq.s32 s10, $0x1;
	s10 =	sld [smem:$0x3FB0]  }
0x3d: {  	_ =	shalt  }
0x3e: {  	_ =	shalt  }
0x3f: {  	_ =	shalt  }
0x40: {  	_ =	shalt  }
0x41: {  	_ =	shalt  }
0x42: {  	_ =	shalt  }
0x43: {  	_ =	shalt  }
0x44: {  	_ =	shalt  }
0x45: {  	_ =	shalt  }
0x46: {  	_ =	shalt  }
0x47: {  	_ =	shalt  }
0x48: {  	_ =	shalt  }
0x49: {  	_ =	shalt  }
0x4a: {  	_ =	shalt  }
0x4b: {  	_ =	shalt  }
0x4c: {  	_ =	shalt  }
0x4d: {  	_ =	shalt  }
0x4e: {  	_ =	shalt  }
0x4f: {  	_ =	shalt  }
0x50: {  	_ =	shalt  }
0x51: {  	_ =	shalt  }
0x52: {  	_ =	shalt  }
0x53: {  	_ =	shalt  }
0x54: {  	_ =	shalt  }
0x55: {  	_ =	shalt  }
0x56: {  	_ =	shalt  }
0x57: {  	_ =	shalt  }
0x58: {  	_ =	shalt  }
0x59: {  	_ =	shalt  }
0x5a: {  	_ =	shalt  }
0x5b: {  	_ =	shalt  }
0x5c: {  	_ =	shalt  }
0x5d: {  	_ =	shalt  }
0x5e: {  	_ =	shalt  }
0x5f: {  	_ =	shalt  }
0x60: {  	_ =	shalt  }
0x61: {  	_ =	shalt  }
0x62: {  	_ =	shalt  }
0x63: {  	_ =	shalt  }
0x64: {  	_ =	shalt  }
0x65: {  	_ =	shalt  }
0x66: {  	_ =	shalt  }
0x67: {  	_ =	shalt  }
0x68: {  	_ =	shalt  }
0x69: {  	_ =	shalt  }
0x6a: {  	_ =	shalt  }
0x6b: {  	_ =	shalt  }
0x6c: {  	_ =	shalt  }
0x6d: {  	_ =	shalt  }
0x6e: {  	_ =	shalt  }
0x6f: {  	_ =	shalt  }
0x70: {  	_ =	shalt  }
0x71: {  	_ =	shalt  }
0x72: {  	_ =	shalt  }
0x73: {  	_ =	shalt  }
0x74: {  	_ =	shalt  }
0x75: {  	_ =	shalt  }
0x76: {  	_ =	shalt  }
0x77: {  	_ =	shalt  }
0x78: {  	_ =	shalt  }
0x79: {  	_ =	shalt  }
0x7a: {  	_ =	shalt  }
0x7b: {  	_ =	shalt  }
0x7c: {  	_ =	shalt  }
0x7d: {  	_ =	shalt  }
0x7e: {  	_ =	shalt  }
0x7f: {  	_ =	shalt  }
0x80: {  	_ =	shalt  }
0x81: {  	_ =	shalt  }
0x82: {  	_ =	shalt  }
0x83: {  	_ =	shalt  }
0x84: {  	_ =	shalt  }
0x85: {  	_ =	shalt  }
0x86: {  	_ =	shalt  }
0x87: {  	_ =	shalt  }
.Lfunc_end0:
.L_simem_size_0:
called_computation_lowered:
.L_overlay_start_0:
0x88: {  	s2 =	sld [smem:$0x3FD9]  }
0x89: {  	s3 =	sld [smem:$0x3FFE];
	_ =	sdelay $0x1  }
0x8a: {  	s1 =	srdreg.scid  }
0x8b: {  	s0 =	sand.u32 $0x1, s1  }
0x8c: {  	s17 =	sshll.u32 s0, $0xA;
	s2 =	sadd.s32 s3, s2  }
0x8d: {  	s2 =	sadd.s32 s2, s17  }
0x8e: {  	[smem:$0x3FBC] =	sst s2  }
0x8f: {  	_ = 	snop  }
0x90: {  	s2 =	sld [smem:$0x3FC9];
	(tm) =	ssettm $0x1  }
0x91: {  	s18 =	sld [smem:$0x3FFB];
	_ =	sdelay $0x3  }
0x92: {  	_ =	strace s18  }
0x93: {  	s3 =	sld [smem:$0x3FFC];
	_ =	sdelay $0x3  }
0x94: {  	_ =	strace s3  }
0x95: {  	s3 =	sld [smem:$0x3FFD];
	_ =	sdelay $0x3  }
0x96: {  	_ =	strace s3  }
0x97: {  	_ =	strace $0x8FFFFFFF  }
0x98: {  	s19 =	sld [smem:$0x3FDB];
	_ =	sdelay $0x1  }
0x99: {  	s4 =	simm.s32 $_scs_section_size  }
0x9a: {  	s5 =	simm.s32 $_size__tile_overlayer_lowered;
	s6 =	simm.s32 $_tile_overlayer_lowered  }
0x9b: {  	s22 =	simm.s32 $0x1BFF;
	s21 =	sshll.u32 s6, $0x1;
	s3 =	sadd.s32 s4, s19  }
0x9c: {  	s7 =	simm.s32 $0x0;
	s20 =	sshll.u32 s5, $0x1;
	s5 =	sadd.s32 s21, s3  }
0x9d: {  	[timem:s7], [sflag:s22] =	dma.local [hbm:s5], s20  }
0x9e: {  	_ =	swait.ge [sflag:s22], s20  }
0x9f: {  	s4 =	ssub.s32 $0x0, s20;
	[sflag:s22] =	ssyncset.done $0x0  }
0xa0: {  	[sflag:s22] =	ssyncadd.s32 s4;
	_ =	sdelay $0x1  }
0xa1: {  	s23 =	simm.s32 $0x1B8B  }
0xa2: {  	_ =	swait.ge [sflag:s23], $0x1  }
0xa3: {  	[sflag:s23] =	ssyncset.done $0x0  }
0xa4: {  	s25 =	simm.s32 $0x1B8E;
	s24 =	sld [smem:$0x3FFE];
	[sflag:s23] =	ssyncadd.s32 $0xFFFFFFFF  }
0xa5: {  	s26 =	simm.s32 $execute0_lowered;
	[smem:$0x3FD2] =	sst s25  }
0xa6: {  	s5 =	sshll.u32 s26, $0x1;
	_ =	strace $0x80000046;
	[dreg:$0x1] =	wrdreg $0xFFFFFFFF  }
0xa7: {  	s28 =	simm.s32 $_size_execute0_lowered;
	s3 =	sadd.s32 s3, s5;
	[dreg:$0x0] =	wrdreg $0x0  }
0xa8: {  	s5 =	sshll.u32 s28, $0x1;
	[dreg:$0x2] =	wrdreg s3  }
0xa9: {  	[dreg:$0x3] =	wrdreg s5  }
0xaa: {  	[dreg:$0x4] =	wrdreg $0xC0  }
0xab: {  	_ =	task [dreg:s7], $0x5FFFF  }
0xac: {  	[dreg:$0x1] =	wrdreg $0xFFFFFFFF  }
0xad: {  	[dreg:$0x0] =	wrdreg $0x60  }
0xae: {  	[dreg:$0x2] =	wrdreg s2  }
0xaf: {  	[dreg:$0x3] =	wrdreg s24  }
0xb0: {  	[dreg:$0x4] =	wrdreg $0x90000  }
0xb1: {  	[dreg:$0x5] =	wrdreg $0x9  }
0xb2: {  	_ =	task.clear_ibuf [dreg:s7], $0x6FFFF;
	_ =	strace $0x90000046  }
0xb3: {  	s29 =	simm.s32 $0x9;
	_ =	strace $0x80000048  }
0xb4: {  	_ =	swait.ge [sflag:s29], $0x1  }
0xb5: {  	[sflag:s29] =	ssyncadd.s32 $0xFFFFFFFF  }
0xb6: {  	_ =	strace $0x90000048  }
0xb7: {  	_ =	sfence  }
0xb8: {  	s30 =	sld [smem:$0x0];
	_ =	sdelay $0x2  }
0xb9: {  	s31 =	sshll.u32 s1, $0xD;
	s1 =	sshrl.u32 s1, $0x2  }
0xba: {  	s3 =	sand.u32 $0x4000, s31;
	s1 =	sadd.s32 s1, s30  }
0xbb: {  	s0 =	sor.u32 s3, s0;
	s1 =	sshll.u32 s1, $0x11  }
0xbc: {  	s0 =	sor.u32 s1, s0  }
0xbd: {  	s0 =	sadd.s32 $0x8F2B, s0  }
0xbe: {  	[sflag:s0] =	ssyncadd.remote.s32 $0x1  }
0xbf: {  	_ =	sfence.sel $0xFFFF  }
0xc0: {  	[dreg:$0x0] =	wrdreg $0xFFFFFFFF;
	(pc) =	sbr.abs _section_cstart, $3  }
0xc1: {  	[dreg:$0x1] =	wrdreg $0xFFFFFFFF  }
0xc2: {  	_ =	task.clear_ibuf [dreg:s7], $0x2FFFF;
	_ =	strace $0x9FFFFFFF  }
0xc3: {  	(tm) =	ssettm $0x7FFFFFFF  }
tec
execute0_lowered:
.L_overlay_start_1:
0x0: {  	(tag) =	ssettag $0x1  }
0x1: {  	s0 =	rddreg [dreg:$0x0]  }
0x2: {  	s2 =	rddreg [dreg:$0x1]  }
0x3: {  	s3 =	rddreg [dreg:$0x2];
	s4 =	simm.s32 $0x0  }
0x4: {  	s21 =	simm.s32 $0x100;
	[smem:$0x7FF] =	sst s4  }
0x5: {  	s23 =	simm.s32 $0x880;
	_ =	strace $0x80000047;
	[dreg:$0x4] =	wrdreg s21  }
0x6: {  	s24 =	simm.s32 $0x180;
	[dreg:$0x5] =	wrdreg s23  }
0x7: {  	s25 =	simm.s32 $0x900;
	[dreg:$0x6] =	wrdreg s24  }
0x8: {  	s13 =	simm.s32 $0x980;
	[dreg:$0x7] =	wrdreg s25  }
0x9: {  	s14 =	simm.s32 $0x280;
	[dreg:$0x9] =	wrdreg s13  }
0xa: {  	s1 =	srdreg.scid;
	s15 =	simm.s32 $0xA00;
	[dreg:$0xa] =	wrdreg s14  }
0xb: {  	s12 =	stileid.u32;
	s16 =	simm.s32 $0x300;
	[dreg:$0xb] =	wrdreg s15  }
0xc: {  	s28 =	simm.s32 $0x800;
	[dreg:$0xc] =	wrdreg s16;
	s21 =	simm.s32 $0xB80  }
0xd: {  	s29 =	simm.s32 $0x400;
	s23 =	simm.s32 $0x500;
	[dreg:$0x10] =	wrdreg s21  }
0xe: {  	s7 =	sand.u32 $0x1, s1;
	s24 =	simm.s32 $0xC80;
	[dreg:$0x12] =	wrdreg s23  }
0xf: {  	s10 =	smul.u32 $0x50000, s12;
	s25 =	simm.s32 $0x580;
	[dreg:$0x13] =	wrdreg s24  }
0x10: {  	s1 =	sshll.u32 s7, $0x4;
	s15 =	simm.s32 $0x600;
	[dreg:$0x14] =	wrdreg s25  }
0x11: {  	s17 =	ssub.s32 $0x2, s7;
	s16 =	simm.s32 $0xD80;
	[dreg:$0x16] =	wrdreg s15  }
0x12: {  	s20 =	sshrl.u32 s10, $0x2;
	s10 =	simm.s32 $0x200;
	[dreg:$0x17] =	wrdreg s16  }
0x13: {  	s11 =	sadd.s32 s20, s3;
	[dreg:$0x8] =	wrdreg s10;
	s20 =	simm.s32 $0xB00  }
0x14: {  	s1 =	sor.u32 s12, s1;
	s22 =	sadd.s32 $0x3C00, s11;
	[dreg:$0xf] =	wrdreg s20  }
0x15: {  	s8 =	sshrl.u32 s17, $0x1;
	s26 =	sadd.s32 $0x7800, s11;
	[smem:$0x7F3] =	sst s22  }
0x16: {  	s5 =	smul.u32 $0x2800, s1;
	s21 =	sadd.s32 $0xB400, s11;
	[smem:$0x7F4] =	sst s26  }
0x17: {  	s1 =	ssub.s32 s17, s8;
	s20 =	simm.s32 $0xE80;
	[smem:$0x7FA] =	sst s21  }
0x18: {  	s30 =	simm.s32 $0xC00;
	s1 =	smax.u32 s1, $0x1;
	[dreg:$0x1b] =	wrdreg s20  }
0x19: {  	s6 =	sadd.s32 $0x2800, s2;
	s22 =	simm.s32 $0x480;
	[smem:$0x7FC] =	sst s1  }
0x1a: {  	s9 =	sshrl.u32 s5, $0x3;
	s26 =	simm.s32 $0xD00;
	[dreg:$0x11] =	wrdreg s22  }
0x1b: {  	s31 =	simm.s32 $0x1000;
	s9 =	sadd.s32 s6, s9;
	[dreg:$0x15] =	wrdreg s26  }
0x1c: {  	s2 =	sadd.s32 $0x16800, s2;
	s22 =	sadd.s32 $0xF000, s11;
	[dreg:$0x1c] =	wrdreg s9  }
0x1d: {  	s7 =	smul.u32 $0x140000, s7;
	s18 =	sadd.s32 $0xA000, s9;
	[smem:$0x7FB] =	sst s22  }
0x1e: {  	s19 =	sadd.s32 $0x80, s9;
	s9 =	sadd.s32 $0xA080, s9;
	[dreg:$0x1d] =	wrdreg s18  }
0x1f: {  	s15 =	simm.s32 $0x2;
	[dreg:$0x1f] =	wrdreg s9;
	s9 =	smul.u32 $0x14000, s12  }
0x20: {  	s16 =	simm.s32 $0x780;
	[dreg:$0x1e] =	wrdreg s19;
	s18 =	simm.s32 $0xA80  }
0x21: {  	s19 =	simm.s32 $0x380;
	[dreg:$0xd] =	wrdreg s18;
	s12 =	sadd.s32 s9, s7  }
0x22: {  	[dreg:$0xe] =	wrdreg s19;
	s18 =	simm.s32 $0xE00;
	s10 =	sshrl.u32 s12, $0x3  }
0x23: {  	s8 =	simm.s32 $0x80;
	[dreg:$0x19] =	wrdreg s18;
	s10 =	sadd.s32 s2, s10  }
0x24: {  	s19 =	simm.s32 $0x700;
	[smem:$0x7F5] =	sst s10;
	s10 =	sadd.s32 $0x4000, s9  }
0x25: {  	s1 =	simm.s32 $0x1;
	[dreg:$0x1a] =	wrdreg s19;
	s17 =	sadd.s32 s7, s10  }
0x26: {  	s18 =	simm.s32 $0x0;
	s12 =	sshrl.u32 s17, $0x3;
	s17 =	simm.s32 $0x680  }
0x27: {  	s23 =	sadd.s32 s10, s3;
	s12 =	sadd.s32 s2, s12;
	[dreg:$0x18] =	wrdreg s17  }
0x28: {  	s26 =	sshrl.u32 s23, $0x3;
	[smem:$0x7F6] =	sst s12;
	s12 =	sadd.s32 $0x8000, s9  }
0x29: {  	s10 =	simm.s32 $0x5;
	[smem:$0x7FD] =	sst s26;
	s13 =	sadd.s32 s7, s12  }
0x2a: {  	s26 =	sadd.s32 $0x12C00, s11;
	s17 =	simm.s32 $0xF00;
	s13 =	sshrl.u32 s13, $0x3  }
0x2b: {  	s24 =	sadd.s32 s12, s3;
	s12 =	simm.s32 $0x3;
	s13 =	sadd.s32 s2, s13  }
0x2c: {  	[smem:$0x7F7] =	sst s13;
	s13 =	sadd.s32 $0xC000, s9;
	s9 =	sadd.s32 $0x10000, s9  }
0x2d: {  	s23 =	sshrl.u32 s24, $0x3;
	s14 =	sadd.s32 s7, s13;
	s7 =	sadd.s32 s7, s9  }
0x2e: {  	s25 =	sadd.s32 s13, s3;
	s9 =	sadd.s32 s9, s3;
	s13 =	simm.s32 $0x6  }
0x2f: {  	s14 =	sshrl.u32 s14, $0x3;
	s7 =	sshrl.u32 s7, $0x3;
	s24 =	sshrl.u32 s25, $0x3  }
0x30: {  	s25 =	sshrl.u32 s9, $0x3;
	s9 =	simm.s32 $0x5000;
	s14 =	sadd.s32 s2, s14  }
0x31: {  	s2 =	sadd.s32 s2, s7;
	s7 =	simm.s32 $0xF80;
	[smem:$0x7F8] =	sst s14  }
0x32: {  	v0 =	vimm.f32 $0.0e+00;
	[smem:$0x7F9] =	sst s2;
	s2 =	simm.s32 $0x7D;
	s14 =	simm.s32 $0x4  }
.LBB2_1:
0x33: {  	s19 =	rddreg [dreg:$0x1c]  }
0x34: {  	[tilespmem:s4], [sflag:$0x1] =	stream.linear.gather [hbm4b:s19+s4], $0x400, $0x38;
	[tilespmem:$0x1D000] =	vst v63  }
0x35: {  	s20 =	rddreg [dreg:$0x1d]  }
0x36: {  	[tilespmem:s28], [sflag:$0x1] =	stream.linear.gather [hbm4b:s20+s4], $0x400, $0x38;
	[tilespmem:$0x1D000] =	vst v63  }
0x37: {  	s21 =	rddreg [dreg:$0x1e]  }
0x38: {  	[tilespmem:s29], [sflag:$0x2] =	stream.linear.gather [hbm4b:s21+s4], $0x400, $0x38;
	[tilespmem:$0x1D000] =	vst v63  }
0x39: {  	s22 =	rddreg [dreg:$0x1f];
	s19 =	simm.s32 $0x0;
	s20 =	simm.s32 $0x200  }
0x3a: {  	[tilespmem:s30], [sflag:$0x2] =	stream.linear.gather [hbm4b:s22+s4], $0x400, $0x38;
	[tilespmem:$0x1D000] =	vst v63  }
.LBB2_2:
0x3b: {  	p0 =	sne.s32 s20, $0xEE00;
	[tilespmem:s19+$0x1070] =	vst v0  }
0x3c: {  	[tilespmem:s19+$0x1000] =	vst v0  }
0x3d: {  	[tilespmem:s19+$0x1010] =	vst v0  }
.Ltmp0:
0x3e: {  	[tilespmem:s19+$0x1020] =	vst v0;
	(pc) =	sbr.rel @p0 .LBB2_2-.Ltmp0, $4  }
0x3f: {  	[tilespmem:s19+$0x1030] =	vst v0  }
0x40: {  	[tilespmem:s19+$0x1040] =	vst v0  }
0x41: {  	[tilespmem:s19+$0x1050] =	vst v0  }
0x42: {  	[tilespmem:s19+$0x1060] =	vst v0;
	s19 =	sshra.s32 s20, $0x2;
	s20 =	sadd.s32 $0x200, s20  }
0x43: {  	[tilespmem:s19+$0x1070] =	vst v0  }
0x44: {  	[tilespmem:s19+$0x1000] =	vst v0  }
0x45: {  	[tilespmem:s19+$0x1010] =	vst v0  }
0x46: {  	[tilespmem:s19+$0x1020] =	vst v0  }
0x47: {  	[tilespmem:s19+$0x1030] =	vst v0  }
0x48: {  	[tilespmem:s19+$0x1040] =	vst v0  }
0x49: {  	[tilespmem:s19+$0x1050] =	vst v0  }
0x4a: {  	[tilespmem:s19+$0x1060] =	vst v0;
	s22 =	sld [smem:$0x7F3]  }
0x4b: {  	[spmem:s11] =	stream.linear.scatter [tilespmem:s31], [sflag:$0x5], $0x3C00, $0x38;
	[tilespmem:$0x1D000] =	vst v63  }
0x4c: {  	s20 =	sld [smem:$0x7F4]  }
0x4d: {  	[spmem:s22] =	stream.linear.scatter [tilespmem:s31], [sflag:$0x5], $0x3C00, $0x38;
	[tilespmem:$0x1D000] =	vst v63  }
0x4e: {  	s21 =	sld [smem:$0x7FA]  }
0x4f: {  	[spmem:s20] =	stream.linear.scatter [tilespmem:s31], [sflag:$0x5], $0x3C00, $0x38;
	[tilespmem:$0x1D000] =	vst v63  }
0x50: {  	s22 =	sld [smem:$0x7FB]  }
0x51: {  	[spmem:s21] =	stream.linear.scatter [tilespmem:s31], [sflag:$0x5], $0x3C00, $0x38;
	[tilespmem:$0x1D000] =	vst v63  }
0x52: {  	_ = 	snop  }
0x53: {  	[spmem:s22] =	stream.linear.scatter [tilespmem:s31], [sflag:$0x5], $0x3C00, $0x38;
	[tilespmem:$0x1D000] =	vst v63  }
0x54: {  	_ = 	snop  }
0x55: {  	[spmem:s26] =	stream.linear.scatter [tilespmem:s31], [sflag:$0x5], $0x1400, $0x38;
	[tilespmem:$0x1D000] =	vst v63  }
0x56: {  	_ =	swait.ge [sflag:s1], $0x400  }
0x57: {  	[sflag:s1] =	ssyncset.done $0x0  }
0x58: {  	[sflag:s1] =	ssyncadd.s32 $0xFFFFFC00  }
0x59: {  	_ =	swait.ge [sflag:s1], $0x400  }
0x5a: {  	[sflag:s1] =	ssyncset.done $0x0  }
0x5b: {  	[sflag:s1] =	ssyncadd.s32 $0xFFFFFC00  }
0x5c: {  	[tilespmem:s9], [sflag:$0x4] =	stream.indirect.gather [hbm4b:s0+s2], $0x80, s8, s2, $0xb8;
	[tilespmem:$0x1D000] =	vst v63  }
0x5d: {  	_ =	swait.ge [sflag:s10], $0x3C00  }
0x5e: {  	[sflag:s10] =	ssyncset.done $0x0  }
0x5f: {  	[sflag:s10] =	ssyncadd.s32 $0xFFFFC400  }
0x60: {  	_ =	swait.ge [sflag:s10], $0x3C00  }
0x61: {  	[sflag:s10] =	ssyncset.done $0x0  }
0x62: {  	[sflag:s10] =	ssyncadd.s32 $0xFFFFC400  }
0x63: {  	_ =	swait.ge [sflag:s10], $0x3C00  }
0x64: {  	[sflag:s10] =	ssyncset.done $0x0  }
0x65: {  	[sflag:s10] =	ssyncadd.s32 $0xFFFFC400  }
0x66: {  	_ =	swait.ge [sflag:s10], $0x3C00  }
0x67: {  	[sflag:s10] =	ssyncset.done $0x0  }
0x68: {  	[sflag:s10] =	ssyncadd.s32 $0xFFFFC400  }
0x69: {  	_ =	swait.ge [sflag:s10], $0x3C00  }
0x6a: {  	[sflag:s10] =	ssyncset.done $0x0  }
0x6b: {  	[sflag:s10] =	ssyncadd.s32 $0xFFFFC400  }
0x6c: {  	_ =	swait.ge [sflag:s10], $0x1400  }
0x6d: {  	[sflag:s10] =	ssyncset.done $0x0  }
0x6e: {  	[sflag:s10] =	ssyncadd.s32 $0xFFFFEC00  }
0x6f: {  	[tilespmem:s31], [sflag:$0x3] =	stream.indirect.gather [hbm4b:s0+s2], $0x80, s4, s2, $0xb8;
	[tilespmem:$0x1D000] =	vst v63  }
0x70: {  	[bflag:$0x0] =	sbarrier.arrive $0xFFFF  }
0x71: {  	_ =	swait.ge [sflag:s12], $0x3E80  }
0x72: {  	[sflag:s12] =	ssyncset.done $0x0  }
0x73: {  	[sflag:s12] =	ssyncadd.s32 $0xFFFFC180  }
0x74: {  	[spmem:s3] =	stream.indirect.scatter.add.f32 [tilespmem:s31], [sflag:$0x6], $0x80, s28, s2, $0xb8;
	[tilespmem:$0x1D000] =	vst v63  }
0x75: {  	_ =	swait.ge [sflag:s13], $0x3E80  }
0x76: {  	[sflag:s13] =	ssyncset.done $0x0  }
0x77: {  	s20 =	rddreg [dreg:$0x4];
	[sflag:s13] =	ssyncadd.s32 $0xFFFFC180  }
0x78: {  	[tilespmem:s31], [sflag:$0x3] =	stream.indirect.gather [hbm4b:s0+s2], $0x80, s20, s2, $0xb8;
	[tilespmem:$0x1D000] =	vst v63  }
0x79: {  	_ =	swait.ge [sflag:s14], $0x3E80  }
0x7a: {  	[sflag:s14] =	ssyncset.done $0x0  }
0x7b: {  	s21 =	rddreg [dreg:$0x5];
	[sflag:s14] =	ssyncadd.s32 $0xFFFFC180  }
0x7c: {  	[spmem:s3] =	stream.indirect.scatter.add.f32 [tilespmem:s9], [sflag:$0x6], $0x80, s21, s2, $0xb8;
	[tilespmem:$0x1D000] =	vst v63  }
0x7d: {  	_ =	swait.ge [sflag:s13], $0x3E80  }
0x7e: {  	[sflag:s13] =	ssyncset.done $0x0  }
0x7f: {  	s22 =	rddreg [dreg:$0x6];
	[sflag:s13] =	ssyncadd.s32 $0xFFFFC180  }
0x80: {  	[tilespmem:s9], [sflag:$0x4] =	stream.indirect.gather [hbm4b:s0+s2], $0x80, s22, s2, $0xb8;
	[tilespmem:$0x1D000] =	vst v63  }
0x81: {  	_ =	swait.ge [sflag:s12], $0x3E80  }
0x82: {  	[sflag:s12] =	ssyncset.done $0x0  }
0x83: {  	s20 =	rddreg [dreg:$0x7];
	[sflag:s12] =	ssyncadd.s32 $0xFFFFC180  }
0x84: {  	[spmem:s3] =	stream.indirect.scatter.add.f32 [tilespmem:s31], [sflag:$0x6], $0x80, s20, s2, $0xb8;
	[tilespmem:$0x1D000] =	vst v63  }
0x85: {  	_ =	swait.ge [sflag:s13], $0x3E80  }
0x86: {  	[sflag:s13] =	ssyncset.done $0x0  }
0x87: {  	s21 =	rddreg [dreg:$0x8];
	[sflag:s13] =	ssyncadd.s32 $0xFFFFC180  }
0x88: {  	[tilespmem:s31], [sflag:$0x3] =	stream.indirect.gather [hbm4b:s0+s2], $0x80, s21, s2, $0xb8;
	[tilespmem:$0x1D000] =	vst v63  }
0x89: {  	_ =	swait.ge [sflag:s14], $0x3E80  }
0x8a: {  	[sflag:s14] =	ssyncset.done $0x0  }
0x8b: {  	s22 =	rddreg [dreg:$0x9];
	[sflag:s14] =	ssyncadd.s32 $0xFFFFC180  }
0x8c: {  	[spmem:s3] =	stream.indirect.scatter.add.f32 [tilespmem:s9], [sflag:$0x6], $0x80, s22, s2, $0xb8;
	[tilespmem:$0x1D000] =	vst v63  }
0x8d: {  	_ =	swait.ge [sflag:s13], $0x3E80  }
0x8e: {  	[sflag:s13] =	ssyncset.done $0x0  }
0x8f: {  	s20 =	rddreg [dreg:$0xa];
	[sflag:s13] =	ssyncadd.s32 $0xFFFFC180  }
0x90: {  	[tilespmem:s9], [sflag:$0x4] =	stream.indirect.gather [hbm4b:s0+s2], $0x80, s20, s2, $0xb8;
	[tilespmem:$0x1D000] =	vst v63  }
0x91: {  	_ =	swait.ge [sflag:s12], $0x3E80  }
0x92: {  	[sflag:s12] =	ssyncset.done $0x0  }
0x93: {  	s21 =	rddreg [dreg:$0xb];
	[sflag:s12] =	ssyncadd.s32 $0xFFFFC180  }
0x94: {  	[spmem:s3] =	stream.indirect.scatter.add.f32 [tilespmem:s31], [sflag:$0x6], $0x80, s21, s2, $0xb8;
	[tilespmem:$0x1D000] =	vst v63  }
0x95: {  	_ =	swait.ge [sflag:s13], $0x3E80  }
0x96: {  	[sflag:s13] =	ssyncset.done $0x0  }
0x97: {  	s22 =	rddreg [dreg:$0xc];
	[sflag:s13] =	ssyncadd.s32 $0xFFFFC180  }
0x98: {  	[tilespmem:s31], [sflag:$0x3] =	stream.indirect.gather [hbm4b:s0+s2], $0x80, s22, s2, $0xb8;
	[tilespmem:$0x1D000] =	vst v63  }
0x99: {  	_ =	swait.ge [sflag:s14], $0x3E80  }
0x9a: {  	[sflag:s14] =	ssyncset.done $0x0  }
0x9b: {  	s20 =	rddreg [dreg:$0xd];
	[sflag:s14] =	ssyncadd.s32 $0xFFFFC180  }
0x9c: {  	[spmem:s3] =	stream.indirect.scatter.add.f32 [tilespmem:s9], [sflag:$0x6], $0x80, s20, s2, $0xb8;
	[tilespmem:$0x1D000] =	vst v63  }
0x9d: {  	_ =	swait.ge [sflag:s13], $0x3E80  }
0x9e: {  	[sflag:s13] =	ssyncset.done $0x0  }
0x9f: {  	s21 =	rddreg [dreg:$0xe];
	[sflag:s13] =	ssyncadd.s32 $0xFFFFC180  }
0xa0: {  	[tilespmem:s9], [sflag:$0x4] =	stream.indirect.gather [hbm4b:s0+s2], $0x80, s21, s2, $0xb8;
	[tilespmem:$0x1D000] =	vst v63  }
0xa1: {  	_ =	swait.ge [sflag:s12], $0x3E80  }
0xa2: {  	[sflag:s12] =	ssyncset.done $0x0  }
0xa3: {  	s22 =	rddreg [dreg:$0xf];
	[sflag:s12] =	ssyncadd.s32 $0xFFFFC180  }
0xa4: {  	[spmem:s3] =	stream.indirect.scatter.add.f32 [tilespmem:s31], [sflag:$0x6], $0x80, s22, s2, $0xb8;
	[tilespmem:$0x1D000] =	vst v63  }
0xa5: {  	_ =	swait.ge [sflag:s13], $0x3E80  }
0xa6: {  	[sflag:s13] =	ssyncset.done $0x0  }
0xa7: {  	[sflag:s13] =	ssyncadd.s32 $0xFFFFC180  }
0xa8: {  	_ =	swait.ge [sflag:s15], $0x400  }
0xa9: {  	[sflag:s15] =	ssyncset.done $0x0  }
0xaa: {  	[sflag:s15] =	ssyncadd.s32 $0xFFFFFC00  }
0xab: {  	_ =	swait.ge [sflag:s15], $0x400  }
0xac: {  	[sflag:s15] =	ssyncset.done $0x0  }
0xad: {  	[sflag:s15] =	ssyncadd.s32 $0xFFFFFC00  }
0xae: {  	[tilespmem:s31], [sflag:$0x3] =	stream.indirect.gather [hbm4b:s0+s2], $0x80, s29, s2, $0xb8;
	[tilespmem:$0x1D000] =	vst v63  }
0xaf: {  	_ =	swait.ge [sflag:s14], $0x3E80  }
0xb0: {  	p0 =	por $0x0, $0x0;
	[sflag:s14] =	ssyncset.done $0x0  }
0xb1: {  	s19 =	simm.s32 $0x800;
	s20 =	rddreg [dreg:$0x10];
	[sflag:s14] =	ssyncadd.s32 $0xFFFFC180  }
0xb2: {  	[spmem:s3] =	stream.indirect.scatter.add.f32 [tilespmem:s9], [sflag:$0x6], $0x80, s20, s2, $0xb8;
	[tilespmem:$0x1D000] =	vst v63  }
0xb3: {  	s19 =	simm.s32 @p0 $0x0;
	_ =	swait.ge [sflag:s13], $0x3E80  }
0xb4: {  	s19 =	sadd.s32 s5, s19;
	[sflag:s13] =	ssyncset.done $0x0  }
0xb5: {  	s19 =	sshrl.u32 s19, $0x3;
	s20 =	rddreg [dreg:$0x11];
	[sflag:s13] =	ssyncadd.s32 $0xFFFFC180  }
0xb6: {  	[tilespmem:s9], [sflag:$0x4] =	stream.indirect.gather [hbm4b:s0+s2], $0x80, s20, s2, $0xb8;
	[tilespmem:$0x1D000] =	vst v63  }
0xb7: {  	s19 =	sadd.s32 s6, s19  }
0xb8: {  	[tilespmem:s4], [sflag:$0x1] =	stream.linear.gather [hbm4b:s19+s4], $0x400, $0x38;
	[tilespmem:$0x1D000] =	vst v63  }
0xb9: {  	s19 =	sadd.s32 $0xA000, s19  }
0xba: {  	[tilespmem:s28], [sflag:$0x1] =	stream.linear.gather [hbm4b:s19+s4], $0x400, $0x38;
	[tilespmem:$0x1D000] =	vst v63  }
0xbb: {  	_ =	swait.ge [sflag:s12], $0x3E80  }
0xbc: {  	[sflag:s12] =	ssyncset.done $0x0  }
0xbd: {  	[sflag:s12] =	ssyncadd.s32 $0xFFFFC180  }
0xbe: {  	[spmem:s3] =	stream.indirect.scatter.add.f32 [tilespmem:s31], [sflag:$0x6], $0x80, s30, s2, $0xb8;
	[tilespmem:$0x1D000] =	vst v63  }
0xbf: {  	_ =	swait.ge [sflag:s13], $0x3E80  }
0xc0: {  	[sflag:s13] =	ssyncset.done $0x0  }
0xc1: {  	s21 =	rddreg [dreg:$0x12];
	[sflag:s13] =	ssyncadd.s32 $0xFFFFC180  }
0xc2: {  	[tilespmem:s31], [sflag:$0x3] =	stream.indirect.gather [hbm4b:s0+s2], $0x80, s21, s2, $0xb8;
	[tilespmem:$0x1D000] =	vst v63  }
0xc3: {  	_ =	swait.ge [sflag:s14], $0x3E80  }
0xc4: {  	[sflag:s14] =	ssyncset.done $0x0  }
0xc5: {  	s22 =	rddreg [dreg:$0x13];
	[sflag:s14] =	ssyncadd.s32 $0xFFFFC180  }
0xc6: {  	[spmem:s3] =	stream.indirect.scatter.add.f32 [tilespmem:s9], [sflag:$0x6], $0x80, s22, s2, $0xb8;
	[tilespmem:$0x1D000] =	vst v63  }
0xc7: {  	_ =	swait.ge [sflag:s13], $0x3E80  }
0xc8: {  	[sflag:s13] =	ssyncset.done $0x0  }
0xc9: {  	s20 =	rddreg [dreg:$0x14];
	[sflag:s13] =	ssyncadd.s32 $0xFFFFC180  }
0xca: {  	[tilespmem:s9], [sflag:$0x4] =	stream.indirect.gather [hbm4b:s0+s2], $0x80, s20, s2, $0xb8;
	[tilespmem:$0x1D000] =	vst v63  }
0xcb: {  	_ =	swait.ge [sflag:s12], $0x3E80  }
0xcc: {  	[sflag:s12] =	ssyncset.done $0x0  }
0xcd: {  	s21 =	rddreg [dreg:$0x15];
	[sflag:s12] =	ssyncadd.s32 $0xFFFFC180  }
0xce: {  	[spmem:s3] =	stream.indirect.scatter.add.f32 [tilespmem:s31], [sflag:$0x6], $0x80, s21, s2, $0xb8;
	[tilespmem:$0x1D000] =	vst v63  }
0xcf: {  	_ =	swait.ge [sflag:s13], $0x3E80  }
0xd0: {  	[sflag:s13] =	ssyncset.done $0x0  }
0xd1: {  	s22 =	rddreg [dreg:$0x16];
	[sflag:s13] =	ssyncadd.s32 $0xFFFFC180  }
0xd2: {  	[tilespmem:s31], [sflag:$0x3] =	stream.indirect.gather [hbm4b:s0+s2], $0x80, s22, s2, $0xb8;
	[tilespmem:$0x1D000] =	vst v63  }
0xd3: {  	_ =	swait.ge [sflag:s14], $0x3E80  }
0xd4: {  	[sflag:s14] =	ssyncset.done $0x0  }
0xd5: {  	s20 =	rddreg [dreg:$0x17];
	[sflag:s14] =	ssyncadd.s32 $0xFFFFC180  }
0xd6: {  	[spmem:s3] =	stream.indirect.scatter.add.f32 [tilespmem:s9], [sflag:$0x6], $0x80, s20, s2, $0xb8;
	[tilespmem:$0x1D000] =	vst v63  }
0xd7: {  	_ =	swait.ge [sflag:s13], $0x3E80  }
0xd8: {  	[sflag:s13] =	ssyncset.done $0x0  }
0xd9: {  	s21 =	rddreg [dreg:$0x18];
	[sflag:s13] =	ssyncadd.s32 $0xFFFFC180  }
0xda: {  	[tilespmem:s9], [sflag:$0x4] =	stream.indirect.gather [hbm4b:s0+s2], $0x80, s21, s2, $0xb8;
	[tilespmem:$0x1D000] =	vst v63  }
0xdb: {  	_ =	swait.ge [sflag:s12], $0x3E80  }
0xdc: {  	[sflag:s12] =	ssyncset.done $0x0  }
0xdd: {  	s22 =	rddreg [dreg:$0x19];
	[sflag:s12] =	ssyncadd.s32 $0xFFFFC180  }
0xde: {  	[spmem:s3] =	stream.indirect.scatter.add.f32 [tilespmem:s31], [sflag:$0x6], $0x80, s22, s2, $0xb8;
	[tilespmem:$0x1D000] =	vst v63  }
0xdf: {  	_ =	swait.ge [sflag:s13], $0x3E80  }
0xe0: {  	[sflag:s13] =	ssyncset.done $0x0  }
0xe1: {  	s20 =	rddreg [dreg:$0x1a];
	[sflag:s13] =	ssyncadd.s32 $0xFFFFC180  }
0xe2: {  	[tilespmem:s31], [sflag:$0x3] =	stream.indirect.gather [hbm4b:s0+s2], $0x80, s20, s2, $0xb8;
	[tilespmem:$0x1D000] =	vst v63  }
0xe3: {  	_ =	swait.ge [sflag:s14], $0x3E80  }
0xe4: {  	[sflag:s14] =	ssyncset.done $0x0  }
0xe5: {  	s21 =	rddreg [dreg:$0x1b];
	[sflag:s14] =	ssyncadd.s32 $0xFFFFC180  }
0xe6: {  	[spmem:s3] =	stream.indirect.scatter.add.f32 [tilespmem:s9], [sflag:$0x6], $0x80, s21, s2, $0xb8;
	[tilespmem:$0x1D000] =	vst v63  }
0xe7: {  	_ =	swait.ge [sflag:s13], $0x3E80  }
0xe8: {  	[sflag:s13] =	ssyncset.done $0x0  }
0xe9: {  	[sflag:s13] =	ssyncadd.s32 $0xFFFFC180  }
0xea: {  	[tilespmem:s9], [sflag:$0x4] =	stream.indirect.gather [hbm4b:s0+s2], $0x80, s16, s2, $0xb8;
	[tilespmem:$0x1D000] =	vst v63  }
0xeb: {  	_ =	swait.ge [sflag:s12], $0x3E80  }
0xec: {  	[sflag:s12] =	ssyncset.done $0x0  }
0xed: {  	[sflag:s12] =	ssyncadd.s32 $0xFFFFC180  }
0xee: {  	[spmem:s3] =	stream.indirect.scatter.add.f32 [tilespmem:s31], [sflag:$0x6], $0x80, s17, s2, $0xb8;
	[tilespmem:$0x1D000] =	vst v63  }
0xef: {  	_ =	swait.ge [sflag:s13], $0x3E80  }
0xf0: {  	[sflag:s13] =	ssyncset.done $0x0  }
0xf1: {  	[sflag:s13] =	ssyncadd.s32 $0xFFFFC180  }
0xf2: {  	_ =	swait.ge [sflag:s1], $0x400  }
0xf3: {  	[sflag:s1] =	ssyncset.done $0x0  }
0xf4: {  	[sflag:s1] =	ssyncadd.s32 $0xFFFFFC00  }
0xf5: {  	_ =	swait.ge [sflag:s1], $0x400  }
0xf6: {  	[sflag:s1] =	ssyncset.done $0x0  }
0xf7: {  	[sflag:s1] =	ssyncadd.s32 $0xFFFFFC00  }
0xf8: {  	[tilespmem:s31], [sflag:$0x3] =	stream.indirect.gather [hbm4b:s0+s2], $0x80, s4, s2, $0xb8;
	[tilespmem:$0x1D000] =	vst v63  }
0xf9: {  	_ =	swait.ge [sflag:s14], $0x3E80  }
0xfa: {  	s19 =	simm.s32 $0xC00;
	[sflag:s14] =	ssyncset.done $0x0  }
0xfb: {  	s19 =	simm.s32 @p0 $0x400;
	[sflag:s14] =	ssyncadd.s32 $0xFFFFC180  }
0xfc: {  	[spmem:s3] =	stream.indirect.scatter.add.f32 [tilespmem:s9], [sflag:$0x6], $0x80, s7, s2, $0xb8;
	[tilespmem:$0x1D000] =	vst v63  }
0xfd: {  	s19 =	sadd.s32 s5, s19;
	_ =	swait.ge [sflag:s13], $0x3E80  }
0xfe: {  	s19 =	sshrl.u32 s19, $0x3;
	[sflag:s13] =	ssyncset.done $0x0  }
0xff: {  	s22 =	sadd.s32 s6, s19;
	[sflag:s13] =	ssyncadd.s32 $0xFFFFC180  }
0x100: {  	[tilespmem:s9], [sflag:$0x4] =	stream.indirect.gather [hbm4b:s0+s2], $0x80, s8, s2, $0xb8;
	[tilespmem:$0x1D000] =	vst v63  }
0x101: {  	s19 =	simm.s32 $0x1400;
	s21 =	sadd.s32 $0xA000, s22  }
0x102: {  	[tilespmem:s29], [sflag:$0x2] =	stream.linear.gather [hbm4b:s22+s4], $0x400, $0x38;
	[tilespmem:$0x1D000] =	vst v63  }
.LBB2_4:
0x103: {  	[tilespmem:s30], [sflag:$0x2] =	stream.linear.gather [hbm4b:s21+s4], $0x400, $0x38;
	[tilespmem:$0x1D000] =	vst v63  }
0x104: {  	_ =	swait.ge [sflag:s12], $0x3E80  }
0x105: {  	[sflag:s12] =	ssyncset.done $0x0  }
0x106: {  	[sflag:s12] =	ssyncadd.s32 $0xFFFFC180  }
0x107: {  	[spmem:s3] =	stream.indirect.scatter.add.f32 [tilespmem:s31], [sflag:$0x6], $0x80, s28, s2, $0xb8;
	[tilespmem:$0x1D000] =	vst v63  }
0x108: {  	_ =	swait.ge [sflag:s13], $0x3E80  }
0x109: {  	[sflag:s13] =	ssyncset.done $0x0  }
0x10a: {  	s22 =	rddreg [dreg:$0x4];
	[sflag:s13] =	ssyncadd.s32 $0xFFFFC180  }
0x10b: {  	[tilespmem:s31], [sflag:$0x3] =	stream.indirect.gather [hbm4b:s0+s2], $0x80, s22, s2, $0xb8;
	[tilespmem:$0x1D000] =	vst v63  }
0x10c: {  	_ =	swait.ge [sflag:s14], $0x3E80  }
0x10d: {  	[sflag:s14] =	ssyncset.done $0x0  }
0x10e: {  	s22 =	rddreg [dreg:$0x5];
	[sflag:s14] =	ssyncadd.s32 $0xFFFFC180  }
0x10f: {  	[spmem:s3] =	stream.indirect.scatter.add.f32 [tilespmem:s9], [sflag:$0x6], $0x80, s22, s2, $0xb8;
	[tilespmem:$0x1D000] =	vst v63  }
0x110: {  	_ =	swait.ge [sflag:s13], $0x3E80  }
0x111: {  	[sflag:s13] =	ssyncset.done $0x0  }
0x112: {  	s22 =	rddreg [dreg:$0x6];
	[sflag:s13] =	ssyncadd.s32 $0xFFFFC180  }
0x113: {  	[tilespmem:s9], [sflag:$0x4] =	stream.indirect.gather [hbm4b:s0+s2], $0x80, s22, s2, $0xb8;
	[tilespmem:$0x1D000] =	vst v63  }
0x114: {  	_ =	swait.ge [sflag:s12], $0x3E80  }
0x115: {  	[sflag:s12] =	ssyncset.done $0x0  }
0x116: {  	s22 =	rddreg [dreg:$0x7];
	[sflag:s12] =	ssyncadd.s32 $0xFFFFC180  }
0x117: {  	[spmem:s3] =	stream.indirect.scatter.add.f32 [tilespmem:s31], [sflag:$0x6], $0x80, s22, s2, $0xb8;
	[tilespmem:$0x1D000] =	vst v63  }
0x118: {  	_ =	swait.ge [sflag:s13], $0x3E80  }
0x119: {  	[sflag:s13] =	ssyncset.done $0x0  }
0x11a: {  	s22 =	rddreg [dreg:$0x8];
	[sflag:s13] =	ssyncadd.s32 $0xFFFFC180  }
0x11b: {  	[tilespmem:s31], [sflag:$0x3] =	stream.indirect.gather [hbm4b:s0+s2], $0x80, s22, s2, $0xb8;
	[tilespmem:$0x1D000] =	vst v63  }
0x11c: {  	_ =	swait.ge [sflag:s14], $0x3E80  }
0x11d: {  	[sflag:s14] =	ssyncset.done $0x0  }
0x11e: {  	s22 =	rddreg [dreg:$0x9];
	[sflag:s14] =	ssyncadd.s32 $0xFFFFC180  }
0x11f: {  	[spmem:s3] =	stream.indirect.scatter.add.f32 [tilespmem:s9], [sflag:$0x6], $0x80, s22, s2, $0xb8;
	[tilespmem:$0x1D000] =	vst v63  }
0x120: {  	_ =	swait.ge [sflag:s13], $0x3E80  }
0x121: {  	[sflag:s13] =	ssyncset.done $0x0  }
0x122: {  	s22 =	rddreg [dreg:$0xa];
	[sflag:s13] =	ssyncadd.s32 $0xFFFFC180  }
0x123: {  	[tilespmem:s9], [sflag:$0x4] =	stream.indirect.gather [hbm4b:s0+s2], $0x80, s22, s2, $0xb8;
	[tilespmem:$0x1D000] =	vst v63  }
0x124: {  	_ =	swait.ge [sflag:s12], $0x3E80  }
0x125: {  	[sflag:s12] =	ssyncset.done $0x0  }
0x126: {  	s22 =	rddreg [dreg:$0xb];
	[sflag:s12] =	ssyncadd.s32 $0xFFFFC180  }
0x127: {  	[spmem:s3] =	stream.indirect.scatter.add.f32 [tilespmem:s31], [sflag:$0x6], $0x80, s22, s2, $0xb8;
	[tilespmem:$0x1D000] =	vst v63  }
0x128: {  	_ =	swait.ge [sflag:s13], $0x3E80  }
0x129: {  	[sflag:s13] =	ssyncset.done $0x0  }
0x12a: {  	s22 =	rddreg [dreg:$0xc];
	[sflag:s13] =	ssyncadd.s32 $0xFFFFC180  }
0x12b: {  	[tilespmem:s31], [sflag:$0x3] =	stream.indirect.gather [hbm4b:s0+s2], $0x80, s22, s2, $0xb8;
	[tilespmem:$0x1D000] =	vst v63  }
0x12c: {  	_ =	swait.ge [sflag:s14], $0x3E80  }
0x12d: {  	[sflag:s14] =	ssyncset.done $0x0  }
0x12e: {  	s22 =	rddreg [dreg:$0xd];
	[sflag:s14] =	ssyncadd.s32 $0xFFFFC180  }
0x12f: {  	[spmem:s3] =	stream.indirect.scatter.add.f32 [tilespmem:s9], [sflag:$0x6], $0x80, s22, s2, $0xb8;
	[tilespmem:$0x1D000] =	vst v63  }
0x130: {  	_ =	swait.ge [sflag:s13], $0x3E80  }
0x131: {  	[sflag:s13] =	ssyncset.done $0x0  }
0x132: {  	s22 =	rddreg [dreg:$0xe];
	[sflag:s13] =	ssyncadd.s32 $0xFFFFC180  }
0x133: {  	[tilespmem:s9], [sflag:$0x4] =	stream.indirect.gather [hbm4b:s0+s2], $0x80, s22, s2, $0xb8;
	[tilespmem:$0x1D000] =	vst v63  }
0x134: {  	_ =	swait.ge [sflag:s12], $0x3E80  }
0x135: {  	[sflag:s12] =	ssyncset.done $0x0  }
0x136: {  	s22 =	rddreg [dreg:$0xf];
	[sflag:s12] =	ssyncadd.s32 $0xFFFFC180  }
0x137: {  	[spmem:s3] =	stream.indirect.scatter.add.f32 [tilespmem:s31], [sflag:$0x6], $0x80, s22, s2, $0xb8;
	[tilespmem:$0x1D000] =	vst v63  }
0x138: {  	_ =	swait.ge [sflag:s13], $0x3E80  }
0x139: {  	[sflag:s13] =	ssyncset.done $0x0  }
0x13a: {  	[sflag:s13] =	ssyncadd.s32 $0xFFFFC180  }
0x13b: {  	_ =	swait.ge [sflag:s15], $0x400  }
0x13c: {  	[sflag:s15] =	ssyncset.done $0x0  }
0x13d: {  	[sflag:s15] =	ssyncadd.s32 $0xFFFFFC00  }
0x13e: {  	_ =	swait.ge [sflag:s15], $0x400  }
0x13f: {  	[sflag:s15] =	ssyncset.done $0x0  }
0x140: {  	[sflag:s15] =	ssyncadd.s32 $0xFFFFFC00  }
0x141: {  	[tilespmem:s31], [sflag:$0x3] =	stream.indirect.gather [hbm4b:s0+s2], $0x80, s29, s2, $0xb8;
	[tilespmem:$0x1D000] =	vst v63  }
0x142: {  	s20 =	smov.u32 s19;
	_ =	swait.ge [sflag:s14], $0x3E80  }
0x143: {  	p1 =	seq.s32 s20, $0x2C00;
	[sflag:s14] =	ssyncset.done $0x0  }
0x144: {  	s21 =	sadd.s32 $0xFFFFFC00, s20;
	s22 =	rddreg [dreg:$0x10];
	[sflag:s14] =	ssyncadd.s32 $0xFFFFC180  }
0x145: {  	[spmem:s3] =	stream.indirect.scatter.add.f32 [tilespmem:s9], [sflag:$0x6], $0x80, s22, s2, $0xb8;
	[tilespmem:$0x1D000] =	vst v63  }
0x146: {  	s21 =	simm.s32 @p1 $0x0;
	_ =	swait.ge [sflag:s13], $0x3E80  }
0x147: {  	s21 =	sadd.s32 s5, s21;
	[sflag:s13] =	ssyncset.done $0x0  }
0x148: {  	s21 =	sshrl.u32 s21, $0x3;
	s22 =	rddreg [dreg:$0x11];
	[sflag:s13] =	ssyncadd.s32 $0xFFFFC180  }
0x149: {  	[tilespmem:s9], [sflag:$0x4] =	stream.indirect.gather [hbm4b:s0+s2], $0x80, s22, s2, $0xb8;
	[tilespmem:$0x1D000] =	vst v63  }
0x14a: {  	s21 =	sadd.s32 s6, s21  }
0x14b: {  	[tilespmem:s4], [sflag:$0x1] =	stream.linear.gather [hbm4b:s21+s4], $0x400, $0x38;
	[tilespmem:$0x1D000] =	vst v63  }
0x14c: {  	s21 =	sadd.s32 $0xA000, s21  }
0x14d: {  	[tilespmem:s28], [sflag:$0x1] =	stream.linear.gather [hbm4b:s21+s4], $0x400, $0x38;
	[tilespmem:$0x1D000] =	vst v63  }
0x14e: {  	_ =	swait.ge [sflag:s12], $0x3E80  }
0x14f: {  	[sflag:s12] =	ssyncset.done $0x0  }
0x150: {  	[sflag:s12] =	ssyncadd.s32 $0xFFFFC180  }
0x151: {  	[spmem:s3] =	stream.indirect.scatter.add.f32 [tilespmem:s31], [sflag:$0x6], $0x80, s30, s2, $0xb8;
	[tilespmem:$0x1D000] =	vst v63  }
0x152: {  	_ =	swait.ge [sflag:s13], $0x3E80  }
0x153: {  	[sflag:s13] =	ssyncset.done $0x0  }
0x154: {  	s22 =	rddreg [dreg:$0x12];
	[sflag:s13] =	ssyncadd.s32 $0xFFFFC180  }
0x155: {  	[tilespmem:s31], [sflag:$0x3] =	stream.indirect.gather [hbm4b:s0+s2], $0x80, s22, s2, $0xb8;
	[tilespmem:$0x1D000] =	vst v63  }
0x156: {  	_ =	swait.ge [sflag:s14], $0x3E80  }
0x157: {  	[sflag:s14] =	ssyncset.done $0x0  }
0x158: {  	s22 =	rddreg [dreg:$0x13];
	[sflag:s14] =	ssyncadd.s32 $0xFFFFC180  }
0x159: {  	[spmem:s3] =	stream.indirect.scatter.add.f32 [tilespmem:s9], [sflag:$0x6], $0x80, s22, s2, $0xb8;
	[tilespmem:$0x1D000] =	vst v63  }
0x15a: {  	_ =	swait.ge [sflag:s13], $0x3E80  }
0x15b: {  	[sflag:s13] =	ssyncset.done $0x0  }
0x15c: {  	s22 =	rddreg [dreg:$0x14];
	[sflag:s13] =	ssyncadd.s32 $0xFFFFC180  }
0x15d: {  	[tilespmem:s9], [sflag:$0x4] =	stream.indirect.gather [hbm4b:s0+s2], $0x80, s22, s2, $0xb8;
	[tilespmem:$0x1D000] =	vst v63  }
0x15e: {  	_ =	swait.ge [sflag:s12], $0x3E80  }
0x15f: {  	[sflag:s12] =	ssyncset.done $0x0  }
0x160: {  	s22 =	rddreg [dreg:$0x15];
	[sflag:s12] =	ssyncadd.s32 $0xFFFFC180  }
0x161: {  	[spmem:s3] =	stream.indirect.scatter.add.f32 [tilespmem:s31], [sflag:$0x6], $0x80, s22, s2, $0xb8;
	[tilespmem:$0x1D000] =	vst v63  }
0x162: {  	_ =	swait.ge [sflag:s13], $0x3E80  }
0x163: {  	[sflag:s13] =	ssyncset.done $0x0  }
0x164: {  	s22 =	rddreg [dreg:$0x16];
	[sflag:s13] =	ssyncadd.s32 $0xFFFFC180  }
0x165: {  	[tilespmem:s31], [sflag:$0x3] =	stream.indirect.gather [hbm4b:s0+s2], $0x80, s22, s2, $0xb8;
	[tilespmem:$0x1D000] =	vst v63  }
0x166: {  	_ =	swait.ge [sflag:s14], $0x3E80  }
0x167: {  	[sflag:s14] =	ssyncset.done $0x0  }
0x168: {  	s22 =	rddreg [dreg:$0x17];
	[sflag:s14] =	ssyncadd.s32 $0xFFFFC180  }
0x169: {  	[spmem:s3] =	stream.indirect.scatter.add.f32 [tilespmem:s9], [sflag:$0x6], $0x80, s22, s2, $0xb8;
	[tilespmem:$0x1D000] =	vst v63  }
0x16a: {  	_ =	swait.ge [sflag:s13], $0x3E80  }
0x16b: {  	[sflag:s13] =	ssyncset.done $0x0  }
0x16c: {  	s22 =	rddreg [dreg:$0x18];
	[sflag:s13] =	ssyncadd.s32 $0xFFFFC180  }
0x16d: {  	[tilespmem:s9], [sflag:$0x4] =	stream.indirect.gather [hbm4b:s0+s2], $0x80, s22, s2, $0xb8;
	[tilespmem:$0x1D000] =	vst v63  }
0x16e: {  	_ =	swait.ge [sflag:s12], $0x3E80  }
0x16f: {  	[sflag:s12] =	ssyncset.done $0x0  }
0x170: {  	s22 =	rddreg [dreg:$0x19];
	[sflag:s12] =	ssyncadd.s32 $0xFFFFC180  }
0x171: {  	[spmem:s3] =	stream.indirect.scatter.add.f32 [tilespmem:s31], [sflag:$0x6], $0x80, s22, s2, $0xb8;
	[tilespmem:$0x1D000] =	vst v63  }
0x172: {  	_ =	swait.ge [sflag:s13], $0x3E80  }
0x173: {  	[sflag:s13] =	ssyncset.done $0x0  }
0x174: {  	s22 =	rddreg [dreg:$0x1a];
	[sflag:s13] =	ssyncadd.s32 $0xFFFFC180  }
0x175: {  	[tilespmem:s31], [sflag:$0x3] =	stream.indirect.gather [hbm4b:s0+s2], $0x80, s22, s2, $0xb8;
	[tilespmem:$0x1D000] =	vst v63  }
0x176: {  	_ =	swait.ge [sflag:s14], $0x3E80  }
0x177: {  	[sflag:s14] =	ssyncset.done $0x0  }
0x178: {  	s22 =	rddreg [dreg:$0x1b];
	[sflag:s14] =	ssyncadd.s32 $0xFFFFC180  }
0x179: {  	[spmem:s3] =	stream.indirect.scatter.add.f32 [tilespmem:s9], [sflag:$0x6], $0x80, s22, s2, $0xb8;
	[tilespmem:$0x1D000] =	vst v63  }
0x17a: {  	_ =	swait.ge [sflag:s13], $0x3E80  }
0x17b: {  	[sflag:s13] =	ssyncset.done $0x0  }
0x17c: {  	[sflag:s13] =	ssyncadd.s32 $0xFFFFC180  }
0x17d: {  	[tilespmem:s9], [sflag:$0x4] =	stream.indirect.gather [hbm4b:s0+s2], $0x80, s16, s2, $0xb8;
	[tilespmem:$0x1D000] =	vst v63  }
0x17e: {  	_ =	swait.ge [sflag:s12], $0x3E80  }
0x17f: {  	[sflag:s12] =	ssyncset.done $0x0  }
0x180: {  	[sflag:s12] =	ssyncadd.s32 $0xFFFFC180  }
0x181: {  	[spmem:s3] =	stream.indirect.scatter.add.f32 [tilespmem:s31], [sflag:$0x6], $0x80, s17, s2, $0xb8;
	[tilespmem:$0x1D000] =	vst v63  }
0x182: {  	_ =	swait.ge [sflag:s13], $0x3E80  }
0x183: {  	[sflag:s13] =	ssyncset.done $0x0  }
0x184: {  	[sflag:s13] =	ssyncadd.s32 $0xFFFFC180  }
0x185: {  	_ =	swait.ge [sflag:s1], $0x400  }
0x186: {  	[sflag:s1] =	ssyncset.done $0x0  }
0x187: {  	[sflag:s1] =	ssyncadd.s32 $0xFFFFFC00  }
0x188: {  	_ =	swait.ge [sflag:s1], $0x400  }
0x189: {  	[sflag:s1] =	ssyncset.done $0x0  }
0x18a: {  	[sflag:s1] =	ssyncadd.s32 $0xFFFFFC00  }
0x18b: {  	[tilespmem:s31], [sflag:$0x3] =	stream.indirect.gather [hbm4b:s0+s2], $0x80, s4, s2, $0xb8;
	[tilespmem:$0x1D000] =	vst v63  }
0x18c: {  	_ =	swait.ge [sflag:s14], $0x3E80  }
0x18d: {  	[sflag:s14] =	ssyncset.done $0x0  }
0x18e: {  	s20 =	simm.s32 @p1 $0x400;
	[sflag:s14] =	ssyncadd.s32 $0xFFFFC180  }
0x18f: {  	[spmem:s3] =	stream.indirect.scatter.add.f32 [tilespmem:s9], [sflag:$0x6], $0x80, s7, s2, $0xb8;
	[tilespmem:$0x1D000] =	vst v63  }
0x190: {  	p0 =	sne.s32 s19, $0x2C00;
	s20 =	sadd.s32 s5, s20;
	_ =	swait.ge [sflag:s13], $0x3E80  }
.Ltmp1:
0x191: {  	s20 =	sshrl.u32 s20, $0x3;
	[sflag:s13] =	ssyncset.done $0x0;
	(pc) =	sbr.rel @p0 .LBB2_4-.Ltmp1, $4  }
0x192: {  	s20 =	sadd.s32 s6, s20;
	[sflag:s13] =	ssyncadd.s32 $0xFFFFC180  }
0x193: {  	[tilespmem:s9], [sflag:$0x4] =	stream.indirect.gather [hbm4b:s0+s2], $0x80, s8, s2, $0xb8;
	[tilespmem:$0x1D000] =	vst v63  }
0x194: {  	s19 =	sadd.s32 $0x800, s19;
	s21 =	sadd.s32 $0xA000, s20  }
0x195: {  	[tilespmem:s29], [sflag:$0x2] =	stream.linear.gather [hbm4b:s20+s4], $0x400, $0x38;
	[tilespmem:$0x1D000] =	vst v63  }
0x196: {  	[tilespmem:s30], [sflag:$0x2] =	stream.linear.gather [hbm4b:s21+s4], $0x400, $0x38;
	[tilespmem:$0x1D000] =	vst v63  }
0x197: {  	_ =	swait.ge [sflag:s12], $0x3E80  }
0x198: {  	[sflag:s12] =	ssyncset.done $0x0  }
0x199: {  	[sflag:s12] =	ssyncadd.s32 $0xFFFFC180  }
0x19a: {  	_ =	swait.ge [sflag:s14], $0x3E80  }
0x19b: {  	[sflag:s14] =	ssyncset.done $0x0  }
0x19c: {  	[sflag:s14] =	ssyncadd.s32 $0xFFFFC180  }
0x19d: {  	_ =	swait.ge [sflag:s15], $0x400  }
0x19e: {  	[sflag:s15] =	ssyncset.done $0x0  }
0x19f: {  	[sflag:s15] =	ssyncadd.s32 $0xFFFFFC00  }
0x1a0: {  	_ =	swait.ge [sflag:s15], $0x400  }
0x1a1: {  	[sflag:s15] =	ssyncset.done $0x0  }
0x1a2: {  	[sflag:s15] =	ssyncadd.s32 $0xFFFFFC00  }
0x1a3: {  	[bflag:$0x0] =	sbarrier.arrive $0xFFFF  }
0x1a4: {  	s19 =	stileid.u32;
	s22 =	sld [smem:$0x7F5]  }
0x1a5: {  	s19 =	sshll.u32 s19, $0x6  }
0x1a6: {  	s20 =	sshrl.u32 s11, $0x3;
	s19 =	sor.u32 $0x1C03, s19  }
0x1a7: {  	[hbm:s22], [sflag:s19] =	dma.local [spmem:s20], $0x800  }
0x1a8: {  	s20 =	sld [smem:$0x7F6]  }
0x1a9: {  	s21 =	sld [smem:$0x7FD];
	_ =	sdelay $0x2  }
0x1aa: {  	[hbm:s20], [sflag:s19] =	dma.local [spmem:s21], $0x800  }
0x1ab: {  	s20 =	sld [smem:$0x7F7];
	_ =	sdelay $0x2  }
0x1ac: {  	[hbm:s20], [sflag:s19] =	dma.local [spmem:s23], $0x800  }
0x1ad: {  	s20 =	sld [smem:$0x7F8];
	_ =	sdelay $0x2  }
0x1ae: {  	[hbm:s20], [sflag:s19] =	dma.local [spmem:s24], $0x800  }
0x1af: {  	s20 =	sld [smem:$0x7F9];
	_ =	sdelay $0x2  }
0x1b0: {  	[hbm:s20], [sflag:s19] =	dma.local [spmem:s25], $0x800  }
0x1b1: {  	_ =	swait.ge [sflag:s12], $0x800  }
0x1b2: {  	[sflag:s12] =	ssyncset.done $0x0  }
0x1b3: {  	[sflag:s12] =	ssyncadd.s32 $0xFFFFF800  }
0x1b4: {  	_ =	swait.ge [sflag:s12], $0x800  }
0x1b5: {  	[sflag:s12] =	ssyncset.done $0x0  }
0x1b6: {  	[sflag:s12] =	ssyncadd.s32 $0xFFFFF800  }
0x1b7: {  	_ =	swait.ge [sflag:s12], $0x800  }
0x1b8: {  	[sflag:s12] =	ssyncset.done $0x0  }
0x1b9: {  	[sflag:s12] =	ssyncadd.s32 $0xFFFFF800  }
0x1ba: {  	_ =	swait.ge [sflag:s12], $0x800  }
0x1bb: {  	[sflag:s12] =	ssyncset.done $0x0  }
0x1bc: {  	[sflag:s12] =	ssyncadd.s32 $0xFFFFF800  }
0x1bd: {  	_ =	swait.ge [sflag:s12], $0x800  }
0x1be: {  	s22 =	sld [smem:$0x7FC];
	_ =	sdelay $0x1  }
0x1bf: {  	s18 =	sadd.s32 $0x1, s18  }
0x1c0: {  	p0 =	sne.s32 s18, s22  }
.Ltmp2:
0x1c1: {  	_ = 	snop;
	(pc) =	sbr.rel @p0 .LBB2_1-.Ltmp2, $3  }
0x1c2: {  	_ =	sdelay $0x1  }
0x1c3: {  	[sflag:s12] =	ssyncset.done $0x0  }
0x1c4: {  	[sflag:s12] =	ssyncadd.s32 $0xFFFFF800  }
0x1c5: {  	_ =	sfence.sel $0x180000  }
0x1c6: {  	[bflag:$0x0] =	sbarrier.arrive $0xFFFF  }
0x1c7: {  	_ =	strace $0x90000047  }
0x1c8: {  	s0 =	stileid.u32;
	[bflag:$0x2] =	sbarrier.arrive $0xFFFF  }
0x1c9: {  	p0 =	sne.s32 s0, $0x0;
	s0 =	rddreg [dreg:$0x3]  }
0x1ca: {  	s0 =	sadd.s32 @!p0 $0x100000, s0  }
0x1cb: {  	[sflag:s0] =	ssyncadd.tile.s32 @!p0 $0x1;
	_ =	shalt  }
.Lfunc_end2:
_tile_overlayer_lowered:
.L_overlay_start_2:
0x1cc: {  	(tag) =	ssettag $0x2  }
0x1cd: {  	s0 =	rddreg [dreg:$0x0];
	s2 =	stileid.u32  }
0x1ce: {  	s1 =	rddreg [dreg:$0x1];
	p0 =	sne.s32 s2, $0x0  }
0x1cf: {  	s3 =	rddreg [dreg:$0x2];
	[bflag:$0x3] =	sbarrier.arrive $0xFFFF;
	s2 =	simm.s32 @!p0 $0x1C06  }
0x1d0: {  	[timem:s3], [sflag:s2] =	dma.local @!p0 [hbm:s0], s1  }
0x1d1: {  	s0 =	simm.s32 @!p0 $0x6  }
0x1d2: {  	_ =	swait.ge @!p0 [sflag:s0], s1  }
0x1d3: {  	s1 =	ssub.s32 @!p0 $0x0, s1;
	[sflag:s0] =	ssyncset.done @!p0 $0x0  }
0x1d4: {  	[sflag:s0] =	ssyncadd.s32 @!p0 s1  }
0x1d5: {  	[bflag:$0x3] =	sbarrier.arrive $0xFFFF  }
0x1d6: {  	_ =	shalt  }

// kernel: kernel.9.cloned.1.call-start
scs
__scs_entry_jumppad:
0x0: {  	(pc) =	sbr.rel $0x88, $3  }
0x1: {  	(tag) =	ssettag $0x0;
	lr =	simm.s32 $0x1  }
0x2: {  	[smem:$0x3F95] =	sst lr;
	_ =	strace $0xD0000000  }
0x3: {  	_ = 	snop  }
0x4: {  	_ = 	snop  }
0x5: {  	_ = 	snop  }
0x6: {  	_ = 	snop  }
0x7: {  	_ = 	snop  }
__scs_overlays_trampoline_lowered:
0x8: {  	[smem:$0x3FA4] =	sst s0  }
0x9: {  	[smem:$0x3FA5] =	sst s1  }
0xa: {  	[smem:$0x3FA6] =	sst s2  }
0xb: {  	[smem:$0x3FA7] =	sst s3  }
0xc: {  	[smem:$0x3FA8] =	sst s4  }
0xd: {  	[smem:$0x3FA9] =	sst s5  }
0xe: {  	[smem:$0x3FAA] =	sst s6  }
0xf: {  	[smem:$0x3FAB] =	sst s7  }
0x10: {  	[smem:$0x3FAC] =	sst s8  }
0x11: {  	[smem:$0x3FAD] =	sst s9;
	s0 =	simm.s32 @!p0 $0x0  }
0x12: {  	s1 =	sld [smem:$0x3F93];
	s0 =	simm.s32 @p0 $0x1  }
0x13: {  	[smem:$0x3FAE] =	sst s0;
	s0 =	simm.s32 @!p1 $0x0  }
0x14: {  	s2 =	sld [smem:$0x3F92];
	s0 =	simm.s32 @p1 $0x1  }
0x15: {  	[smem:$0x3FAF] =	sst s0;
	s0 =	simm.s32 @!p2 $0x0  }
0x16: {  	s3 =	sld [smem:$0x3FDB];
	s0 =	simm.s32 @p2 $0x1  }
0x17: {  	s4 =	simm.s32 $0x1BF5;
	[smem:$0x3FB1] =	sst s0  }
0x18: {  	s0 =	sld [smem:$0x3F94];
	_ =	swait.ge [sflag:s4], $0x0  }
0x19: {  	s7 =	sld [smem:$0x3F95]  }
0x1a: {  	s8 =	sadd.s32 $0xFFFFE003, lr  }
0x1b: {  	s9 =	sadd.s32 $0xFFFFFEF7, lr;
	s5 =	simm.s32 $0xFFFFFFFF;
	p2 =	slt.u32 s8, $0xFFFFF086  }
0x1c: {  	p1 =	slt.u32 s9, $0xF7A;
	s5 =	simm.s32 @!p2 $0x0  }
0x1d: {  	s5 =	simm.s32 @p1 $0x1;
	p0 =	seq.s32 s7, s2  }
0x1e: {  	s7 =	smul.u32 @!p0 $0xF7A, s2;
	p2 =	seq.s32 @!p0 s5, $0x0  }
0x1f: {  	s9 =	smul.u32 $0xF7A, s1;
	s8 =	simm.s32 @!p0 $0x1BF5;
	p2 =	por !p2, p0  }
0x20: {  	[sflag:s8] =	ssyncset.s32 @!p0 $0xFFFFF086;
	s6 =	sadd.s32 @!p0 s3, s7;
	s7 =	simm.s32 @!p0 $0x108  }
0x21: {  	s3 =	sadd.s32 s3, s9;
	s6 =	sadd.s32 @!p0 $0x88, s6;
	s7 =	simm.s32 @p2 $0x1082  }
0x22: {  	[simem:s7], [sflag:s8] =	dma.local @!p0 [hbm:s6], $0xF7A  }
0x23: {  	s9 =	sor.u32 $0xD0000000, s2;
	s6 =	simm.s32 $0x108;
	_ =	swait.ge @!p0 [sflag:s8], $0x0  }
0x24: {  	s3 =	sadd.s32 $0x88, s3;
	s6 =	simm.s32 @!p1 $0x1082;
	[sflag:s4] =	ssyncset.s32 $0xFFFFF086  }
0x25: {  	[simem:s6], [sflag:s4] =	dma.local [hbm:s3], $0xF7A  }
0x26: {  	[smem:$0x3F95] =	sst s1;
	(tag) =	ssettag s2;
	_ =	strace s9  }
0x27: {  	s1 =	sld [smem:$0x3FA5]  }
0x28: {  	s2 =	sld [smem:$0x3FA6]  }
0x29: {  	s4 =	sld [smem:$0x3FA8]  }
0x2a: {  	p0 =	seq.s32 s5, $0x0;
	s5 =	sld [smem:$0x3FA9]  }
0x2b: {  	s6 =	sld [smem:$0x3FAA]  }
0x2c: {  	s7 =	sld [smem:$0x3FAB]  }
0x2d: {  	s3 =	simm.s32 $0x108;
	s8 =	sld [smem:$0x3FAC]  }
0x2e: {  	s3 =	simm.s32 @!p0 $0x1082;
	s9 =	sld [smem:$0x3FAD]  }
0x2f: {  	lr =	sadd.s32 s0, s3;
	s0 =	sld [smem:$0x3FA4]  }
0x30: {  	s3 =	sld [smem:$0x3FA7]  }
0x31: {  	[smem:$0x3FB0] =	sst s10  }
0x32: {  	s10 =	sld [smem:$0x3FAE];
	_ =	sdelay $0x3  }
0x33: {  	p0 =	seq.s32 s10, $0x1;
	s10 =	sld [smem:$0x3FB0];
	_ =	sdelay $0x3  }
0x34: {  	[smem:$0x3FB0] =	sst s10  }
0x35: {  	s10 =	sld [smem:$0x3FAF];
	_ =	sdelay $0x3  }
0x36: {  	p1 =	seq.s32 s10, $0x1;
	s10 =	sld [smem:$0x3FB0];
	_ =	sdelay $0x3  }
0x37: {  	[smem:$0x3FB0] =	sst s10  }
0x38: {  	s10 =	sld [smem:$0x3FB1]  }
0x39: {  	_ = 	snop;
	(pc) =	sbr.ind lr, $3  }
0x3a: {  	_ = 	snop  }
0x3b: {  	_ = 	snop  }
0x3c: {  	p2 =	seq.s32 s10, $0x1;
	s10 =	sld [smem:$0x3FB0]  }
0x3d: {  	_ =	shalt  }
0x3e: {  	_ =	shalt  }
0x3f: {  	_ =	shalt  }
0x40: {  	_ =	shalt  }
0x41: {  	_ =	shalt  }
0x42: {  	_ =	shalt  }
0x43: {  	_ =	shalt  }
0x44: {  	_ =	shalt  }
0x45: {  	_ =	shalt  }
0x46: {  	_ =	shalt  }
0x47: {  	_ =	shalt  }
0x48: {  	_ =	shalt  }
0x49: {  	_ =	shalt  }
0x4a: {  	_ =	shalt  }
0x4b: {  	_ =	shalt  }
0x4c: {  	_ =	shalt  }
0x4d: {  	_ =	shalt  }
0x4e: {  	_ =	shalt  }
0x4f: {  	_ =	shalt  }
0x50: {  	_ =	shalt  }
0x51: {  	_ =	shalt  }
0x52: {  	_ =	shalt  }
0x53: {  	_ =	shalt  }
0x54: {  	_ =	shalt  }
0x55: {  	_ =	shalt  }
0x56: {  	_ =	shalt  }
0x57: {  	_ =	shalt  }
0x58: {  	_ =	shalt  }
0x59: {  	_ =	shalt  }
0x5a: {  	_ =	shalt  }
0x5b: {  	_ =	shalt  }
0x5c: {  	_ =	shalt  }
0x5d: {  	_ =	shalt  }
0x5e: {  	_ =	shalt  }
0x5f: {  	_ =	shalt  }
0x60: {  	_ =	shalt  }
0x61: {  	_ =	shalt  }
0x62: {  	_ =	shalt  }
0x63: {  	_ =	shalt  }
0x64: {  	_ =	shalt  }
0x65: {  	_ =	shalt  }
0x66: {  	_ =	shalt  }
0x67: {  	_ =	shalt  }
0x68: {  	_ =	shalt  }
0x69: {  	_ =	shalt  }
0x6a: {  	_ =	shalt  }
0x6b: {  	_ =	shalt  }
0x6c: {  	_ =	shalt  }
0x6d: {  	_ =	shalt  }
0x6e: {  	_ =	shalt  }
0x6f: {  	_ =	shalt  }
0x70: {  	_ =	shalt  }
0x71: {  	_ =	shalt  }
0x72: {  	_ =	shalt  }
0x73: {  	_ =	shalt  }
0x74: {  	_ =	shalt  }
0x75: {  	_ =	shalt  }
0x76: {  	_ =	shalt  }
0x77: {  	_ =	shalt  }
0x78: {  	_ =	shalt  }
0x79: {  	_ =	shalt  }
0x7a: {  	_ =	shalt  }
0x7b: {  	_ =	shalt  }
0x7c: {  	_ =	shalt  }
0x7d: {  	_ =	shalt  }
0x7e: {  	_ =	shalt  }
0x7f: {  	_ =	shalt  }
0x80: {  	_ =	shalt  }
0x81: {  	_ =	shalt  }
0x82: {  	_ =	shalt  }
0x83: {  	_ =	shalt  }
0x84: {  	_ =	shalt  }
0x85: {  	_ =	shalt  }
0x86: {  	_ =	shalt  }
0x87: {  	_ =	shalt  }
.Lfunc_end0:
.L_simem_size_0:
called_computation.1_lowered:
.L_overlay_start_0:
0x88: {  	s2 =	sld [smem:$0x3FD9]  }
0x89: {  	s3 =	sld [smem:$0x3FFE];
	_ =	sdelay $0x1  }
0x8a: {  	s1 =	srdreg.scid  }
0x8b: {  	s0 =	sand.u32 $0x1, s1  }
0x8c: {  	s17 =	sshll.u32 s0, $0xA;
	s2 =	sadd.s32 s3, s2  }
0x8d: {  	s2 =	sadd.s32 s2, s17  }
0x8e: {  	[smem:$0x3FBC] =	sst s2  }
0x8f: {  	_ = 	snop  }
0x90: {  	s2 =	sld [smem:$0x3FD0];
	(tm) =	ssettm $0x1  }
0x91: {  	s18 =	sld [smem:$0x3FFB];
	_ =	sdelay $0x3  }
0x92: {  	_ =	strace s18  }
0x93: {  	s3 =	sld [smem:$0x3FFC];
	_ =	sdelay $0x3  }
0x94: {  	_ =	strace s3  }
0x95: {  	s3 =	sld [smem:$0x3FFD];
	_ =	sdelay $0x3  }
0x96: {  	_ =	strace s3  }
0x97: {  	_ =	strace $0x8FFFFFFF  }
0x98: {  	s19 =	sld [smem:$0x3FDB];
	_ =	sdelay $0x1  }
0x99: {  	s4 =	simm.s32 $_scs_section_size  }
0x9a: {  	s5 =	simm.s32 $_size__tile_overlayer_lowered;
	s6 =	simm.s32 $_tile_overlayer_lowered  }
0x9b: {  	s22 =	simm.s32 $0x1BFF;
	s21 =	sshll.u32 s6, $0x1;
	s3 =	sadd.s32 s4, s19  }
0x9c: {  	s7 =	simm.s32 $0x0;
	s20 =	sshll.u32 s5, $0x1;
	s5 =	sadd.s32 s21, s3  }
0x9d: {  	[timem:s7], [sflag:s22] =	dma.local [hbm:s5], s20  }
0x9e: {  	_ =	swait.ge [sflag:s22], s20  }
0x9f: {  	s4 =	ssub.s32 $0x0, s20;
	[sflag:s22] =	ssyncset.done $0x0  }
0xa0: {  	[sflag:s22] =	ssyncadd.s32 s4;
	_ =	sdelay $0x1  }
0xa1: {  	s23 =	simm.s32 $0x1B8B  }
0xa2: {  	_ =	swait.ge [sflag:s23], $0x1  }
0xa3: {  	[sflag:s23] =	ssyncset.done $0x0  }
0xa4: {  	s25 =	simm.s32 $0x1B8E;
	s24 =	sld [smem:$0x3FFE];
	[sflag:s23] =	ssyncadd.s32 $0xFFFFFFFF  }
0xa5: {  	s26 =	simm.s32 $execute0_lowered;
	[smem:$0x3FD2] =	sst s25  }
0xa6: {  	s5 =	sshll.u32 s26, $0x1;
	_ =	strace $0x80000049;
	[dreg:$0x1] =	wrdreg $0xFFFFFFFF  }
0xa7: {  	s28 =	simm.s32 $_size_execute0_lowered;
	s3 =	sadd.s32 s3, s5;
	[dreg:$0x0] =	wrdreg $0x0  }
0xa8: {  	s5 =	sshll.u32 s28, $0x1;
	[dreg:$0x2] =	wrdreg s3  }
0xa9: {  	[dreg:$0x3] =	wrdreg s5  }
0xaa: {  	[dreg:$0x4] =	wrdreg $0xC0  }
0xab: {  	_ =	task [dreg:s7], $0x5FFFF  }
0xac: {  	[dreg:$0x1] =	wrdreg $0xFFFFFFFF  }
0xad: {  	[dreg:$0x0] =	wrdreg $0x60  }
0xae: {  	[dreg:$0x2] =	wrdreg s2  }
0xaf: {  	[dreg:$0x3] =	wrdreg s24  }
0xb0: {  	[dreg:$0x4] =	wrdreg $0x90000  }
0xb1: {  	[dreg:$0x5] =	wrdreg $0x9  }
0xb2: {  	_ =	task.clear_ibuf [dreg:s7], $0x6FFFF;
	_ =	strace $0x90000049  }
0xb3: {  	s29 =	simm.s32 $0x9;
	_ =	strace $0x8000004B  }
0xb4: {  	_ =	swait.ge [sflag:s29], $0x1  }
0xb5: {  	[sflag:s29] =	ssyncadd.s32 $0xFFFFFFFF  }
0xb6: {  	_ =	strace $0x9000004B  }
0xb7: {  	_ =	sfence  }
0xb8: {  	s30 =	sld [smem:$0x0];
	_ =	sdelay $0x2  }
0xb9: {  	s31 =	sshll.u32 s1, $0xD;
	s1 =	sshrl.u32 s1, $0x2  }
0xba: {  	s3 =	sand.u32 $0x4000, s31;
	s1 =	sadd.s32 s1, s30  }
0xbb: {  	s0 =	sor.u32 s3, s0;
	s1 =	sshll.u32 s1, $0x11  }
0xbc: {  	s0 =	sor.u32 s1, s0  }
0xbd: {  	s0 =	sadd.s32 $0x8F2B, s0  }
0xbe: {  	[sflag:s0] =	ssyncadd.remote.s32 $0x1  }
0xbf: {  	_ =	sfence.sel $0xFFFF  }
0xc0: {  	[dreg:$0x0] =	wrdreg $0xFFFFFFFF;
	(pc) =	sbr.abs _section_cstart, $3  }
0xc1: {  	[dreg:$0x1] =	wrdreg $0xFFFFFFFF  }
0xc2: {  	_ =	task.clear_ibuf [dreg:s7], $0x2FFFF;
	_ =	strace $0x9FFFFFFF  }
0xc3: {  	(tm) =	ssettm $0x7FFFFFFF  }
tec
execute0_lowered:
.L_overlay_start_1:
0x0: {  	(tag) =	ssettag $0x1  }
0x1: {  	s0 =	rddreg [dreg:$0x0]  }
0x2: {  	s2 =	rddreg [dreg:$0x1]  }
0x3: {  	s3 =	rddreg [dreg:$0x2];
	s4 =	simm.s32 $0x0  }
0x4: {  	s21 =	simm.s32 $0x100;
	[smem:$0x7FF] =	sst s4  }
0x5: {  	s23 =	simm.s32 $0x880;
	_ =	strace $0x8000004A;
	[dreg:$0x4] =	wrdreg s21  }
0x6: {  	s24 =	simm.s32 $0x180;
	[dreg:$0x5] =	wrdreg s23  }
0x7: {  	s25 =	simm.s32 $0x900;
	[dreg:$0x6] =	wrdreg s24  }
0x8: {  	s13 =	simm.s32 $0x980;
	[dreg:$0x7] =	wrdreg s25  }
0x9: {  	s14 =	simm.s32 $0x280;
	[dreg:$0x9] =	wrdreg s13  }
0xa: {  	s1 =	srdreg.scid;
	s15 =	simm.s32 $0xA00;
	[dreg:$0xa] =	wrdreg s14  }
0xb: {  	s12 =	stileid.u32;
	s16 =	simm.s32 $0x300;
	[dreg:$0xb] =	wrdreg s15  }
0xc: {  	s28 =	simm.s32 $0x800;
	[dreg:$0xc] =	wrdreg s16;
	s21 =	simm.s32 $0xB80  }
0xd: {  	s29 =	simm.s32 $0x400;
	s23 =	simm.s32 $0x500;
	[dreg:$0x10] =	wrdreg s21  }
0xe: {  	s7 =	sand.u32 $0x1, s1;
	s24 =	simm.s32 $0xC80;
	[dreg:$0x12] =	wrdreg s23  }
0xf: {  	s10 =	smul.u32 $0x50000, s12;
	s25 =	simm.s32 $0x580;
	[dreg:$0x13] =	wrdreg s24  }
0x10: {  	s1 =	sshll.u32 s7, $0x4;
	s15 =	simm.s32 $0x600;
	[dreg:$0x14] =	wrdreg s25  }
0x11: {  	s17 =	ssub.s32 $0x2, s7;
	s16 =	simm.s32 $0xD80;
	[dreg:$0x16] =	wrdreg s15  }
0x12: {  	s20 =	sshrl.u32 s10, $0x2;
	s10 =	simm.s32 $0x200;
	[dreg:$0x17] =	wrdreg s16  }
0x13: {  	s11 =	sadd.s32 s20, s3;
	[dreg:$0x8] =	wrdreg s10;
	s20 =	simm.s32 $0xB00  }
0x14: {  	s1 =	sor.u32 s12, s1;
	s22 =	sadd.s32 $0x3C00, s11;
	[dreg:$0xf] =	wrdreg s20  }
0x15: {  	s8 =	sshrl.u32 s17, $0x1;
	s26 =	sadd.s32 $0x7800, s11;
	[smem:$0x7F3] =	sst s22  }
0x16: {  	s5 =	smul.u32 $0x2800, s1;
	s21 =	sadd.s32 $0xB400, s11;
	[smem:$0x7F4] =	sst s26  }
0x17: {  	s1 =	ssub.s32 s17, s8;
	s20 =	simm.s32 $0xE80;
	[smem:$0x7FA] =	sst s21  }
0x18: {  	s30 =	simm.s32 $0xC00;
	s1 =	smax.u32 s1, $0x1;
	[dreg:$0x1b] =	wrdreg s20  }
0x19: {  	s6 =	sadd.s32 $0x2800, s2;
	s22 =	simm.s32 $0x480;
	[smem:$0x7FC] =	sst s1  }
0x1a: {  	s9 =	sshrl.u32 s5, $0x3;
	s26 =	simm.s32 $0xD00;
	[dreg:$0x11] =	wrdreg s22  }
0x1b: {  	s31 =	simm.s32 $0x1000;
	s9 =	sadd.s32 s6, s9;
	[dreg:$0x15] =	wrdreg s26  }
0x1c: {  	s2 =	sadd.s32 $0x16800, s2;
	s22 =	sadd.s32 $0xF000, s11;
	[dreg:$0x1c] =	wrdreg s9  }
0x1d: {  	s7 =	smul.u32 $0x140000, s7;
	s18 =	sadd.s32 $0xA000, s9;
	[smem:$0x7FB] =	sst s22  }
0x1e: {  	s19 =	sadd.s32 $0x80, s9;
	s9 =	sadd.s32 $0xA080, s9;
	[dreg:$0x1d] =	wrdreg s18  }
0x1f: {  	s15 =	simm.s32 $0x2;
	[dreg:$0x1f] =	wrdreg s9;
	s9 =	smul.u32 $0x14000, s12  }
0x20: {  	s16 =	simm.s32 $0x780;
	[dreg:$0x1e] =	wrdreg s19;
	s18 =	simm.s32 $0xA80  }
0x21: {  	s19 =	simm.s32 $0x380;
	[dreg:$0xd] =	wrdreg s18;
	s12 =	sadd.s32 s9, s7  }
0x22: {  	[dreg:$0xe] =	wrdreg s19;
	s18 =	simm.s32 $0xE00;
	s10 =	sshrl.u32 s12, $0x3  }
0x23: {  	s8 =	simm.s32 $0x80;
	[dreg:$0x19] =	wrdreg s18;
	s10 =	sadd.s32 s2, s10  }
0x24: {  	s19 =	simm.s32 $0x700;
	[smem:$0x7F5] =	sst s10;
	s10 =	sadd.s32 $0x4000, s9  }
0x25: {  	s1 =	simm.s32 $0x1;
	[dreg:$0x1a] =	wrdreg s19;
	s17 =	sadd.s32 s7, s10  }
0x26: {  	s18 =	simm.s32 $0x0;
	s12 =	sshrl.u32 s17, $0x3;
	s17 =	simm.s32 $0x680  }
0x27: {  	s23 =	sadd.s32 s10, s3;
	s12 =	sadd.s32 s2, s12;
	[dreg:$0x18] =	wrdreg s17  }
0x28: {  	s26 =	sshrl.u32 s23, $0x3;
	[smem:$0x7F6] =	sst s12;
	s12 =	sadd.s32 $0x8000, s9  }
0x29: {  	s10 =	simm.s32 $0x5;
	[smem:$0x7FD] =	sst s26;
	s13 =	sadd.s32 s7, s12  }
0x2a: {  	s26 =	sadd.s32 $0x12C00, s11;
	s17 =	simm.s32 $0xF00;
	s13 =	sshrl.u32 s13, $0x3  }
0x2b: {  	s24 =	sadd.s32 s12, s3;
	s12 =	simm.s32 $0x3;
	s13 =	sadd.s32 s2, s13  }
0x2c: {  	[smem:$0x7F7] =	sst s13;
	s13 =	sadd.s32 $0xC000, s9;
	s9 =	sadd.s32 $0x10000, s9  }
0x2d: {  	s23 =	sshrl.u32 s24, $0x3;
	s14 =	sadd.s32 s7, s13;
	s7 =	sadd.s32 s7, s9  }
0x2e: {  	s25 =	sadd.s32 s13, s3;
	s9 =	sadd.s32 s9, s3;
	s13 =	simm.s32 $0x6  }
0x2f: {  	s14 =	sshrl.u32 s14, $0x3;
	s7 =	sshrl.u32 s7, $0x3;
	s24 =	sshrl.u32 s25, $0x3  }
0x30: {  	s25 =	sshrl.u32 s9, $0x3;
	s9 =	simm.s32 $0x5000;
	s14 =	sadd.s32 s2, s14  }
0x31: {  	s2 =	sadd.s32 s2, s7;
	s7 =	simm.s32 $0xF80;
	[smem:$0x7F8] =	sst s14  }
0x32: {  	v0 =	vimm.f32 $0.0e+00;
	[smem:$0x7F9] =	sst s2;
	s2 =	simm.s32 $0x7D;
	s14 =	simm.s32 $0x4  }
.LBB2_1:
0x33: {  	s19 =	rddreg [dreg:$0x1c]  }
0x34: {  	[tilespmem:s4], [sflag:$0x1] =	stream.linear.gather [hbm4b:s19+s4], $0x400, $0x38;
	[tilespmem:$0x1D000] =	vst v63  }
0x35: {  	s20 =	rddreg [dreg:$0x1d]  }
0x36: {  	[tilespmem:s28], [sflag:$0x1] =	stream.linear.gather [hbm4b:s20+s4], $0x400, $0x38;
	[tilespmem:$0x1D000] =	vst v63  }
0x37: {  	s21 =	rddreg [dreg:$0x1e]  }
0x38: {  	[tilespmem:s29], [sflag:$0x2] =	stream.linear.gather [hbm4b:s21+s4], $0x400, $0x38;
	[tilespmem:$0x1D000] =	vst v63  }
0x39: {  	s22 =	rddreg [dreg:$0x1f];
	s19 =	simm.s32 $0x0;
	s20 =	simm.s32 $0x200  }
0x3a: {  	[tilespmem:s30], [sflag:$0x2] =	stream.linear.gather [hbm4b:s22+s4], $0x400, $0x38;
	[tilespmem:$0x1D000] =	vst v63  }
.LBB2_2:
0x3b: {  	p0 =	sne.s32 s20, $0xEE00;
	[tilespmem:s19+$0x1070] =	vst v0  }
0x3c: {  	[tilespmem:s19+$0x1000] =	vst v0  }
0x3d: {  	[tilespmem:s19+$0x1010] =	vst v0  }
.Ltmp0:
0x3e: {  	[tilespmem:s19+$0x1020] =	vst v0;
	(pc) =	sbr.rel @p0 .LBB2_2-.Ltmp0, $4  }
0x3f: {  	[tilespmem:s19+$0x1030] =	vst v0  }
0x40: {  	[tilespmem:s19+$0x1040] =	vst v0  }
0x41: {  	[tilespmem:s19+$0x1050] =	vst v0  }
0x42: {  	[tilespmem:s19+$0x1060] =	vst v0;
	s19 =	sshra.s32 s20, $0x2;
	s20 =	sadd.s32 $0x200, s20  }
0x43: {  	[tilespmem:s19+$0x1070] =	vst v0  }
0x44: {  	[tilespmem:s19+$0x1000] =	vst v0  }
0x45: {  	[tilespmem:s19+$0x1010] =	vst v0  }
0x46: {  	[tilespmem:s19+$0x1020] =	vst v0  }
0x47: {  	[tilespmem:s19+$0x1030] =	vst v0  }
0x48: {  	[tilespmem:s19+$0x1040] =	vst v0  }
0x49: {  	[tilespmem:s19+$0x1050] =	vst v0  }
0x4a: {  	[tilespmem:s19+$0x1060] =	vst v0;
	s22 =	sld [smem:$0x7F3]  }
0x4b: {  	[spmem:s11] =	stream.linear.scatter [tilespmem:s31], [sflag:$0x5], $0x3C00, $0x38;
	[tilespmem:$0x1D000] =	vst v63  }
0x4c: {  	s20 =	sld [smem:$0x7F4]  }
0x4d: {  	[spmem:s22] =	stream.linear.scatter [tilespmem:s31], [sflag:$0x5], $0x3C00, $0x38;
	[tilespmem:$0x1D000] =	vst v63  }
0x4e: {  	s21 =	sld [smem:$0x7FA]  }
0x4f: {  	[spmem:s20] =	stream.linear.scatter [tilespmem:s31], [sflag:$0x5], $0x3C00, $0x38;
	[tilespmem:$0x1D000] =	vst v63  }
0x50: {  	s22 =	sld [smem:$0x7FB]  }
0x51: {  	[spmem:s21] =	stream.linear.scatter [tilespmem:s31], [sflag:$0x5], $0x3C00, $0x38;
	[tilespmem:$0x1D000] =	vst v63  }
0x52: {  	_ = 	snop  }
0x53: {  	[spmem:s22] =	stream.linear.scatter [tilespmem:s31], [sflag:$0x5], $0x3C00, $0x38;
	[tilespmem:$0x1D000] =	vst v63  }
0x54: {  	_ = 	snop  }
0x55: {  	[spmem:s26] =	stream.linear.scatter [tilespmem:s31], [sflag:$0x5], $0x1400, $0x38;
	[tilespmem:$0x1D000] =	vst v63  }
0x56: {  	_ =	swait.ge [sflag:s1], $0x400  }
0x57: {  	[sflag:s1] =	ssyncset.done $0x0  }
0x58: {  	[sflag:s1] =	ssyncadd.s32 $0xFFFFFC00  }
0x59: {  	_ =	swait.ge [sflag:s1], $0x400  }
0x5a: {  	[sflag:s1] =	ssyncset.done $0x0  }
0x5b: {  	[sflag:s1] =	ssyncadd.s32 $0xFFFFFC00  }
0x5c: {  	[tilespmem:s9], [sflag:$0x4] =	stream.indirect.gather [hbm4b:s0+s2], $0x80, s8, s2, $0xb8;
	[tilespmem:$0x1D000] =	vst v63  }
0x5d: {  	_ =	swait.ge [sflag:s10], $0x3C00  }
0x5e: {  	[sflag:s10] =	ssyncset.done $0x0  }
0x5f: {  	[sflag:s10] =	ssyncadd.s32 $0xFFFFC400  }
0x60: {  	_ =	swait.ge [sflag:s10], $0x3C00  }
0x61: {  	[sflag:s10] =	ssyncset.done $0x0  }
0x62: {  	[sflag:s10] =	ssyncadd.s32 $0xFFFFC400  }
0x63: {  	_ =	swait.ge [sflag:s10], $0x3C00  }
0x64: {  	[sflag:s10] =	ssyncset.done $0x0  }
0x65: {  	[sflag:s10] =	ssyncadd.s32 $0xFFFFC400  }
0x66: {  	_ =	swait.ge [sflag:s10], $0x3C00  }
0x67: {  	[sflag:s10] =	ssyncset.done $0x0  }
0x68: {  	[sflag:s10] =	ssyncadd.s32 $0xFFFFC400  }
0x69: {  	_ =	swait.ge [sflag:s10], $0x3C00  }
0x6a: {  	[sflag:s10] =	ssyncset.done $0x0  }
0x6b: {  	[sflag:s10] =	ssyncadd.s32 $0xFFFFC400  }
0x6c: {  	_ =	swait.ge [sflag:s10], $0x1400  }
0x6d: {  	[sflag:s10] =	ssyncset.done $0x0  }
0x6e: {  	[sflag:s10] =	ssyncadd.s32 $0xFFFFEC00  }
0x6f: {  	[tilespmem:s31], [sflag:$0x3] =	stream.indirect.gather [hbm4b:s0+s2], $0x80, s4, s2, $0xb8;
	[tilespmem:$0x1D000] =	vst v63  }
0x70: {  	[bflag:$0x0] =	sbarrier.arrive $0xFFFF  }
0x71: {  	_ =	swait.ge [sflag:s12], $0x3E80  }
0x72: {  	[sflag:s12] =	ssyncset.done $0x0  }
0x73: {  	[sflag:s12] =	ssyncadd.s32 $0xFFFFC180  }
0x74: {  	[spmem:s3] =	stream.indirect.scatter.add.f32 [tilespmem:s31], [sflag:$0x6], $0x80, s28, s2, $0xb8;
	[tilespmem:$0x1D000] =	vst v63  }
0x75: {  	_ =	swait.ge [sflag:s13], $0x3E80  }
0x76: {  	[sflag:s13] =	ssyncset.done $0x0  }
0x77: {  	s20 =	rddreg [dreg:$0x4];
	[sflag:s13] =	ssyncadd.s32 $0xFFFFC180  }
0x78: {  	[tilespmem:s31], [sflag:$0x3] =	stream.indirect.gather [hbm4b:s0+s2], $0x80, s20, s2, $0xb8;
	[tilespmem:$0x1D000] =	vst v63  }
0x79: {  	_ =	swait.ge [sflag:s14], $0x3E80  }
0x7a: {  	[sflag:s14] =	ssyncset.done $0x0  }
0x7b: {  	s21 =	rddreg [dreg:$0x5];
	[sflag:s14] =	ssyncadd.s32 $0xFFFFC180  }
0x7c: {  	[spmem:s3] =	stream.indirect.scatter.add.f32 [tilespmem:s9], [sflag:$0x6], $0x80, s21, s2, $0xb8;
	[tilespmem:$0x1D000] =	vst v63  }
0x7d: {  	_ =	swait.ge [sflag:s13], $0x3E80  }
0x7e: {  	[sflag:s13] =	ssyncset.done $0x0  }
0x7f: {  	s22 =	rddreg [dreg:$0x6];
	[sflag:s13] =	ssyncadd.s32 $0xFFFFC180  }
0x80: {  	[tilespmem:s9], [sflag:$0x4] =	stream.indirect.gather [hbm4b:s0+s2], $0x80, s22, s2, $0xb8;
	[tilespmem:$0x1D000] =	vst v63  }
0x81: {  	_ =	swait.ge [sflag:s12], $0x3E80  }
0x82: {  	[sflag:s12] =	ssyncset.done $0x0  }
0x83: {  	s20 =	rddreg [dreg:$0x7];
	[sflag:s12] =	ssyncadd.s32 $0xFFFFC180  }
0x84: {  	[spmem:s3] =	stream.indirect.scatter.add.f32 [tilespmem:s31], [sflag:$0x6], $0x80, s20, s2, $0xb8;
	[tilespmem:$0x1D000] =	vst v63  }
0x85: {  	_ =	swait.ge [sflag:s13], $0x3E80  }
0x86: {  	[sflag:s13] =	ssyncset.done $0x0  }
0x87: {  	s21 =	rddreg [dreg:$0x8];
	[sflag:s13] =	ssyncadd.s32 $0xFFFFC180  }
0x88: {  	[tilespmem:s31], [sflag:$0x3] =	stream.indirect.gather [hbm4b:s0+s2], $0x80, s21, s2, $0xb8;
	[tilespmem:$0x1D000] =	vst v63  }
0x89: {  	_ =	swait.ge [sflag:s14], $0x3E80  }
0x8a: {  	[sflag:s14] =	ssyncset.done $0x0  }
0x8b: {  	s22 =	rddreg [dreg:$0x9];
	[sflag:s14] =	ssyncadd.s32 $0xFFFFC180  }
0x8c: {  	[spmem:s3] =	stream.indirect.scatter.add.f32 [tilespmem:s9], [sflag:$0x6], $0x80, s22, s2, $0xb8;
	[tilespmem:$0x1D000] =	vst v63  }
0x8d: {  	_ =	swait.ge [sflag:s13], $0x3E80  }
0x8e: {  	[sflag:s13] =	ssyncset.done $0x0  }
0x8f: {  	s20 =	rddreg [dreg:$0xa];
	[sflag:s13] =	ssyncadd.s32 $0xFFFFC180  }
0x90: {  	[tilespmem:s9], [sflag:$0x4] =	stream.indirect.gather [hbm4b:s0+s2], $0x80, s20, s2, $0xb8;
	[tilespmem:$0x1D000] =	vst v63  }
0x91: {  	_ =	swait.ge [sflag:s12], $0x3E80  }
0x92: {  	[sflag:s12] =	ssyncset.done $0x0  }
0x93: {  	s21 =	rddreg [dreg:$0xb];
	[sflag:s12] =	ssyncadd.s32 $0xFFFFC180  }
0x94: {  	[spmem:s3] =	stream.indirect.scatter.add.f32 [tilespmem:s31], [sflag:$0x6], $0x80, s21, s2, $0xb8;
	[tilespmem:$0x1D000] =	vst v63  }
0x95: {  	_ =	swait.ge [sflag:s13], $0x3E80  }
0x96: {  	[sflag:s13] =	ssyncset.done $0x0  }
0x97: {  	s22 =	rddreg [dreg:$0xc];
	[sflag:s13] =	ssyncadd.s32 $0xFFFFC180  }
0x98: {  	[tilespmem:s31], [sflag:$0x3] =	stream.indirect.gather [hbm4b:s0+s2], $0x80, s22, s2, $0xb8;
	[tilespmem:$0x1D000] =	vst v63  }
0x99: {  	_ =	swait.ge [sflag:s14], $0x3E80  }
0x9a: {  	[sflag:s14] =	ssyncset.done $0x0  }
0x9b: {  	s20 =	rddreg [dreg:$0xd];
	[sflag:s14] =	ssyncadd.s32 $0xFFFFC180  }
0x9c: {  	[spmem:s3] =	stream.indirect.scatter.add.f32 [tilespmem:s9], [sflag:$0x6], $0x80, s20, s2, $0xb8;
	[tilespmem:$0x1D000] =	vst v63  }
0x9d: {  	_ =	swait.ge [sflag:s13], $0x3E80  }
0x9e: {  	[sflag:s13] =	ssyncset.done $0x0  }
0x9f: {  	s21 =	rddreg [dreg:$0xe];
	[sflag:s13] =	ssyncadd.s32 $0xFFFFC180  }
0xa0: {  	[tilespmem:s9], [sflag:$0x4] =	stream.indirect.gather [hbm4b:s0+s2], $0x80, s21, s2, $0xb8;
	[tilespmem:$0x1D000] =	vst v63  }
0xa1: {  	_ =	swait.ge [sflag:s12], $0x3E80  }
0xa2: {  	[sflag:s12] =	ssyncset.done $0x0  }
0xa3: {  	s22 =	rddreg [dreg:$0xf];
	[sflag:s12] =	ssyncadd.s32 $0xFFFFC180  }
0xa4: {  	[spmem:s3] =	stream.indirect.scatter.add.f32 [tilespmem:s31], [sflag:$0x6], $0x80, s22, s2, $0xb8;
	[tilespmem:$0x1D000] =	vst v63  }
0xa5: {  	_ =	swait.ge [sflag:s13], $0x3E80  }
0xa6: {  	[sflag:s13] =	ssyncset.done $0x0  }
0xa7: {  	[sflag:s13] =	ssyncadd.s32 $0xFFFFC180  }
0xa8: {  	_ =	swait.ge [sflag:s15], $0x400  }
0xa9: {  	[sflag:s15] =	ssyncset.done $0x0  }
0xaa: {  	[sflag:s15] =	ssyncadd.s32 $0xFFFFFC00  }
0xab: {  	_ =	swait.ge [sflag:s15], $0x400  }
0xac: {  	[sflag:s15] =	ssyncset.done $0x0  }
0xad: {  	[sflag:s15] =	ssyncadd.s32 $0xFFFFFC00  }
0xae: {  	[tilespmem:s31], [sflag:$0x3] =	stream.indirect.gather [hbm4b:s0+s2], $0x80, s29, s2, $0xb8;
	[tilespmem:$0x1D000] =	vst v63  }
0xaf: {  	_ =	swait.ge [sflag:s14], $0x3E80  }
0xb0: {  	p0 =	por $0x0, $0x0;
	[sflag:s14] =	ssyncset.done $0x0  }
0xb1: {  	s19 =	simm.s32 $0x800;
	s20 =	rddreg [dreg:$0x10];
	[sflag:s14] =	ssyncadd.s32 $0xFFFFC180  }
0xb2: {  	[spmem:s3] =	stream.indirect.scatter.add.f32 [tilespmem:s9], [sflag:$0x6], $0x80, s20, s2, $0xb8;
	[tilespmem:$0x1D000] =	vst v63  }
0xb3: {  	s19 =	simm.s32 @p0 $0x0;
	_ =	swait.ge [sflag:s13], $0x3E80  }
0xb4: {  	s19 =	sadd.s32 s5, s19;
	[sflag:s13] =	ssyncset.done $0x0  }
0xb5: {  	s19 =	sshrl.u32 s19, $0x3;
	s20 =	rddreg [dreg:$0x11];
	[sflag:s13] =	ssyncadd.s32 $0xFFFFC180  }
0xb6: {  	[tilespmem:s9], [sflag:$0x4] =	stream.indirect.gather [hbm4b:s0+s2], $0x80, s20, s2, $0xb8;
	[tilespmem:$0x1D000] =	vst v63  }
0xb7: {  	s19 =	sadd.s32 s6, s19  }
0xb8: {  	[tilespmem:s4], [sflag:$0x1] =	stream.linear.gather [hbm4b:s19+s4], $0x400, $0x38;
	[tilespmem:$0x1D000] =	vst v63  }
0xb9: {  	s19 =	sadd.s32 $0xA000, s19  }
0xba: {  	[tilespmem:s28], [sflag:$0x1] =	stream.linear.gather [hbm4b:s19+s4], $0x400, $0x38;
	[tilespmem:$0x1D000] =	vst v63  }
0xbb: {  	_ =	swait.ge [sflag:s12], $0x3E80  }
0xbc: {  	[sflag:s12] =	ssyncset.done $0x0  }
0xbd: {  	[sflag:s12] =	ssyncadd.s32 $0xFFFFC180  }
0xbe: {  	[spmem:s3] =	stream.indirect.scatter.add.f32 [tilespmem:s31], [sflag:$0x6], $0x80, s30, s2, $0xb8;
	[tilespmem:$0x1D000] =	vst v63  }
0xbf: {  	_ =	swait.ge [sflag:s13], $0x3E80  }
0xc0: {  	[sflag:s13] =	ssyncset.done $0x0  }
0xc1: {  	s21 =	rddreg [dreg:$0x12];
	[sflag:s13] =	ssyncadd.s32 $0xFFFFC180  }
0xc2: {  	[tilespmem:s31], [sflag:$0x3] =	stream.indirect.gather [hbm4b:s0+s2], $0x80, s21, s2, $0xb8;
	[tilespmem:$0x1D000] =	vst v63  }
0xc3: {  	_ =	swait.ge [sflag:s14], $0x3E80  }
0xc4: {  	[sflag:s14] =	ssyncset.done $0x0  }
0xc5: {  	s22 =	rddreg [dreg:$0x13];
	[sflag:s14] =	ssyncadd.s32 $0xFFFFC180  }
0xc6: {  	[spmem:s3] =	stream.indirect.scatter.add.f32 [tilespmem:s9], [sflag:$0x6], $0x80, s22, s2, $0xb8;
	[tilespmem:$0x1D000] =	vst v63  }
0xc7: {  	_ =	swait.ge [sflag:s13], $0x3E80  }
0xc8: {  	[sflag:s13] =	ssyncset.done $0x0  }
0xc9: {  	s20 =	rddreg [dreg:$0x14];
	[sflag:s13] =	ssyncadd.s32 $0xFFFFC180  }
0xca: {  	[tilespmem:s9], [sflag:$0x4] =	stream.indirect.gather [hbm4b:s0+s2], $0x80, s20, s2, $0xb8;
	[tilespmem:$0x1D000] =	vst v63  }
0xcb: {  	_ =	swait.ge [sflag:s12], $0x3E80  }
0xcc: {  	[sflag:s12] =	ssyncset.done $0x0  }
0xcd: {  	s21 =	rddreg [dreg:$0x15];
	[sflag:s12] =	ssyncadd.s32 $0xFFFFC180  }
0xce: {  	[spmem:s3] =	stream.indirect.scatter.add.f32 [tilespmem:s31], [sflag:$0x6], $0x80, s21, s2, $0xb8;
	[tilespmem:$0x1D000] =	vst v63  }
0xcf: {  	_ =	swait.ge [sflag:s13], $0x3E80  }
0xd0: {  	[sflag:s13] =	ssyncset.done $0x0  }
0xd1: {  	s22 =	rddreg [dreg:$0x16];
	[sflag:s13] =	ssyncadd.s32 $0xFFFFC180  }
0xd2: {  	[tilespmem:s31], [sflag:$0x3] =	stream.indirect.gather [hbm4b:s0+s2], $0x80, s22, s2, $0xb8;
	[tilespmem:$0x1D000] =	vst v63  }
0xd3: {  	_ =	swait.ge [sflag:s14], $0x3E80  }
0xd4: {  	[sflag:s14] =	ssyncset.done $0x0  }
0xd5: {  	s20 =	rddreg [dreg:$0x17];
	[sflag:s14] =	ssyncadd.s32 $0xFFFFC180  }
0xd6: {  	[spmem:s3] =	stream.indirect.scatter.add.f32 [tilespmem:s9], [sflag:$0x6], $0x80, s20, s2, $0xb8;
	[tilespmem:$0x1D000] =	vst v63  }
0xd7: {  	_ =	swait.ge [sflag:s13], $0x3E80  }
0xd8: {  	[sflag:s13] =	ssyncset.done $0x0  }
0xd9: {  	s21 =	rddreg [dreg:$0x18];
	[sflag:s13] =	ssyncadd.s32 $0xFFFFC180  }
0xda: {  	[tilespmem:s9], [sflag:$0x4] =	stream.indirect.gather [hbm4b:s0+s2], $0x80, s21, s2, $0xb8;
	[tilespmem:$0x1D000] =	vst v63  }
0xdb: {  	_ =	swait.ge [sflag:s12], $0x3E80  }
0xdc: {  	[sflag:s12] =	ssyncset.done $0x0  }
0xdd: {  	s22 =	rddreg [dreg:$0x19];
	[sflag:s12] =	ssyncadd.s32 $0xFFFFC180  }
0xde: {  	[spmem:s3] =	stream.indirect.scatter.add.f32 [tilespmem:s31], [sflag:$0x6], $0x80, s22, s2, $0xb8;
	[tilespmem:$0x1D000] =	vst v63  }
0xdf: {  	_ =	swait.ge [sflag:s13], $0x3E80  }
0xe0: {  	[sflag:s13] =	ssyncset.done $0x0  }
0xe1: {  	s20 =	rddreg [dreg:$0x1a];
	[sflag:s13] =	ssyncadd.s32 $0xFFFFC180  }
0xe2: {  	[tilespmem:s31], [sflag:$0x3] =	stream.indirect.gather [hbm4b:s0+s2], $0x80, s20, s2, $0xb8;
	[tilespmem:$0x1D000] =	vst v63  }
0xe3: {  	_ =	swait.ge [sflag:s14], $0x3E80  }
0xe4: {  	[sflag:s14] =	ssyncset.done $0x0  }
0xe5: {  	s21 =	rddreg [dreg:$0x1b];
	[sflag:s14] =	ssyncadd.s32 $0xFFFFC180  }
0xe6: {  	[spmem:s3] =	stream.indirect.scatter.add.f32 [tilespmem:s9], [sflag:$0x6], $0x80, s21, s2, $0xb8;
	[tilespmem:$0x1D000] =	vst v63  }
0xe7: {  	_ =	swait.ge [sflag:s13], $0x3E80  }
0xe8: {  	[sflag:s13] =	ssyncset.done $0x0  }
0xe9: {  	[sflag:s13] =	ssyncadd.s32 $0xFFFFC180  }
0xea: {  	[tilespmem:s9], [sflag:$0x4] =	stream.indirect.gather [hbm4b:s0+s2], $0x80, s16, s2, $0xb8;
	[tilespmem:$0x1D000] =	vst v63  }
0xeb: {  	_ =	swait.ge [sflag:s12], $0x3E80  }
0xec: {  	[sflag:s12] =	ssyncset.done $0x0  }
0xed: {  	[sflag:s12] =	ssyncadd.s32 $0xFFFFC180  }
0xee: {  	[spmem:s3] =	stream.indirect.scatter.add.f32 [tilespmem:s31], [sflag:$0x6], $0x80, s17, s2, $0xb8;
	[tilespmem:$0x1D000] =	vst v63  }
0xef: {  	_ =	swait.ge [sflag:s13], $0x3E80  }
0xf0: {  	[sflag:s13] =	ssyncset.done $0x0  }
0xf1: {  	[sflag:s13] =	ssyncadd.s32 $0xFFFFC180  }
0xf2: {  	_ =	swait.ge [sflag:s1], $0x400  }
0xf3: {  	[sflag:s1] =	ssyncset.done $0x0  }
0xf4: {  	[sflag:s1] =	ssyncadd.s32 $0xFFFFFC00  }
0xf5: {  	_ =	swait.ge [sflag:s1], $0x400  }
0xf6: {  	[sflag:s1] =	ssyncset.done $0x0  }
0xf7: {  	[sflag:s1] =	ssyncadd.s32 $0xFFFFFC00  }
0xf8: {  	[tilespmem:s31], [sflag:$0x3] =	stream.indirect.gather [hbm4b:s0+s2], $0x80, s4, s2, $0xb8;
	[tilespmem:$0x1D000] =	vst v63  }
0xf9: {  	_ =	swait.ge [sflag:s14], $0x3E80  }
0xfa: {  	s19 =	simm.s32 $0xC00;
	[sflag:s14] =	ssyncset.done $0x0  }
0xfb: {  	s19 =	simm.s32 @p0 $0x400;
	[sflag:s14] =	ssyncadd.s32 $0xFFFFC180  }
0xfc: {  	[spmem:s3] =	stream.indirect.scatter.add.f32 [tilespmem:s9], [sflag:$0x6], $0x80, s7, s2, $0xb8;
	[tilespmem:$0x1D000] =	vst v63  }
0xfd: {  	s19 =	sadd.s32 s5, s19;
	_ =	swait.ge [sflag:s13], $0x3E80  }
0xfe: {  	s19 =	sshrl.u32 s19, $0x3;
	[sflag:s13] =	ssyncset.done $0x0  }
0xff: {  	s22 =	sadd.s32 s6, s19;
	[sflag:s13] =	ssyncadd.s32 $0xFFFFC180  }
0x100: {  	[tilespmem:s9], [sflag:$0x4] =	stream.indirect.gather [hbm4b:s0+s2], $0x80, s8, s2, $0xb8;
	[tilespmem:$0x1D000] =	vst v63  }
0x101: {  	s19 =	simm.s32 $0x1400;
	s21 =	sadd.s32 $0xA000, s22  }
0x102: {  	[tilespmem:s29], [sflag:$0x2] =	stream.linear.gather [hbm4b:s22+s4], $0x400, $0x38;
	[tilespmem:$0x1D000] =	vst v63  }
.LBB2_4:
0x103: {  	[tilespmem:s30], [sflag:$0x2] =	stream.linear.gather [hbm4b:s21+s4], $0x400, $0x38;
	[tilespmem:$0x1D000] =	vst v63  }
0x104: {  	_ =	swait.ge [sflag:s12], $0x3E80  }
0x105: {  	[sflag:s12] =	ssyncset.done $0x0  }
0x106: {  	[sflag:s12] =	ssyncadd.s32 $0xFFFFC180  }
0x107: {  	[spmem:s3] =	stream.indirect.scatter.add.f32 [tilespmem:s31], [sflag:$0x6], $0x80, s28, s2, $0xb8;
	[tilespmem:$0x1D000] =	vst v63  }
0x108: {  	_ =	swait.ge [sflag:s13], $0x3E80  }
0x109: {  	[sflag:s13] =	ssyncset.done $0x0  }
0x10a: {  	s22 =	rddreg [dreg:$0x4];
	[sflag:s13] =	ssyncadd.s32 $0xFFFFC180  }
0x10b: {  	[tilespmem:s31], [sflag:$0x3] =	stream.indirect.gather [hbm4b:s0+s2], $0x80, s22, s2, $0xb8;
	[tilespmem:$0x1D000] =	vst v63  }
0x10c: {  	_ =	swait.ge [sflag:s14], $0x3E80  }
0x10d: {  	[sflag:s14] =	ssyncset.done $0x0  }
0x10e: {  	s22 =	rddreg [dreg:$0x5];
	[sflag:s14] =	ssyncadd.s32 $0xFFFFC180  }
0x10f: {  	[spmem:s3] =	stream.indirect.scatter.add.f32 [tilespmem:s9], [sflag:$0x6], $0x80, s22, s2, $0xb8;
	[tilespmem:$0x1D000] =	vst v63  }
0x110: {  	_ =	swait.ge [sflag:s13], $0x3E80  }
0x111: {  	[sflag:s13] =	ssyncset.done $0x0  }
0x112: {  	s22 =	rddreg [dreg:$0x6];
	[sflag:s13] =	ssyncadd.s32 $0xFFFFC180  }
0x113: {  	[tilespmem:s9], [sflag:$0x4] =	stream.indirect.gather [hbm4b:s0+s2], $0x80, s22, s2, $0xb8;
	[tilespmem:$0x1D000] =	vst v63  }
0x114: {  	_ =	swait.ge [sflag:s12], $0x3E80  }
0x115: {  	[sflag:s12] =	ssyncset.done $0x0  }
0x116: {  	s22 =	rddreg [dreg:$0x7];
	[sflag:s12] =	ssyncadd.s32 $0xFFFFC180  }
0x117: {  	[spmem:s3] =	stream.indirect.scatter.add.f32 [tilespmem:s31], [sflag:$0x6], $0x80, s22, s2, $0xb8;
	[tilespmem:$0x1D000] =	vst v63  }
0x118: {  	_ =	swait.ge [sflag:s13], $0x3E80  }
0x119: {  	[sflag:s13] =	ssyncset.done $0x0  }
0x11a: {  	s22 =	rddreg [dreg:$0x8];
	[sflag:s13] =	ssyncadd.s32 $0xFFFFC180  }
0x11b: {  	[tilespmem:s31], [sflag:$0x3] =	stream.indirect.gather [hbm4b:s0+s2], $0x80, s22, s2, $0xb8;
	[tilespmem:$0x1D000] =	vst v63  }
0x11c: {  	_ =	swait.ge [sflag:s14], $0x3E80  }
0x11d: {  	[sflag:s14] =	ssyncset.done $0x0  }
0x11e: {  	s22 =	rddreg [dreg:$0x9];
	[sflag:s14] =	ssyncadd.s32 $0xFFFFC180  }
0x11f: {  	[spmem:s3] =	stream.indirect.scatter.add.f32 [tilespmem:s9], [sflag:$0x6], $0x80, s22, s2, $0xb8;
	[tilespmem:$0x1D000] =	vst v63  }
0x120: {  	_ =	swait.ge [sflag:s13], $0x3E80  }
0x121: {  	[sflag:s13] =	ssyncset.done $0x0  }
0x122: {  	s22 =	rddreg [dreg:$0xa];
	[sflag:s13] =	ssyncadd.s32 $0xFFFFC180  }
0x123: {  	[tilespmem:s9], [sflag:$0x4] =	stream.indirect.gather [hbm4b:s0+s2], $0x80, s22, s2, $0xb8;
	[tilespmem:$0x1D000] =	vst v63  }
0x124: {  	_ =	swait.ge [sflag:s12], $0x3E80  }
0x125: {  	[sflag:s12] =	ssyncset.done $0x0  }
0x126: {  	s22 =	rddreg [dreg:$0xb];
	[sflag:s12] =	ssyncadd.s32 $0xFFFFC180  }
0x127: {  	[spmem:s3] =	stream.indirect.scatter.add.f32 [tilespmem:s31], [sflag:$0x6], $0x80, s22, s2, $0xb8;
	[tilespmem:$0x1D000] =	vst v63  }
0x128: {  	_ =	swait.ge [sflag:s13], $0x3E80  }
0x129: {  	[sflag:s13] =	ssyncset.done $0x0  }
0x12a: {  	s22 =	rddreg [dreg:$0xc];
	[sflag:s13] =	ssyncadd.s32 $0xFFFFC180  }
0x12b: {  	[tilespmem:s31], [sflag:$0x3] =	stream.indirect.gather [hbm4b:s0+s2], $0x80, s22, s2, $0xb8;
	[tilespmem:$0x1D000] =	vst v63  }
0x12c: {  	_ =	swait.ge [sflag:s14], $0x3E80  }
0x12d: {  	[sflag:s14] =	ssyncset.done $0x0  }
0x12e: {  	s22 =	rddreg [dreg:$0xd];
	[sflag:s14] =	ssyncadd.s32 $0xFFFFC180  }
0x12f: {  	[spmem:s3] =	stream.indirect.scatter.add.f32 [tilespmem:s9], [sflag:$0x6], $0x80, s22, s2, $0xb8;
	[tilespmem:$0x1D000] =	vst v63  }
0x130: {  	_ =	swait.ge [sflag:s13], $0x3E80  }
0x131: {  	[sflag:s13] =	ssyncset.done $0x0  }
0x132: {  	s22 =	rddreg [dreg:$0xe];
	[sflag:s13] =	ssyncadd.s32 $0xFFFFC180  }
0x133: {  	[tilespmem:s9], [sflag:$0x4] =	stream.indirect.gather [hbm4b:s0+s2], $0x80, s22, s2, $0xb8;
	[tilespmem:$0x1D000] =	vst v63  }
0x134: {  	_ =	swait.ge [sflag:s12], $0x3E80  }
0x135: {  	[sflag:s12] =	ssyncset.done $0x0  }
0x136: {  	s22 =	rddreg [dreg:$0xf];
	[sflag:s12] =	ssyncadd.s32 $0xFFFFC180  }
0x137: {  	[spmem:s3] =	stream.indirect.scatter.add.f32 [tilespmem:s31], [sflag:$0x6], $0x80, s22, s2, $0xb8;
	[tilespmem:$0x1D000] =	vst v63  }
0x138: {  	_ =	swait.ge [sflag:s13], $0x3E80  }
0x139: {  	[sflag:s13] =	ssyncset.done $0x0  }
0x13a: {  	[sflag:s13] =	ssyncadd.s32 $0xFFFFC180  }
0x13b: {  	_ =	swait.ge [sflag:s15], $0x400  }
0x13c: {  	[sflag:s15] =	ssyncset.done $0x0  }
0x13d: {  	[sflag:s15] =	ssyncadd.s32 $0xFFFFFC00  }
0x13e: {  	_ =	swait.ge [sflag:s15], $0x400  }
0x13f: {  	[sflag:s15] =	ssyncset.done $0x0  }
0x140: {  	[sflag:s15] =	ssyncadd.s32 $0xFFFFFC00  }
0x141: {  	[tilespmem:s31], [sflag:$0x3] =	stream.indirect.gather [hbm4b:s0+s2], $0x80, s29, s2, $0xb8;
	[tilespmem:$0x1D000] =	vst v63  }
0x142: {  	s20 =	smov.u32 s19;
	_ =	swait.ge [sflag:s14], $0x3E80  }
0x143: {  	p1 =	seq.s32 s20, $0x2C00;
	[sflag:s14] =	ssyncset.done $0x0  }
0x144: {  	s21 =	sadd.s32 $0xFFFFFC00, s20;
	s22 =	rddreg [dreg:$0x10];
	[sflag:s14] =	ssyncadd.s32 $0xFFFFC180  }
0x145: {  	[spmem:s3] =	stream.indirect.scatter.add.f32 [tilespmem:s9], [sflag:$0x6], $0x80, s22, s2, $0xb8;
	[tilespmem:$0x1D000] =	vst v63  }
0x146: {  	s21 =	simm.s32 @p1 $0x0;
	_ =	swait.ge [sflag:s13], $0x3E80  }
0x147: {  	s21 =	sadd.s32 s5, s21;
	[sflag:s13] =	ssyncset.done $0x0  }
0x148: {  	s21 =	sshrl.u32 s21, $0x3;
	s22 =	rddreg [dreg:$0x11];
	[sflag:s13] =	ssyncadd.s32 $0xFFFFC180  }
0x149: {  	[tilespmem:s9], [sflag:$0x4] =	stream.indirect.gather [hbm4b:s0+s2], $0x80, s22, s2, $0xb8;
	[tilespmem:$0x1D000] =	vst v63  }
0x14a: {  	s21 =	sadd.s32 s6, s21  }
0x14b: {  	[tilespmem:s4], [sflag:$0x1] =	stream.linear.gather [hbm4b:s21+s4], $0x400, $0x38;
	[tilespmem:$0x1D000] =	vst v63  }
0x14c: {  	s21 =	sadd.s32 $0xA000, s21  }
0x14d: {  	[tilespmem:s28], [sflag:$0x1] =	stream.linear.gather [hbm4b:s21+s4], $0x400, $0x38;
	[tilespmem:$0x1D000] =	vst v63  }
0x14e: {  	_ =	swait.ge [sflag:s12], $0x3E80  }
0x14f: {  	[sflag:s12] =	ssyncset.done $0x0  }
0x150: {  	[sflag:s12] =	ssyncadd.s32 $0xFFFFC180  }
0x151: {  	[spmem:s3] =	stream.indirect.scatter.add.f32 [tilespmem:s31], [sflag:$0x6], $0x80, s30, s2, $0xb8;
	[tilespmem:$0x1D000] =	vst v63  }
0x152: {  	_ =	swait.ge [sflag:s13], $0x3E80  }
0x153: {  	[sflag:s13] =	ssyncset.done $0x0  }
0x154: {  	s22 =	rddreg [dreg:$0x12];
	[sflag:s13] =	ssyncadd.s32 $0xFFFFC180  }
0x155: {  	[tilespmem:s31], [sflag:$0x3] =	stream.indirect.gather [hbm4b:s0+s2], $0x80, s22, s2, $0xb8;
	[tilespmem:$0x1D000] =	vst v63  }
0x156: {  	_ =	swait.ge [sflag:s14], $0x3E80  }
0x157: {  	[sflag:s14] =	ssyncset.done $0x0  }
0x158: {  	s22 =	rddreg [dreg:$0x13];
	[sflag:s14] =	ssyncadd.s32 $0xFFFFC180  }
0x159: {  	[spmem:s3] =	stream.indirect.scatter.add.f32 [tilespmem:s9], [sflag:$0x6], $0x80, s22, s2, $0xb8;
	[tilespmem:$0x1D000] =	vst v63  }
0x15a: {  	_ =	swait.ge [sflag:s13], $0x3E80  }
0x15b: {  	[sflag:s13] =	ssyncset.done $0x0  }
0x15c: {  	s22 =	rddreg [dreg:$0x14];
	[sflag:s13] =	ssyncadd.s32 $0xFFFFC180  }
0x15d: {  	[tilespmem:s9], [sflag:$0x4] =	stream.indirect.gather [hbm4b:s0+s2], $0x80, s22, s2, $0xb8;
	[tilespmem:$0x1D000] =	vst v63  }
0x15e: {  	_ =	swait.ge [sflag:s12], $0x3E80  }
0x15f: {  	[sflag:s12] =	ssyncset.done $0x0  }
0x160: {  	s22 =	rddreg [dreg:$0x15];
	[sflag:s12] =	ssyncadd.s32 $0xFFFFC180  }
0x161: {  	[spmem:s3] =	stream.indirect.scatter.add.f32 [tilespmem:s31], [sflag:$0x6], $0x80, s22, s2, $0xb8;
	[tilespmem:$0x1D000] =	vst v63  }
0x162: {  	_ =	swait.ge [sflag:s13], $0x3E80  }
0x163: {  	[sflag:s13] =	ssyncset.done $0x0  }
0x164: {  	s22 =	rddreg [dreg:$0x16];
	[sflag:s13] =	ssyncadd.s32 $0xFFFFC180  }
0x165: {  	[tilespmem:s31], [sflag:$0x3] =	stream.indirect.gather [hbm4b:s0+s2], $0x80, s22, s2, $0xb8;
	[tilespmem:$0x1D000] =	vst v63  }
0x166: {  	_ =	swait.ge [sflag:s14], $0x3E80  }
0x167: {  	[sflag:s14] =	ssyncset.done $0x0  }
0x168: {  	s22 =	rddreg [dreg:$0x17];
	[sflag:s14] =	ssyncadd.s32 $0xFFFFC180  }
0x169: {  	[spmem:s3] =	stream.indirect.scatter.add.f32 [tilespmem:s9], [sflag:$0x6], $0x80, s22, s2, $0xb8;
	[tilespmem:$0x1D000] =	vst v63  }
0x16a: {  	_ =	swait.ge [sflag:s13], $0x3E80  }
0x16b: {  	[sflag:s13] =	ssyncset.done $0x0  }
0x16c: {  	s22 =	rddreg [dreg:$0x18];
	[sflag:s13] =	ssyncadd.s32 $0xFFFFC180  }
0x16d: {  	[tilespmem:s9], [sflag:$0x4] =	stream.indirect.gather [hbm4b:s0+s2], $0x80, s22, s2, $0xb8;
	[tilespmem:$0x1D000] =	vst v63  }
0x16e: {  	_ =	swait.ge [sflag:s12], $0x3E80  }
0x16f: {  	[sflag:s12] =	ssyncset.done $0x0  }
0x170: {  	s22 =	rddreg [dreg:$0x19];
	[sflag:s12] =	ssyncadd.s32 $0xFFFFC180  }
0x171: {  	[spmem:s3] =	stream.indirect.scatter.add.f32 [tilespmem:s31], [sflag:$0x6], $0x80, s22, s2, $0xb8;
	[tilespmem:$0x1D000] =	vst v63  }
0x172: {  	_ =	swait.ge [sflag:s13], $0x3E80  }
0x173: {  	[sflag:s13] =	ssyncset.done $0x0  }
0x174: {  	s22 =	rddreg [dreg:$0x1a];
	[sflag:s13] =	ssyncadd.s32 $0xFFFFC180  }
0x175: {  	[tilespmem:s31], [sflag:$0x3] =	stream.indirect.gather [hbm4b:s0+s2], $0x80, s22, s2, $0xb8;
	[tilespmem:$0x1D000] =	vst v63  }
0x176: {  	_ =	swait.ge [sflag:s14], $0x3E80  }
0x177: {  	[sflag:s14] =	ssyncset.done $0x0  }
0x178: {  	s22 =	rddreg [dreg:$0x1b];
	[sflag:s14] =	ssyncadd.s32 $0xFFFFC180  }
0x179: {  	[spmem:s3] =	stream.indirect.scatter.add.f32 [tilespmem:s9], [sflag:$0x6], $0x80, s22, s2, $0xb8;
	[tilespmem:$0x1D000] =	vst v63  }
0x17a: {  	_ =	swait.ge [sflag:s13], $0x3E80  }
0x17b: {  	[sflag:s13] =	ssyncset.done $0x0  }
0x17c: {  	[sflag:s13] =	ssyncadd.s32 $0xFFFFC180  }
0x17d: {  	[tilespmem:s9], [sflag:$0x4] =	stream.indirect.gather [hbm4b:s0+s2], $0x80, s16, s2, $0xb8;
	[tilespmem:$0x1D000] =	vst v63  }
0x17e: {  	_ =	swait.ge [sflag:s12], $0x3E80  }
0x17f: {  	[sflag:s12] =	ssyncset.done $0x0  }
0x180: {  	[sflag:s12] =	ssyncadd.s32 $0xFFFFC180  }
0x181: {  	[spmem:s3] =	stream.indirect.scatter.add.f32 [tilespmem:s31], [sflag:$0x6], $0x80, s17, s2, $0xb8;
	[tilespmem:$0x1D000] =	vst v63  }
0x182: {  	_ =	swait.ge [sflag:s13], $0x3E80  }
0x183: {  	[sflag:s13] =	ssyncset.done $0x0  }
0x184: {  	[sflag:s13] =	ssyncadd.s32 $0xFFFFC180  }
0x185: {  	_ =	swait.ge [sflag:s1], $0x400  }
0x186: {  	[sflag:s1] =	ssyncset.done $0x0  }
0x187: {  	[sflag:s1] =	ssyncadd.s32 $0xFFFFFC00  }
0x188: {  	_ =	swait.ge [sflag:s1], $0x400  }
0x189: {  	[sflag:s1] =	ssyncset.done $0x0  }
0x18a: {  	[sflag:s1] =	ssyncadd.s32 $0xFFFFFC00  }
0x18b: {  	[tilespmem:s31], [sflag:$0x3] =	stream.indirect.gather [hbm4b:s0+s2], $0x80, s4, s2, $0xb8;
	[tilespmem:$0x1D000] =	vst v63  }
0x18c: {  	_ =	swait.ge [sflag:s14], $0x3E80  }
0x18d: {  	[sflag:s14] =	ssyncset.done $0x0  }
0x18e: {  	s20 =	simm.s32 @p1 $0x400;
	[sflag:s14] =	ssyncadd.s32 $0xFFFFC180  }
0x18f: {  	[spmem:s3] =	stream.indirect.scatter.add.f32 [tilespmem:s9], [sflag:$0x6], $0x80, s7, s2, $0xb8;
	[tilespmem:$0x1D000] =	vst v63  }
0x190: {  	p0 =	sne.s32 s19, $0x2C00;
	s20 =	sadd.s32 s5, s20;
	_ =	swait.ge [sflag:s13], $0x3E80  }
.Ltmp1:
0x191: {  	s20 =	sshrl.u32 s20, $0x3;
	[sflag:s13] =	ssyncset.done $0x0;
	(pc) =	sbr.rel @p0 .LBB2_4-.Ltmp1, $4  }
0x192: {  	s20 =	sadd.s32 s6, s20;
	[sflag:s13] =	ssyncadd.s32 $0xFFFFC180  }
0x193: {  	[tilespmem:s9], [sflag:$0x4] =	stream.indirect.gather [hbm4b:s0+s2], $0x80, s8, s2, $0xb8;
	[tilespmem:$0x1D000] =	vst v63  }
0x194: {  	s19 =	sadd.s32 $0x800, s19;
	s21 =	sadd.s32 $0xA000, s20  }
0x195: {  	[tilespmem:s29], [sflag:$0x2] =	stream.linear.gather [hbm4b:s20+s4], $0x400, $0x38;
	[tilespmem:$0x1D000] =	vst v63  }
0x196: {  	[tilespmem:s30], [sflag:$0x2] =	stream.linear.gather [hbm4b:s21+s4], $0x400, $0x38;
	[tilespmem:$0x1D000] =	vst v63  }
0x197: {  	_ =	swait.ge [sflag:s12], $0x3E80  }
0x198: {  	[sflag:s12] =	ssyncset.done $0x0  }
0x199: {  	[sflag:s12] =	ssyncadd.s32 $0xFFFFC180  }
0x19a: {  	_ =	swait.ge [sflag:s14], $0x3E80  }
0x19b: {  	[sflag:s14] =	ssyncset.done $0x0  }
0x19c: {  	[sflag:s14] =	ssyncadd.s32 $0xFFFFC180  }
0x19d: {  	_ =	swait.ge [sflag:s15], $0x400  }
0x19e: {  	[sflag:s15] =	ssyncset.done $0x0  }
0x19f: {  	[sflag:s15] =	ssyncadd.s32 $0xFFFFFC00  }
0x1a0: {  	_ =	swait.ge [sflag:s15], $0x400  }
0x1a1: {  	[sflag:s15] =	ssyncset.done $0x0  }
0x1a2: {  	[sflag:s15] =	ssyncadd.s32 $0xFFFFFC00  }
0x1a3: {  	[bflag:$0x0] =	sbarrier.arrive $0xFFFF  }
0x1a4: {  	s19 =	stileid.u32;
	s22 =	sld [smem:$0x7F5]  }
0x1a5: {  	s19 =	sshll.u32 s19, $0x6  }
0x1a6: {  	s20 =	sshrl.u32 s11, $0x3;
	s19 =	sor.u32 $0x1C03, s19  }
0x1a7: {  	[hbm:s22], [sflag:s19] =	dma.local [spmem:s20], $0x800  }
0x1a8: {  	s20 =	sld [smem:$0x7F6]  }
0x1a9: {  	s21 =	sld [smem:$0x7FD];
	_ =	sdelay $0x2  }
0x1aa: {  	[hbm:s20], [sflag:s19] =	dma.local [spmem:s21], $0x800  }
0x1ab: {  	s20 =	sld [smem:$0x7F7];
	_ =	sdelay $0x2  }
0x1ac: {  	[hbm:s20], [sflag:s19] =	dma.local [spmem:s23], $0x800  }
0x1ad: {  	s20 =	sld [smem:$0x7F8];
	_ =	sdelay $0x2  }
0x1ae: {  	[hbm:s20], [sflag:s19] =	dma.local [spmem:s24], $0x800  }
0x1af: {  	s20 =	sld [smem:$0x7F9];
	_ =	sdelay $0x2  }
0x1b0: {  	[hbm:s20], [sflag:s19] =	dma.local [spmem:s25], $0x800  }
0x1b1: {  	_ =	swait.ge [sflag:s12], $0x800  }
0x1b2: {  	[sflag:s12] =	ssyncset.done $0x0  }
0x1b3: {  	[sflag:s12] =	ssyncadd.s32 $0xFFFFF800  }
0x1b4: {  	_ =	swait.ge [sflag:s12], $0x800  }
0x1b5: {  	[sflag:s12] =	ssyncset.done $0x0  }
0x1b6: {  	[sflag:s12] =	ssyncadd.s32 $0xFFFFF800  }
0x1b7: {  	_ =	swait.ge [sflag:s12], $0x800  }
0x1b8: {  	[sflag:s12] =	ssyncset.done $0x0  }
0x1b9: {  	[sflag:s12] =	ssyncadd.s32 $0xFFFFF800  }
0x1ba: {  	_ =	swait.ge [sflag:s12], $0x800  }
0x1bb: {  	[sflag:s12] =	ssyncset.done $0x0  }
0x1bc: {  	[sflag:s12] =	ssyncadd.s32 $0xFFFFF800  }
0x1bd: {  	_ =	swait.ge [sflag:s12], $0x800  }
0x1be: {  	s22 =	sld [smem:$0x7FC];
	_ =	sdelay $0x1  }
0x1bf: {  	s18 =	sadd.s32 $0x1, s18  }
0x1c0: {  	p0 =	sne.s32 s18, s22  }
.Ltmp2:
0x1c1: {  	_ = 	snop;
	(pc) =	sbr.rel @p0 .LBB2_1-.Ltmp2, $3  }
0x1c2: {  	_ =	sdelay $0x1  }
0x1c3: {  	[sflag:s12] =	ssyncset.done $0x0  }
0x1c4: {  	[sflag:s12] =	ssyncadd.s32 $0xFFFFF800  }
0x1c5: {  	_ =	sfence.sel $0x180000  }
0x1c6: {  	[bflag:$0x0] =	sbarrier.arrive $0xFFFF  }
0x1c7: {  	_ =	strace $0x9000004A  }
0x1c8: {  	s0 =	stileid.u32;
	[bflag:$0x2] =	sbarrier.arrive $0xFFFF  }
0x1c9: {  	p0 =	sne.s32 s0, $0x0;
	s0 =	rddreg [dreg:$0x3]  }
0x1ca: {  	s0 =	sadd.s32 @!p0 $0x100000, s0  }
0x1cb: {  	[sflag:s0] =	ssyncadd.tile.s32 @!p0 $0x1;
	_ =	shalt  }
.Lfunc_end2:
_tile_overlayer_lowered:
.L_overlay_start_2:
0x1cc: {  	(tag) =	ssettag $0x2  }
0x1cd: {  	s0 =	rddreg [dreg:$0x0];
	s2 =	stileid.u32  }
0x1ce: {  	s1 =	rddreg [dreg:$0x1];
	p0 =	sne.s32 s2, $0x0  }
0x1cf: {  	s3 =	rddreg [dreg:$0x2];
	[bflag:$0x3] =	sbarrier.arrive $0xFFFF;
	s2 =	simm.s32 @!p0 $0x1C06  }
0x1d0: {  	[timem:s3], [sflag:s2] =	dma.local @!p0 [hbm:s0], s1  }
0x1d1: {  	s0 =	simm.s32 @!p0 $0x6  }
0x1d2: {  	_ =	swait.ge @!p0 [sflag:s0], s1  }
0x1d3: {  	s1 =	ssub.s32 @!p0 $0x0, s1;
	[sflag:s0] =	ssyncset.done @!p0 $0x0  }
0x1d4: {  	[sflag:s0] =	ssyncadd.s32 @!p0 s1  }
0x1d5: {  	[bflag:$0x3] =	sbarrier.arrive $0xFFFF  }
0x1d6: {  	_ =	shalt  }

</sc_bundles>
